<compile_context>
chip_gen: v7x
topology: tpu7x:2x2x1
jax: 0.10.2.dev20260603
libtpu: 0.0.44.dev20260713+nightly
codegen_flags: <defaults>
</compile_context>

<pallas_src>
import functools
import math

import jax
import jax.numpy as jnp
from jax import lax
from jax.experimental import pallas as pl
from jax.experimental.pallas import tpu as pltpu
from jax.experimental.pallas import tpu_sc as plsc

N = 10000
E = 160000
H = 128
PB = 128
PADV = -1e4
NP_ = N + 16
EPW = 5120
EPAD = 32 * EPW
NH = N + 16
M_HIST = NH * PB
ZLEN = M_HIST // 16
CW = ZLEN // 16
HI = jax.lax.Precision.HIGHEST

@functools.cache
def _mesh():
    return plsc.VectorSubcoreMesh(core_axis_name="c", subcore_axis_name="s")


def _prep_body(embv, embe, wq, wk, wv, wek, wev, gw1, gb1, gw2t, gb2,
               vals_o, selfm_o, ubc_o, vsort_o, embn_o, rtab_o):
    f32 = jnp.float32

    def ln(x):
        mu = x.mean(axis=-1, keepdims=True)
        var = ((x - mu) ** 2).mean(axis=-1, keepdims=True)
        return (x - mu) / jnp.sqrt(var + 1e-5)

    ev = embv[...]
    ee = embe[...]
    r8 = lax.broadcasted_iota(jnp.int32, (8, 16), 0)
    c16 = lax.broadcasted_iota(jnp.int32, (8, 16), 1)
    sel16 = (c16 == 2 * r8).astype(f32)
    embN = jnp.dot(sel16, ev, precision=HI)
    Qt = ln(jnp.dot(embN, wq[...], precision=HI))
    Kt = ln(jnp.dot(embN, wk[...], precision=HI))
    Vt = jnp.dot(embN, wv[...], precision=HI)
    EKt = ln(jnp.dot(ee, wek[...], precision=HI))
    EVt = jnp.dot(ee, wev[...], precision=HI)
    x = jax.nn.relu(jnp.dot(embN, gw1[...], precision=HI) + gb1[...])
    y = (x * gw2t[...]).sum(axis=-1, keepdims=True) + gb2[...][:, :1]
    u8 = jax.nn.sigmoid(y)

    inv = 1.0 / math.sqrt(H)
    A = jnp.dot(Qt, Kt.T, precision=HI) * inv
    B = jnp.dot(Qt, EKt.T, precision=HI) * inv

    br = lax.broadcasted_iota(jnp.int32, (8, 64), 0)
    bc = lax.broadcasted_iota(jnp.int32, (8, 64), 1)
    RAe = ((bc // 8) == br).astype(f32)
    RBe = ((bc % 8) == br).astype(f32)
    vbin = jnp.dot(A, RAe, precision=HI) + jnp.dot(B, RBe, precision=HI)
    eye8 = (lax.broadcasted_iota(jnp.int32, (8, 8), 0)
            == lax.broadcasted_iota(jnp.int32, (8, 8), 1)).astype(f32)
    selfv = (A * eye8).sum(axis=1, keepdims=True)
    vfull = jnp.concatenate(
        [vbin, selfv, jnp.full((8, PB - 65), PADV, f32)], axis=1)

    lanes = lax.broadcasted_iota(jnp.int32, (8, PB), 1)
    rank_cols = []
    for b in range(PB):
        vb2 = vfull[:, b:b + 1]
        cmp = (vfull > vb2) | ((vfull == vb2) & (lanes < b))
        rank_cols.append(cmp.astype(f32).sum(axis=1, keepdims=True))
    rank = jnp.concatenate(rank_cols, axis=1).astype(jnp.int32)

    vals_sorted = jnp.zeros((8, PB), f32)
    for b in range(PB):
        m = (lanes == rank[:, b:b + 1]).astype(f32)
        vals_sorted = vals_sorted + m * vfull[:, b:b + 1]
    selfmask = (lanes == rank[:, 64:65]).astype(f32)

    b128 = lax.broadcasted_iota(jnp.int32, (PB, 8), 0)
    a8 = lax.broadcasted_iota(jnp.int32, (PB, 8), 1)
    RA = (((b128 // 8) == a8) & (b128 < 64)).astype(f32)
    RB = (((b128 % 8) == a8) & (b128 < 64)).astype(f32)
    Vbase = jnp.dot(RA, Vt, precision=HI) + jnp.dot(RB, EVt, precision=HI)
    e64 = (lax.broadcasted_iota(jnp.int32, (PB, 1), 0) == 64).astype(f32)
    riota = lax.broadcasted_iota(jnp.int32, (PB, PB), 0)
    parts = []
    for s in range(8):
        Vb = Vbase + e64 * Vt[s:s + 1, :]
        Ps = (riota == jnp.broadcast_to(rank[s:s + 1, :], (PB, PB))).astype(f32)
        parts.append(jnp.dot(Ps, Vb, precision=HI))
    vsort_o[...] = jnp.concatenate(parts, axis=1)

    vals_o[...] = vals_sorted
    selfm_o[...] = selfmask
    ubc_o[...] = jnp.broadcast_to(u8, (8, PB))
    embn_o[...] = embN
    rtab_o[...] = rank[:, :64]


def _prep(embv, embe, wq, wk, wv, wek, wev, gw1, gb1, gw2, gb2):
    f32 = jnp.float32
    out_shape = (
        jax.ShapeDtypeStruct((8, PB), f32),
        jax.ShapeDtypeStruct((8, PB), f32),
        jax.ShapeDtypeStruct((8, PB), f32),
        jax.ShapeDtypeStruct((PB, 8 * H), f32),
        jax.ShapeDtypeStruct((8, H), f32),
        jax.ShapeDtypeStruct((8, 64), jnp.int32),
    )
    gb1r = gb1.reshape(1, H)
    gw2t = gw2.reshape(1, H)
    gb2r = jnp.broadcast_to(gb2.reshape(1, 1), (1, H))
    return pl.pallas_call(_prep_body, out_shape=out_shape)(
        embv, embe, wq, wk, wv, wek, wev, gw1, gb1r, gw2t, gb2r)


def _hist_body(si_hbm, rtab_hbm, src_hbm, dst_hbm, se_hbm, out_hbm,
               si_v, rtab_v, srcv, dstv, sev, keys2d, ones_v, stag, hist_sh,
               sem):
    cid = lax.axis_index("c")
    sid = lax.axis_index("s")
    wid = sid * 2 + cid
    base = wid * EPW

    pltpu.sync_copy(si_hbm, si_v)
    pltpu.sync_copy(rtab_hbm, rtab_v)
    pltpu.sync_copy(src_hbm.at[pl.ds(base, EPW)], srcv)
    pltpu.sync_copy(dst_hbm.at[pl.ds(base, EPW)], dstv)
    pltpu.sync_copy(se_hbm.at[pl.ds(base, EPW)], sev)
    for i in range(8):
        ones_v[pl.ds(i * 16, 16)] = jnp.full((16,), 1.0, jnp.float32)

    def zfill(i, carry):
        stag[pl.ds(i * 16, 16)] = jnp.zeros((16,), jnp.float32)
        return carry

    lax.fori_loop(0, CW // 16, zfill, 0)

    def zcopy(k, carry):
        pltpu.sync_copy(stag, hist_sh.at[pl.ds(sid * ZLEN + k * CW, CW)])
        return carry

    lax.fori_loop(0, 16, zcopy, 0)
    plsc.subcore_barrier()

    def chunk(j, carry):
        row = keys2d.at[j]
        for v in range(8):
            e0 = j * 128 + v * 16
            s16 = srcv[pl.ds(e0, 16)]
            d16 = dstv[pl.ds(e0, 16)]
            t16 = sev[pl.ds(e0, 16)]
            ss = plsc.load_gather(si_v, [s16])
            sd = plsc.load_gather(si_v, [d16])
            col = plsc.load_gather(rtab_v, [sd, ss * 8 + t16])
            row[pl.ds(v * 16, 16)] = d16 * PB + col
        pltpu.sync_copy(ones_v, hist_sh.at[row], add=True)
        return carry

    lax.fori_loop(0, EPW // 128, chunk, 0)
    plsc.subcore_barrier()

    def ocopy(k, carry):
        off = sid * ZLEN + k * CW
        pltpu.sync_copy(hist_sh.at[pl.ds(off, CW)], stag)
        pltpu.sync_copy(stag, out_hbm.at[pl.ds(cid * M_HIST + off, CW)])
        return carry

    lax.fori_loop(0, 16, ocopy, 0)


@functools.cache
def _hist_call():
    return pl.kernel(
        _hist_body,
        out_type=jax.ShapeDtypeStruct((2 * M_HIST,), jnp.float32),
        mesh=_mesh(),
        compiler_params=pltpu.CompilerParams(needs_layout_passes=False),
        scratch_types=[
            pltpu.VMEM((NP_,), jnp.int32),
            pltpu.VMEM((8, 64), jnp.int32),
            pltpu.VMEM((EPW,), jnp.int32),
            pltpu.VMEM((EPW,), jnp.int32),
            pltpu.VMEM((EPW,), jnp.int32),
            pltpu.VMEM((EPW // 128, 128), jnp.int32),
            pltpu.VMEM((128,), jnp.float32),
            pltpu.VMEM((CW,), jnp.float32),
            pltpu.VMEM_SHARED((M_HIST,), jnp.float32),
            pltpu.SemaphoreType.DMA,
        ],
    )

GCH = 40
EPW_G = E // 32


def _gather_body(agg2_hbm, oidx_hbm, out_hbm, idxv, rows0, rows1, sem0, sem1):
    cid = lax.axis_index("c")
    sid = lax.axis_index("s")
    wid = sid * 2 + cid
    base = wid * EPW_G
    pltpu.sync_copy(oidx_hbm.at[pl.ds(base, EPW_G)], idxv)

    nch = EPW_G // GCH

    def gat(ch, buf, sem):
        return pltpu.async_copy(agg2_hbm.at[idxv.at[pl.ds(ch * GCH, GCH)]],
                                buf, sem)

    gat(0, rows0, sem0)

    def drain(buf, sem):
        pltpu.make_async_copy(agg2_hbm.at[pl.ds(0, GCH)], buf, sem).wait()

    def pair(p, carry):
        c0 = 2 * p
        gat(c0 + 1, rows1, sem1)
        drain(rows0, sem0)
        pltpu.sync_copy(rows0, out_hbm.at[pl.ds(base + c0 * GCH, GCH)])
        gat(c0 + 2, rows0, sem0)
        drain(rows1, sem1)
        pltpu.sync_copy(rows1, out_hbm.at[pl.ds(base + (c0 + 1) * GCH, GCH)])
        return carry

    lax.fori_loop(0, (nch - 1) // 2, pair, 0)
    drain(rows0, sem0)
    pltpu.sync_copy(rows0, out_hbm.at[pl.ds(base + (nch - 1) * GCH, GCH)])


@functools.cache
def _gather_call():
    return pl.kernel(
        _gather_body,
        out_type=jax.ShapeDtypeStruct((E, H), jnp.float32),
        mesh=_mesh(),
        compiler_params=pltpu.CompilerParams(needs_layout_passes=False),
        scratch_types=[
            pltpu.VMEM((EPW_G,), jnp.int32),
            pltpu.VMEM((GCH, H), jnp.float32),
            pltpu.VMEM((GCH, H), jnp.float32),
            pltpu.SemaphoreType.DMA,
            pltpu.SemaphoreType.DMA,
        ],
    )

BN = 400


def _thresh_body(histA, histB, si_blk, vals, selfm, ubc, vsort, embn, embe,
                 node_o, agg2_o):
    f32 = jnp.float32
    iota8 = lax.broadcasted_iota(jnp.int32, (1, 8), 1)
    ohf = (si_blk[...] == iota8).astype(f32)

    c = histA[0] + histB[0] + jnp.dot(ohf, selfm[...], precision=HI)
    v = jnp.zeros((BN, PB), f32)
    u = jnp.zeros((BN, PB), f32)
    for s in range(8):
        v = v + ohf[:, s:s + 1] * vals[s:s + 1, :]
        u = u + ohf[:, s:s + 1] * ubc[s:s + 1, :]

    cv = c * v
    cv2 = cv * v
    tri = (lax.broadcasted_iota(jnp.int32, (PB, PB), 0)
           < lax.broadcasted_iota(jnp.int32, (PB, PB), 1)).astype(f32)
    k0 = jnp.dot(c, tri, precision=HI)
    S0 = jnp.dot(cv, tri, precision=HI)
    S20 = jnp.dot(cv2, tri, precision=HI)

    Q0 = S20 - 2.0 * v * S0 + k0 * v * v
    P0 = S0 - k0 * v
    G = S0 * S0 - k0 * S20 + k0
    slope = 1.0 - Q0
    th1 = (Q0 - 1.0) * 1e8 - k0
    th2 = P0 * 1e4 - k0

    def cnt(lo, hi, th):
        b = jnp.maximum(lo - 1.0, jnp.floor(th))
        return jnp.maximum(0.0, hi - b)

    tA = -G / jnp.where(slope == 0.0, 1.0, slope)
    r_cl = jnp.clip(jnp.ceil(tA), 1.0, c + 1.0)
    n_pos = cnt(r_cl, c, th1) + cnt(1.0, r_cl - 1.0, th2)
    f_cl = jnp.clip(jnp.floor(tA), 0.0, c)
    n_neg = cnt(1.0, f_cl, th1) + cnt(f_cl + 1.0, c, th2)
    n_zero = jnp.where(G >= 0.0, cnt(1.0, c, th1), cnt(1.0, c, th2))
    n15 = jnp.where(slope > 0.0, n_pos, jnp.where(slope < 0.0, n_neg, n_zero))
    n15 = jnp.where(c > 0.0, n15, 0.0)

    k15 = n15.sum(axis=1, keepdims=True)
    t15 = k15 - k0
    in15 = (k0 < k15) & (t15 <= c)
    cz = S0 + t15 * v
    cz2 = S20 + t15 * v * v
    m1 = cz / k15
    Adisc = m1 * m1 - cz2 / k15 + 1.0 / k15
    tau_c = m1 - jnp.sqrt(jax.nn.relu(Adisc) + 1e-8)
    tau15 = jnp.where(in15, tau_c, 0.0).sum(axis=1, keepdims=True)
    rel15 = jax.nn.relu(v - tau15)
    p15 = rel15 * rel15

    nsp = jnp.where(k0 * v > S0 - 1.0, c, 0.0)
    ksp = nsp.sum(axis=1, keepdims=True)
    tsp = ksp - k0
    insp = (k0 < ksp) & (tsp <= c)
    cs_k = jnp.where(insp, S0 + tsp * v, 0.0).sum(axis=1, keepdims=True)
    tau_sp = (cs_k - 1.0) / ksp
    psp = jax.nn.relu(v - tau_sp)

    vmax = jnp.where(c > 0.0, v, -4e4).max(axis=1, keepdims=True)
    ex = jnp.exp(v - vmax)
    Z = (c * ex).sum(axis=1, keepdims=True)
    psoft = ex / Z

    low = (1.0 - 2.0 * u) * psoft + 2.0 * u * p15
    high = (2.0 - 2.0 * u) * p15 + (2.0 * u - 1.0) * psp
    spp = jnp.where(u <= 0.5, low, high)
    issel = (spp > 1e-4).astype(f32)
    numsel = (c * issel).sum(axis=1, keepdims=True)
    w = c * issel / (numsel + 1e-9)

    Y = jnp.dot(w, vsort[...])
    agg = jnp.zeros((BN, H), f32)
    nf = jnp.zeros((BN, H), f32)
    for s in range(8):
        agg = agg + ohf[:, s:s + 1] * Y[:, s * H:(s + 1) * H]
        nf = nf + ohf[:, s:s + 1] * embn[s:s + 1, :]
    node_o[...] = nf + agg
    agg2_o[...] = (agg[:, None, :] + embe[...][None, :, :]).reshape(BN * 8, H)


def _threshold(hist3, si2d, vals, selfm, ubc, vsort, embn, embe):
    f32 = jnp.float32
    grid = (N // BN,)
    full = lambda shp: pl.BlockSpec(shp, lambda i: (0, 0))
    return pl.pallas_call(
        _thresh_body,
        grid=grid,
        in_specs=[
            pl.BlockSpec((1, BN, PB), lambda i: (0, i, 0)),
            pl.BlockSpec((1, BN, PB), lambda i: (1, i, 0)),
            pl.BlockSpec((BN, 1), lambda i: (i, 0)),
            full((8, PB)),
            full((8, PB)),
            full((8, PB)),
            full((PB, 8 * H)),
            full((8, H)),
            full((8, H)),
        ],
        out_specs=[
            pl.BlockSpec((BN, H), lambda i: (i, 0)),
            pl.BlockSpec((BN * 8, H), lambda i: (i, 0)),
        ],
        out_shape=[
            jax.ShapeDtypeStruct((N, H), f32),
            jax.ShapeDtypeStruct((N * 8, H), f32),
        ],
    )(hist3, hist3, si2d, vals, selfm, ubc, vsort, embn, embe)


def kernel(node_states, edge_states, scalars, edge_index, training_step,
           emb_virtual, emb_edge, W_q, W_k, W_v, W_ek, W_ev,
           gate_W1, gate_b1, gate_W2, gate_b2):
    i32 = jnp.int32
    ns = node_states.astype(i32)
    es = edge_states.astype(i32)
    si = ns[:, 0] + 2 * ns[:, 1] + 4 * ns[:, 2]
    se = es[:, 0] + 2 * es[:, 1] + 4 * es[:, 2]
    src = edge_index[0].astype(i32)
    dst = edge_index[1].astype(i32)

    vals, selfm, ubc, vsort, embn, rtab = _prep(
        emb_virtual, emb_edge, W_q, W_k, W_v, W_ek, W_ev,
        gate_W1, gate_b1, gate_W2, gate_b2)

    si_pad = jnp.concatenate([si, jnp.zeros((NP_ - N,), i32)])
    pad = EPAD - E
    src_p = jnp.concatenate([src, jnp.zeros((pad,), i32)])
    dst_p = jnp.concatenate([dst, jnp.full((pad,), N, i32)])
    se_p = jnp.concatenate([se, jnp.zeros((pad,), i32)])

    histflat = _hist_call()(si_pad, rtab, src_p, dst_p, se_p)
    hist3 = histflat.reshape(2, NH, PB)

    node_out, agg2 = _threshold(hist3, si[:, None], vals, selfm, ubc,
                                vsort, embn, emb_edge)

    oidx = dst * 8 + se
    edge_out = _gather_call()(agg2, oidx)
    return node_out, edge_out

# --- scband reference (transcript-rebuilt; emitter-appended) ---
"""Pipeline reference for scband-alpha-entmax-hard-attention-47794396070418 (READ-ONLY COPY).

The authoritative reference and input builder live on the scoring server;
editing this copy changes nothing except your own understanding.
"""

import math
import jax, jax.numpy as jnp
import numpy as np

H = 128
N_NODES = 10000
N_EDGES = 160000
NUM_NODE_STATES = 3
NUM_EDGE_STATES = 3
TEMP = (1.0, 0.01, 1000, 0.01)


def from_binary_states(states):
    k = 2 ** jnp.arange(states.shape[-1], dtype=states.dtype)
    return (states * k).sum(axis=-1)


def layer_norm(x, eps=1e-5):
    mu = x.mean(axis=-1, keepdims=True)
    var = ((x - mu) ** 2).mean(axis=-1, keepdims=True)
    return (x - mu) / jnp.sqrt(var + eps)


def entmax15(logits):
    sl = jnp.flip(jnp.sort(logits, axis=-1), axis=-1)
    cz = jnp.cumsum(sl, axis=-1)
    cz2 = jnp.cumsum(sl ** 2, axis=-1)
    k = jnp.arange(1, logits.shape[-1] + 1, dtype=logits.dtype)
    mean_z = cz / k
    mean_z2 = cz2 / k
    discr = jax.nn.relu(mean_z ** 2 - mean_z2 + 1.0 / k)
    tau_c = mean_z - jnp.sqrt(discr + 1e-8)
    support = sl > tau_c
    k_idx = support.sum(axis=-1, keepdims=True)
    tau = jnp.take_along_axis(tau_c, k_idx - 1, axis=-1)
    return jax.nn.relu(logits - tau) ** 2


def sparsemax(logits):
    sl = jnp.flip(jnp.sort(logits, axis=-1), axis=-1)
    cs = jnp.cumsum(sl, axis=-1)
    k = jnp.arange(1, logits.shape[-1] + 1, dtype=logits.dtype)
    support = k * sl > cs - 1.0
    k_idx = support.sum(axis=-1, keepdims=True)
    cs_k = jnp.take_along_axis(cs, k_idx - 1, axis=-1)
    tau = (cs_k - 1.0) / k_idx.astype(logits.dtype)
    return jax.nn.relu(logits - tau)


def temp_by_step(step, upper, lower, num_iters, temp_on_eval):
    if step == -1:
        return temp_on_eval
    frac = min(max(step / num_iters, 0.0), 1.0)
    return upper * (lower / upper) ** frac


def interpolated_probs(logits, u):
    p_soft = jax.nn.softmax(logits, axis=-1)
    p_15 = entmax15(logits)
    p_sp = sparsemax(logits)
    w_low = u * 2.0
    probs_low = (1.0 - w_low) * p_soft + w_low * p_15
    w_high = (u - 0.5) * 2.0
    probs_high = (1.0 - w_high) * p_15 + w_high * p_sp
    return jnp.where(u <= 0.5, probs_low, probs_high)


def _forward(scalars, emb_virtual, emb_edge, W_q, W_k, W_v, W_ek, W_ev, gate_W1, gate_b1, gate_W2, gate_b2, node_states, edge_states, src, dst, dst_s, order, pos, counts, training_step):
    N = node_states.shape[0]
    E = src.shape[0]
    h = W_q.shape[0]
    # select_best_from_virtual with use_select_best=False: emb(2 * from_binary_states(states))
    node_fts = emb_virtual[2 * from_binary_states(node_states)]
    edge_fts_emb = emb_edge[from_binary_states(edge_states)]
    Q = layer_norm(node_fts @ W_q)
    K_nodes = layer_norm(node_fts @ W_k)
    V_nodes = node_fts @ W_v
    sparsity_u = jax.nn.sigmoid(jax.nn.relu(node_fts @ gate_W1 + gate_b1) @ gate_W2 + gate_b2)
    # combined_edge_KV (reconstructed): key/value projections of edge embeddings
    edge_K = layer_norm(edge_fts_emb @ W_ek)
    edge_V = edge_fts_emb @ W_ev
    K_comb = K_nodes[src] + edge_K
    V_comb = V_nodes[src] + edge_V
    # segment layout: element i < N is node i's self slot, elements N..N+E-1 are edges grouped by dst
    seg = jnp.concatenate([jnp.arange(N, dtype=dst.dtype), dst])
    K_aug = jnp.concatenate([K_nodes, K_comb], axis=0)
    V_aug = jnp.concatenate([V_nodes, V_comb], axis=0)
    logits = (Q[seg] * K_aug).sum(axis=-1) / math.sqrt(h)
    M = N + E
    perm = jnp.lexsort((-logits, seg))
    sid = seg[perm]
    sl = logits[perm]
    counts_aug = counts + 1
    starts_aug = jnp.concatenate([jnp.zeros((1,), counts_aug.dtype), jnp.cumsum(counts_aug)[:-1]])
    k = (jnp.arange(M) - starts_aug[sid] + 1).astype(logits.dtype)
    flags = jnp.concatenate([jnp.ones((1,), bool), sid[1:] != sid[:-1]])

    def _seg_combine(a, b):
        xa, x2a, fa = a
        xb, x2b, fb = b
        return (jnp.where(fb, xb, xa + xb), jnp.where(fb, x2b, x2a + x2b), fa | fb)

    cz, cz2, _ = jax.lax.associative_scan(_seg_combine, (sl, sl ** 2, flags))
    mean_z = cz / k
    mean_z2 = cz2 / k
    discr = jax.nn.relu(mean_z ** 2 - mean_z2 + 1.0 / k)
    tau_c = mean_z - jnp.sqrt(discr + 1e-8)
    support15 = sl > tau_c
    k15 = jax.ops.segment_sum(support15.astype(starts_aug.dtype), sid, num_segments=N)
    tau15 = tau_c[starts_aug + k15 - 1]
    p_15 = jax.nn.relu(logits - tau15[seg]) ** 2
    support_sp = k * sl > cz - 1.0
    ksp = jax.ops.segment_sum(support_sp.astype(starts_aug.dtype), sid, num_segments=N)
    cs_k = cz[starts_aug + ksp - 1]
    tau_sp = (cs_k - 1.0) / ksp.astype(logits.dtype)
    p_sp = jax.nn.relu(logits - tau_sp[seg])
    seg_max = jax.ops.segment_max(logits, seg, num_segments=N)
    ex = jnp.exp(logits - seg_max[seg])
    p_soft = ex / jax.ops.segment_sum(ex, seg, num_segments=N)[seg]
    u = sparsity_u[:, 0][seg]
    w_low = u * 2.0
    probs_low = (1.0 - w_low) * p_soft + w_low * p_15
    w_high = (u - 0.5) * 2.0
    probs_high = (1.0 - w_high) * p_15 + w_high * p_sp
    sparse_probs = jnp.where(u <= 0.5, probs_low, probs_high)
    is_selected = (sparse_probs > 1e-4).astype(logits.dtype)
    num_sel = jax.ops.segment_sum(is_selected, seg, num_segments=N)
    hard_weights = is_selected / (num_sel[seg] + 1e-9)
    upper, lower, num_iters, temp_on_eval = TEMP
    frac = jnp.clip(training_step / num_iters, 0.0, 1.0)
    tau_t = jnp.where(training_step == -1, temp_on_eval, upper * (lower / upper) ** frac)
    beta = jnp.clip(tau_t, 0.01, 1.0)
    sm = p_soft / (jax.ops.segment_sum(p_soft, seg, num_segments=N)[seg] + 1e-9)
    grad_probs = jnp.where(beta > 0.01, (1.0 - beta) * sparse_probs + beta * sm, sparse_probs)
    attn = jnp.where(training_step == -1, hard_weights, jax.lax.stop_gradient(hard_weights - grad_probs) + grad_probs)
    agg = jax.ops.segment_sum(attn[:, None] * V_aug, seg, num_segments=N)
    node_out = node_fts + agg
    edge_out = edge_fts_emb + agg[dst]
    return (node_out, edge_out)


def setup_inputs(seed: int = 0) -> dict:
    key = jax.random.key(seed)
    ks = jax.random.split(key, 16)
    N, E, h = N_NODES, N_EDGES, H
    s = 1.0 / math.sqrt(h)
    return {
        "node_states": jax.random.randint(ks[0], (N, NUM_NODE_STATES), 0, 2),
        "edge_states": jax.random.randint(ks[1], (E, NUM_EDGE_STATES), 0, 2),
        "scalars": jax.random.uniform(ks[2], (N, 1), dtype=jnp.float32),
        "edge_index": jax.random.randint(ks[3], (2, E), 0, N),
        "training_step": 100,
        "emb_virtual": jax.random.normal(ks[4], (2 ** (NUM_NODE_STATES + 1), h), dtype=jnp.float32) * 0.1,
        "emb_edge": jax.random.normal(ks[5], (2 ** NUM_EDGE_STATES, h), dtype=jnp.float32) * 0.1,
        "W_q": jax.random.normal(ks[6], (h, h), dtype=jnp.float32) * s,
        "W_k": jax.random.normal(ks[7], (h, h), dtype=jnp.float32) * s,
        "W_v": jax.random.normal(ks[8], (h, h), dtype=jnp.float32) * s,
        "W_ek": jax.random.normal(ks[9], (h, h), dtype=jnp.float32) * s,
        "W_ev": jax.random.normal(ks[10], (h, h), dtype=jnp.float32) * s,
        "gate_W1": jax.random.normal(ks[11], (h, h), dtype=jnp.float32) * s,
        "gate_b1": jnp.zeros((h,), jnp.float32),
        "gate_W2": jax.random.normal(ks[12], (h, 1), dtype=jnp.float32) * s,
        "gate_b2": jnp.full((1,), -5.0, jnp.float32),
    }


def reference(node_states, edge_states, scalars, edge_index, training_step, emb_virtual, emb_edge, W_q, W_k, W_v, W_ek, W_ev, gate_W1, gate_b1, gate_W2, gate_b2):
    src = edge_index[0]
    dst = edge_index[1]
    N = node_states.shape[0]
    E = dst.shape[0]
    order = jnp.argsort(dst)
    dst_s = dst[order]
    counts = jnp.bincount(dst_s, length=N)
    starts = jnp.concatenate([jnp.zeros((1,), counts.dtype), jnp.cumsum(counts)[:-1]])
    pos = jnp.arange(E) - starts[dst_s]
    return _forward(scalars, emb_virtual, emb_edge, W_q, W_k, W_v, W_ek, W_ev, gate_W1, gate_b1, gate_W2, gate_b2, node_states, edge_states, src, dst, dst_s, order, pos, counts, training_step)

if __name__ == "__main__":
    import jax
    _d = setup_inputs()
    print(jax.jit(kernel)(*tuple(_d.values())))

</pallas_src>

<mosaic_0001>
#map = affine_map<(d0, d1) -> (0)>
#map1 = affine_map<(d0, d1) -> (0, 0)>
module attributes {stable_mosaic.version = 14 : i64} {
  func.func @_hist_body(%arg0: i32, %arg1: i32, %arg2: memref<10016xi32, #tpu.memory_space<hbm>>, %arg3: memref<8x64xi32, #tpu.memory_space<hbm>>, %arg4: memref<163840xi32, #tpu.memory_space<hbm>>, %arg5: memref<163840xi32, #tpu.memory_space<hbm>>, %arg6: memref<163840xi32, #tpu.memory_space<hbm>>, %arg7: memref<2564096xf32, #tpu.memory_space<hbm>>, %arg8: memref<10016xi32, #tpu.memory_space<vmem>>, %arg9: memref<8x64xi32, #tpu.memory_space<vmem>>, %arg10: memref<5120xi32, #tpu.memory_space<vmem>>, %arg11: memref<5120xi32, #tpu.memory_space<vmem>>, %arg12: memref<5120xi32, #tpu.memory_space<vmem>>, %arg13: memref<40x128xi32, #tpu.memory_space<vmem>>, %arg14: memref<128xf32, #tpu.memory_space<vmem>>, %arg15: memref<5008xf32, #tpu.memory_space<vmem>>, %arg16: memref<1282048xf32, #tpu.memory_space<vmem_shared>>, %arg17: memref<!tpu.dma_semaphore, #tpu.memory_space<semaphore_mem>>) attributes {dimension_semantics = [#tpu.dimension_semantics<core_parallel>, #tpu.dimension_semantics<subcore_parallel>], iteration_bounds = array<i64: 2, 16>, scalar_prefetch = 0 : i64, scratch_operands = 10 : i64, tpu.core_type = #tpu.core_type<sc_vector_subcore>, window_params = [{transform_indices = #map}, {transform_indices = #map1}, {transform_indices = #map}, {transform_indices = #map}, {transform_indices = #map}, {transform_indices = #map}]} {
    %mul3A = arith.constant 2 : i32
    %mul3A_0 = arith.muli %arg1, %mul3A : i32
    %add3A = arith.addi %mul3A_0, %arg0 : i32
    %mul3A_1 = arith.constant 5120 : i32
    %mul3A_2 = arith.muli %add3A, %mul3A_1 : i32
    "tpu.region"() ({
      %run_scoped3A = tpu.sem_alloc : memref<!tpu.dma_semaphore, #tpu.memory_space<semaphore_mem>>
      tpu.enqueue_dma source(%arg2 : memref<10016xi32, #tpu.memory_space<hbm>>) target(%arg8 : memref<10016xi32, #tpu.memory_space<vmem>>) target_semaphore(%run_scoped3A : memref<!tpu.dma_semaphore, #tpu.memory_space<semaphore_mem>>)
      tpu.wait_dma2 semaphore(%run_scoped3A : memref<!tpu.dma_semaphore, #tpu.memory_space<semaphore_mem>>) src(%arg2 : memref<10016xi32, #tpu.memory_space<hbm>>) dst(%arg8 : memref<10016xi32, #tpu.memory_space<vmem>>)
      tpu.yield
    }) : () -> ()
    "tpu.region"() ({
      %run_scoped3A = tpu.sem_alloc : memref<!tpu.dma_semaphore, #tpu.memory_space<semaphore_mem>>
      tpu.enqueue_dma source(%arg3 : memref<8x64xi32, #tpu.memory_space<hbm>>) target(%arg9 : memref<8x64xi32, #tpu.memory_space<vmem>>) target_semaphore(%run_scoped3A : memref<!tpu.dma_semaphore, #tpu.memory_space<semaphore_mem>>)
      tpu.wait_dma2 semaphore(%run_scoped3A : memref<!tpu.dma_semaphore, #tpu.memory_space<semaphore_mem>>) src(%arg3 : memref<8x64xi32, #tpu.memory_space<hbm>>) dst(%arg9 : memref<8x64xi32, #tpu.memory_space<vmem>>)
      tpu.yield
    }) : () -> ()
    "tpu.region"() ({
      %run_scoped3A = tpu.sem_alloc : memref<!tpu.dma_semaphore, #tpu.memory_space<semaphore_mem>>
      %dma_start3A = tpu.memref_slice %arg4[%mul3A_2] : memref<163840xi32, #tpu.memory_space<hbm>> -> memref<5120xi32, #tpu.memory_space<hbm>>
      %dma_start3A_57 = tpu.memref_slice %arg4[%mul3A_2] : memref<163840xi32, #tpu.memory_space<hbm>> -> memref<5120xi32, #tpu.memory_space<hbm>>
      tpu.enqueue_dma source(%dma_start3A_57 : memref<5120xi32, #tpu.memory_space<hbm>>) target(%arg10 : memref<5120xi32, #tpu.memory_space<vmem>>) target_semaphore(%run_scoped3A : memref<!tpu.dma_semaphore, #tpu.memory_space<semaphore_mem>>)
      %dma_wait3A = tpu.memref_slice %arg4[%mul3A_2] : memref<163840xi32, #tpu.memory_space<hbm>> -> memref<5120xi32, #tpu.memory_space<hbm>>
      %dma_wait3A_58 = tpu.memref_slice %arg4[%mul3A_2] : memref<163840xi32, #tpu.memory_space<hbm>> -> memref<5120xi32, #tpu.memory_space<hbm>>
      tpu.wait_dma2 semaphore(%run_scoped3A : memref<!tpu.dma_semaphore, #tpu.memory_space<semaphore_mem>>) src(%dma_wait3A_58 : memref<5120xi32, #tpu.memory_space<hbm>>) dst(%arg10 : memref<5120xi32, #tpu.memory_space<vmem>>)
      tpu.yield
    }) : () -> ()
    "tpu.region"() ({
      %run_scoped3A = tpu.sem_alloc : memref<!tpu.dma_semaphore, #tpu.memory_space<semaphore_mem>>
      %dma_start3A = tpu.memref_slice %arg5[%mul3A_2] : memref<163840xi32, #tpu.memory_space<hbm>> -> memref<5120xi32, #tpu.memory_space<hbm>>
      %dma_start3A_57 = tpu.memref_slice %arg5[%mul3A_2] : memref<163840xi32, #tpu.memory_space<hbm>> -> memref<5120xi32, #tpu.memory_space<hbm>>
      tpu.enqueue_dma source(%dma_start3A_57 : memref<5120xi32, #tpu.memory_space<hbm>>) target(%arg11 : memref<5120xi32, #tpu.memory_space<vmem>>) target_semaphore(%run_scoped3A : memref<!tpu.dma_semaphore, #tpu.memory_space<semaphore_mem>>)
      %dma_wait3A = tpu.memref_slice %arg5[%mul3A_2] : memref<163840xi32, #tpu.memory_space<hbm>> -> memref<5120xi32, #tpu.memory_space<hbm>>
      %dma_wait3A_58 = tpu.memref_slice %arg5[%mul3A_2] : memref<163840xi32, #tpu.memory_space<hbm>> -> memref<5120xi32, #tpu.memory_space<hbm>>
      tpu.wait_dma2 semaphore(%run_scoped3A : memref<!tpu.dma_semaphore, #tpu.memory_space<semaphore_mem>>) src(%dma_wait3A_58 : memref<5120xi32, #tpu.memory_space<hbm>>) dst(%arg11 : memref<5120xi32, #tpu.memory_space<vmem>>)
      tpu.yield
    }) : () -> ()
    "tpu.region"() ({
      %run_scoped3A = tpu.sem_alloc : memref<!tpu.dma_semaphore, #tpu.memory_space<semaphore_mem>>
      %dma_start3A = tpu.memref_slice %arg6[%mul3A_2] : memref<163840xi32, #tpu.memory_space<hbm>> -> memref<5120xi32, #tpu.memory_space<hbm>>
      %dma_start3A_57 = tpu.memref_slice %arg6[%mul3A_2] : memref<163840xi32, #tpu.memory_space<hbm>> -> memref<5120xi32, #tpu.memory_space<hbm>>
      tpu.enqueue_dma source(%dma_start3A_57 : memref<5120xi32, #tpu.memory_space<hbm>>) target(%arg12 : memref<5120xi32, #tpu.memory_space<vmem>>) target_semaphore(%run_scoped3A : memref<!tpu.dma_semaphore, #tpu.memory_space<semaphore_mem>>)
      %dma_wait3A = tpu.memref_slice %arg6[%mul3A_2] : memref<163840xi32, #tpu.memory_space<hbm>> -> memref<5120xi32, #tpu.memory_space<hbm>>
      %dma_wait3A_58 = tpu.memref_slice %arg6[%mul3A_2] : memref<163840xi32, #tpu.memory_space<hbm>> -> memref<5120xi32, #tpu.memory_space<hbm>>
      tpu.wait_dma2 semaphore(%run_scoped3A : memref<!tpu.dma_semaphore, #tpu.memory_space<semaphore_mem>>) src(%dma_wait3A_58 : memref<5120xi32, #tpu.memory_space<hbm>>) dst(%arg12 : memref<5120xi32, #tpu.memory_space<vmem>>)
      tpu.yield
    }) : () -> ()
    %broadcast_in_dim3A = arith.constant 1.000000e+00 : f32
    %broadcast_in_dim3A_3 = vector.broadcast %broadcast_in_dim3A : f32 to vector<16xf32>
    %swap3A = arith.constant 0 : index
    %swap3A_4 = tpu.vector_load %arg14[%swap3A] {strides = array<i32>} : memref<128xf32, #tpu.memory_space<vmem>>, vector<16xf32>,
    tpu.vector_store %arg14[%swap3A], %broadcast_in_dim3A_3 {strides = array<i32>} : memref<128xf32, #tpu.memory_space<vmem>>, vector<16xf32>,
    %broadcast_in_dim3A_5 = arith.constant 1.000000e+00 : f32
    %broadcast_in_dim3A_6 = vector.broadcast %broadcast_in_dim3A_5 : f32 to vector<16xf32>
    %swap3A_7 = arith.constant 16 : index
    %swap3A_8 = tpu.vector_load %arg14[%swap3A_7] {strides = array<i32>} : memref<128xf32, #tpu.memory_space<vmem>>, vector<16xf32>,
    tpu.vector_store %arg14[%swap3A_7], %broadcast_in_dim3A_6 {strides = array<i32>} : memref<128xf32, #tpu.memory_space<vmem>>, vector<16xf32>,
    %broadcast_in_dim3A_9 = arith.constant 1.000000e+00 : f32
    %broadcast_in_dim3A_10 = vector.broadcast %broadcast_in_dim3A_9 : f32 to vector<16xf32>
    %swap3A_11 = arith.constant 32 : index
    %swap3A_12 = tpu.vector_load %arg14[%swap3A_11] {strides = array<i32>} : memref<128xf32, #tpu.memory_space<vmem>>, vector<16xf32>,
    tpu.vector_store %arg14[%swap3A_11], %broadcast_in_dim3A_10 {strides = array<i32>} : memref<128xf32, #tpu.memory_space<vmem>>, vector<16xf32>,
    %broadcast_in_dim3A_13 = arith.constant 1.000000e+00 : f32
    %broadcast_in_dim3A_14 = vector.broadcast %broadcast_in_dim3A_13 : f32 to vector<16xf32>
    %swap3A_15 = arith.constant 48 : index
    %swap3A_16 = tpu.vector_load %arg14[%swap3A_15] {strides = array<i32>} : memref<128xf32, #tpu.memory_space<vmem>>, vector<16xf32>,
    tpu.vector_store %arg14[%swap3A_15], %broadcast_in_dim3A_14 {strides = array<i32>} : memref<128xf32, #tpu.memory_space<vmem>>, vector<16xf32>,
    %broadcast_in_dim3A_17 = arith.constant 1.000000e+00 : f32
    %broadcast_in_dim3A_18 = vector.broadcast %broadcast_in_dim3A_17 : f32 to vector<16xf32>
    %swap3A_19 = arith.constant 64 : index
    %swap3A_20 = tpu.vector_load %arg14[%swap3A_19] {strides = array<i32>} : memref<128xf32, #tpu.memory_space<vmem>>, vector<16xf32>,
    tpu.vector_store %arg14[%swap3A_19], %broadcast_in_dim3A_18 {strides = array<i32>} : memref<128xf32, #tpu.memory_space<vmem>>, vector<16xf32>,
    %broadcast_in_dim3A_21 = arith.constant 1.000000e+00 : f32
    %broadcast_in_dim3A_22 = vector.broadcast %broadcast_in_dim3A_21 : f32 to vector<16xf32>
    %swap3A_23 = arith.constant 80 : index
    %swap3A_24 = tpu.vector_load %arg14[%swap3A_23] {strides = array<i32>} : memref<128xf32, #tpu.memory_space<vmem>>, vector<16xf32>,
    tpu.vector_store %arg14[%swap3A_23], %broadcast_in_dim3A_22 {strides = array<i32>} : memref<128xf32, #tpu.memory_space<vmem>>, vector<16xf32>,
    %broadcast_in_dim3A_25 = arith.constant 1.000000e+00 : f32
    %broadcast_in_dim3A_26 = vector.broadcast %broadcast_in_dim3A_25 : f32 to vector<16xf32>
    %swap3A_27 = arith.constant 96 : index
    %swap3A_28 = tpu.vector_load %arg14[%swap3A_27] {strides = array<i32>} : memref<128xf32, #tpu.memory_space<vmem>>, vector<16xf32>,
    tpu.vector_store %arg14[%swap3A_27], %broadcast_in_dim3A_26 {strides = array<i32>} : memref<128xf32, #tpu.memory_space<vmem>>, vector<16xf32>,
    %broadcast_in_dim3A_29 = arith.constant 1.000000e+00 : f32
    %broadcast_in_dim3A_30 = vector.broadcast %broadcast_in_dim3A_29 : f32 to vector<16xf32>
    %swap3A_31 = arith.constant 112 : index
    %swap3A_32 = tpu.vector_load %arg14[%swap3A_31] {strides = array<i32>} : memref<128xf32, #tpu.memory_space<vmem>>, vector<16xf32>,
    tpu.vector_store %arg14[%swap3A_31], %broadcast_in_dim3A_30 {strides = array<i32>} : memref<128xf32, #tpu.memory_space<vmem>>, vector<16xf32>,
    %scan3A = arith.constant 0 : i32
    %scan3A_33 = arith.constant 0 : i32
    %scan3A_34 = arith.constant 313 : i32
    %scan3A_35 = arith.addi %scan3A_33, %scan3A_34 : i32
    %scan3A_36 = arith.constant 1 : i32
    scf.for %scan3A_57 = %scan3A_33 to %scan3A_35 step %scan3A_36  : i32 {
      %broadcast_in_dim3A_58 = arith.constant 0.000000e+00 : f32
      %broadcast_in_dim3A_59 = vector.broadcast %broadcast_in_dim3A_58 : f32 to vector<16xf32>
      %mul3A_60 = arith.constant 16 : i32
      %mul3A_61 = arith.muli %scan3A_57, %mul3A_60 : i32
      %swap3A_62 = arith.index_cast %mul3A_61 : i32 to index
      %swap3A_63 = tpu.vector_load %arg15[%swap3A_62] {strides = array<i32>} : memref<5008xf32, #tpu.memory_space<vmem>>, vector<16xf32>,
      tpu.vector_store %arg15[%swap3A_62], %broadcast_in_dim3A_59 {strides = array<i32>} : memref<5008xf32, #tpu.memory_space<vmem>>, vector<16xf32>,
    }
    %scan3A_37 = arith.constant 313 : i32
    %scan3A_38 = arith.constant 0 : i32
    %scan3A_39 = arith.constant 0 : i32
    %scan3A_40 = arith.constant 16 : i32
    %scan3A_41 = arith.addi %scan3A_39, %scan3A_40 : i32
    %scan3A_42 = arith.constant 1 : i32
    scf.for %scan3A_57 = %scan3A_39 to %scan3A_41 step %scan3A_42  : i32 {
      %mul3A_58 = arith.constant 80128 : i32
      %mul3A_59 = arith.muli %arg1, %mul3A_58 : i32
      %mul3A_60 = arith.constant 5008 : i32
      %mul3A_61 = arith.muli %scan3A_57, %mul3A_60 : i32
      %add3A_62 = arith.addi %mul3A_59, %mul3A_61 : i32
      "tpu.region"() ({
        %run_scoped3A = tpu.sem_alloc : memref<!tpu.dma_semaphore, #tpu.memory_space<semaphore_mem>>
        %dma_start3A = tpu.memref_slice %arg16[%add3A_62] : memref<1282048xf32, #tpu.memory_space<vmem_shared>> -> memref<5008xf32, #tpu.memory_space<vmem_shared>>
        %dma_start3A_63 = tpu.memref_slice %arg16[%add3A_62] : memref<1282048xf32, #tpu.memory_space<vmem_shared>> -> memref<5008xf32, #tpu.memory_space<vmem_shared>>
        tpu.enqueue_dma source(%arg15 : memref<5008xf32, #tpu.memory_space<vmem>>) target(%dma_start3A_63 : memref<5008xf32, #tpu.memory_space<vmem_shared>>) target_semaphore(%run_scoped3A : memref<!tpu.dma_semaphore, #tpu.memory_space<semaphore_mem>>)
        %dma_wait3A = tpu.memref_slice %arg16[%add3A_62] : memref<1282048xf32, #tpu.memory_space<vmem_shared>> -> memref<5008xf32, #tpu.memory_space<vmem_shared>>
        %dma_wait3A_64 = tpu.memref_slice %arg16[%add3A_62] : memref<1282048xf32, #tpu.memory_space<vmem_shared>> -> memref<5008xf32, #tpu.memory_space<vmem_shared>>
        tpu.wait_dma2 semaphore(%run_scoped3A : memref<!tpu.dma_semaphore, #tpu.memory_space<semaphore_mem>>) src(%arg15 : memref<5008xf32, #tpu.memory_space<vmem>>) dst(%dma_wait3A_64 : memref<5008xf32, #tpu.memory_space<vmem_shared>>)
        tpu.yield
      }) : () -> ()
    }
    %scan3A_43 = arith.constant 16 : i32
    %barrier3A = arith.constant 0 : index
    tpu.barrier barrier_id(%barrier3A)
    %scan3A_44 = arith.constant 0 : i32
    %scan3A_45 = arith.constant 0 : i32
    %scan3A_46 = arith.constant 40 : i32
    %scan3A_47 = arith.addi %scan3A_45, %scan3A_46 : i32
    %scan3A_48 = arith.constant 1 : i32
    scf.for %scan3A_57 = %scan3A_45 to %scan3A_47 step %scan3A_48  : i32 {
      %mul3A_58 = arith.constant 128 : i32
      %mul3A_59 = arith.muli %scan3A_57, %mul3A_58 : i32
      %add3A_60 = arith.constant 0 : i32
      %add3A_61 = arith.addi %mul3A_59, %add3A_60 : i32
      %get3A = arith.index_cast %add3A_61 : i32 to index
      %get3A_62 = tpu.vector_load %arg10[%get3A] {strides = array<i32>} : memref<5120xi32, #tpu.memory_space<vmem>>, vector<16xi32>,
      %get3A_63 = arith.index_cast %add3A_61 : i32 to index
      %get3A_64 = tpu.vector_load %arg11[%get3A_63] {strides = array<i32>} : memref<5120xi32, #tpu.memory_space<vmem>>, vector<16xi32>,
      %get3A_65 = arith.index_cast %add3A_61 : i32 to index
      %get3A_66 = tpu.vector_load %arg12[%get3A_65] {strides = array<i32>} : memref<5120xi32, #tpu.memory_space<vmem>>, vector<16xi32>,
      %gather3A = tpu.vector_load_idx %arg8[%get3A_62] : memref<10016xi32, #tpu.memory_space<vmem>>[vector<16xi32>], vector<16xi32>,
      %gather3A_67 = tpu.vector_load_idx %arg8[%get3A_64] : memref<10016xi32, #tpu.memory_space<vmem>>[vector<16xi32>], vector<16xi32>,
      %mul3A_68 = arith.constant 8 : i32
      %mul3A_69 = vector.broadcast %mul3A_68 : i32 to vector<16xi32>
      %mul3A_70 = arith.muli %gather3A, %mul3A_69 : vector<16xi32>
      %add3A_71 = arith.addi %mul3A_70, %get3A_66 : vector<16xi32>
      %gather3A_72 = tpu.vector_load_idx %arg9[%gather3A_67, %add3A_71] : memref<8x64xi32, #tpu.memory_space<vmem>>[vector<16xi32>, vector<16xi32>], vector<16xi32>,
      %mul3A_73 = arith.constant 128 : i32
      %mul3A_74 = vector.broadcast %mul3A_73 : i32 to vector<16xi32>
      %mul3A_75 = arith.muli %get3A_64, %mul3A_74 : vector<16xi32>
      %add3A_76 = arith.addi %mul3A_75, %gather3A_72 : vector<16xi32>
      %swap3A_77 = arith.constant 0 : i32
      %swap3A_78 = tpu.memref_slice %arg13[%scan3A_57, %swap3A_77] : memref<40x128xi32, #tpu.memory_space<vmem>> -> memref<1x128xi32, #tpu.memory_space<vmem>>
      %swap3A_79 = tpu.memref_squeeze %swap3A_78 : memref<1x128xi32, #tpu.memory_space<vmem>> -> memref<128xi32, #tpu.memory_space<vmem>>
      %swap3A_80 = arith.constant 0 : index
      %swap3A_81 = tpu.vector_load %swap3A_79[%swap3A_80] {strides = array<i32>} : memref<128xi32, #tpu.memory_space<vmem>>, vector<16xi32>,
      tpu.vector_store %swap3A_79[%swap3A_80], %add3A_76 {strides = array<i32>} : memref<128xi32, #tpu.memory_space<vmem>>, vector<16xi32>,
      %mul3A_82 = arith.constant 128 : i32
      %mul3A_83 = arith.muli %scan3A_57, %mul3A_82 : i32
      %add3A_84 = arith.constant 16 : i32
      %add3A_85 = arith.addi %mul3A_83, %add3A_84 : i32
      %get3A_86 = arith.index_cast %add3A_85 : i32 to index
      %get3A_87 = tpu.vector_load %arg10[%get3A_86] {strides = array<i32>} : memref<5120xi32, #tpu.memory_space<vmem>>, vector<16xi32>,
      %get3A_88 = arith.index_cast %add3A_85 : i32 to index
      %get3A_89 = tpu.vector_load %arg11[%get3A_88] {strides = array<i32>} : memref<5120xi32, #tpu.memory_space<vmem>>, vector<16xi32>,
      %get3A_90 = arith.index_cast %add3A_85 : i32 to index
      %get3A_91 = tpu.vector_load %arg12[%get3A_90] {strides = array<i32>} : memref<5120xi32, #tpu.memory_space<vmem>>, vector<16xi32>,
      %gather3A_92 = tpu.vector_load_idx %arg8[%get3A_87] : memref<10016xi32, #tpu.memory_space<vmem>>[vector<16xi32>], vector<16xi32>,
      %gather3A_93 = tpu.vector_load_idx %arg8[%get3A_89] : memref<10016xi32, #tpu.memory_space<vmem>>[vector<16xi32>], vector<16xi32>,
      %mul3A_94 = arith.constant 8 : i32
      %mul3A_95 = vector.broadcast %mul3A_94 : i32 to vector<16xi32>
      %mul3A_96 = arith.muli %gather3A_92, %mul3A_95 : vector<16xi32>
      %add3A_97 = arith.addi %mul3A_96, %get3A_91 : vector<16xi32>
      %gather3A_98 = tpu.vector_load_idx %arg9[%gather3A_93, %add3A_97] : memref<8x64xi32, #tpu.memory_space<vmem>>[vector<16xi32>, vector<16xi32>], vector<16xi32>,
      %mul3A_99 = arith.constant 128 : i32
      %mul3A_100 = vector.broadcast %mul3A_99 : i32 to vector<16xi32>
      %mul3A_101 = arith.muli %get3A_89, %mul3A_100 : vector<16xi32>
      %add3A_102 = arith.addi %mul3A_101, %gather3A_98 : vector<16xi32>
      %swap3A_103 = arith.constant 0 : i32
      %swap3A_104 = tpu.memref_slice %arg13[%scan3A_57, %swap3A_103] : memref<40x128xi32, #tpu.memory_space<vmem>> -> memref<1x128xi32, #tpu.memory_space<vmem>>
      %swap3A_105 = tpu.memref_squeeze %swap3A_104 : memref<1x128xi32, #tpu.memory_space<vmem>> -> memref<128xi32, #tpu.memory_space<vmem>>
      %swap3A_106 = arith.constant 16 : index
      %swap3A_107 = tpu.vector_load %swap3A_105[%swap3A_106] {strides = array<i32>} : memref<128xi32, #tpu.memory_space<vmem>>, vector<16xi32>,
      tpu.vector_store %swap3A_105[%swap3A_106], %add3A_102 {strides = array<i32>} : memref<128xi32, #tpu.memory_space<vmem>>, vector<16xi32>,
      %mul3A_108 = arith.constant 128 : i32
      %mul3A_109 = arith.muli %scan3A_57, %mul3A_108 : i32
      %add3A_110 = arith.constant 32 : i32
      %add3A_111 = arith.addi %mul3A_109, %add3A_110 : i32
      %get3A_112 = arith.index_cast %add3A_111 : i32 to index
      %get3A_113 = tpu.vector_load %arg10[%get3A_112] {strides = array<i32>} : memref<5120xi32, #tpu.memory_space<vmem>>, vector<16xi32>,
      %get3A_114 = arith.index_cast %add3A_111 : i32 to index
      %get3A_115 = tpu.vector_load %arg11[%get3A_114] {strides = array<i32>} : memref<5120xi32, #tpu.memory_space<vmem>>, vector<16xi32>,
      %get3A_116 = arith.index_cast %add3A_111 : i32 to index
      %get3A_117 = tpu.vector_load %arg12[%get3A_116] {strides = array<i32>} : memref<5120xi32, #tpu.memory_space<vmem>>, vector<16xi32>,
      %gather3A_118 = tpu.vector_load_idx %arg8[%get3A_113] : memref<10016xi32, #tpu.memory_space<vmem>>[vector<16xi32>], vector<16xi32>,
      %gather3A_119 = tpu.vector_load_idx %arg8[%get3A_115] : memref<10016xi32, #tpu.memory_space<vmem>>[vector<16xi32>], vector<16xi32>,
      %mul3A_120 = arith.constant 8 : i32
      %mul3A_121 = vector.broadcast %mul3A_120 : i32 to vector<16xi32>
      %mul3A_122 = arith.muli %gather3A_118, %mul3A_121 : vector<16xi32>
      %add3A_123 = arith.addi %mul3A_122, %get3A_117 : vector<16xi32>
      %gather3A_124 = tpu.vector_load_idx %arg9[%gather3A_119, %add3A_123] : memref<8x64xi32, #tpu.memory_space<vmem>>[vector<16xi32>, vector<16xi32>], vector<16xi32>,
      %mul3A_125 = arith.constant 128 : i32
      %mul3A_126 = vector.broadcast %mul3A_125 : i32 to vector<16xi32>
      %mul3A_127 = arith.muli %get3A_115, %mul3A_126 : vector<16xi32>
      %add3A_128 = arith.addi %mul3A_127, %gather3A_124 : vector<16xi32>
      %swap3A_129 = arith.constant 0 : i32
      %swap3A_130 = tpu.memref_slice %arg13[%scan3A_57, %swap3A_129] : memref<40x128xi32, #tpu.memory_space<vmem>> -> memref<1x128xi32, #tpu.memory_space<vmem>>
      %swap3A_131 = tpu.memref_squeeze %swap3A_130 : memref<1x128xi32, #tpu.memory_space<vmem>> -> memref<128xi32, #tpu.memory_space<vmem>>
      %swap3A_132 = arith.constant 32 : index
      %swap3A_133 = tpu.vector_load %swap3A_131[%swap3A_132] {strides = array<i32>} : memref<128xi32, #tpu.memory_space<vmem>>, vector<16xi32>,
      tpu.vector_store %swap3A_131[%swap3A_132], %add3A_128 {strides = array<i32>} : memref<128xi32, #tpu.memory_space<vmem>>, vector<16xi32>,
      %mul3A_134 = arith.constant 128 : i32
      %mul3A_135 = arith.muli %scan3A_57, %mul3A_134 : i32
      %add3A_136 = arith.constant 48 : i32
      %add3A_137 = arith.addi %mul3A_135, %add3A_136 : i32
      %get3A_138 = arith.index_cast %add3A_137 : i32 to index
      %get3A_139 = tpu.vector_load %arg10[%get3A_138] {strides = array<i32>} : memref<5120xi32, #tpu.memory_space<vmem>>, vector<16xi32>,
      %get3A_140 = arith.index_cast %add3A_137 : i32 to index
      %get3A_141 = tpu.vector_load %arg11[%get3A_140] {strides = array<i32>} : memref<5120xi32, #tpu.memory_space<vmem>>, vector<16xi32>,
      %get3A_142 = arith.index_cast %add3A_137 : i32 to index
      %get3A_143 = tpu.vector_load %arg12[%get3A_142] {strides = array<i32>} : memref<5120xi32, #tpu.memory_space<vmem>>, vector<16xi32>,
      %gather3A_144 = tpu.vector_load_idx %arg8[%get3A_139] : memref<10016xi32, #tpu.memory_space<vmem>>[vector<16xi32>], vector<16xi32>,
      %gather3A_145 = tpu.vector_load_idx %arg8[%get3A_141] : memref<10016xi32, #tpu.memory_space<vmem>>[vector<16xi32>], vector<16xi32>,
      %mul3A_146 = arith.constant 8 : i32
      %mul3A_147 = vector.broadcast %mul3A_146 : i32 to vector<16xi32>
      %mul3A_148 = arith.muli %gather3A_144, %mul3A_147 : vector<16xi32>
      %add3A_149 = arith.addi %mul3A_148, %get3A_143 : vector<16xi32>
      %gather3A_150 = tpu.vector_load_idx %arg9[%gather3A_145, %add3A_149] : memref<8x64xi32, #tpu.memory_space<vmem>>[vector<16xi32>, vector<16xi32>], vector<16xi32>,
      %mul3A_151 = arith.constant 128 : i32
      %mul3A_152 = vector.broadcast %mul3A_151 : i32 to vector<16xi32>
      %mul3A_153 = arith.muli %get3A_141, %mul3A_152 : vector<16xi32>
      %add3A_154 = arith.addi %mul3A_153, %gather3A_150 : vector<16xi32>
      %swap3A_155 = arith.constant 0 : i32
      %swap3A_156 = tpu.memref_slice %arg13[%scan3A_57, %swap3A_155] : memref<40x128xi32, #tpu.memory_space<vmem>> -> memref<1x128xi32, #tpu.memory_space<vmem>>
      %swap3A_157 = tpu.memref_squeeze %swap3A_156 : memref<1x128xi32, #tpu.memory_space<vmem>> -> memref<128xi32, #tpu.memory_space<vmem>>
      %swap3A_158 = arith.constant 48 : index
      %swap3A_159 = tpu.vector_load %swap3A_157[%swap3A_158] {strides = array<i32>} : memref<128xi32, #tpu.memory_space<vmem>>, vector<16xi32>,
      tpu.vector_store %swap3A_157[%swap3A_158], %add3A_154 {strides = array<i32>} : memref<128xi32, #tpu.memory_space<vmem>>, vector<16xi32>,
      %mul3A_160 = arith.constant 128 : i32
      %mul3A_161 = arith.muli %scan3A_57, %mul3A_160 : i32
      %add3A_162 = arith.constant 64 : i32
      %add3A_163 = arith.addi %mul3A_161, %add3A_162 : i32
      %get3A_164 = arith.index_cast %add3A_163 : i32 to index
      %get3A_165 = tpu.vector_load %arg10[%get3A_164] {strides = array<i32>} : memref<5120xi32, #tpu.memory_space<vmem>>, vector<16xi32>,
      %get3A_166 = arith.index_cast %add3A_163 : i32 to index
      %get3A_167 = tpu.vector_load %arg11[%get3A_166] {strides = array<i32>} : memref<5120xi32, #tpu.memory_space<vmem>>, vector<16xi32>,
      %get3A_168 = arith.index_cast %add3A_163 : i32 to index
      %get3A_169 = tpu.vector_load %arg12[%get3A_168] {strides = array<i32>} : memref<5120xi32, #tpu.memory_space<vmem>>, vector<16xi32>,
      %gather3A_170 = tpu.vector_load_idx %arg8[%get3A_165] : memref<10016xi32, #tpu.memory_space<vmem>>[vector<16xi32>], vector<16xi32>,
      %gather3A_171 = tpu.vector_load_idx %arg8[%get3A_167] : memref<10016xi32, #tpu.memory_space<vmem>>[vector<16xi32>], vector<16xi32>,
      %mul3A_172 = arith.constant 8 : i32
      %mul3A_173 = vector.broadcast %mul3A_172 : i32 to vector<16xi32>
      %mul3A_174 = arith.muli %gather3A_170, %mul3A_173 : vector<16xi32>
      %add3A_175 = arith.addi %mul3A_174, %get3A_169 : vector<16xi32>
      %gather3A_176 = tpu.vector_load_idx %arg9[%gather3A_171, %add3A_175] : memref<8x64xi32, #tpu.memory_space<vmem>>[vector<16xi32>, vector<16xi32>], vector<16xi32>,
      %mul3A_177 = arith.constant 128 : i32
      %mul3A_178 = vector.broadcast %mul3A_177 : i32 to vector<16xi32>
      %mul3A_179 = arith.muli %get3A_167, %mul3A_178 : vector<16xi32>
      %add3A_180 = arith.addi %mul3A_179, %gather3A_176 : vector<16xi32>
      %swap3A_181 = arith.constant 0 : i32
      %swap3A_182 = tpu.memref_slice %arg13[%scan3A_57, %swap3A_181] : memref<40x128xi32, #tpu.memory_space<vmem>> -> memref<1x128xi32, #tpu.memory_space<vmem>>
      %swap3A_183 = tpu.memref_squeeze %swap3A_182 : memref<1x128xi32, #tpu.memory_space<vmem>> -> memref<128xi32, #tpu.memory_space<vmem>>
      %swap3A_184 = arith.constant 64 : index
      %swap3A_185 = tpu.vector_load %swap3A_183[%swap3A_184] {strides = array<i32>} : memref<128xi32, #tpu.memory_space<vmem>>, vector<16xi32>,
      tpu.vector_store %swap3A_183[%swap3A_184], %add3A_180 {strides = array<i32>} : memref<128xi32, #tpu.memory_space<vmem>>, vector<16xi32>,
      %mul3A_186 = arith.constant 128 : i32
      %mul3A_187 = arith.muli %scan3A_57, %mul3A_186 : i32
      %add3A_188 = arith.constant 80 : i32
      %add3A_189 = arith.addi %mul3A_187, %add3A_188 : i32
      %get3A_190 = arith.index_cast %add3A_189 : i32 to index
      %get3A_191 = tpu.vector_load %arg10[%get3A_190] {strides = array<i32>} : memref<5120xi32, #tpu.memory_space<vmem>>, vector<16xi32>,
      %get3A_192 = arith.index_cast %add3A_189 : i32 to index
      %get3A_193 = tpu.vector_load %arg11[%get3A_192] {strides = array<i32>} : memref<5120xi32, #tpu.memory_space<vmem>>, vector<16xi32>,
      %get3A_194 = arith.index_cast %add3A_189 : i32 to index
      %get3A_195 = tpu.vector_load %arg12[%get3A_194] {strides = array<i32>} : memref<5120xi32, #tpu.memory_space<vmem>>, vector<16xi32>,
      %gather3A_196 = tpu.vector_load_idx %arg8[%get3A_191] : memref<10016xi32, #tpu.memory_space<vmem>>[vector<16xi32>], vector<16xi32>,
      %gather3A_197 = tpu.vector_load_idx %arg8[%get3A_193] : memref<10016xi32, #tpu.memory_space<vmem>>[vector<16xi32>], vector<16xi32>,
      %mul3A_198 = arith.constant 8 : i32
      %mul3A_199 = vector.broadcast %mul3A_198 : i32 to vector<16xi32>
      %mul3A_200 = arith.muli %gather3A_196, %mul3A_199 : vector<16xi32>
      %add3A_201 = arith.addi %mul3A_200, %get3A_195 : vector<16xi32>
      %gather3A_202 = tpu.vector_load_idx %arg9[%gather3A_197, %add3A_201] : memref<8x64xi32, #tpu.memory_space<vmem>>[vector<16xi32>, vector<16xi32>], vector<16xi32>,
      %mul3A_203 = arith.constant 128 : i32
      %mul3A_204 = vector.broadcast %mul3A_203 : i32 to vector<16xi32>
      %mul3A_205 = arith.muli %get3A_193, %mul3A_204 : vector<16xi32>
      %add3A_206 = arith.addi %mul3A_205, %gather3A_202 : vector<16xi32>
      %swap3A_207 = arith.constant 0 : i32
      %swap3A_208 = tpu.memref_slice %arg13[%scan3A_57, %swap3A_207] : memref<40x128xi32, #tpu.memory_space<vmem>> -> memref<1x128xi32, #tpu.memory_space<vmem>>
      %swap3A_209 = tpu.memref_squeeze %swap3A_208 : memref<1x128xi32, #tpu.memory_space<vmem>> -> memref<128xi32, #tpu.memory_space<vmem>>
      %swap3A_210 = arith.constant 80 : index
      %swap3A_211 = tpu.vector_load %swap3A_209[%swap3A_210] {strides = array<i32>} : memref<128xi32, #tpu.memory_space<vmem>>, vector<16xi32>,
      tpu.vector_store %swap3A_209[%swap3A_210], %add3A_206 {strides = array<i32>} : memref<128xi32, #tpu.memory_space<vmem>>, vector<16xi32>,
      %mul3A_212 = arith.constant 128 : i32
      %mul3A_213 = arith.muli %scan3A_57, %mul3A_212 : i32
      %add3A_214 = arith.constant 96 : i32
      %add3A_215 = arith.addi %mul3A_213, %add3A_214 : i32
      %get3A_216 = arith.index_cast %add3A_215 : i32 to index
      %get3A_217 = tpu.vector_load %arg10[%get3A_216] {strides = array<i32>} : memref<5120xi32, #tpu.memory_space<vmem>>, vector<16xi32>,
      %get3A_218 = arith.index_cast %add3A_215 : i32 to index
      %get3A_219 = tpu.vector_load %arg11[%get3A_218] {strides = array<i32>} : memref<5120xi32, #tpu.memory_space<vmem>>, vector<16xi32>,
      %get3A_220 = arith.index_cast %add3A_215 : i32 to index
      %get3A_221 = tpu.vector_load %arg12[%get3A_220] {strides = array<i32>} : memref<5120xi32, #tpu.memory_space<vmem>>, vector<16xi32>,
      %gather3A_222 = tpu.vector_load_idx %arg8[%get3A_217] : memref<10016xi32, #tpu.memory_space<vmem>>[vector<16xi32>], vector<16xi32>,
      %gather3A_223 = tpu.vector_load_idx %arg8[%get3A_219] : memref<10016xi32, #tpu.memory_space<vmem>>[vector<16xi32>], vector<16xi32>,
      %mul3A_224 = arith.constant 8 : i32
      %mul3A_225 = vector.broadcast %mul3A_224 : i32 to vector<16xi32>
      %mul3A_226 = arith.muli %gather3A_222, %mul3A_225 : vector<16xi32>
      %add3A_227 = arith.addi %mul3A_226, %get3A_221 : vector<16xi32>
      %gather3A_228 = tpu.vector_load_idx %arg9[%gather3A_223, %add3A_227] : memref<8x64xi32, #tpu.memory_space<vmem>>[vector<16xi32>, vector<16xi32>], vector<16xi32>,
      %mul3A_229 = arith.constant 128 : i32
      %mul3A_230 = vector.broadcast %mul3A_229 : i32 to vector<16xi32>
      %mul3A_231 = arith.muli %get3A_219, %mul3A_230 : vector<16xi32>
      %add3A_232 = arith.addi %mul3A_231, %gather3A_228 : vector<16xi32>
      %swap3A_233 = arith.constant 0 : i32
      %swap3A_234 = tpu.memref_slice %arg13[%scan3A_57, %swap3A_233] : memref<40x128xi32, #tpu.memory_space<vmem>> -> memref<1x128xi32, #tpu.memory_space<vmem>>
      %swap3A_235 = tpu.memref_squeeze %swap3A_234 : memref<1x128xi32, #tpu.memory_space<vmem>> -> memref<128xi32, #tpu.memory_space<vmem>>
      %swap3A_236 = arith.constant 96 : index
      %swap3A_237 = tpu.vector_load %swap3A_235[%swap3A_236] {strides = array<i32>} : memref<128xi32, #tpu.memory_space<vmem>>, vector<16xi32>,
      tpu.vector_store %swap3A_235[%swap3A_236], %add3A_232 {strides = array<i32>} : memref<128xi32, #tpu.memory_space<vmem>>, vector<16xi32>,
      %mul3A_238 = arith.constant 128 : i32
      %mul3A_239 = arith.muli %scan3A_57, %mul3A_238 : i32
      %add3A_240 = arith.constant 112 : i32
      %add3A_241 = arith.addi %mul3A_239, %add3A_240 : i32
      %get3A_242 = arith.index_cast %add3A_241 : i32 to index
      %get3A_243 = tpu.vector_load %arg10[%get3A_242] {strides = array<i32>} : memref<5120xi32, #tpu.memory_space<vmem>>, vector<16xi32>,
      %get3A_244 = arith.index_cast %add3A_241 : i32 to index
      %get3A_245 = tpu.vector_load %arg11[%get3A_244] {strides = array<i32>} : memref<5120xi32, #tpu.memory_space<vmem>>, vector<16xi32>,
      %get3A_246 = arith.index_cast %add3A_241 : i32 to index
      %get3A_247 = tpu.vector_load %arg12[%get3A_246] {strides = array<i32>} : memref<5120xi32, #tpu.memory_space<vmem>>, vector<16xi32>,
      %gather3A_248 = tpu.vector_load_idx %arg8[%get3A_243] : memref<10016xi32, #tpu.memory_space<vmem>>[vector<16xi32>], vector<16xi32>,
      %gather3A_249 = tpu.vector_load_idx %arg8[%get3A_245] : memref<10016xi32, #tpu.memory_space<vmem>>[vector<16xi32>], vector<16xi32>,
      %mul3A_250 = arith.constant 8 : i32
      %mul3A_251 = vector.broadcast %mul3A_250 : i32 to vector<16xi32>
      %mul3A_252 = arith.muli %gather3A_248, %mul3A_251 : vector<16xi32>
      %add3A_253 = arith.addi %mul3A_252, %get3A_247 : vector<16xi32>
      %gather3A_254 = tpu.vector_load_idx %arg9[%gather3A_249, %add3A_253] : memref<8x64xi32, #tpu.memory_space<vmem>>[vector<16xi32>, vector<16xi32>], vector<16xi32>,
      %mul3A_255 = arith.constant 128 : i32
      %mul3A_256 = vector.broadcast %mul3A_255 : i32 to vector<16xi32>
      %mul3A_257 = arith.muli %get3A_245, %mul3A_256 : vector<16xi32>
      %add3A_258 = arith.addi %mul3A_257, %gather3A_254 : vector<16xi32>
      %swap3A_259 = arith.constant 0 : i32
      %swap3A_260 = tpu.memref_slice %arg13[%scan3A_57, %swap3A_259] : memref<40x128xi32, #tpu.memory_space<vmem>> -> memref<1x128xi32, #tpu.memory_space<vmem>>
      %swap3A_261 = tpu.memref_squeeze %swap3A_260 : memref<1x128xi32, #tpu.memory_space<vmem>> -> memref<128xi32, #tpu.memory_space<vmem>>
      %swap3A_262 = arith.constant 112 : index
      %swap3A_263 = tpu.vector_load %swap3A_261[%swap3A_262] {strides = array<i32>} : memref<128xi32, #tpu.memory_space<vmem>>, vector<16xi32>,
      tpu.vector_store %swap3A_261[%swap3A_262], %add3A_258 {strides = array<i32>} : memref<128xi32, #tpu.memory_space<vmem>>, vector<16xi32>,
      "tpu.region"() ({
        %run_scoped3A = tpu.sem_alloc : memref<!tpu.dma_semaphore, #tpu.memory_space<semaphore_mem>>
        %dma_start3A = arith.constant 0 : i32
        %dma_start3A_264 = tpu.memref_slice %arg13[%scan3A_57, %dma_start3A] : memref<40x128xi32, #tpu.memory_space<vmem>> -> memref<1x128xi32, #tpu.memory_space<vmem>>
        %dma_start3A_265 = tpu.memref_squeeze %dma_start3A_264 : memref<1x128xi32, #tpu.memory_space<vmem>> -> memref<128xi32, #tpu.memory_space<vmem>>
        %dma_start3A_266 = arith.constant 0 : i32
        %dma_start3A_267 = tpu.memref_slice %arg16[%dma_start3A_266] : memref<1282048xf32, #tpu.memory_space<vmem_shared>> -> memref<1282048xf32, #tpu.memory_space<vmem_shared>>
        tpu.enqueue_indirect_dma source(%arg14 : memref<128xf32, #tpu.memory_space<vmem>>) target(%dma_start3A_267 : memref<1282048xf32, #tpu.memory_space<vmem_shared>>) offsets(%dma_start3A_265 : memref<128xi32, #tpu.memory_space<vmem>>) semaphore(%run_scoped3A : memref<!tpu.dma_semaphore, #tpu.memory_space<semaphore_mem>>) {add = true}
        %dma_wait3A = arith.constant 0 : i32
        %dma_wait3A_268 = tpu.memref_slice %arg13[%scan3A_57, %dma_wait3A] : memref<40x128xi32, #tpu.memory_space<vmem>> -> memref<1x128xi32, #tpu.memory_space<vmem>>
        %dma_wait3A_269 = tpu.memref_squeeze %dma_wait3A_268 : memref<1x128xi32, #tpu.memory_space<vmem>> -> memref<128xi32, #tpu.memory_space<vmem>>
        %dma_wait3A_270 = arith.constant 0 : i32
        %dma_wait3A_271 = tpu.memref_slice %arg16[%dma_wait3A_270] : memref<1282048xf32, #tpu.memory_space<vmem_shared>> -> memref<1282048xf32, #tpu.memory_space<vmem_shared>>
        tpu.wait_indirect_dma semaphore(%run_scoped3A : memref<!tpu.dma_semaphore, #tpu.memory_space<semaphore_mem>>) src(%arg14 : memref<128xf32, #tpu.memory_space<vmem>>) dst(%dma_wait3A_271 : memref<1282048xf32, #tpu.memory_space<vmem_shared>>)
        tpu.yield
      }) : () -> ()
    }
    %scan3A_49 = arith.constant 40 : i32
    %barrier3A_50 = arith.constant 0 : index
    tpu.barrier barrier_id(%barrier3A_50)
    %scan3A_51 = arith.constant 0 : i32
    %scan3A_52 = arith.constant 0 : i32
    %scan3A_53 = arith.constant 16 : i32
    %scan3A_54 = arith.addi %scan3A_52, %scan3A_53 : i32
    %scan3A_55 = arith.constant 1 : i32
    scf.for %scan3A_57 = %scan3A_52 to %scan3A_54 step %scan3A_55  : i32 {
      %mul3A_58 = arith.constant 80128 : i32
      %mul3A_59 = arith.muli %arg1, %mul3A_58 : i32
      %mul3A_60 = arith.constant 5008 : i32
      %mul3A_61 = arith.muli %scan3A_57, %mul3A_60 : i32
      %add3A_62 = arith.addi %mul3A_59, %mul3A_61 : i32
      "tpu.region"() ({
        %run_scoped3A = tpu.sem_alloc : memref<!tpu.dma_semaphore, #tpu.memory_space<semaphore_mem>>
        %dma_start3A = tpu.memref_slice %arg16[%add3A_62] : memref<1282048xf32, #tpu.memory_space<vmem_shared>> -> memref<5008xf32, #tpu.memory_space<vmem_shared>>
        %dma_start3A_66 = tpu.memref_slice %arg16[%add3A_62] : memref<1282048xf32, #tpu.memory_space<vmem_shared>> -> memref<5008xf32, #tpu.memory_space<vmem_shared>>
        tpu.enqueue_dma source(%dma_start3A_66 : memref<5008xf32, #tpu.memory_space<vmem_shared>>) target(%arg15 : memref<5008xf32, #tpu.memory_space<vmem>>) target_semaphore(%run_scoped3A : memref<!tpu.dma_semaphore, #tpu.memory_space<semaphore_mem>>)
        %dma_wait3A = tpu.memref_slice %arg16[%add3A_62] : memref<1282048xf32, #tpu.memory_space<vmem_shared>> -> memref<5008xf32, #tpu.memory_space<vmem_shared>>
        %dma_wait3A_67 = tpu.memref_slice %arg16[%add3A_62] : memref<1282048xf32, #tpu.memory_space<vmem_shared>> -> memref<5008xf32, #tpu.memory_space<vmem_shared>>
        tpu.wait_dma2 semaphore(%run_scoped3A : memref<!tpu.dma_semaphore, #tpu.memory_space<semaphore_mem>>) src(%dma_wait3A_67 : memref<5008xf32, #tpu.memory_space<vmem_shared>>) dst(%arg15 : memref<5008xf32, #tpu.memory_space<vmem>>)
        tpu.yield
      }) : () -> ()
      %mul3A_63 = arith.constant 1282048 : i32
      %mul3A_64 = arith.muli %arg0, %mul3A_63 : i32
      %add3A_65 = arith.addi %mul3A_64, %add3A_62 : i32
      "tpu.region"() ({
        %run_scoped3A = tpu.sem_alloc : memref<!tpu.dma_semaphore, #tpu.memory_space<semaphore_mem>>
        %dma_start3A = tpu.memref_slice %arg7[%add3A_65] : memref<2564096xf32, #tpu.memory_space<hbm>> -> memref<5008xf32, #tpu.memory_space<hbm>>
        %dma_start3A_66 = tpu.memref_slice %arg7[%add3A_65] : memref<2564096xf32, #tpu.memory_space<hbm>> -> memref<5008xf32, #tpu.memory_space<hbm>>
        tpu.enqueue_dma source(%arg15 : memref<5008xf32, #tpu.memory_space<vmem>>) target(%dma_start3A_66 : memref<5008xf32, #tpu.memory_space<hbm>>) target_semaphore(%run_scoped3A : memref<!tpu.dma_semaphore, #tpu.memory_space<semaphore_mem>>)
        %dma_wait3A = tpu.memref_slice %arg7[%add3A_65] : memref<2564096xf32, #tpu.memory_space<hbm>> -> memref<5008xf32, #tpu.memory_space<hbm>>
        %dma_wait3A_67 = tpu.memref_slice %arg7[%add3A_65] : memref<2564096xf32, #tpu.memory_space<hbm>> -> memref<5008xf32, #tpu.memory_space<hbm>>
        tpu.wait_dma2 semaphore(%run_scoped3A : memref<!tpu.dma_semaphore, #tpu.memory_space<semaphore_mem>>) src(%arg15 : memref<5008xf32, #tpu.memory_space<vmem>>) dst(%dma_wait3A_67 : memref<5008xf32, #tpu.memory_space<hbm>>)
        tpu.yield
      }) : () -> ()
    }
    %scan3A_56 = arith.constant 16 : i32
    return
  }
}

#map = affine_map<(d0, d1) -> (0, 0)>
#map1 = affine_map<(d0, d1) -> (0)>
module attributes {stable_mosaic.version = 14 : i64} {
  func.func @_gather_body(%arg0: i32, %arg1: i32, %arg2: memref<80000x128xf32, #tpu.memory_space<hbm>>, %arg3: memref<160000xi32, #tpu.memory_space<hbm>>, %arg4: memref<160000x128xf32, #tpu.memory_space<hbm>>, %arg5: memref<5000xi32, #tpu.memory_space<vmem>>, %arg6: memref<40x128xf32, #tpu.memory_space<vmem>>, %arg7: memref<40x128xf32, #tpu.memory_space<vmem>>, %arg8: memref<!tpu.dma_semaphore, #tpu.memory_space<semaphore_mem>>, %arg9: memref<!tpu.dma_semaphore, #tpu.memory_space<semaphore_mem>>) attributes {dimension_semantics = [#tpu.dimension_semantics<core_parallel>, #tpu.dimension_semantics<subcore_parallel>], iteration_bounds = array<i64: 2, 16>, scalar_prefetch = 0 : i64, scratch_operands = 5 : i64, tpu.core_type = #tpu.core_type<sc_vector_subcore>, window_params = [{transform_indices = #map}, {transform_indices = #map1}, {transform_indices = #map}]} {
    %mul3A = arith.constant 2 : i32
    %mul3A_0 = arith.muli %arg1, %mul3A : i32
    %add3A = arith.addi %mul3A_0, %arg0 : i32
    %mul3A_1 = arith.constant 5000 : i32
    %mul3A_2 = arith.muli %add3A, %mul3A_1 : i32
    "tpu.region"() ({
      %run_scoped3A = tpu.sem_alloc : memref<!tpu.dma_semaphore, #tpu.memory_space<semaphore_mem>>
      %dma_start3A_19 = tpu.memref_slice %arg3[%mul3A_2] : memref<160000xi32, #tpu.memory_space<hbm>> -> memref<5000xi32, #tpu.memory_space<hbm>>
      %dma_start3A_20 = tpu.memref_slice %arg3[%mul3A_2] : memref<160000xi32, #tpu.memory_space<hbm>> -> memref<5000xi32, #tpu.memory_space<hbm>>
      tpu.enqueue_dma source(%dma_start3A_20 : memref<5000xi32, #tpu.memory_space<hbm>>) target(%arg5 : memref<5000xi32, #tpu.memory_space<vmem>>) target_semaphore(%run_scoped3A : memref<!tpu.dma_semaphore, #tpu.memory_space<semaphore_mem>>)
      %dma_wait3A_21 = tpu.memref_slice %arg3[%mul3A_2] : memref<160000xi32, #tpu.memory_space<hbm>> -> memref<5000xi32, #tpu.memory_space<hbm>>
      %dma_wait3A_22 = tpu.memref_slice %arg3[%mul3A_2] : memref<160000xi32, #tpu.memory_space<hbm>> -> memref<5000xi32, #tpu.memory_space<hbm>>
      tpu.wait_dma2 semaphore(%run_scoped3A : memref<!tpu.dma_semaphore, #tpu.memory_space<semaphore_mem>>) src(%dma_wait3A_22 : memref<5000xi32, #tpu.memory_space<hbm>>) dst(%arg5 : memref<5000xi32, #tpu.memory_space<vmem>>)
      tpu.yield
    }) : () -> ()
    %dma_start3A = arith.constant 0 : i32
    %dma_start3A_3 = tpu.memref_slice %arg5[%dma_start3A] : memref<5000xi32, #tpu.memory_space<vmem>> -> memref<40xi32, #tpu.memory_space<vmem>>
    %dma_start3A_4 = arith.constant 0 : i32
    %dma_start3A_5 = arith.constant 0 : i32
    %dma_start3A_6 = tpu.memref_slice %arg2[%dma_start3A_4, %dma_start3A_5] : memref<80000x128xf32, #tpu.memory_space<hbm>> -> memref<80000x128xf32, #tpu.memory_space<hbm>>
    tpu.enqueue_indirect_dma source(%dma_start3A_6 : memref<80000x128xf32, #tpu.memory_space<hbm>>) target(%arg6 : memref<40x128xf32, #tpu.memory_space<vmem>>) offsets(%dma_start3A_3 : memref<40xi32, #tpu.memory_space<vmem>>) semaphore(%arg8 : memref<!tpu.dma_semaphore, #tpu.memory_space<semaphore_mem>>)
    %scan3A = arith.constant 0 : i32
    %scan3A_7 = arith.constant 0 : i32
    %scan3A_8 = arith.constant 62 : i32
    %scan3A_9 = arith.addi %scan3A_7, %scan3A_8 : i32
    %scan3A_10 = arith.constant 1 : i32
    scf.for %scan3A_19 = %scan3A_7 to %scan3A_9 step %scan3A_10  : i32 {
      %mul3A_20 = arith.constant 2 : i32
      %mul3A_21 = arith.muli %mul3A_20, %scan3A_19 : i32
      %add3A_22 = arith.constant 1 : i32
      %add3A_23 = arith.addi %mul3A_21, %add3A_22 : i32
      %mul3A_24 = arith.constant 40 : i32
      %mul3A_25 = arith.muli %add3A_23, %mul3A_24 : i32
      %dma_start3A_26 = tpu.memref_slice %arg5[%mul3A_25] : memref<5000xi32, #tpu.memory_space<vmem>> -> memref<40xi32, #tpu.memory_space<vmem>>
      %dma_start3A_27 = arith.constant 0 : i32
      %dma_start3A_28 = arith.constant 0 : i32
      %dma_start3A_29 = tpu.memref_slice %arg2[%dma_start3A_27, %dma_start3A_28] : memref<80000x128xf32, #tpu.memory_space<hbm>> -> memref<80000x128xf32, #tpu.memory_space<hbm>>
      tpu.enqueue_indirect_dma source(%dma_start3A_29 : memref<80000x128xf32, #tpu.memory_space<hbm>>) target(%arg7 : memref<40x128xf32, #tpu.memory_space<vmem>>) offsets(%dma_start3A_26 : memref<40xi32, #tpu.memory_space<vmem>>) semaphore(%arg9 : memref<!tpu.dma_semaphore, #tpu.memory_space<semaphore_mem>>)
      %dma_wait3A_30 = arith.constant 0 : i32
      %dma_wait3A_31 = arith.constant 0 : i32
      %dma_wait3A_32 = tpu.memref_slice %arg2[%dma_wait3A_30, %dma_wait3A_31] : memref<80000x128xf32, #tpu.memory_space<hbm>> -> memref<40x128xf32, #tpu.memory_space<hbm>>
      %dma_wait3A_33 = arith.constant 0 : i32
      %dma_wait3A_34 = arith.constant 0 : i32
      %dma_wait3A_35 = tpu.memref_slice %arg2[%dma_wait3A_33, %dma_wait3A_34] : memref<80000x128xf32, #tpu.memory_space<hbm>> -> memref<40x128xf32, #tpu.memory_space<hbm>>
      tpu.wait_dma2 semaphore(%arg8 : memref<!tpu.dma_semaphore, #tpu.memory_space<semaphore_mem>>) src(%dma_wait3A_35 : memref<40x128xf32, #tpu.memory_space<hbm>>) dst(%arg6 : memref<40x128xf32, #tpu.memory_space<vmem>>)
      %mul3A_36 = arith.constant 40 : i32
      %mul3A_37 = arith.muli %mul3A_21, %mul3A_36 : i32
      %add3A_38 = arith.addi %mul3A_2, %mul3A_37 : i32
      "tpu.region"() ({
        %run_scoped3A = tpu.sem_alloc : memref<!tpu.dma_semaphore, #tpu.memory_space<semaphore_mem>>
        %dma_start3A_58 = arith.constant 0 : i32
        %dma_start3A_59 = tpu.memref_slice %arg4[%add3A_38, %dma_start3A_58] : memref<160000x128xf32, #tpu.memory_space<hbm>> -> memref<40x128xf32, #tpu.memory_space<hbm>>
        %dma_start3A_60 = arith.constant 0 : i32
        %dma_start3A_61 = tpu.memref_slice %arg4[%add3A_38, %dma_start3A_60] : memref<160000x128xf32, #tpu.memory_space<hbm>> -> memref<40x128xf32, #tpu.memory_space<hbm>>
        tpu.enqueue_dma source(%arg6 : memref<40x128xf32, #tpu.memory_space<vmem>>) target(%dma_start3A_61 : memref<40x128xf32, #tpu.memory_space<hbm>>) target_semaphore(%run_scoped3A : memref<!tpu.dma_semaphore, #tpu.memory_space<semaphore_mem>>)
        %dma_wait3A_62 = arith.constant 0 : i32
        %dma_wait3A_63 = tpu.memref_slice %arg4[%add3A_38, %dma_wait3A_62] : memref<160000x128xf32, #tpu.memory_space<hbm>> -> memref<40x128xf32, #tpu.memory_space<hbm>>
        %dma_wait3A_64 = arith.constant 0 : i32
        %dma_wait3A_65 = tpu.memref_slice %arg4[%add3A_38, %dma_wait3A_64] : memref<160000x128xf32, #tpu.memory_space<hbm>> -> memref<40x128xf32, #tpu.memory_space<hbm>>
        tpu.wait_dma2 semaphore(%run_scoped3A : memref<!tpu.dma_semaphore, #tpu.memory_space<semaphore_mem>>) src(%arg6 : memref<40x128xf32, #tpu.memory_space<vmem>>) dst(%dma_wait3A_65 : memref<40x128xf32, #tpu.memory_space<hbm>>)
        tpu.yield
      }) : () -> ()
      %add3A_39 = arith.constant 2 : i32
      %add3A_40 = arith.addi %mul3A_21, %add3A_39 : i32
      %mul3A_41 = arith.constant 40 : i32
      %mul3A_42 = arith.muli %add3A_40, %mul3A_41 : i32
      %dma_start3A_43 = tpu.memref_slice %arg5[%mul3A_42] : memref<5000xi32, #tpu.memory_space<vmem>> -> memref<40xi32, #tpu.memory_space<vmem>>
      %dma_start3A_44 = arith.constant 0 : i32
      %dma_start3A_45 = arith.constant 0 : i32
      %dma_start3A_46 = tpu.memref_slice %arg2[%dma_start3A_44, %dma_start3A_45] : memref<80000x128xf32, #tpu.memory_space<hbm>> -> memref<80000x128xf32, #tpu.memory_space<hbm>>
      tpu.enqueue_indirect_dma source(%dma_start3A_46 : memref<80000x128xf32, #tpu.memory_space<hbm>>) target(%arg6 : memref<40x128xf32, #tpu.memory_space<vmem>>) offsets(%dma_start3A_43 : memref<40xi32, #tpu.memory_space<vmem>>) semaphore(%arg8 : memref<!tpu.dma_semaphore, #tpu.memory_space<semaphore_mem>>)
      %dma_wait3A_47 = arith.constant 0 : i32
      %dma_wait3A_48 = arith.constant 0 : i32
      %dma_wait3A_49 = tpu.memref_slice %arg2[%dma_wait3A_47, %dma_wait3A_48] : memref<80000x128xf32, #tpu.memory_space<hbm>> -> memref<40x128xf32, #tpu.memory_space<hbm>>
      %dma_wait3A_50 = arith.constant 0 : i32
      %dma_wait3A_51 = arith.constant 0 : i32
      %dma_wait3A_52 = tpu.memref_slice %arg2[%dma_wait3A_50, %dma_wait3A_51] : memref<80000x128xf32, #tpu.memory_space<hbm>> -> memref<40x128xf32, #tpu.memory_space<hbm>>
      tpu.wait_dma2 semaphore(%arg9 : memref<!tpu.dma_semaphore, #tpu.memory_space<semaphore_mem>>) src(%dma_wait3A_52 : memref<40x128xf32, #tpu.memory_space<hbm>>) dst(%arg7 : memref<40x128xf32, #tpu.memory_space<vmem>>)
      %add3A_53 = arith.constant 1 : i32
      %add3A_54 = arith.addi %mul3A_21, %add3A_53 : i32
      %mul3A_55 = arith.constant 40 : i32
      %mul3A_56 = arith.muli %add3A_54, %mul3A_55 : i32
      %add3A_57 = arith.addi %mul3A_2, %mul3A_56 : i32
      "tpu.region"() ({
        %run_scoped3A = tpu.sem_alloc : memref<!tpu.dma_semaphore, #tpu.memory_space<semaphore_mem>>
        %dma_start3A_58 = arith.constant 0 : i32
        %dma_start3A_59 = tpu.memref_slice %arg4[%add3A_57, %dma_start3A_58] : memref<160000x128xf32, #tpu.memory_space<hbm>> -> memref<40x128xf32, #tpu.memory_space<hbm>>
        %dma_start3A_60 = arith.constant 0 : i32
        %dma_start3A_61 = tpu.memref_slice %arg4[%add3A_57, %dma_start3A_60] : memref<160000x128xf32, #tpu.memory_space<hbm>> -> memref<40x128xf32, #tpu.memory_space<hbm>>
        tpu.enqueue_dma source(%arg7 : memref<40x128xf32, #tpu.memory_space<vmem>>) target(%dma_start3A_61 : memref<40x128xf32, #tpu.memory_space<hbm>>) target_semaphore(%run_scoped3A : memref<!tpu.dma_semaphore, #tpu.memory_space<semaphore_mem>>)
        %dma_wait3A_62 = arith.constant 0 : i32
        %dma_wait3A_63 = tpu.memref_slice %arg4[%add3A_57, %dma_wait3A_62] : memref<160000x128xf32, #tpu.memory_space<hbm>> -> memref<40x128xf32, #tpu.memory_space<hbm>>
        %dma_wait3A_64 = arith.constant 0 : i32
        %dma_wait3A_65 = tpu.memref_slice %arg4[%add3A_57, %dma_wait3A_64] : memref<160000x128xf32, #tpu.memory_space<hbm>> -> memref<40x128xf32, #tpu.memory_space<hbm>>
        tpu.wait_dma2 semaphore(%run_scoped3A : memref<!tpu.dma_semaphore, #tpu.memory_space<semaphore_mem>>) src(%arg7 : memref<40x128xf32, #tpu.memory_space<vmem>>) dst(%dma_wait3A_65 : memref<40x128xf32, #tpu.memory_space<hbm>>)
        tpu.yield
      }) : () -> ()
    }
    %scan3A_11 = arith.constant 62 : i32
    %dma_wait3A = arith.constant 0 : i32
    %dma_wait3A_12 = arith.constant 0 : i32
    %dma_wait3A_13 = tpu.memref_slice %arg2[%dma_wait3A, %dma_wait3A_12] : memref<80000x128xf32, #tpu.memory_space<hbm>> -> memref<40x128xf32, #tpu.memory_space<hbm>>
    %dma_wait3A_14 = arith.constant 0 : i32
    %dma_wait3A_15 = arith.constant 0 : i32
    %dma_wait3A_16 = tpu.memref_slice %arg2[%dma_wait3A_14, %dma_wait3A_15] : memref<80000x128xf32, #tpu.memory_space<hbm>> -> memref<40x128xf32, #tpu.memory_space<hbm>>
    tpu.wait_dma2 semaphore(%arg8 : memref<!tpu.dma_semaphore, #tpu.memory_space<semaphore_mem>>) src(%dma_wait3A_16 : memref<40x128xf32, #tpu.memory_space<hbm>>) dst(%arg6 : memref<40x128xf32, #tpu.memory_space<vmem>>)
    %add3A_17 = arith.constant 4960 : i32
    %add3A_18 = arith.addi %mul3A_2, %add3A_17 : i32
    "tpu.region"() ({
      %run_scoped3A = tpu.sem_alloc : memref<!tpu.dma_semaphore, #tpu.memory_space<semaphore_mem>>
      %dma_start3A_19 = arith.constant 0 : i32
      %dma_start3A_20 = tpu.memref_slice %arg4[%add3A_18, %dma_start3A_19] : memref<160000x128xf32, #tpu.memory_space<hbm>> -> memref<40x128xf32, #tpu.memory_space<hbm>>
      %dma_start3A_21 = arith.constant 0 : i32
      %dma_start3A_22 = tpu.memref_slice %arg4[%add3A_18, %dma_start3A_21] : memref<160000x128xf32, #tpu.memory_space<hbm>> -> memref<40x128xf32, #tpu.memory_space<hbm>>
      tpu.enqueue_dma source(%arg6 : memref<40x128xf32, #tpu.memory_space<vmem>>) target(%dma_start3A_22 : memref<40x128xf32, #tpu.memory_space<hbm>>) target_semaphore(%run_scoped3A : memref<!tpu.dma_semaphore, #tpu.memory_space<semaphore_mem>>)
      %dma_wait3A_23 = arith.constant 0 : i32
      %dma_wait3A_24 = tpu.memref_slice %arg4[%add3A_18, %dma_wait3A_23] : memref<160000x128xf32, #tpu.memory_space<hbm>> -> memref<40x128xf32, #tpu.memory_space<hbm>>
      %dma_wait3A_25 = arith.constant 0 : i32
      %dma_wait3A_26 = tpu.memref_slice %arg4[%add3A_18, %dma_wait3A_25] : memref<160000x128xf32, #tpu.memory_space<hbm>> -> memref<40x128xf32, #tpu.memory_space<hbm>>
      tpu.wait_dma2 semaphore(%run_scoped3A : memref<!tpu.dma_semaphore, #tpu.memory_space<semaphore_mem>>) src(%arg6 : memref<40x128xf32, #tpu.memory_space<vmem>>) dst(%dma_wait3A_26 : memref<40x128xf32, #tpu.memory_space<hbm>>)
      tpu.yield
    }) : () -> ()
    return
  }
}

module attributes {stable_mosaic.version = 14 : i64} {
  func.func @_prep_body(%arg0: memref<16x128xf32, #tpu.memory_space<vmem>>, %arg1: memref<8x128xf32, #tpu.memory_space<vmem>>, %arg2: memref<128x128xf32, #tpu.memory_space<vmem>>, %arg3: memref<128x128xf32, #tpu.memory_space<vmem>>, %arg4: memref<128x128xf32, #tpu.memory_space<vmem>>, %arg5: memref<128x128xf32, #tpu.memory_space<vmem>>, %arg6: memref<128x128xf32, #tpu.memory_space<vmem>>, %arg7: memref<128x128xf32, #tpu.memory_space<vmem>>, %arg8: memref<1x128xf32, #tpu.memory_space<vmem>>, %arg9: memref<1x128xf32, #tpu.memory_space<vmem>>, %arg10: memref<1x128xf32, #tpu.memory_space<vmem>>, %arg11: memref<8x128xf32, #tpu.memory_space<vmem>>, %arg12: memref<8x128xf32, #tpu.memory_space<vmem>>, %arg13: memref<8x128xf32, #tpu.memory_space<vmem>>, %arg14: memref<128x1024xf32, #tpu.memory_space<vmem>>, %arg15: memref<8x128xf32, #tpu.memory_space<vmem>>, %arg16: memref<8x64xi32, #tpu.memory_space<vmem>>) attributes {dimension_semantics = [], scalar_prefetch = 0 : i64, scratch_operands = 0 : i64, tpu.core_type = #tpu.core_type<tc>} {
    %get3A = arith.constant 0 : index
    %get3A_0 = arith.constant 0 : index
    %get3A_1 = vector.load %arg0[%get3A, %get3A_0] : memref<16x128xf32, #tpu.memory_space<vmem>>, vector<16x128xf32>
    %get3A_2 = arith.constant 0 : index
    %get3A_3 = arith.constant 0 : index
    %get3A_4 = vector.load %arg1[%get3A_2, %get3A_3] : memref<8x128xf32, #tpu.memory_space<vmem>>, vector<8x128xf32>
    %iota3A = tpu.iota {dimensions = array<i32: 0>} : vector<8x16xi32>
    %iota3A_5 = tpu.iota {dimensions = array<i32: 1>} : vector<8x16xi32>
    %mul3A = arith.constant 2 : i32
    %mul3A_6 = vector.broadcast %mul3A : i32 to vector<8x16xi32>
    %mul3A_7 = arith.muli %mul3A_6, %iota3A : vector<8x16xi32>
    %eq3A = arith.cmpi eq, %iota3A_5, %mul3A_7 : vector<8x16xi32>
    %convert_element_type3A = arith.extui %eq3A : vector<8x16xi1> to vector<8x16xi32>
    %convert_element_type3A_8 = arith.sitofp %convert_element_type3A : vector<8x16xi32> to vector<8x16xf32>
    %dot_general3A = arith.constant dense<0.000000e+00> : vector<8x128xf32>
    %dot_general3A_9 = tpu.matmul %convert_element_type3A_8, %get3A_1, %dot_general3A {dimension_numbers = #tpu.dot_dimension_numbers<[1], [0], [0], [1], [0, 0, 1, 1], [], []>, precision = #tpu.contract_precision<fp32>, transpose_lhs_hint = false} : vector<8x16xf32>, vector<16x128xf32>, vector<8x128xf32> -> vector<8x128xf32>
    %get3A_10 = arith.constant 0 : index
    %get3A_11 = arith.constant 0 : index
    %get3A_12 = vector.load %arg2[%get3A_10, %get3A_11] : memref<128x128xf32, #tpu.memory_space<vmem>>, vector<128x128xf32>
    %dot_general3A_13 = arith.constant dense<0.000000e+00> : vector<8x128xf32>
    %dot_general3A_14 = tpu.matmul %dot_general3A_9, %get3A_12, %dot_general3A_13 {dimension_numbers = #tpu.dot_dimension_numbers<[1], [0], [0], [1], [0, 0, 1, 1], [], []>, precision = #tpu.contract_precision<fp32>, transpose_lhs_hint = false} : vector<8x128xf32>, vector<128x128xf32>, vector<8x128xf32> -> vector<8x128xf32>
    %reduce_sum3A = arith.constant dense<0.000000e+00> : vector<8xf32>
    %reduce_sum3A_15 = vector.multi_reduction <add>, %dot_general3A_14, %reduce_sum3A [1] : vector<8x128xf32> to vector<8xf32>
    %broadcast_in_dim3A = vector.shape_cast %reduce_sum3A_15 : vector<8xf32> to vector<8x1xf32>
    %div3A = arith.constant 1.280000e+02 : f32
    %div3A_16 = vector.broadcast %div3A : f32 to vector<8x1xf32>
    %div3A_17 = arith.divf %broadcast_in_dim3A, %div3A_16 : vector<8x1xf32>
    %sub3A = vector.broadcast %div3A_17 : vector<8x1xf32> to vector<8x128xf32>
    %sub3A_18 = arith.subf %dot_general3A_14, %sub3A : vector<8x128xf32>
    %integer_pow3A = arith.mulf %sub3A_18, %sub3A_18 : vector<8x128xf32>
    %reduce_sum3A_19 = arith.constant dense<0.000000e+00> : vector<8xf32>
    %reduce_sum3A_20 = vector.multi_reduction <add>, %integer_pow3A, %reduce_sum3A_19 [1] : vector<8x128xf32> to vector<8xf32>
    %broadcast_in_dim3A_21 = vector.shape_cast %reduce_sum3A_20 : vector<8xf32> to vector<8x1xf32>
    %div3A_22 = arith.constant 1.280000e+02 : f32
    %div3A_23 = vector.broadcast %div3A_22 : f32 to vector<8x1xf32>
    %div3A_24 = arith.divf %broadcast_in_dim3A_21, %div3A_23 : vector<8x1xf32>
    %sub3A_25 = vector.broadcast %div3A_17 : vector<8x1xf32> to vector<8x128xf32>
    %sub3A_26 = arith.subf %dot_general3A_14, %sub3A_25 : vector<8x128xf32>
    %add3A = arith.constant 9.99999974E-6 : f32
    %add3A_27 = vector.broadcast %add3A : f32 to vector<8x1xf32>
    %add3A_28 = arith.addf %div3A_24, %add3A_27 : vector<8x1xf32>
    %sqrt3A = math.sqrt %add3A_28 : vector<8x1xf32>
    %div3A_29 = vector.broadcast %sqrt3A : vector<8x1xf32> to vector<8x128xf32>
    %div3A_30 = arith.divf %sub3A_26, %div3A_29 : vector<8x128xf32>
    %get3A_31 = arith.constant 0 : index
    %get3A_32 = arith.constant 0 : index
    %get3A_33 = vector.load %arg3[%get3A_31, %get3A_32] : memref<128x128xf32, #tpu.memory_space<vmem>>, vector<128x128xf32>
    %dot_general3A_34 = arith.constant dense<0.000000e+00> : vector<8x128xf32>
    %dot_general3A_35 = tpu.matmul %dot_general3A_9, %get3A_33, %dot_general3A_34 {dimension_numbers = #tpu.dot_dimension_numbers<[1], [0], [0], [1], [0, 0, 1, 1], [], []>, precision = #tpu.contract_precision<fp32>, transpose_lhs_hint = false} : vector<8x128xf32>, vector<128x128xf32>, vector<8x128xf32> -> vector<8x128xf32>
    %reduce_sum3A_36 = arith.constant dense<0.000000e+00> : vector<8xf32>
    %reduce_sum3A_37 = vector.multi_reduction <add>, %dot_general3A_35, %reduce_sum3A_36 [1] : vector<8x128xf32> to vector<8xf32>
    %broadcast_in_dim3A_38 = vector.shape_cast %reduce_sum3A_37 : vector<8xf32> to vector<8x1xf32>
    %div3A_39 = arith.constant 1.280000e+02 : f32
    %div3A_40 = vector.broadcast %div3A_39 : f32 to vector<8x1xf32>
    %div3A_41 = arith.divf %broadcast_in_dim3A_38, %div3A_40 : vector<8x1xf32>
    %sub3A_42 = vector.broadcast %div3A_41 : vector<8x1xf32> to vector<8x128xf32>
    %sub3A_43 = arith.subf %dot_general3A_35, %sub3A_42 : vector<8x128xf32>
    %integer_pow3A_44 = arith.mulf %sub3A_43, %sub3A_43 : vector<8x128xf32>
    %reduce_sum3A_45 = arith.constant dense<0.000000e+00> : vector<8xf32>
    %reduce_sum3A_46 = vector.multi_reduction <add>, %integer_pow3A_44, %reduce_sum3A_45 [1] : vector<8x128xf32> to vector<8xf32>
    %broadcast_in_dim3A_47 = vector.shape_cast %reduce_sum3A_46 : vector<8xf32> to vector<8x1xf32>
    %div3A_48 = arith.constant 1.280000e+02 : f32
    %div3A_49 = vector.broadcast %div3A_48 : f32 to vector<8x1xf32>
    %div3A_50 = arith.divf %broadcast_in_dim3A_47, %div3A_49 : vector<8x1xf32>
    %sub3A_51 = vector.broadcast %div3A_41 : vector<8x1xf32> to vector<8x128xf32>
    %sub3A_52 = arith.subf %dot_general3A_35, %sub3A_51 : vector<8x128xf32>
    %add3A_53 = arith.constant 9.99999974E-6 : f32
    %add3A_54 = vector.broadcast %add3A_53 : f32 to vector<8x1xf32>
    %add3A_55 = arith.addf %div3A_50, %add3A_54 : vector<8x1xf32>
    %sqrt3A_56 = math.sqrt %add3A_55 : vector<8x1xf32>
    %div3A_57 = vector.broadcast %sqrt3A_56 : vector<8x1xf32> to vector<8x128xf32>
    %div3A_58 = arith.divf %sub3A_52, %div3A_57 : vector<8x128xf32>
    %get3A_59 = arith.constant 0 : index
    %get3A_60 = arith.constant 0 : index
    %get3A_61 = vector.load %arg4[%get3A_59, %get3A_60] : memref<128x128xf32, #tpu.memory_space<vmem>>, vector<128x128xf32>
    %dot_general3A_62 = arith.constant dense<0.000000e+00> : vector<8x128xf32>
    %dot_general3A_63 = tpu.matmul %dot_general3A_9, %get3A_61, %dot_general3A_62 {dimension_numbers = #tpu.dot_dimension_numbers<[1], [0], [0], [1], [0, 0, 1, 1], [], []>, precision = #tpu.contract_precision<fp32>, transpose_lhs_hint = false} : vector<8x128xf32>, vector<128x128xf32>, vector<8x128xf32> -> vector<8x128xf32>
    %get3A_64 = arith.constant 0 : index
    %get3A_65 = arith.constant 0 : index
    %get3A_66 = vector.load %arg5[%get3A_64, %get3A_65] : memref<128x128xf32, #tpu.memory_space<vmem>>, vector<128x128xf32>
    %dot_general3A_67 = arith.constant dense<0.000000e+00> : vector<8x128xf32>
    %dot_general3A_68 = tpu.matmul %get3A_4, %get3A_66, %dot_general3A_67 {dimension_numbers = #tpu.dot_dimension_numbers<[1], [0], [0], [1], [0, 0, 1, 1], [], []>, precision = #tpu.contract_precision<fp32>, transpose_lhs_hint = false} : vector<8x128xf32>, vector<128x128xf32>, vector<8x128xf32> -> vector<8x128xf32>
    %reduce_sum3A_69 = arith.constant dense<0.000000e+00> : vector<8xf32>
    %reduce_sum3A_70 = vector.multi_reduction <add>, %dot_general3A_68, %reduce_sum3A_69 [1] : vector<8x128xf32> to vector<8xf32>
    %broadcast_in_dim3A_71 = vector.shape_cast %reduce_sum3A_70 : vector<8xf32> to vector<8x1xf32>
    %div3A_72 = arith.constant 1.280000e+02 : f32
    %div3A_73 = vector.broadcast %div3A_72 : f32 to vector<8x1xf32>
    %div3A_74 = arith.divf %broadcast_in_dim3A_71, %div3A_73 : vector<8x1xf32>
    %sub3A_75 = vector.broadcast %div3A_74 : vector<8x1xf32> to vector<8x128xf32>
    %sub3A_76 = arith.subf %dot_general3A_68, %sub3A_75 : vector<8x128xf32>
    %integer_pow3A_77 = arith.mulf %sub3A_76, %sub3A_76 : vector<8x128xf32>
    %reduce_sum3A_78 = arith.constant dense<0.000000e+00> : vector<8xf32>
    %reduce_sum3A_79 = vector.multi_reduction <add>, %integer_pow3A_77, %reduce_sum3A_78 [1] : vector<8x128xf32> to vector<8xf32>
    %broadcast_in_dim3A_80 = vector.shape_cast %reduce_sum3A_79 : vector<8xf32> to vector<8x1xf32>
    %div3A_81 = arith.constant 1.280000e+02 : f32
    %div3A_82 = vector.broadcast %div3A_81 : f32 to vector<8x1xf32>
    %div3A_83 = arith.divf %broadcast_in_dim3A_80, %div3A_82 : vector<8x1xf32>
    %sub3A_84 = vector.broadcast %div3A_74 : vector<8x1xf32> to vector<8x128xf32>
    %sub3A_85 = arith.subf %dot_general3A_68, %sub3A_84 : vector<8x128xf32>
    %add3A_86 = arith.constant 9.99999974E-6 : f32
    %add3A_87 = vector.broadcast %add3A_86 : f32 to vector<8x1xf32>
    %add3A_88 = arith.addf %div3A_83, %add3A_87 : vector<8x1xf32>
    %sqrt3A_89 = math.sqrt %add3A_88 : vector<8x1xf32>
    %div3A_90 = vector.broadcast %sqrt3A_89 : vector<8x1xf32> to vector<8x128xf32>
    %div3A_91 = arith.divf %sub3A_85, %div3A_90 : vector<8x128xf32>
    %get3A_92 = arith.constant 0 : index
    %get3A_93 = arith.constant 0 : index
    %get3A_94 = vector.load %arg6[%get3A_92, %get3A_93] : memref<128x128xf32, #tpu.memory_space<vmem>>, vector<128x128xf32>
    %dot_general3A_95 = arith.constant dense<0.000000e+00> : vector<8x128xf32>
    %dot_general3A_96 = tpu.matmul %get3A_4, %get3A_94, %dot_general3A_95 {dimension_numbers = #tpu.dot_dimension_numbers<[1], [0], [0], [1], [0, 0, 1, 1], [], []>, precision = #tpu.contract_precision<fp32>, transpose_lhs_hint = false} : vector<8x128xf32>, vector<128x128xf32>, vector<8x128xf32> -> vector<8x128xf32>
    %get3A_97 = arith.constant 0 : index
    %get3A_98 = arith.constant 0 : index
    %get3A_99 = vector.load %arg7[%get3A_97, %get3A_98] : memref<128x128xf32, #tpu.memory_space<vmem>>, vector<128x128xf32>
    %dot_general3A_100 = arith.constant dense<0.000000e+00> : vector<8x128xf32>
    %dot_general3A_101 = tpu.matmul %dot_general3A_9, %get3A_99, %dot_general3A_100 {dimension_numbers = #tpu.dot_dimension_numbers<[1], [0], [0], [1], [0, 0, 1, 1], [], []>, precision = #tpu.contract_precision<fp32>, transpose_lhs_hint = false} : vector<8x128xf32>, vector<128x128xf32>, vector<8x128xf32> -> vector<8x128xf32>
    %get3A_102 = arith.constant 0 : index
    %get3A_103 = arith.constant 0 : index
    %get3A_104 = vector.load %arg8[%get3A_102, %get3A_103] : memref<1x128xf32, #tpu.memory_space<vmem>>, vector<1x128xf32>
    %add3A_105 = vector.broadcast %get3A_104 : vector<1x128xf32> to vector<8x128xf32>
    %add3A_106 = arith.addf %dot_general3A_101, %add3A_105 : vector<8x128xf32>
    %max3A = arith.constant 0.000000e+00 : f32
    %max3A_107 = vector.broadcast %max3A : f32 to vector<8x128xf32>
    %max3A_108 = arith.maximumf %add3A_106, %max3A_107 : vector<8x128xf32>
    %get3A_109 = arith.constant 0 : index
    %get3A_110 = arith.constant 0 : index
    %get3A_111 = vector.load %arg9[%get3A_109, %get3A_110] : memref<1x128xf32, #tpu.memory_space<vmem>>, vector<1x128xf32>
    %mul3A_112 = vector.broadcast %get3A_111 : vector<1x128xf32> to vector<8x128xf32>
    %mul3A_113 = arith.mulf %max3A_108, %mul3A_112 : vector<8x128xf32>
    %reduce_sum3A_114 = arith.constant dense<0.000000e+00> : vector<8xf32>
    %reduce_sum3A_115 = vector.multi_reduction <add>, %mul3A_113, %reduce_sum3A_114 [1] : vector<8x128xf32> to vector<8xf32>
    %broadcast_in_dim3A_116 = vector.shape_cast %reduce_sum3A_115 : vector<8xf32> to vector<8x1xf32>
    %get3A_117 = arith.constant 0 : index
    %get3A_118 = arith.constant 0 : index
    %get3A_119 = vector.load %arg10[%get3A_117, %get3A_118] : memref<1x128xf32, #tpu.memory_space<vmem>>, vector<1x128xf32>
    %slice3A = vector.extract_strided_slice %get3A_119 {offsets = [0, 0], sizes = [1, 1], strides = [1, 1]} : vector<1x128xf32> to vector<1x1xf32>
    %add3A_120 = vector.broadcast %slice3A : vector<1x1xf32> to vector<8x1xf32>
    %add3A_121 = arith.addf %broadcast_in_dim3A_116, %add3A_120 : vector<8x1xf32>
    %logistic3A = arith.negf %add3A_121 : vector<8x1xf32>
    %logistic3A_122 = math.exp %logistic3A : vector<8x1xf32>
    %logistic3A_123 = arith.constant 1.000000e+00 : f32
    %logistic3A_124 = vector.broadcast %logistic3A_123 : f32 to vector<8x1xf32>
    %logistic3A_125 = arith.addf %logistic3A_124, %logistic3A_122 : vector<8x1xf32>
    %logistic3A_126 = arith.divf %logistic3A_124, %logistic3A_125 : vector<8x1xf32>
    %transpose3A = tpu.transpose %div3A_58, [1, 0] : vector<8x128xf32> -> vector<128x8xf32>
    %dot_general3A_127 = arith.constant dense<0.000000e+00> : vector<8x8xf32>
    %dot_general3A_128 = tpu.matmul %div3A_30, %transpose3A, %dot_general3A_127 {dimension_numbers = #tpu.dot_dimension_numbers<[1], [0], [0], [1], [0, 0, 1, 1], [], []>, precision = #tpu.contract_precision<fp32>, transpose_lhs_hint = false} : vector<8x128xf32>, vector<128x8xf32>, vector<8x8xf32> -> vector<8x8xf32>
    %mul3A_129 = arith.constant 0.0883883461 : f32
    %mul3A_130 = vector.broadcast %mul3A_129 : f32 to vector<8x8xf32>
    %mul3A_131 = arith.mulf %dot_general3A_128, %mul3A_130 : vector<8x8xf32>
    %transpose3A_132 = tpu.transpose %div3A_91, [1, 0] : vector<8x128xf32> -> vector<128x8xf32>
    %dot_general3A_133 = arith.constant dense<0.000000e+00> : vector<8x8xf32>
    %dot_general3A_134 = tpu.matmul %div3A_30, %transpose3A_132, %dot_general3A_133 {dimension_numbers = #tpu.dot_dimension_numbers<[1], [0], [0], [1], [0, 0, 1, 1], [], []>, precision = #tpu.contract_precision<fp32>, transpose_lhs_hint = false} : vector<8x128xf32>, vector<128x8xf32>, vector<8x8xf32> -> vector<8x8xf32>
    %mul3A_135 = arith.constant 0.0883883461 : f32
    %mul3A_136 = vector.broadcast %mul3A_135 : f32 to vector<8x8xf32>
    %mul3A_137 = arith.mulf %dot_general3A_134, %mul3A_136 : vector<8x8xf32>
    %iota3A_138 = tpu.iota {dimensions = array<i32: 0>} : vector<8x64xi32>
    %iota3A_139 = tpu.iota {dimensions = array<i32: 1>} : vector<8x64xi32>
    %jit3A = arith.constant 8 : i32
    %div3A_140 = vector.broadcast %jit3A : i32 to vector<8x64xi32>
    %div3A_141 = arith.divsi %iota3A_139, %div3A_140 : vector<8x64xi32>
    %sign3A = arith.constant 0 : i32
    %sign3A_142 = vector.broadcast %sign3A : i32 to vector<8x64xi32>
    %sign3A_143 = arith.cmpi sgt, %iota3A_139, %sign3A_142 : vector<8x64xi32>
    %sign3A_144 = arith.extui %sign3A_143 : vector<8x64xi1> to vector<8x64xi32>
    %sign3A_145 = arith.constant 0 : i32
    %sign3A_146 = vector.broadcast %sign3A_145 : i32 to vector<8x64xi32>
    %sign3A_147 = arith.cmpi slt, %iota3A_139, %sign3A_146 : vector<8x64xi32>
    %sign3A_148 = arith.extui %sign3A_147 : vector<8x64xi1> to vector<8x64xi32>
    %sign3A_149 = arith.subi %sign3A_144, %sign3A_148 : vector<8x64xi32>
    %sign3A_150 = arith.constant 0 : i32
    %sign3A_151 = arith.cmpi sgt, %jit3A, %sign3A_150 : i32
    %sign3A_152 = arith.extui %sign3A_151 : i1 to i32
    %sign3A_153 = arith.constant 0 : i32
    %sign3A_154 = arith.cmpi slt, %jit3A, %sign3A_153 : i32
    %sign3A_155 = arith.extui %sign3A_154 : i1 to i32
    %sign3A_156 = arith.subi %sign3A_152, %sign3A_155 : i32
    %ne3A = vector.broadcast %sign3A_156 : i32 to vector<8x64xi32>
    %ne3A_157 = arith.cmpi ne, %sign3A_149, %ne3A : vector<8x64xi32>
    %rem3A = vector.broadcast %jit3A : i32 to vector<8x64xi32>
    %rem3A_158 = arith.remsi %iota3A_139, %rem3A : vector<8x64xi32>
    %ne3A_159 = arith.constant 0 : i32
    %ne3A_160 = vector.broadcast %ne3A_159 : i32 to vector<8x64xi32>
    %ne3A_161 = arith.cmpi ne, %rem3A_158, %ne3A_160 : vector<8x64xi32>
    %and3A = arith.andi %ne3A_157, %ne3A_161 : vector<8x64xi1>
    %sub3A_162 = arith.constant 1 : i32
    %sub3A_163 = vector.broadcast %sub3A_162 : i32 to vector<8x64xi32>
    %sub3A_164 = arith.subi %div3A_141, %sub3A_163 : vector<8x64xi32>
    %select_n3A = arith.select %and3A, %sub3A_164, %div3A_141 : vector<8x64xi1>, vector<8x64xi32>
    %eq3A_165 = arith.cmpi eq, %select_n3A, %iota3A_138 : vector<8x64xi32>
    %convert_element_type3A_166 = arith.extui %eq3A_165 : vector<8x64xi1> to vector<8x64xi32>
    %convert_element_type3A_167 = arith.sitofp %convert_element_type3A_166 : vector<8x64xi32> to vector<8x64xf32>
    %jit3A_168 = arith.constant 8 : i32
    %eq3A_169 = arith.constant 0 : i32
    %eq3A_170 = arith.cmpi eq, %jit3A_168, %eq3A_169 : i32
    %jit3A_171 = arith.constant 1 : i32
    %select_n3A_172 = arith.select %eq3A_170, %jit3A_171, %jit3A_168 : i32
    %rem3A_173 = vector.broadcast %select_n3A_172 : i32 to vector<8x64xi32>
    %rem3A_174 = arith.remsi %iota3A_139, %rem3A_173 : vector<8x64xi32>
    %ne3A_175 = arith.constant 0 : i32
    %ne3A_176 = vector.broadcast %ne3A_175 : i32 to vector<8x64xi32>
    %ne3A_177 = arith.cmpi ne, %rem3A_174, %ne3A_176 : vector<8x64xi32>
    %lt3A = arith.constant 0 : i32
    %lt3A_178 = vector.broadcast %lt3A : i32 to vector<8x64xi32>
    %lt3A_179 = arith.cmpi slt, %rem3A_174, %lt3A_178 : vector<8x64xi32>
    %lt3A_180 = arith.constant 0 : i32
    %lt3A_181 = arith.cmpi slt, %select_n3A_172, %lt3A_180 : i32
    %ne3A_182 = vector.broadcast %lt3A_181 : i1 to vector<8x64xi1>
    %ne3A_183 = vector.broadcast %ne3A_182 : vector<8x64xi1> to vector<8x64xi1>
    %ne3A_184 = arith.xori %lt3A_179, %ne3A_183 : vector<8x64xi1>
    %and3A_185 = arith.andi %ne3A_184, %ne3A_177 : vector<8x64xi1>
    %add3A_186 = vector.broadcast %select_n3A_172 : i32 to vector<8x64xi32>
    %add3A_187 = arith.addi %rem3A_174, %add3A_186 : vector<8x64xi32>
    %select_n3A_188 = arith.select %and3A_185, %add3A_187, %rem3A_174 : vector<8x64xi1>, vector<8x64xi32>
    %eq3A_189 = arith.cmpi eq, %select_n3A_188, %iota3A_138 : vector<8x64xi32>
    %convert_element_type3A_190 = arith.extui %eq3A_189 : vector<8x64xi1> to vector<8x64xi32>
    %convert_element_type3A_191 = arith.sitofp %convert_element_type3A_190 : vector<8x64xi32> to vector<8x64xf32>
    %dot_general3A_192 = arith.constant dense<0.000000e+00> : vector<8x64xf32>
    %dot_general3A_193 = tpu.matmul %mul3A_131, %convert_element_type3A_167, %dot_general3A_192 {dimension_numbers = #tpu.dot_dimension_numbers<[1], [0], [0], [1], [0, 0, 1, 1], [], []>, precision = #tpu.contract_precision<fp32>, transpose_lhs_hint = false} : vector<8x8xf32>, vector<8x64xf32>, vector<8x64xf32> -> vector<8x64xf32>
    %dot_general3A_194 = arith.constant dense<0.000000e+00> : vector<8x64xf32>
    %dot_general3A_195 = tpu.matmul %mul3A_137, %convert_element_type3A_191, %dot_general3A_194 {dimension_numbers = #tpu.dot_dimension_numbers<[1], [0], [0], [1], [0, 0, 1, 1], [], []>, precision = #tpu.contract_precision<fp32>, transpose_lhs_hint = false} : vector<8x8xf32>, vector<8x64xf32>, vector<8x64xf32> -> vector<8x64xf32>
    %add3A_196 = arith.addf %dot_general3A_193, %dot_general3A_195 : vector<8x64xf32>
    %iota3A_197 = tpu.iota {dimensions = array<i32: 0>} : vector<8x8xi32>
    %iota3A_198 = tpu.iota {dimensions = array<i32: 1>} : vector<8x8xi32>
    %eq3A_199 = arith.cmpi eq, %iota3A_197, %iota3A_198 : vector<8x8xi32>
    %convert_element_type3A_200 = arith.extui %eq3A_199 : vector<8x8xi1> to vector<8x8xi32>
    %convert_element_type3A_201 = arith.sitofp %convert_element_type3A_200 : vector<8x8xi32> to vector<8x8xf32>
    %mul3A_202 = arith.mulf %mul3A_131, %convert_element_type3A_201 : vector<8x8xf32>
    %reduce_sum3A_203 = arith.constant dense<0.000000e+00> : vector<8xf32>
    %reduce_sum3A_204 = vector.multi_reduction <add>, %mul3A_202, %reduce_sum3A_203 [1] : vector<8x8xf32> to vector<8xf32>
    %broadcast_in_dim3A_205 = vector.shape_cast %reduce_sum3A_204 : vector<8xf32> to vector<8x1xf32>
    %broadcast_in_dim3A_206 = arith.constant -1.000000e+04 : f32
    %broadcast_in_dim3A_207 = vector.broadcast %broadcast_in_dim3A_206 : f32 to vector<8x63xf32>
    %concatenate3A = tpu.concatenate %add3A_196, %broadcast_in_dim3A_205, %broadcast_in_dim3A_207 in 1 : vector<8x64xf32>, vector<8x1xf32>, vector<8x63xf32> -> vector<8x128xf32>
    %iota3A_208 = tpu.iota {dimensions = array<i32: 1>} : vector<8x128xi32>
    %slice3A_209 = vector.extract_strided_slice %concatenate3A {offsets = [0, 0], sizes = [8, 1], strides = [1, 1]} : vector<8x128xf32> to vector<8x1xf32>
    %gt3A = vector.broadcast %slice3A_209 : vector<8x1xf32> to vector<8x128xf32>
    %gt3A_210 = arith.cmpf ogt, %concatenate3A, %gt3A : vector<8x128xf32>
    %eq3A_211 = vector.broadcast %slice3A_209 : vector<8x1xf32> to vector<8x128xf32>
    %eq3A_212 = arith.cmpf oeq, %concatenate3A, %eq3A_211 : vector<8x128xf32>
    %lt3A_213 = arith.constant 0 : i32
    %lt3A_214 = vector.broadcast %lt3A_213 : i32 to vector<8x128xi32>
    %lt3A_215 = arith.cmpi slt, %iota3A_208, %lt3A_214 : vector<8x128xi32>
    %and3A_216 = arith.andi %eq3A_212, %lt3A_215 : vector<8x128xi1>
    %or3A = arith.ori %gt3A_210, %and3A_216 : vector<8x128xi1>
    %convert_element_type3A_217 = arith.extui %or3A : vector<8x128xi1> to vector<8x128xi32>
    %convert_element_type3A_218 = arith.sitofp %convert_element_type3A_217 : vector<8x128xi32> to vector<8x128xf32>
    %reduce_sum3A_219 = arith.constant dense<0.000000e+00> : vector<8xf32>
    %reduce_sum3A_220 = vector.multi_reduction <add>, %convert_element_type3A_218, %reduce_sum3A_219 [1] : vector<8x128xf32> to vector<8xf32>
    %broadcast_in_dim3A_221 = vector.shape_cast %reduce_sum3A_220 : vector<8xf32> to vector<8x1xf32>
    %slice3A_222 = vector.extract_strided_slice %concatenate3A {offsets = [0, 1], sizes = [8, 1], strides = [1, 1]} : vector<8x128xf32> to vector<8x1xf32>
    %gt3A_223 = vector.broadcast %slice3A_222 : vector<8x1xf32> to vector<8x128xf32>
    %gt3A_224 = arith.cmpf ogt, %concatenate3A, %gt3A_223 : vector<8x128xf32>
    %eq3A_225 = vector.broadcast %slice3A_222 : vector<8x1xf32> to vector<8x128xf32>
    %eq3A_226 = arith.cmpf oeq, %concatenate3A, %eq3A_225 : vector<8x128xf32>
    %lt3A_227 = arith.constant 1 : i32
    %lt3A_228 = vector.broadcast %lt3A_227 : i32 to vector<8x128xi32>
    %lt3A_229 = arith.cmpi slt, %iota3A_208, %lt3A_228 : vector<8x128xi32>
    %and3A_230 = arith.andi %eq3A_226, %lt3A_229 : vector<8x128xi1>
    %or3A_231 = arith.ori %gt3A_224, %and3A_230 : vector<8x128xi1>
    %convert_element_type3A_232 = arith.extui %or3A_231 : vector<8x128xi1> to vector<8x128xi32>
    %convert_element_type3A_233 = arith.sitofp %convert_element_type3A_232 : vector<8x128xi32> to vector<8x128xf32>
    %reduce_sum3A_234 = arith.constant dense<0.000000e+00> : vector<8xf32>
    %reduce_sum3A_235 = vector.multi_reduction <add>, %convert_element_type3A_233, %reduce_sum3A_234 [1] : vector<8x128xf32> to vector<8xf32>
    %broadcast_in_dim3A_236 = vector.shape_cast %reduce_sum3A_235 : vector<8xf32> to vector<8x1xf32>
    %slice3A_237 = vector.extract_strided_slice %concatenate3A {offsets = [0, 2], sizes = [8, 1], strides = [1, 1]} : vector<8x128xf32> to vector<8x1xf32>
    %gt3A_238 = vector.broadcast %slice3A_237 : vector<8x1xf32> to vector<8x128xf32>
    %gt3A_239 = arith.cmpf ogt, %concatenate3A, %gt3A_238 : vector<8x128xf32>
    %eq3A_240 = vector.broadcast %slice3A_237 : vector<8x1xf32> to vector<8x128xf32>
    %eq3A_241 = arith.cmpf oeq, %concatenate3A, %eq3A_240 : vector<8x128xf32>
    %lt3A_242 = arith.constant 2 : i32
    %lt3A_243 = vector.broadcast %lt3A_242 : i32 to vector<8x128xi32>
    %lt3A_244 = arith.cmpi slt, %iota3A_208, %lt3A_243 : vector<8x128xi32>
    %and3A_245 = arith.andi %eq3A_241, %lt3A_244 : vector<8x128xi1>
    %or3A_246 = arith.ori %gt3A_239, %and3A_245 : vector<8x128xi1>
    %convert_element_type3A_247 = arith.extui %or3A_246 : vector<8x128xi1> to vector<8x128xi32>
    %convert_element_type3A_248 = arith.sitofp %convert_element_type3A_247 : vector<8x128xi32> to vector<8x128xf32>
    %reduce_sum3A_249 = arith.constant dense<0.000000e+00> : vector<8xf32>
    %reduce_sum3A_250 = vector.multi_reduction <add>, %convert_element_type3A_248, %reduce_sum3A_249 [1] : vector<8x128xf32> to vector<8xf32>
    %broadcast_in_dim3A_251 = vector.shape_cast %reduce_sum3A_250 : vector<8xf32> to vector<8x1xf32>
    %slice3A_252 = vector.extract_strided_slice %concatenate3A {offsets = [0, 3], sizes = [8, 1], strides = [1, 1]} : vector<8x128xf32> to vector<8x1xf32>
    %gt3A_253 = vector.broadcast %slice3A_252 : vector<8x1xf32> to vector<8x128xf32>
    %gt3A_254 = arith.cmpf ogt, %concatenate3A, %gt3A_253 : vector<8x128xf32>
    %eq3A_255 = vector.broadcast %slice3A_252 : vector<8x1xf32> to vector<8x128xf32>
    %eq3A_256 = arith.cmpf oeq, %concatenate3A, %eq3A_255 : vector<8x128xf32>
    %lt3A_257 = arith.constant 3 : i32
    %lt3A_258 = vector.broadcast %lt3A_257 : i32 to vector<8x128xi32>
    %lt3A_259 = arith.cmpi slt, %iota3A_208, %lt3A_258 : vector<8x128xi32>
    %and3A_260 = arith.andi %eq3A_256, %lt3A_259 : vector<8x128xi1>
    %or3A_261 = arith.ori %gt3A_254, %and3A_260 : vector<8x128xi1>
    %convert_element_type3A_262 = arith.extui %or3A_261 : vector<8x128xi1> to vector<8x128xi32>
    %convert_element_type3A_263 = arith.sitofp %convert_element_type3A_262 : vector<8x128xi32> to vector<8x128xf32>
    %reduce_sum3A_264 = arith.constant dense<0.000000e+00> : vector<8xf32>
    %reduce_sum3A_265 = vector.multi_reduction <add>, %convert_element_type3A_263, %reduce_sum3A_264 [1] : vector<8x128xf32> to vector<8xf32>
    %broadcast_in_dim3A_266 = vector.shape_cast %reduce_sum3A_265 : vector<8xf32> to vector<8x1xf32>
    %slice3A_267 = vector.extract_strided_slice %concatenate3A {offsets = [0, 4], sizes = [8, 1], strides = [1, 1]} : vector<8x128xf32> to vector<8x1xf32>
    %gt3A_268 = vector.broadcast %slice3A_267 : vector<8x1xf32> to vector<8x128xf32>
    %gt3A_269 = arith.cmpf ogt, %concatenate3A, %gt3A_268 : vector<8x128xf32>
    %eq3A_270 = vector.broadcast %slice3A_267 : vector<8x1xf32> to vector<8x128xf32>
    %eq3A_271 = arith.cmpf oeq, %concatenate3A, %eq3A_270 : vector<8x128xf32>
    %lt3A_272 = arith.constant 4 : i32
    %lt3A_273 = vector.broadcast %lt3A_272 : i32 to vector<8x128xi32>
    %lt3A_274 = arith.cmpi slt, %iota3A_208, %lt3A_273 : vector<8x128xi32>
    %and3A_275 = arith.andi %eq3A_271, %lt3A_274 : vector<8x128xi1>
    %or3A_276 = arith.ori %gt3A_269, %and3A_275 : vector<8x128xi1>
    %convert_element_type3A_277 = arith.extui %or3A_276 : vector<8x128xi1> to vector<8x128xi32>
    %convert_element_type3A_278 = arith.sitofp %convert_element_type3A_277 : vector<8x128xi32> to vector<8x128xf32>
    %reduce_sum3A_279 = arith.constant dense<0.000000e+00> : vector<8xf32>
    %reduce_sum3A_280 = vector.multi_reduction <add>, %convert_element_type3A_278, %reduce_sum3A_279 [1] : vector<8x128xf32> to vector<8xf32>
    %broadcast_in_dim3A_281 = vector.shape_cast %reduce_sum3A_280 : vector<8xf32> to vector<8x1xf32>
    %slice3A_282 = vector.extract_strided_slice %concatenate3A {offsets = [0, 5], sizes = [8, 1], strides = [1, 1]} : vector<8x128xf32> to vector<8x1xf32>
    %gt3A_283 = vector.broadcast %slice3A_282 : vector<8x1xf32> to vector<8x128xf32>
    %gt3A_284 = arith.cmpf ogt, %concatenate3A, %gt3A_283 : vector<8x128xf32>
    %eq3A_285 = vector.broadcast %slice3A_282 : vector<8x1xf32> to vector<8x128xf32>
    %eq3A_286 = arith.cmpf oeq, %concatenate3A, %eq3A_285 : vector<8x128xf32>
    %lt3A_287 = arith.constant 5 : i32
    %lt3A_288 = vector.broadcast %lt3A_287 : i32 to vector<8x128xi32>
    %lt3A_289 = arith.cmpi slt, %iota3A_208, %lt3A_288 : vector<8x128xi32>
    %and3A_290 = arith.andi %eq3A_286, %lt3A_289 : vector<8x128xi1>
    %or3A_291 = arith.ori %gt3A_284, %and3A_290 : vector<8x128xi1>
    %convert_element_type3A_292 = arith.extui %or3A_291 : vector<8x128xi1> to vector<8x128xi32>
    %convert_element_type3A_293 = arith.sitofp %convert_element_type3A_292 : vector<8x128xi32> to vector<8x128xf32>
    %reduce_sum3A_294 = arith.constant dense<0.000000e+00> : vector<8xf32>
    %reduce_sum3A_295 = vector.multi_reduction <add>, %convert_element_type3A_293, %reduce_sum3A_294 [1] : vector<8x128xf32> to vector<8xf32>
    %broadcast_in_dim3A_296 = vector.shape_cast %reduce_sum3A_295 : vector<8xf32> to vector<8x1xf32>
    %slice3A_297 = vector.extract_strided_slice %concatenate3A {offsets = [0, 6], sizes = [8, 1], strides = [1, 1]} : vector<8x128xf32> to vector<8x1xf32>
    %gt3A_298 = vector.broadcast %slice3A_297 : vector<8x1xf32> to vector<8x128xf32>
    %gt3A_299 = arith.cmpf ogt, %concatenate3A, %gt3A_298 : vector<8x128xf32>
    %eq3A_300 = vector.broadcast %slice3A_297 : vector<8x1xf32> to vector<8x128xf32>
    %eq3A_301 = arith.cmpf oeq, %concatenate3A, %eq3A_300 : vector<8x128xf32>
    %lt3A_302 = arith.constant 6 : i32
    %lt3A_303 = vector.broadcast %lt3A_302 : i32 to vector<8x128xi32>
    %lt3A_304 = arith.cmpi slt, %iota3A_208, %lt3A_303 : vector<8x128xi32>
    %and3A_305 = arith.andi %eq3A_301, %lt3A_304 : vector<8x128xi1>
    %or3A_306 = arith.ori %gt3A_299, %and3A_305 : vector<8x128xi1>
    %convert_element_type3A_307 = arith.extui %or3A_306 : vector<8x128xi1> to vector<8x128xi32>
    %convert_element_type3A_308 = arith.sitofp %convert_element_type3A_307 : vector<8x128xi32> to vector<8x128xf32>
    %reduce_sum3A_309 = arith.constant dense<0.000000e+00> : vector<8xf32>
    %reduce_sum3A_310 = vector.multi_reduction <add>, %convert_element_type3A_308, %reduce_sum3A_309 [1] : vector<8x128xf32> to vector<8xf32>
    %broadcast_in_dim3A_311 = vector.shape_cast %reduce_sum3A_310 : vector<8xf32> to vector<8x1xf32>
    %slice3A_312 = vector.extract_strided_slice %concatenate3A {offsets = [0, 7], sizes = [8, 1], strides = [1, 1]} : vector<8x128xf32> to vector<8x1xf32>
    %gt3A_313 = vector.broadcast %slice3A_312 : vector<8x1xf32> to vector<8x128xf32>
    %gt3A_314 = arith.cmpf ogt, %concatenate3A, %gt3A_313 : vector<8x128xf32>
    %eq3A_315 = vector.broadcast %slice3A_312 : vector<8x1xf32> to vector<8x128xf32>
    %eq3A_316 = arith.cmpf oeq, %concatenate3A, %eq3A_315 : vector<8x128xf32>
    %lt3A_317 = arith.constant 7 : i32
    %lt3A_318 = vector.broadcast %lt3A_317 : i32 to vector<8x128xi32>
    %lt3A_319 = arith.cmpi slt, %iota3A_208, %lt3A_318 : vector<8x128xi32>
    %and3A_320 = arith.andi %eq3A_316, %lt3A_319 : vector<8x128xi1>
    %or3A_321 = arith.ori %gt3A_314, %and3A_320 : vector<8x128xi1>
    %convert_element_type3A_322 = arith.extui %or3A_321 : vector<8x128xi1> to vector<8x128xi32>
    %convert_element_type3A_323 = arith.sitofp %convert_element_type3A_322 : vector<8x128xi32> to vector<8x128xf32>
    %reduce_sum3A_324 = arith.constant dense<0.000000e+00> : vector<8xf32>
    %reduce_sum3A_325 = vector.multi_reduction <add>, %convert_element_type3A_323, %reduce_sum3A_324 [1] : vector<8x128xf32> to vector<8xf32>
    %broadcast_in_dim3A_326 = vector.shape_cast %reduce_sum3A_325 : vector<8xf32> to vector<8x1xf32>
    %slice3A_327 = vector.extract_strided_slice %concatenate3A {offsets = [0, 8], sizes = [8, 1], strides = [1, 1]} : vector<8x128xf32> to vector<8x1xf32>
    %gt3A_328 = vector.broadcast %slice3A_327 : vector<8x1xf32> to vector<8x128xf32>
    %gt3A_329 = arith.cmpf ogt, %concatenate3A, %gt3A_328 : vector<8x128xf32>
    %eq3A_330 = vector.broadcast %slice3A_327 : vector<8x1xf32> to vector<8x128xf32>
    %eq3A_331 = arith.cmpf oeq, %concatenate3A, %eq3A_330 : vector<8x128xf32>
    %lt3A_332 = arith.constant 8 : i32
    %lt3A_333 = vector.broadcast %lt3A_332 : i32 to vector<8x128xi32>
    %lt3A_334 = arith.cmpi slt, %iota3A_208, %lt3A_333 : vector<8x128xi32>
    %and3A_335 = arith.andi %eq3A_331, %lt3A_334 : vector<8x128xi1>
    %or3A_336 = arith.ori %gt3A_329, %and3A_335 : vector<8x128xi1>
    %convert_element_type3A_337 = arith.extui %or3A_336 : vector<8x128xi1> to vector<8x128xi32>
    %convert_element_type3A_338 = arith.sitofp %convert_element_type3A_337 : vector<8x128xi32> to vector<8x128xf32>
    %reduce_sum3A_339 = arith.constant dense<0.000000e+00> : vector<8xf32>
    %reduce_sum3A_340 = vector.multi_reduction <add>, %convert_element_type3A_338, %reduce_sum3A_339 [1] : vector<8x128xf32> to vector<8xf32>
    %broadcast_in_dim3A_341 = vector.shape_cast %reduce_sum3A_340 : vector<8xf32> to vector<8x1xf32>
    %slice3A_342 = vector.extract_strided_slice %concatenate3A {offsets = [0, 9], sizes = [8, 1], strides = [1, 1]} : vector<8x128xf32> to vector<8x1xf32>
    %gt3A_343 = vector.broadcast %slice3A_342 : vector<8x1xf32> to vector<8x128xf32>
    %gt3A_344 = arith.cmpf ogt, %concatenate3A, %gt3A_343 : vector<8x128xf32>
    %eq3A_345 = vector.broadcast %slice3A_342 : vector<8x1xf32> to vector<8x128xf32>
    %eq3A_346 = arith.cmpf oeq, %concatenate3A, %eq3A_345 : vector<8x128xf32>
    %lt3A_347 = arith.constant 9 : i32
    %lt3A_348 = vector.broadcast %lt3A_347 : i32 to vector<8x128xi32>
    %lt3A_349 = arith.cmpi slt, %iota3A_208, %lt3A_348 : vector<8x128xi32>
    %and3A_350 = arith.andi %eq3A_346, %lt3A_349 : vector<8x128xi1>
    %or3A_351 = arith.ori %gt3A_344, %and3A_350 : vector<8x128xi1>
    %convert_element_type3A_352 = arith.extui %or3A_351 : vector<8x128xi1> to vector<8x128xi32>
    %convert_element_type3A_353 = arith.sitofp %convert_element_type3A_352 : vector<8x128xi32> to vector<8x128xf32>
    %reduce_sum3A_354 = arith.constant dense<0.000000e+00> : vector<8xf32>
    %reduce_sum3A_355 = vector.multi_reduction <add>, %convert_element_type3A_353, %reduce_sum3A_354 [1] : vector<8x128xf32> to vector<8xf32>
    %broadcast_in_dim3A_356 = vector.shape_cast %reduce_sum3A_355 : vector<8xf32> to vector<8x1xf32>
    %slice3A_357 = vector.extract_strided_slice %concatenate3A {offsets = [0, 10], sizes = [8, 1], strides = [1, 1]} : vector<8x128xf32> to vector<8x1xf32>
    %gt3A_358 = vector.broadcast %slice3A_357 : vector<8x1xf32> to vector<8x128xf32>
    %gt3A_359 = arith.cmpf ogt, %concatenate3A, %gt3A_358 : vector<8x128xf32>
    %eq3A_360 = vector.broadcast %slice3A_357 : vector<8x1xf32> to vector<8x128xf32>
    %eq3A_361 = arith.cmpf oeq, %concatenate3A, %eq3A_360 : vector<8x128xf32>
    %lt3A_362 = arith.constant 10 : i32
    %lt3A_363 = vector.broadcast %lt3A_362 : i32 to vector<8x128xi32>
    %lt3A_364 = arith.cmpi slt, %iota3A_208, %lt3A_363 : vector<8x128xi32>
    %and3A_365 = arith.andi %eq3A_361, %lt3A_364 : vector<8x128xi1>
    %or3A_366 = arith.ori %gt3A_359, %and3A_365 : vector<8x128xi1>
    %convert_element_type3A_367 = arith.extui %or3A_366 : vector<8x128xi1> to vector<8x128xi32>
    %convert_element_type3A_368 = arith.sitofp %convert_element_type3A_367 : vector<8x128xi32> to vector<8x128xf32>
    %reduce_sum3A_369 = arith.constant dense<0.000000e+00> : vector<8xf32>
    %reduce_sum3A_370 = vector.multi_reduction <add>, %convert_element_type3A_368, %reduce_sum3A_369 [1] : vector<8x128xf32> to vector<8xf32>
    %broadcast_in_dim3A_371 = vector.shape_cast %reduce_sum3A_370 : vector<8xf32> to vector<8x1xf32>
    %slice3A_372 = vector.extract_strided_slice %concatenate3A {offsets = [0, 11], sizes = [8, 1], strides = [1, 1]} : vector<8x128xf32> to vector<8x1xf32>
    %gt3A_373 = vector.broadcast %slice3A_372 : vector<8x1xf32> to vector<8x128xf32>
    %gt3A_374 = arith.cmpf ogt, %concatenate3A, %gt3A_373 : vector<8x128xf32>
    %eq3A_375 = vector.broadcast %slice3A_372 : vector<8x1xf32> to vector<8x128xf32>
    %eq3A_376 = arith.cmpf oeq, %concatenate3A, %eq3A_375 : vector<8x128xf32>
    %lt3A_377 = arith.constant 11 : i32
    %lt3A_378 = vector.broadcast %lt3A_377 : i32 to vector<8x128xi32>
    %lt3A_379 = arith.cmpi slt, %iota3A_208, %lt3A_378 : vector<8x128xi32>
    %and3A_380 = arith.andi %eq3A_376, %lt3A_379 : vector<8x128xi1>
    %or3A_381 = arith.ori %gt3A_374, %and3A_380 : vector<8x128xi1>
    %convert_element_type3A_382 = arith.extui %or3A_381 : vector<8x128xi1> to vector<8x128xi32>
    %convert_element_type3A_383 = arith.sitofp %convert_element_type3A_382 : vector<8x128xi32> to vector<8x128xf32>
    %reduce_sum3A_384 = arith.constant dense<0.000000e+00> : vector<8xf32>
    %reduce_sum3A_385 = vector.multi_reduction <add>, %convert_element_type3A_383, %reduce_sum3A_384 [1] : vector<8x128xf32> to vector<8xf32>
    %broadcast_in_dim3A_386 = vector.shape_cast %reduce_sum3A_385 : vector<8xf32> to vector<8x1xf32>
    %slice3A_387 = vector.extract_strided_slice %concatenate3A {offsets = [0, 12], sizes = [8, 1], strides = [1, 1]} : vector<8x128xf32> to vector<8x1xf32>
    %gt3A_388 = vector.broadcast %slice3A_387 : vector<8x1xf32> to vector<8x128xf32>
    %gt3A_389 = arith.cmpf ogt, %concatenate3A, %gt3A_388 : vector<8x128xf32>
    %eq3A_390 = vector.broadcast %slice3A_387 : vector<8x1xf32> to vector<8x128xf32>
    %eq3A_391 = arith.cmpf oeq, %concatenate3A, %eq3A_390 : vector<8x128xf32>
    %lt3A_392 = arith.constant 12 : i32
    %lt3A_393 = vector.broadcast %lt3A_392 : i32 to vector<8x128xi32>
    %lt3A_394 = arith.cmpi slt, %iota3A_208, %lt3A_393 : vector<8x128xi32>
    %and3A_395 = arith.andi %eq3A_391, %lt3A_394 : vector<8x128xi1>
    %or3A_396 = arith.ori %gt3A_389, %and3A_395 : vector<8x128xi1>
    %convert_element_type3A_397 = arith.extui %or3A_396 : vector<8x128xi1> to vector<8x128xi32>
    %convert_element_type3A_398 = arith.sitofp %convert_element_type3A_397 : vector<8x128xi32> to vector<8x128xf32>
    %reduce_sum3A_399 = arith.constant dense<0.000000e+00> : vector<8xf32>
    %reduce_sum3A_400 = vector.multi_reduction <add>, %convert_element_type3A_398, %reduce_sum3A_399 [1] : vector<8x128xf32> to vector<8xf32>
    %broadcast_in_dim3A_401 = vector.shape_cast %reduce_sum3A_400 : vector<8xf32> to vector<8x1xf32>
    %slice3A_402 = vector.extract_strided_slice %concatenate3A {offsets = [0, 13], sizes = [8, 1], strides = [1, 1]} : vector<8x128xf32> to vector<8x1xf32>
    %gt3A_403 = vector.broadcast %slice3A_402 : vector<8x1xf32> to vector<8x128xf32>
    %gt3A_404 = arith.cmpf ogt, %concatenate3A, %gt3A_403 : vector<8x128xf32>
    %eq3A_405 = vector.broadcast %slice3A_402 : vector<8x1xf32> to vector<8x128xf32>
    %eq3A_406 = arith.cmpf oeq, %concatenate3A, %eq3A_405 : vector<8x128xf32>
    %lt3A_407 = arith.constant 13 : i32
    %lt3A_408 = vector.broadcast %lt3A_407 : i32 to vector<8x128xi32>
    %lt3A_409 = arith.cmpi slt, %iota3A_208, %lt3A_408 : vector<8x128xi32>
    %and3A_410 = arith.andi %eq3A_406, %lt3A_409 : vector<8x128xi1>
    %or3A_411 = arith.ori %gt3A_404, %and3A_410 : vector<8x128xi1>
    %convert_element_type3A_412 = arith.extui %or3A_411 : vector<8x128xi1> to vector<8x128xi32>
    %convert_element_type3A_413 = arith.sitofp %convert_element_type3A_412 : vector<8x128xi32> to vector<8x128xf32>
    %reduce_sum3A_414 = arith.constant dense<0.000000e+00> : vector<8xf32>
    %reduce_sum3A_415 = vector.multi_reduction <add>, %convert_element_type3A_413, %reduce_sum3A_414 [1] : vector<8x128xf32> to vector<8xf32>
    %broadcast_in_dim3A_416 = vector.shape_cast %reduce_sum3A_415 : vector<8xf32> to vector<8x1xf32>
    %slice3A_417 = vector.extract_strided_slice %concatenate3A {offsets = [0, 14], sizes = [8, 1], strides = [1, 1]} : vector<8x128xf32> to vector<8x1xf32>
    %gt3A_418 = vector.broadcast %slice3A_417 : vector<8x1xf32> to vector<8x128xf32>
    %gt3A_419 = arith.cmpf ogt, %concatenate3A, %gt3A_418 : vector<8x128xf32>
    %eq3A_420 = vector.broadcast %slice3A_417 : vector<8x1xf32> to vector<8x128xf32>
    %eq3A_421 = arith.cmpf oeq, %concatenate3A, %eq3A_420 : vector<8x128xf32>
    %lt3A_422 = arith.constant 14 : i32
    %lt3A_423 = vector.broadcast %lt3A_422 : i32 to vector<8x128xi32>
    %lt3A_424 = arith.cmpi slt, %iota3A_208, %lt3A_423 : vector<8x128xi32>
    %and3A_425 = arith.andi %eq3A_421, %lt3A_424 : vector<8x128xi1>
    %or3A_426 = arith.ori %gt3A_419, %and3A_425 : vector<8x128xi1>
    %convert_element_type3A_427 = arith.extui %or3A_426 : vector<8x128xi1> to vector<8x128xi32>
    %convert_element_type3A_428 = arith.sitofp %convert_element_type3A_427 : vector<8x128xi32> to vector<8x128xf32>
    %reduce_sum3A_429 = arith.constant dense<0.000000e+00> : vector<8xf32>
    %reduce_sum3A_430 = vector.multi_reduction <add>, %convert_element_type3A_428, %reduce_sum3A_429 [1] : vector<8x128xf32> to vector<8xf32>
    %broadcast_in_dim3A_431 = vector.shape_cast %reduce_sum3A_430 : vector<8xf32> to vector<8x1xf32>
    %slice3A_432 = vector.extract_strided_slice %concatenate3A {offsets = [0, 15], sizes = [8, 1], strides = [1, 1]} : vector<8x128xf32> to vector<8x1xf32>
    %gt3A_433 = vector.broadcast %slice3A_432 : vector<8x1xf32> to vector<8x128xf32>
    %gt3A_434 = arith.cmpf ogt, %concatenate3A, %gt3A_433 : vector<8x128xf32>
    %eq3A_435 = vector.broadcast %slice3A_432 : vector<8x1xf32> to vector<8x128xf32>
    %eq3A_436 = arith.cmpf oeq, %concatenate3A, %eq3A_435 : vector<8x128xf32>
    %lt3A_437 = arith.constant 15 : i32
    %lt3A_438 = vector.broadcast %lt3A_437 : i32 to vector<8x128xi32>
    %lt3A_439 = arith.cmpi slt, %iota3A_208, %lt3A_438 : vector<8x128xi32>
    %and3A_440 = arith.andi %eq3A_436, %lt3A_439 : vector<8x128xi1>
    %or3A_441 = arith.ori %gt3A_434, %and3A_440 : vector<8x128xi1>
    %convert_element_type3A_442 = arith.extui %or3A_441 : vector<8x128xi1> to vector<8x128xi32>
    %convert_element_type3A_443 = arith.sitofp %convert_element_type3A_442 : vector<8x128xi32> to vector<8x128xf32>
    %reduce_sum3A_444 = arith.constant dense<0.000000e+00> : vector<8xf32>
    %reduce_sum3A_445 = vector.multi_reduction <add>, %convert_element_type3A_443, %reduce_sum3A_444 [1] : vector<8x128xf32> to vector<8xf32>
    %broadcast_in_dim3A_446 = vector.shape_cast %reduce_sum3A_445 : vector<8xf32> to vector<8x1xf32>
    %slice3A_447 = vector.extract_strided_slice %concatenate3A {offsets = [0, 16], sizes = [8, 1], strides = [1, 1]} : vector<8x128xf32> to vector<8x1xf32>
    %gt3A_448 = vector.broadcast %slice3A_447 : vector<8x1xf32> to vector<8x128xf32>
    %gt3A_449 = arith.cmpf ogt, %concatenate3A, %gt3A_448 : vector<8x128xf32>
    %eq3A_450 = vector.broadcast %slice3A_447 : vector<8x1xf32> to vector<8x128xf32>
    %eq3A_451 = arith.cmpf oeq, %concatenate3A, %eq3A_450 : vector<8x128xf32>
    %lt3A_452 = arith.constant 16 : i32
    %lt3A_453 = vector.broadcast %lt3A_452 : i32 to vector<8x128xi32>
    %lt3A_454 = arith.cmpi slt, %iota3A_208, %lt3A_453 : vector<8x128xi32>
    %and3A_455 = arith.andi %eq3A_451, %lt3A_454 : vector<8x128xi1>
    %or3A_456 = arith.ori %gt3A_449, %and3A_455 : vector<8x128xi1>
    %convert_element_type3A_457 = arith.extui %or3A_456 : vector<8x128xi1> to vector<8x128xi32>
    %convert_element_type3A_458 = arith.sitofp %convert_element_type3A_457 : vector<8x128xi32> to vector<8x128xf32>
    %reduce_sum3A_459 = arith.constant dense<0.000000e+00> : vector<8xf32>
    %reduce_sum3A_460 = vector.multi_reduction <add>, %convert_element_type3A_458, %reduce_sum3A_459 [1] : vector<8x128xf32> to vector<8xf32>
    %broadcast_in_dim3A_461 = vector.shape_cast %reduce_sum3A_460 : vector<8xf32> to vector<8x1xf32>
    %slice3A_462 = vector.extract_strided_slice %concatenate3A {offsets = [0, 17], sizes = [8, 1], strides = [1, 1]} : vector<8x128xf32> to vector<8x1xf32>
    %gt3A_463 = vector.broadcast %slice3A_462 : vector<8x1xf32> to vector<8x128xf32>
    %gt3A_464 = arith.cmpf ogt, %concatenate3A, %gt3A_463 : vector<8x128xf32>
    %eq3A_465 = vector.broadcast %slice3A_462 : vector<8x1xf32> to vector<8x128xf32>
    %eq3A_466 = arith.cmpf oeq, %concatenate3A, %eq3A_465 : vector<8x128xf32>
    %lt3A_467 = arith.constant 17 : i32
    %lt3A_468 = vector.broadcast %lt3A_467 : i32 to vector<8x128xi32>
    %lt3A_469 = arith.cmpi slt, %iota3A_208, %lt3A_468 : vector<8x128xi32>
    %and3A_470 = arith.andi %eq3A_466, %lt3A_469 : vector<8x128xi1>
    %or3A_471 = arith.ori %gt3A_464, %and3A_470 : vector<8x128xi1>
    %convert_element_type3A_472 = arith.extui %or3A_471 : vector<8x128xi1> to vector<8x128xi32>
    %convert_element_type3A_473 = arith.sitofp %convert_element_type3A_472 : vector<8x128xi32> to vector<8x128xf32>
    %reduce_sum3A_474 = arith.constant dense<0.000000e+00> : vector<8xf32>
    %reduce_sum3A_475 = vector.multi_reduction <add>, %convert_element_type3A_473, %reduce_sum3A_474 [1] : vector<8x128xf32> to vector<8xf32>
    %broadcast_in_dim3A_476 = vector.shape_cast %reduce_sum3A_475 : vector<8xf32> to vector<8x1xf32>
    %slice3A_477 = vector.extract_strided_slice %concatenate3A {offsets = [0, 18], sizes = [8, 1], strides = [1, 1]} : vector<8x128xf32> to vector<8x1xf32>
    %gt3A_478 = vector.broadcast %slice3A_477 : vector<8x1xf32> to vector<8x128xf32>
    %gt3A_479 = arith.cmpf ogt, %concatenate3A, %gt3A_478 : vector<8x128xf32>
    %eq3A_480 = vector.broadcast %slice3A_477 : vector<8x1xf32> to vector<8x128xf32>
    %eq3A_481 = arith.cmpf oeq, %concatenate3A, %eq3A_480 : vector<8x128xf32>
    %lt3A_482 = arith.constant 18 : i32
    %lt3A_483 = vector.broadcast %lt3A_482 : i32 to vector<8x128xi32>
    %lt3A_484 = arith.cmpi slt, %iota3A_208, %lt3A_483 : vector<8x128xi32>
    %and3A_485 = arith.andi %eq3A_481, %lt3A_484 : vector<8x128xi1>
    %or3A_486 = arith.ori %gt3A_479, %and3A_485 : vector<8x128xi1>
    %convert_element_type3A_487 = arith.extui %or3A_486 : vector<8x128xi1> to vector<8x128xi32>
    %convert_element_type3A_488 = arith.sitofp %convert_element_type3A_487 : vector<8x128xi32> to vector<8x128xf32>
    %reduce_sum3A_489 = arith.constant dense<0.000000e+00> : vector<8xf32>
    %reduce_sum3A_490 = vector.multi_reduction <add>, %convert_element_type3A_488, %reduce_sum3A_489 [1] : vector<8x128xf32> to vector<8xf32>
    %broadcast_in_dim3A_491 = vector.shape_cast %reduce_sum3A_490 : vector<8xf32> to vector<8x1xf32>
    %slice3A_492 = vector.extract_strided_slice %concatenate3A {offsets = [0, 19], sizes = [8, 1], strides = [1, 1]} : vector<8x128xf32> to vector<8x1xf32>
    %gt3A_493 = vector.broadcast %slice3A_492 : vector<8x1xf32> to vector<8x128xf32>
    %gt3A_494 = arith.cmpf ogt, %concatenate3A, %gt3A_493 : vector<8x128xf32>
    %eq3A_495 = vector.broadcast %slice3A_492 : vector<8x1xf32> to vector<8x128xf32>
    %eq3A_496 = arith.cmpf oeq, %concatenate3A, %eq3A_495 : vector<8x128xf32>
    %lt3A_497 = arith.constant 19 : i32
    %lt3A_498 = vector.broadcast %lt3A_497 : i32 to vector<8x128xi32>
    %lt3A_499 = arith.cmpi slt, %iota3A_208, %lt3A_498 : vector<8x128xi32>
    %and3A_500 = arith.andi %eq3A_496, %lt3A_499 : vector<8x128xi1>
    %or3A_501 = arith.ori %gt3A_494, %and3A_500 : vector<8x128xi1>
    %convert_element_type3A_502 = arith.extui %or3A_501 : vector<8x128xi1> to vector<8x128xi32>
    %convert_element_type3A_503 = arith.sitofp %convert_element_type3A_502 : vector<8x128xi32> to vector<8x128xf32>
    %reduce_sum3A_504 = arith.constant dense<0.000000e+00> : vector<8xf32>
    %reduce_sum3A_505 = vector.multi_reduction <add>, %convert_element_type3A_503, %reduce_sum3A_504 [1] : vector<8x128xf32> to vector<8xf32>
    %broadcast_in_dim3A_506 = vector.shape_cast %reduce_sum3A_505 : vector<8xf32> to vector<8x1xf32>
    %slice3A_507 = vector.extract_strided_slice %concatenate3A {offsets = [0, 20], sizes = [8, 1], strides = [1, 1]} : vector<8x128xf32> to vector<8x1xf32>
    %gt3A_508 = vector.broadcast %slice3A_507 : vector<8x1xf32> to vector<8x128xf32>
    %gt3A_509 = arith.cmpf ogt, %concatenate3A, %gt3A_508 : vector<8x128xf32>
    %eq3A_510 = vector.broadcast %slice3A_507 : vector<8x1xf32> to vector<8x128xf32>
    %eq3A_511 = arith.cmpf oeq, %concatenate3A, %eq3A_510 : vector<8x128xf32>
    %lt3A_512 = arith.constant 20 : i32
    %lt3A_513 = vector.broadcast %lt3A_512 : i32 to vector<8x128xi32>
    %lt3A_514 = arith.cmpi slt, %iota3A_208, %lt3A_513 : vector<8x128xi32>
    %and3A_515 = arith.andi %eq3A_511, %lt3A_514 : vector<8x128xi1>
    %or3A_516 = arith.ori %gt3A_509, %and3A_515 : vector<8x128xi1>
    %convert_element_type3A_517 = arith.extui %or3A_516 : vector<8x128xi1> to vector<8x128xi32>
    %convert_element_type3A_518 = arith.sitofp %convert_element_type3A_517 : vector<8x128xi32> to vector<8x128xf32>
    %reduce_sum3A_519 = arith.constant dense<0.000000e+00> : vector<8xf32>
    %reduce_sum3A_520 = vector.multi_reduction <add>, %convert_element_type3A_518, %reduce_sum3A_519 [1] : vector<8x128xf32> to vector<8xf32>
    %broadcast_in_dim3A_521 = vector.shape_cast %reduce_sum3A_520 : vector<8xf32> to vector<8x1xf32>
    %slice3A_522 = vector.extract_strided_slice %concatenate3A {offsets = [0, 21], sizes = [8, 1], strides = [1, 1]} : vector<8x128xf32> to vector<8x1xf32>
    %gt3A_523 = vector.broadcast %slice3A_522 : vector<8x1xf32> to vector<8x128xf32>
    %gt3A_524 = arith.cmpf ogt, %concatenate3A, %gt3A_523 : vector<8x128xf32>
    %eq3A_525 = vector.broadcast %slice3A_522 : vector<8x1xf32> to vector<8x128xf32>
    %eq3A_526 = arith.cmpf oeq, %concatenate3A, %eq3A_525 : vector<8x128xf32>
    %lt3A_527 = arith.constant 21 : i32
    %lt3A_528 = vector.broadcast %lt3A_527 : i32 to vector<8x128xi32>
    %lt3A_529 = arith.cmpi slt, %iota3A_208, %lt3A_528 : vector<8x128xi32>
    %and3A_530 = arith.andi %eq3A_526, %lt3A_529 : vector<8x128xi1>
    %or3A_531 = arith.ori %gt3A_524, %and3A_530 : vector<8x128xi1>
    %convert_element_type3A_532 = arith.extui %or3A_531 : vector<8x128xi1> to vector<8x128xi32>
    %convert_element_type3A_533 = arith.sitofp %convert_element_type3A_532 : vector<8x128xi32> to vector<8x128xf32>
    %reduce_sum3A_534 = arith.constant dense<0.000000e+00> : vector<8xf32>
    %reduce_sum3A_535 = vector.multi_reduction <add>, %convert_element_type3A_533, %reduce_sum3A_534 [1] : vector<8x128xf32> to vector<8xf32>
    %broadcast_in_dim3A_536 = vector.shape_cast %reduce_sum3A_535 : vector<8xf32> to vector<8x1xf32>
    %slice3A_537 = vector.extract_strided_slice %concatenate3A {offsets = [0, 22], sizes = [8, 1], strides = [1, 1]} : vector<8x128xf32> to vector<8x1xf32>
    %gt3A_538 = vector.broadcast %slice3A_537 : vector<8x1xf32> to vector<8x128xf32>
    %gt3A_539 = arith.cmpf ogt, %concatenate3A, %gt3A_538 : vector<8x128xf32>
    %eq3A_540 = vector.broadcast %slice3A_537 : vector<8x1xf32> to vector<8x128xf32>
    %eq3A_541 = arith.cmpf oeq, %concatenate3A, %eq3A_540 : vector<8x128xf32>
    %lt3A_542 = arith.constant 22 : i32
    %lt3A_543 = vector.broadcast %lt3A_542 : i32 to vector<8x128xi32>
    %lt3A_544 = arith.cmpi slt, %iota3A_208, %lt3A_543 : vector<8x128xi32>
    %and3A_545 = arith.andi %eq3A_541, %lt3A_544 : vector<8x128xi1>
    %or3A_546 = arith.ori %gt3A_539, %and3A_545 : vector<8x128xi1>
    %convert_element_type3A_547 = arith.extui %or3A_546 : vector<8x128xi1> to vector<8x128xi32>
    %convert_element_type3A_548 = arith.sitofp %convert_element_type3A_547 : vector<8x128xi32> to vector<8x128xf32>
    %reduce_sum3A_549 = arith.constant dense<0.000000e+00> : vector<8xf32>
    %reduce_sum3A_550 = vector.multi_reduction <add>, %convert_element_type3A_548, %reduce_sum3A_549 [1] : vector<8x128xf32> to vector<8xf32>
    %broadcast_in_dim3A_551 = vector.shape_cast %reduce_sum3A_550 : vector<8xf32> to vector<8x1xf32>
    %slice3A_552 = vector.extract_strided_slice %concatenate3A {offsets = [0, 23], sizes = [8, 1], strides = [1, 1]} : vector<8x128xf32> to vector<8x1xf32>
    %gt3A_553 = vector.broadcast %slice3A_552 : vector<8x1xf32> to vector<8x128xf32>
    %gt3A_554 = arith.cmpf ogt, %concatenate3A, %gt3A_553 : vector<8x128xf32>
    %eq3A_555 = vector.broadcast %slice3A_552 : vector<8x1xf32> to vector<8x128xf32>
    %eq3A_556 = arith.cmpf oeq, %concatenate3A, %eq3A_555 : vector<8x128xf32>
    %lt3A_557 = arith.constant 23 : i32
    %lt3A_558 = vector.broadcast %lt3A_557 : i32 to vector<8x128xi32>
    %lt3A_559 = arith.cmpi slt, %iota3A_208, %lt3A_558 : vector<8x128xi32>
    %and3A_560 = arith.andi %eq3A_556, %lt3A_559 : vector<8x128xi1>
    %or3A_561 = arith.ori %gt3A_554, %and3A_560 : vector<8x128xi1>
    %convert_element_type3A_562 = arith.extui %or3A_561 : vector<8x128xi1> to vector<8x128xi32>
    %convert_element_type3A_563 = arith.sitofp %convert_element_type3A_562 : vector<8x128xi32> to vector<8x128xf32>
    %reduce_sum3A_564 = arith.constant dense<0.000000e+00> : vector<8xf32>
    %reduce_sum3A_565 = vector.multi_reduction <add>, %convert_element_type3A_563, %reduce_sum3A_564 [1] : vector<8x128xf32> to vector<8xf32>
    %broadcast_in_dim3A_566 = vector.shape_cast %reduce_sum3A_565 : vector<8xf32> to vector<8x1xf32>
    %slice3A_567 = vector.extract_strided_slice %concatenate3A {offsets = [0, 24], sizes = [8, 1], strides = [1, 1]} : vector<8x128xf32> to vector<8x1xf32>
    %gt3A_568 = vector.broadcast %slice3A_567 : vector<8x1xf32> to vector<8x128xf32>
    %gt3A_569 = arith.cmpf ogt, %concatenate3A, %gt3A_568 : vector<8x128xf32>
    %eq3A_570 = vector.broadcast %slice3A_567 : vector<8x1xf32> to vector<8x128xf32>
    %eq3A_571 = arith.cmpf oeq, %concatenate3A, %eq3A_570 : vector<8x128xf32>
    %lt3A_572 = arith.constant 24 : i32
    %lt3A_573 = vector.broadcast %lt3A_572 : i32 to vector<8x128xi32>
    %lt3A_574 = arith.cmpi slt, %iota3A_208, %lt3A_573 : vector<8x128xi32>
    %and3A_575 = arith.andi %eq3A_571, %lt3A_574 : vector<8x128xi1>
    %or3A_576 = arith.ori %gt3A_569, %and3A_575 : vector<8x128xi1>
    %convert_element_type3A_577 = arith.extui %or3A_576 : vector<8x128xi1> to vector<8x128xi32>
    %convert_element_type3A_578 = arith.sitofp %convert_element_type3A_577 : vector<8x128xi32> to vector<8x128xf32>
    %reduce_sum3A_579 = arith.constant dense<0.000000e+00> : vector<8xf32>
    %reduce_sum3A_580 = vector.multi_reduction <add>, %convert_element_type3A_578, %reduce_sum3A_579 [1] : vector<8x128xf32> to vector<8xf32>
    %broadcast_in_dim3A_581 = vector.shape_cast %reduce_sum3A_580 : vector<8xf32> to vector<8x1xf32>
    %slice3A_582 = vector.extract_strided_slice %concatenate3A {offsets = [0, 25], sizes = [8, 1], strides = [1, 1]} : vector<8x128xf32> to vector<8x1xf32>
    %gt3A_583 = vector.broadcast %slice3A_582 : vector<8x1xf32> to vector<8x128xf32>
    %gt3A_584 = arith.cmpf ogt, %concatenate3A, %gt3A_583 : vector<8x128xf32>
    %eq3A_585 = vector.broadcast %slice3A_582 : vector<8x1xf32> to vector<8x128xf32>
    %eq3A_586 = arith.cmpf oeq, %concatenate3A, %eq3A_585 : vector<8x128xf32>
    %lt3A_587 = arith.constant 25 : i32
    %lt3A_588 = vector.broadcast %lt3A_587 : i32 to vector<8x128xi32>
    %lt3A_589 = arith.cmpi slt, %iota3A_208, %lt3A_588 : vector<8x128xi32>
    %and3A_590 = arith.andi %eq3A_586, %lt3A_589 : vector<8x128xi1>
    %or3A_591 = arith.ori %gt3A_584, %and3A_590 : vector<8x128xi1>
    %convert_element_type3A_592 = arith.extui %or3A_591 : vector<8x128xi1> to vector<8x128xi32>
    %convert_element_type3A_593 = arith.sitofp %convert_element_type3A_592 : vector<8x128xi32> to vector<8x128xf32>
    %reduce_sum3A_594 = arith.constant dense<0.000000e+00> : vector<8xf32>
    %reduce_sum3A_595 = vector.multi_reduction <add>, %convert_element_type3A_593, %reduce_sum3A_594 [1] : vector<8x128xf32> to vector<8xf32>
    %broadcast_in_dim3A_596 = vector.shape_cast %reduce_sum3A_595 : vector<8xf32> to vector<8x1xf32>
    %slice3A_597 = vector.extract_strided_slice %concatenate3A {offsets = [0, 26], sizes = [8, 1], strides = [1, 1]} : vector<8x128xf32> to vector<8x1xf32>
    %gt3A_598 = vector.broadcast %slice3A_597 : vector<8x1xf32> to vector<8x128xf32>
    %gt3A_599 = arith.cmpf ogt, %concatenate3A, %gt3A_598 : vector<8x128xf32>
    %eq3A_600 = vector.broadcast %slice3A_597 : vector<8x1xf32> to vector<8x128xf32>
    %eq3A_601 = arith.cmpf oeq, %concatenate3A, %eq3A_600 : vector<8x128xf32>
    %lt3A_602 = arith.constant 26 : i32
    %lt3A_603 = vector.broadcast %lt3A_602 : i32 to vector<8x128xi32>
    %lt3A_604 = arith.cmpi slt, %iota3A_208, %lt3A_603 : vector<8x128xi32>
    %and3A_605 = arith.andi %eq3A_601, %lt3A_604 : vector<8x128xi1>
    %or3A_606 = arith.ori %gt3A_599, %and3A_605 : vector<8x128xi1>
    %convert_element_type3A_607 = arith.extui %or3A_606 : vector<8x128xi1> to vector<8x128xi32>
    %convert_element_type3A_608 = arith.sitofp %convert_element_type3A_607 : vector<8x128xi32> to vector<8x128xf32>
    %reduce_sum3A_609 = arith.constant dense<0.000000e+00> : vector<8xf32>
    %reduce_sum3A_610 = vector.multi_reduction <add>, %convert_element_type3A_608, %reduce_sum3A_609 [1] : vector<8x128xf32> to vector<8xf32>
    %broadcast_in_dim3A_611 = vector.shape_cast %reduce_sum3A_610 : vector<8xf32> to vector<8x1xf32>
    %slice3A_612 = vector.extract_strided_slice %concatenate3A {offsets = [0, 27], sizes = [8, 1], strides = [1, 1]} : vector<8x128xf32> to vector<8x1xf32>
    %gt3A_613 = vector.broadcast %slice3A_612 : vector<8x1xf32> to vector<8x128xf32>
    %gt3A_614 = arith.cmpf ogt, %concatenate3A, %gt3A_613 : vector<8x128xf32>
    %eq3A_615 = vector.broadcast %slice3A_612 : vector<8x1xf32> to vector<8x128xf32>
    %eq3A_616 = arith.cmpf oeq, %concatenate3A, %eq3A_615 : vector<8x128xf32>
    %lt3A_617 = arith.constant 27 : i32
    %lt3A_618 = vector.broadcast %lt3A_617 : i32 to vector<8x128xi32>
    %lt3A_619 = arith.cmpi slt, %iota3A_208, %lt3A_618 : vector<8x128xi32>
    %and3A_620 = arith.andi %eq3A_616, %lt3A_619 : vector<8x128xi1>
    %or3A_621 = arith.ori %gt3A_614, %and3A_620 : vector<8x128xi1>
    %convert_element_type3A_622 = arith.extui %or3A_621 : vector<8x128xi1> to vector<8x128xi32>
    %convert_element_type3A_623 = arith.sitofp %convert_element_type3A_622 : vector<8x128xi32> to vector<8x128xf32>
    %reduce_sum3A_624 = arith.constant dense<0.000000e+00> : vector<8xf32>
    %reduce_sum3A_625 = vector.multi_reduction <add>, %convert_element_type3A_623, %reduce_sum3A_624 [1] : vector<8x128xf32> to vector<8xf32>
    %broadcast_in_dim3A_626 = vector.shape_cast %reduce_sum3A_625 : vector<8xf32> to vector<8x1xf32>
    %slice3A_627 = vector.extract_strided_slice %concatenate3A {offsets = [0, 28], sizes = [8, 1], strides = [1, 1]} : vector<8x128xf32> to vector<8x1xf32>
    %gt3A_628 = vector.broadcast %slice3A_627 : vector<8x1xf32> to vector<8x128xf32>
    %gt3A_629 = arith.cmpf ogt, %concatenate3A, %gt3A_628 : vector<8x128xf32>
    %eq3A_630 = vector.broadcast %slice3A_627 : vector<8x1xf32> to vector<8x128xf32>
    %eq3A_631 = arith.cmpf oeq, %concatenate3A, %eq3A_630 : vector<8x128xf32>
    %lt3A_632 = arith.constant 28 : i32
    %lt3A_633 = vector.broadcast %lt3A_632 : i32 to vector<8x128xi32>
    %lt3A_634 = arith.cmpi slt, %iota3A_208, %lt3A_633 : vector<8x128xi32>
    %and3A_635 = arith.andi %eq3A_631, %lt3A_634 : vector<8x128xi1>
    %or3A_636 = arith.ori %gt3A_629, %and3A_635 : vector<8x128xi1>
    %convert_element_type3A_637 = arith.extui %or3A_636 : vector<8x128xi1> to vector<8x128xi32>
    %convert_element_type3A_638 = arith.sitofp %convert_element_type3A_637 : vector<8x128xi32> to vector<8x128xf32>
    %reduce_sum3A_639 = arith.constant dense<0.000000e+00> : vector<8xf32>
    %reduce_sum3A_640 = vector.multi_reduction <add>, %convert_element_type3A_638, %reduce_sum3A_639 [1] : vector<8x128xf32> to vector<8xf32>
    %broadcast_in_dim3A_641 = vector.shape_cast %reduce_sum3A_640 : vector<8xf32> to vector<8x1xf32>
    %slice3A_642 = vector.extract_strided_slice %concatenate3A {offsets = [0, 29], sizes = [8, 1], strides = [1, 1]} : vector<8x128xf32> to vector<8x1xf32>
    %gt3A_643 = vector.broadcast %slice3A_642 : vector<8x1xf32> to vector<8x128xf32>
    %gt3A_644 = arith.cmpf ogt, %concatenate3A, %gt3A_643 : vector<8x128xf32>
    %eq3A_645 = vector.broadcast %slice3A_642 : vector<8x1xf32> to vector<8x128xf32>
    %eq3A_646 = arith.cmpf oeq, %concatenate3A, %eq3A_645 : vector<8x128xf32>
    %lt3A_647 = arith.constant 29 : i32
    %lt3A_648 = vector.broadcast %lt3A_647 : i32 to vector<8x128xi32>
    %lt3A_649 = arith.cmpi slt, %iota3A_208, %lt3A_648 : vector<8x128xi32>
    %and3A_650 = arith.andi %eq3A_646, %lt3A_649 : vector<8x128xi1>
    %or3A_651 = arith.ori %gt3A_644, %and3A_650 : vector<8x128xi1>
    %convert_element_type3A_652 = arith.extui %or3A_651 : vector<8x128xi1> to vector<8x128xi32>
    %convert_element_type3A_653 = arith.sitofp %convert_element_type3A_652 : vector<8x128xi32> to vector<8x128xf32>
    %reduce_sum3A_654 = arith.constant dense<0.000000e+00> : vector<8xf32>
    %reduce_sum3A_655 = vector.multi_reduction <add>, %convert_element_type3A_653, %reduce_sum3A_654 [1] : vector<8x128xf32> to vector<8xf32>
    %broadcast_in_dim3A_656 = vector.shape_cast %reduce_sum3A_655 : vector<8xf32> to vector<8x1xf32>
    %slice3A_657 = vector.extract_strided_slice %concatenate3A {offsets = [0, 30], sizes = [8, 1], strides = [1, 1]} : vector<8x128xf32> to vector<8x1xf32>
    %gt3A_658 = vector.broadcast %slice3A_657 : vector<8x1xf32> to vector<8x128xf32>
    %gt3A_659 = arith.cmpf ogt, %concatenate3A, %gt3A_658 : vector<8x128xf32>
    %eq3A_660 = vector.broadcast %slice3A_657 : vector<8x1xf32> to vector<8x128xf32>
    %eq3A_661 = arith.cmpf oeq, %concatenate3A, %eq3A_660 : vector<8x128xf32>
    %lt3A_662 = arith.constant 30 : i32
    %lt3A_663 = vector.broadcast %lt3A_662 : i32 to vector<8x128xi32>
    %lt3A_664 = arith.cmpi slt, %iota3A_208, %lt3A_663 : vector<8x128xi32>
    %and3A_665 = arith.andi %eq3A_661, %lt3A_664 : vector<8x128xi1>
    %or3A_666 = arith.ori %gt3A_659, %and3A_665 : vector<8x128xi1>
    %convert_element_type3A_667 = arith.extui %or3A_666 : vector<8x128xi1> to vector<8x128xi32>
    %convert_element_type3A_668 = arith.sitofp %convert_element_type3A_667 : vector<8x128xi32> to vector<8x128xf32>
    %reduce_sum3A_669 = arith.constant dense<0.000000e+00> : vector<8xf32>
    %reduce_sum3A_670 = vector.multi_reduction <add>, %convert_element_type3A_668, %reduce_sum3A_669 [1] : vector<8x128xf32> to vector<8xf32>
    %broadcast_in_dim3A_671 = vector.shape_cast %reduce_sum3A_670 : vector<8xf32> to vector<8x1xf32>
    %slice3A_672 = vector.extract_strided_slice %concatenate3A {offsets = [0, 31], sizes = [8, 1], strides = [1, 1]} : vector<8x128xf32> to vector<8x1xf32>
    %gt3A_673 = vector.broadcast %slice3A_672 : vector<8x1xf32> to vector<8x128xf32>
    %gt3A_674 = arith.cmpf ogt, %concatenate3A, %gt3A_673 : vector<8x128xf32>
    %eq3A_675 = vector.broadcast %slice3A_672 : vector<8x1xf32> to vector<8x128xf32>
    %eq3A_676 = arith.cmpf oeq, %concatenate3A, %eq3A_675 : vector<8x128xf32>
    %lt3A_677 = arith.constant 31 : i32
    %lt3A_678 = vector.broadcast %lt3A_677 : i32 to vector<8x128xi32>
    %lt3A_679 = arith.cmpi slt, %iota3A_208, %lt3A_678 : vector<8x128xi32>
    %and3A_680 = arith.andi %eq3A_676, %lt3A_679 : vector<8x128xi1>
    %or3A_681 = arith.ori %gt3A_674, %and3A_680 : vector<8x128xi1>
    %convert_element_type3A_682 = arith.extui %or3A_681 : vector<8x128xi1> to vector<8x128xi32>
    %convert_element_type3A_683 = arith.sitofp %convert_element_type3A_682 : vector<8x128xi32> to vector<8x128xf32>
    %reduce_sum3A_684 = arith.constant dense<0.000000e+00> : vector<8xf32>
    %reduce_sum3A_685 = vector.multi_reduction <add>, %convert_element_type3A_683, %reduce_sum3A_684 [1] : vector<8x128xf32> to vector<8xf32>
    %broadcast_in_dim3A_686 = vector.shape_cast %reduce_sum3A_685 : vector<8xf32> to vector<8x1xf32>
    %slice3A_687 = vector.extract_strided_slice %concatenate3A {offsets = [0, 32], sizes = [8, 1], strides = [1, 1]} : vector<8x128xf32> to vector<8x1xf32>
    %gt3A_688 = vector.broadcast %slice3A_687 : vector<8x1xf32> to vector<8x128xf32>
    %gt3A_689 = arith.cmpf ogt, %concatenate3A, %gt3A_688 : vector<8x128xf32>
    %eq3A_690 = vector.broadcast %slice3A_687 : vector<8x1xf32> to vector<8x128xf32>
    %eq3A_691 = arith.cmpf oeq, %concatenate3A, %eq3A_690 : vector<8x128xf32>
    %lt3A_692 = arith.constant 32 : i32
    %lt3A_693 = vector.broadcast %lt3A_692 : i32 to vector<8x128xi32>
    %lt3A_694 = arith.cmpi slt, %iota3A_208, %lt3A_693 : vector<8x128xi32>
    %and3A_695 = arith.andi %eq3A_691, %lt3A_694 : vector<8x128xi1>
    %or3A_696 = arith.ori %gt3A_689, %and3A_695 : vector<8x128xi1>
    %convert_element_type3A_697 = arith.extui %or3A_696 : vector<8x128xi1> to vector<8x128xi32>
    %convert_element_type3A_698 = arith.sitofp %convert_element_type3A_697 : vector<8x128xi32> to vector<8x128xf32>
    %reduce_sum3A_699 = arith.constant dense<0.000000e+00> : vector<8xf32>
    %reduce_sum3A_700 = vector.multi_reduction <add>, %convert_element_type3A_698, %reduce_sum3A_699 [1] : vector<8x128xf32> to vector<8xf32>
    %broadcast_in_dim3A_701 = vector.shape_cast %reduce_sum3A_700 : vector<8xf32> to vector<8x1xf32>
    %slice3A_702 = vector.extract_strided_slice %concatenate3A {offsets = [0, 33], sizes = [8, 1], strides = [1, 1]} : vector<8x128xf32> to vector<8x1xf32>
    %gt3A_703 = vector.broadcast %slice3A_702 : vector<8x1xf32> to vector<8x128xf32>
    %gt3A_704 = arith.cmpf ogt, %concatenate3A, %gt3A_703 : vector<8x128xf32>
    %eq3A_705 = vector.broadcast %slice3A_702 : vector<8x1xf32> to vector<8x128xf32>
    %eq3A_706 = arith.cmpf oeq, %concatenate3A, %eq3A_705 : vector<8x128xf32>
    %lt3A_707 = arith.constant 33 : i32
    %lt3A_708 = vector.broadcast %lt3A_707 : i32 to vector<8x128xi32>
    %lt3A_709 = arith.cmpi slt, %iota3A_208, %lt3A_708 : vector<8x128xi32>
    %and3A_710 = arith.andi %eq3A_706, %lt3A_709 : vector<8x128xi1>
    %or3A_711 = arith.ori %gt3A_704, %and3A_710 : vector<8x128xi1>
    %convert_element_type3A_712 = arith.extui %or3A_711 : vector<8x128xi1> to vector<8x128xi32>
    %convert_element_type3A_713 = arith.sitofp %convert_element_type3A_712 : vector<8x128xi32> to vector<8x128xf32>
    %reduce_sum3A_714 = arith.constant dense<0.000000e+00> : vector<8xf32>
    %reduce_sum3A_715 = vector.multi_reduction <add>, %convert_element_type3A_713, %reduce_sum3A_714 [1] : vector<8x128xf32> to vector<8xf32>
    %broadcast_in_dim3A_716 = vector.shape_cast %reduce_sum3A_715 : vector<8xf32> to vector<8x1xf32>
    %slice3A_717 = vector.extract_strided_slice %concatenate3A {offsets = [0, 34], sizes = [8, 1], strides = [1, 1]} : vector<8x128xf32> to vector<8x1xf32>
    %gt3A_718 = vector.broadcast %slice3A_717 : vector<8x1xf32> to vector<8x128xf32>
    %gt3A_719 = arith.cmpf ogt, %concatenate3A, %gt3A_718 : vector<8x128xf32>
    %eq3A_720 = vector.broadcast %slice3A_717 : vector<8x1xf32> to vector<8x128xf32>
    %eq3A_721 = arith.cmpf oeq, %concatenate3A, %eq3A_720 : vector<8x128xf32>
    %lt3A_722 = arith.constant 34 : i32
    %lt3A_723 = vector.broadcast %lt3A_722 : i32 to vector<8x128xi32>
    %lt3A_724 = arith.cmpi slt, %iota3A_208, %lt3A_723 : vector<8x128xi32>
    %and3A_725 = arith.andi %eq3A_721, %lt3A_724 : vector<8x128xi1>
    %or3A_726 = arith.ori %gt3A_719, %and3A_725 : vector<8x128xi1>
    %convert_element_type3A_727 = arith.extui %or3A_726 : vector<8x128xi1> to vector<8x128xi32>
    %convert_element_type3A_728 = arith.sitofp %convert_element_type3A_727 : vector<8x128xi32> to vector<8x128xf32>
    %reduce_sum3A_729 = arith.constant dense<0.000000e+00> : vector<8xf32>
    %reduce_sum3A_730 = vector.multi_reduction <add>, %convert_element_type3A_728, %reduce_sum3A_729 [1] : vector<8x128xf32> to vector<8xf32>
    %broadcast_in_dim3A_731 = vector.shape_cast %reduce_sum3A_730 : vector<8xf32> to vector<8x1xf32>
    %slice3A_732 = vector.extract_strided_slice %concatenate3A {offsets = [0, 35], sizes = [8, 1], strides = [1, 1]} : vector<8x128xf32> to vector<8x1xf32>
    %gt3A_733 = vector.broadcast %slice3A_732 : vector<8x1xf32> to vector<8x128xf32>
    %gt3A_734 = arith.cmpf ogt, %concatenate3A, %gt3A_733 : vector<8x128xf32>
    %eq3A_735 = vector.broadcast %slice3A_732 : vector<8x1xf32> to vector<8x128xf32>
    %eq3A_736 = arith.cmpf oeq, %concatenate3A, %eq3A_735 : vector<8x128xf32>
    %lt3A_737 = arith.constant 35 : i32
    %lt3A_738 = vector.broadcast %lt3A_737 : i32 to vector<8x128xi32>
    %lt3A_739 = arith.cmpi slt, %iota3A_208, %lt3A_738 : vector<8x128xi32>
    %and3A_740 = arith.andi %eq3A_736, %lt3A_739 : vector<8x128xi1>
    %or3A_741 = arith.ori %gt3A_734, %and3A_740 : vector<8x128xi1>
    %convert_element_type3A_742 = arith.extui %or3A_741 : vector<8x128xi1> to vector<8x128xi32>
    %convert_element_type3A_743 = arith.sitofp %convert_element_type3A_742 : vector<8x128xi32> to vector<8x128xf32>
    %reduce_sum3A_744 = arith.constant dense<0.000000e+00> : vector<8xf32>
    %reduce_sum3A_745 = vector.multi_reduction <add>, %convert_element_type3A_743, %reduce_sum3A_744 [1] : vector<8x128xf32> to vector<8xf32>
    %broadcast_in_dim3A_746 = vector.shape_cast %reduce_sum3A_745 : vector<8xf32> to vector<8x1xf32>
    %slice3A_747 = vector.extract_strided_slice %concatenate3A {offsets = [0, 36], sizes = [8, 1], strides = [1, 1]} : vector<8x128xf32> to vector<8x1xf32>
    %gt3A_748 = vector.broadcast %slice3A_747 : vector<8x1xf32> to vector<8x128xf32>
    %gt3A_749 = arith.cmpf ogt, %concatenate3A, %gt3A_748 : vector<8x128xf32>
    %eq3A_750 = vector.broadcast %slice3A_747 : vector<8x1xf32> to vector<8x128xf32>
    %eq3A_751 = arith.cmpf oeq, %concatenate3A, %eq3A_750 : vector<8x128xf32>
    %lt3A_752 = arith.constant 36 : i32
    %lt3A_753 = vector.broadcast %lt3A_752 : i32 to vector<8x128xi32>
    %lt3A_754 = arith.cmpi slt, %iota3A_208, %lt3A_753 : vector<8x128xi32>
    %and3A_755 = arith.andi %eq3A_751, %lt3A_754 : vector<8x128xi1>
    %or3A_756 = arith.ori %gt3A_749, %and3A_755 : vector<8x128xi1>
    %convert_element_type3A_757 = arith.extui %or3A_756 : vector<8x128xi1> to vector<8x128xi32>
    %convert_element_type3A_758 = arith.sitofp %convert_element_type3A_757 : vector<8x128xi32> to vector<8x128xf32>
    %reduce_sum3A_759 = arith.constant dense<0.000000e+00> : vector<8xf32>
    %reduce_sum3A_760 = vector.multi_reduction <add>, %convert_element_type3A_758, %reduce_sum3A_759 [1] : vector<8x128xf32> to vector<8xf32>
    %broadcast_in_dim3A_761 = vector.shape_cast %reduce_sum3A_760 : vector<8xf32> to vector<8x1xf32>
    %slice3A_762 = vector.extract_strided_slice %concatenate3A {offsets = [0, 37], sizes = [8, 1], strides = [1, 1]} : vector<8x128xf32> to vector<8x1xf32>
    %gt3A_763 = vector.broadcast %slice3A_762 : vector<8x1xf32> to vector<8x128xf32>
    %gt3A_764 = arith.cmpf ogt, %concatenate3A, %gt3A_763 : vector<8x128xf32>
    %eq3A_765 = vector.broadcast %slice3A_762 : vector<8x1xf32> to vector<8x128xf32>
    %eq3A_766 = arith.cmpf oeq, %concatenate3A, %eq3A_765 : vector<8x128xf32>
    %lt3A_767 = arith.constant 37 : i32
    %lt3A_768 = vector.broadcast %lt3A_767 : i32 to vector<8x128xi32>
    %lt3A_769 = arith.cmpi slt, %iota3A_208, %lt3A_768 : vector<8x128xi32>
    %and3A_770 = arith.andi %eq3A_766, %lt3A_769 : vector<8x128xi1>
    %or3A_771 = arith.ori %gt3A_764, %and3A_770 : vector<8x128xi1>
    %convert_element_type3A_772 = arith.extui %or3A_771 : vector<8x128xi1> to vector<8x128xi32>
    %convert_element_type3A_773 = arith.sitofp %convert_element_type3A_772 : vector<8x128xi32> to vector<8x128xf32>
    %reduce_sum3A_774 = arith.constant dense<0.000000e+00> : vector<8xf32>
    %reduce_sum3A_775 = vector.multi_reduction <add>, %convert_element_type3A_773, %reduce_sum3A_774 [1] : vector<8x128xf32> to vector<8xf32>
    %broadcast_in_dim3A_776 = vector.shape_cast %reduce_sum3A_775 : vector<8xf32> to vector<8x1xf32>
    %slice3A_777 = vector.extract_strided_slice %concatenate3A {offsets = [0, 38], sizes = [8, 1], strides = [1, 1]} : vector<8x128xf32> to vector<8x1xf32>
    %gt3A_778 = vector.broadcast %slice3A_777 : vector<8x1xf32> to vector<8x128xf32>
    %gt3A_779 = arith.cmpf ogt, %concatenate3A, %gt3A_778 : vector<8x128xf32>
    %eq3A_780 = vector.broadcast %slice3A_777 : vector<8x1xf32> to vector<8x128xf32>
    %eq3A_781 = arith.cmpf oeq, %concatenate3A, %eq3A_780 : vector<8x128xf32>
    %lt3A_782 = arith.constant 38 : i32
    %lt3A_783 = vector.broadcast %lt3A_782 : i32 to vector<8x128xi32>
    %lt3A_784 = arith.cmpi slt, %iota3A_208, %lt3A_783 : vector<8x128xi32>
    %and3A_785 = arith.andi %eq3A_781, %lt3A_784 : vector<8x128xi1>
    %or3A_786 = arith.ori %gt3A_779, %and3A_785 : vector<8x128xi1>
    %convert_element_type3A_787 = arith.extui %or3A_786 : vector<8x128xi1> to vector<8x128xi32>
    %convert_element_type3A_788 = arith.sitofp %convert_element_type3A_787 : vector<8x128xi32> to vector<8x128xf32>
    %reduce_sum3A_789 = arith.constant dense<0.000000e+00> : vector<8xf32>
    %reduce_sum3A_790 = vector.multi_reduction <add>, %convert_element_type3A_788, %reduce_sum3A_789 [1] : vector<8x128xf32> to vector<8xf32>
    %broadcast_in_dim3A_791 = vector.shape_cast %reduce_sum3A_790 : vector<8xf32> to vector<8x1xf32>
    %slice3A_792 = vector.extract_strided_slice %concatenate3A {offsets = [0, 39], sizes = [8, 1], strides = [1, 1]} : vector<8x128xf32> to vector<8x1xf32>
    %gt3A_793 = vector.broadcast %slice3A_792 : vector<8x1xf32> to vector<8x128xf32>
    %gt3A_794 = arith.cmpf ogt, %concatenate3A, %gt3A_793 : vector<8x128xf32>
    %eq3A_795 = vector.broadcast %slice3A_792 : vector<8x1xf32> to vector<8x128xf32>
    %eq3A_796 = arith.cmpf oeq, %concatenate3A, %eq3A_795 : vector<8x128xf32>
    %lt3A_797 = arith.constant 39 : i32
    %lt3A_798 = vector.broadcast %lt3A_797 : i32 to vector<8x128xi32>
    %lt3A_799 = arith.cmpi slt, %iota3A_208, %lt3A_798 : vector<8x128xi32>
    %and3A_800 = arith.andi %eq3A_796, %lt3A_799 : vector<8x128xi1>
    %or3A_801 = arith.ori %gt3A_794, %and3A_800 : vector<8x128xi1>
    %convert_element_type3A_802 = arith.extui %or3A_801 : vector<8x128xi1> to vector<8x128xi32>
    %convert_element_type3A_803 = arith.sitofp %convert_element_type3A_802 : vector<8x128xi32> to vector<8x128xf32>
    %reduce_sum3A_804 = arith.constant dense<0.000000e+00> : vector<8xf32>
    %reduce_sum3A_805 = vector.multi_reduction <add>, %convert_element_type3A_803, %reduce_sum3A_804 [1] : vector<8x128xf32> to vector<8xf32>
    %broadcast_in_dim3A_806 = vector.shape_cast %reduce_sum3A_805 : vector<8xf32> to vector<8x1xf32>
    %slice3A_807 = vector.extract_strided_slice %concatenate3A {offsets = [0, 40], sizes = [8, 1], strides = [1, 1]} : vector<8x128xf32> to vector<8x1xf32>
    %gt3A_808 = vector.broadcast %slice3A_807 : vector<8x1xf32> to vector<8x128xf32>
    %gt3A_809 = arith.cmpf ogt, %concatenate3A, %gt3A_808 : vector<8x128xf32>
    %eq3A_810 = vector.broadcast %slice3A_807 : vector<8x1xf32> to vector<8x128xf32>
    %eq3A_811 = arith.cmpf oeq, %concatenate3A, %eq3A_810 : vector<8x128xf32>
    %lt3A_812 = arith.constant 40 : i32
    %lt3A_813 = vector.broadcast %lt3A_812 : i32 to vector<8x128xi32>
    %lt3A_814 = arith.cmpi slt, %iota3A_208, %lt3A_813 : vector<8x128xi32>
    %and3A_815 = arith.andi %eq3A_811, %lt3A_814 : vector<8x128xi1>
    %or3A_816 = arith.ori %gt3A_809, %and3A_815 : vector<8x128xi1>
    %convert_element_type3A_817 = arith.extui %or3A_816 : vector<8x128xi1> to vector<8x128xi32>
    %convert_element_type3A_818 = arith.sitofp %convert_element_type3A_817 : vector<8x128xi32> to vector<8x128xf32>
    %reduce_sum3A_819 = arith.constant dense<0.000000e+00> : vector<8xf32>
    %reduce_sum3A_820 = vector.multi_reduction <add>, %convert_element_type3A_818, %reduce_sum3A_819 [1] : vector<8x128xf32> to vector<8xf32>
    %broadcast_in_dim3A_821 = vector.shape_cast %reduce_sum3A_820 : vector<8xf32> to vector<8x1xf32>
    %slice3A_822 = vector.extract_strided_slice %concatenate3A {offsets = [0, 41], sizes = [8, 1], strides = [1, 1]} : vector<8x128xf32> to vector<8x1xf32>
    %gt3A_823 = vector.broadcast %slice3A_822 : vector<8x1xf32> to vector<8x128xf32>
    %gt3A_824 = arith.cmpf ogt, %concatenate3A, %gt3A_823 : vector<8x128xf32>
    %eq3A_825 = vector.broadcast %slice3A_822 : vector<8x1xf32> to vector<8x128xf32>
    %eq3A_826 = arith.cmpf oeq, %concatenate3A, %eq3A_825 : vector<8x128xf32>
    %lt3A_827 = arith.constant 41 : i32
    %lt3A_828 = vector.broadcast %lt3A_827 : i32 to vector<8x128xi32>
    %lt3A_829 = arith.cmpi slt, %iota3A_208, %lt3A_828 : vector<8x128xi32>
    %and3A_830 = arith.andi %eq3A_826, %lt3A_829 : vector<8x128xi1>
    %or3A_831 = arith.ori %gt3A_824, %and3A_830 : vector<8x128xi1>
    %convert_element_type3A_832 = arith.extui %or3A_831 : vector<8x128xi1> to vector<8x128xi32>
    %convert_element_type3A_833 = arith.sitofp %convert_element_type3A_832 : vector<8x128xi32> to vector<8x128xf32>
    %reduce_sum3A_834 = arith.constant dense<0.000000e+00> : vector<8xf32>
    %reduce_sum3A_835 = vector.multi_reduction <add>, %convert_element_type3A_833, %reduce_sum3A_834 [1] : vector<8x128xf32> to vector<8xf32>
    %broadcast_in_dim3A_836 = vector.shape_cast %reduce_sum3A_835 : vector<8xf32> to vector<8x1xf32>
    %slice3A_837 = vector.extract_strided_slice %concatenate3A {offsets = [0, 42], sizes = [8, 1], strides = [1, 1]} : vector<8x128xf32> to vector<8x1xf32>
    %gt3A_838 = vector.broadcast %slice3A_837 : vector<8x1xf32> to vector<8x128xf32>
    %gt3A_839 = arith.cmpf ogt, %concatenate3A, %gt3A_838 : vector<8x128xf32>
    %eq3A_840 = vector.broadcast %slice3A_837 : vector<8x1xf32> to vector<8x128xf32>
    %eq3A_841 = arith.cmpf oeq, %concatenate3A, %eq3A_840 : vector<8x128xf32>
    %lt3A_842 = arith.constant 42 : i32
    %lt3A_843 = vector.broadcast %lt3A_842 : i32 to vector<8x128xi32>
    %lt3A_844 = arith.cmpi slt, %iota3A_208, %lt3A_843 : vector<8x128xi32>
    %and3A_845 = arith.andi %eq3A_841, %lt3A_844 : vector<8x128xi1>
    %or3A_846 = arith.ori %gt3A_839, %and3A_845 : vector<8x128xi1>
    %convert_element_type3A_847 = arith.extui %or3A_846 : vector<8x128xi1> to vector<8x128xi32>
    %convert_element_type3A_848 = arith.sitofp %convert_element_type3A_847 : vector<8x128xi32> to vector<8x128xf32>
    %reduce_sum3A_849 = arith.constant dense<0.000000e+00> : vector<8xf32>
    %reduce_sum3A_850 = vector.multi_reduction <add>, %convert_element_type3A_848, %reduce_sum3A_849 [1] : vector<8x128xf32> to vector<8xf32>
    %broadcast_in_dim3A_851 = vector.shape_cast %reduce_sum3A_850 : vector<8xf32> to vector<8x1xf32>
    %slice3A_852 = vector.extract_strided_slice %concatenate3A {offsets = [0, 43], sizes = [8, 1], strides = [1, 1]} : vector<8x128xf32> to vector<8x1xf32>
    %gt3A_853 = vector.broadcast %slice3A_852 : vector<8x1xf32> to vector<8x128xf32>
    %gt3A_854 = arith.cmpf ogt, %concatenate3A, %gt3A_853 : vector<8x128xf32>
    %eq3A_855 = vector.broadcast %slice3A_852 : vector<8x1xf32> to vector<8x128xf32>
    %eq3A_856 = arith.cmpf oeq, %concatenate3A, %eq3A_855 : vector<8x128xf32>
    %lt3A_857 = arith.constant 43 : i32
    %lt3A_858 = vector.broadcast %lt3A_857 : i32 to vector<8x128xi32>
    %lt3A_859 = arith.cmpi slt, %iota3A_208, %lt3A_858 : vector<8x128xi32>
    %and3A_860 = arith.andi %eq3A_856, %lt3A_859 : vector<8x128xi1>
    %or3A_861 = arith.ori %gt3A_854, %and3A_860 : vector<8x128xi1>
    %convert_element_type3A_862 = arith.extui %or3A_861 : vector<8x128xi1> to vector<8x128xi32>
    %convert_element_type3A_863 = arith.sitofp %convert_element_type3A_862 : vector<8x128xi32> to vector<8x128xf32>
    %reduce_sum3A_864 = arith.constant dense<0.000000e+00> : vector<8xf32>
    %reduce_sum3A_865 = vector.multi_reduction <add>, %convert_element_type3A_863, %reduce_sum3A_864 [1] : vector<8x128xf32> to vector<8xf32>
    %broadcast_in_dim3A_866 = vector.shape_cast %reduce_sum3A_865 : vector<8xf32> to vector<8x1xf32>
    %slice3A_867 = vector.extract_strided_slice %concatenate3A {offsets = [0, 44], sizes = [8, 1], strides = [1, 1]} : vector<8x128xf32> to vector<8x1xf32>
    %gt3A_868 = vector.broadcast %slice3A_867 : vector<8x1xf32> to vector<8x128xf32>
    %gt3A_869 = arith.cmpf ogt, %concatenate3A, %gt3A_868 : vector<8x128xf32>
    %eq3A_870 = vector.broadcast %slice3A_867 : vector<8x1xf32> to vector<8x128xf32>
    %eq3A_871 = arith.cmpf oeq, %concatenate3A, %eq3A_870 : vector<8x128xf32>
    %lt3A_872 = arith.constant 44 : i32
    %lt3A_873 = vector.broadcast %lt3A_872 : i32 to vector<8x128xi32>
    %lt3A_874 = arith.cmpi slt, %iota3A_208, %lt3A_873 : vector<8x128xi32>
    %and3A_875 = arith.andi %eq3A_871, %lt3A_874 : vector<8x128xi1>
    %or3A_876 = arith.ori %gt3A_869, %and3A_875 : vector<8x128xi1>
    %convert_element_type3A_877 = arith.extui %or3A_876 : vector<8x128xi1> to vector<8x128xi32>
    %convert_element_type3A_878 = arith.sitofp %convert_element_type3A_877 : vector<8x128xi32> to vector<8x128xf32>
    %reduce_sum3A_879 = arith.constant dense<0.000000e+00> : vector<8xf32>
    %reduce_sum3A_880 = vector.multi_reduction <add>, %convert_element_type3A_878, %reduce_sum3A_879 [1] : vector<8x128xf32> to vector<8xf32>
    %broadcast_in_dim3A_881 = vector.shape_cast %reduce_sum3A_880 : vector<8xf32> to vector<8x1xf32>
    %slice3A_882 = vector.extract_strided_slice %concatenate3A {offsets = [0, 45], sizes = [8, 1], strides = [1, 1]} : vector<8x128xf32> to vector<8x1xf32>
    %gt3A_883 = vector.broadcast %slice3A_882 : vector<8x1xf32> to vector<8x128xf32>
    %gt3A_884 = arith.cmpf ogt, %concatenate3A, %gt3A_883 : vector<8x128xf32>
    %eq3A_885 = vector.broadcast %slice3A_882 : vector<8x1xf32> to vector<8x128xf32>
    %eq3A_886 = arith.cmpf oeq, %concatenate3A, %eq3A_885 : vector<8x128xf32>
    %lt3A_887 = arith.constant 45 : i32
    %lt3A_888 = vector.broadcast %lt3A_887 : i32 to vector<8x128xi32>
    %lt3A_889 = arith.cmpi slt, %iota3A_208, %lt3A_888 : vector<8x128xi32>
    %and3A_890 = arith.andi %eq3A_886, %lt3A_889 : vector<8x128xi1>
    %or3A_891 = arith.ori %gt3A_884, %and3A_890 : vector<8x128xi1>
    %convert_element_type3A_892 = arith.extui %or3A_891 : vector<8x128xi1> to vector<8x128xi32>
    %convert_element_type3A_893 = arith.sitofp %convert_element_type3A_892 : vector<8x128xi32> to vector<8x128xf32>
    %reduce_sum3A_894 = arith.constant dense<0.000000e+00> : vector<8xf32>
    %reduce_sum3A_895 = vector.multi_reduction <add>, %convert_element_type3A_893, %reduce_sum3A_894 [1] : vector<8x128xf32> to vector<8xf32>
    %broadcast_in_dim3A_896 = vector.shape_cast %reduce_sum3A_895 : vector<8xf32> to vector<8x1xf32>
    %slice3A_897 = vector.extract_strided_slice %concatenate3A {offsets = [0, 46], sizes = [8, 1], strides = [1, 1]} : vector<8x128xf32> to vector<8x1xf32>
    %gt3A_898 = vector.broadcast %slice3A_897 : vector<8x1xf32> to vector<8x128xf32>
    %gt3A_899 = arith.cmpf ogt, %concatenate3A, %gt3A_898 : vector<8x128xf32>
    %eq3A_900 = vector.broadcast %slice3A_897 : vector<8x1xf32> to vector<8x128xf32>
    %eq3A_901 = arith.cmpf oeq, %concatenate3A, %eq3A_900 : vector<8x128xf32>
    %lt3A_902 = arith.constant 46 : i32
    %lt3A_903 = vector.broadcast %lt3A_902 : i32 to vector<8x128xi32>
    %lt3A_904 = arith.cmpi slt, %iota3A_208, %lt3A_903 : vector<8x128xi32>
    %and3A_905 = arith.andi %eq3A_901, %lt3A_904 : vector<8x128xi1>
    %or3A_906 = arith.ori %gt3A_899, %and3A_905 : vector<8x128xi1>
    %convert_element_type3A_907 = arith.extui %or3A_906 : vector<8x128xi1> to vector<8x128xi32>
    %convert_element_type3A_908 = arith.sitofp %convert_element_type3A_907 : vector<8x128xi32> to vector<8x128xf32>
    %reduce_sum3A_909 = arith.constant dense<0.000000e+00> : vector<8xf32>
    %reduce_sum3A_910 = vector.multi_reduction <add>, %convert_element_type3A_908, %reduce_sum3A_909 [1] : vector<8x128xf32> to vector<8xf32>
    %broadcast_in_dim3A_911 = vector.shape_cast %reduce_sum3A_910 : vector<8xf32> to vector<8x1xf32>
    %slice3A_912 = vector.extract_strided_slice %concatenate3A {offsets = [0, 47], sizes = [8, 1], strides = [1, 1]} : vector<8x128xf32> to vector<8x1xf32>
    %gt3A_913 = vector.broadcast %slice3A_912 : vector<8x1xf32> to vector<8x128xf32>
    %gt3A_914 = arith.cmpf ogt, %concatenate3A, %gt3A_913 : vector<8x128xf32>
    %eq3A_915 = vector.broadcast %slice3A_912 : vector<8x1xf32> to vector<8x128xf32>
    %eq3A_916 = arith.cmpf oeq, %concatenate3A, %eq3A_915 : vector<8x128xf32>
    %lt3A_917 = arith.constant 47 : i32
    %lt3A_918 = vector.broadcast %lt3A_917 : i32 to vector<8x128xi32>
    %lt3A_919 = arith.cmpi slt, %iota3A_208, %lt3A_918 : vector<8x128xi32>
    %and3A_920 = arith.andi %eq3A_916, %lt3A_919 : vector<8x128xi1>
    %or3A_921 = arith.ori %gt3A_914, %and3A_920 : vector<8x128xi1>
    %convert_element_type3A_922 = arith.extui %or3A_921 : vector<8x128xi1> to vector<8x128xi32>
    %convert_element_type3A_923 = arith.sitofp %convert_element_type3A_922 : vector<8x128xi32> to vector<8x128xf32>
    %reduce_sum3A_924 = arith.constant dense<0.000000e+00> : vector<8xf32>
    %reduce_sum3A_925 = vector.multi_reduction <add>, %convert_element_type3A_923, %reduce_sum3A_924 [1] : vector<8x128xf32> to vector<8xf32>
    %broadcast_in_dim3A_926 = vector.shape_cast %reduce_sum3A_925 : vector<8xf32> to vector<8x1xf32>
    %slice3A_927 = vector.extract_strided_slice %concatenate3A {offsets = [0, 48], sizes = [8, 1], strides = [1, 1]} : vector<8x128xf32> to vector<8x1xf32>
    %gt3A_928 = vector.broadcast %slice3A_927 : vector<8x1xf32> to vector<8x128xf32>
    %gt3A_929 = arith.cmpf ogt, %concatenate3A, %gt3A_928 : vector<8x128xf32>
    %eq3A_930 = vector.broadcast %slice3A_927 : vector<8x1xf32> to vector<8x128xf32>
    %eq3A_931 = arith.cmpf oeq, %concatenate3A, %eq3A_930 : vector<8x128xf32>
    %lt3A_932 = arith.constant 48 : i32
    %lt3A_933 = vector.broadcast %lt3A_932 : i32 to vector<8x128xi32>
    %lt3A_934 = arith.cmpi slt, %iota3A_208, %lt3A_933 : vector<8x128xi32>
    %and3A_935 = arith.andi %eq3A_931, %lt3A_934 : vector<8x128xi1>
    %or3A_936 = arith.ori %gt3A_929, %and3A_935 : vector<8x128xi1>
    %convert_element_type3A_937 = arith.extui %or3A_936 : vector<8x128xi1> to vector<8x128xi32>
    %convert_element_type3A_938 = arith.sitofp %convert_element_type3A_937 : vector<8x128xi32> to vector<8x128xf32>
    %reduce_sum3A_939 = arith.constant dense<0.000000e+00> : vector<8xf32>
    %reduce_sum3A_940 = vector.multi_reduction <add>, %convert_element_type3A_938, %reduce_sum3A_939 [1] : vector<8x128xf32> to vector<8xf32>
    %broadcast_in_dim3A_941 = vector.shape_cast %reduce_sum3A_940 : vector<8xf32> to vector<8x1xf32>
    %slice3A_942 = vector.extract_strided_slice %concatenate3A {offsets = [0, 49], sizes = [8, 1], strides = [1, 1]} : vector<8x128xf32> to vector<8x1xf32>
    %gt3A_943 = vector.broadcast %slice3A_942 : vector<8x1xf32> to vector<8x128xf32>
    %gt3A_944 = arith.cmpf ogt, %concatenate3A, %gt3A_943 : vector<8x128xf32>
    %eq3A_945 = vector.broadcast %slice3A_942 : vector<8x1xf32> to vector<8x128xf32>
    %eq3A_946 = arith.cmpf oeq, %concatenate3A, %eq3A_945 : vector<8x128xf32>
    %lt3A_947 = arith.constant 49 : i32
    %lt3A_948 = vector.broadcast %lt3A_947 : i32 to vector<8x128xi32>
    %lt3A_949 = arith.cmpi slt, %iota3A_208, %lt3A_948 : vector<8x128xi32>
    %and3A_950 = arith.andi %eq3A_946, %lt3A_949 : vector<8x128xi1>
    %or3A_951 = arith.ori %gt3A_944, %and3A_950 : vector<8x128xi1>
    %convert_element_type3A_952 = arith.extui %or3A_951 : vector<8x128xi1> to vector<8x128xi32>
    %convert_element_type3A_953 = arith.sitofp %convert_element_type3A_952 : vector<8x128xi32> to vector<8x128xf32>
    %reduce_sum3A_954 = arith.constant dense<0.000000e+00> : vector<8xf32>
    %reduce_sum3A_955 = vector.multi_reduction <add>, %convert_element_type3A_953, %reduce_sum3A_954 [1] : vector<8x128xf32> to vector<8xf32>
    %broadcast_in_dim3A_956 = vector.shape_cast %reduce_sum3A_955 : vector<8xf32> to vector<8x1xf32>
    %slice3A_957 = vector.extract_strided_slice %concatenate3A {offsets = [0, 50], sizes = [8, 1], strides = [1, 1]} : vector<8x128xf32> to vector<8x1xf32>
    %gt3A_958 = vector.broadcast %slice3A_957 : vector<8x1xf32> to vector<8x128xf32>
    %gt3A_959 = arith.cmpf ogt, %concatenate3A, %gt3A_958 : vector<8x128xf32>
    %eq3A_960 = vector.broadcast %slice3A_957 : vector<8x1xf32> to vector<8x128xf32>
    %eq3A_961 = arith.cmpf oeq, %concatenate3A, %eq3A_960 : vector<8x128xf32>
    %lt3A_962 = arith.constant 50 : i32
    %lt3A_963 = vector.broadcast %lt3A_962 : i32 to vector<8x128xi32>
    %lt3A_964 = arith.cmpi slt, %iota3A_208, %lt3A_963 : vector<8x128xi32>
    %and3A_965 = arith.andi %eq3A_961, %lt3A_964 : vector<8x128xi1>
    %or3A_966 = arith.ori %gt3A_959, %and3A_965 : vector<8x128xi1>
    %convert_element_type3A_967 = arith.extui %or3A_966 : vector<8x128xi1> to vector<8x128xi32>
    %convert_element_type3A_968 = arith.sitofp %convert_element_type3A_967 : vector<8x128xi32> to vector<8x128xf32>
    %reduce_sum3A_969 = arith.constant dense<0.000000e+00> : vector<8xf32>
    %reduce_sum3A_970 = vector.multi_reduction <add>, %convert_element_type3A_968, %reduce_sum3A_969 [1] : vector<8x128xf32> to vector<8xf32>
    %broadcast_in_dim3A_971 = vector.shape_cast %reduce_sum3A_970 : vector<8xf32> to vector<8x1xf32>
    %slice3A_972 = vector.extract_strided_slice %concatenate3A {offsets = [0, 51], sizes = [8, 1], strides = [1, 1]} : vector<8x128xf32> to vector<8x1xf32>
    %gt3A_973 = vector.broadcast %slice3A_972 : vector<8x1xf32> to vector<8x128xf32>
    %gt3A_974 = arith.cmpf ogt, %concatenate3A, %gt3A_973 : vector<8x128xf32>
    %eq3A_975 = vector.broadcast %slice3A_972 : vector<8x1xf32> to vector<8x128xf32>
    %eq3A_976 = arith.cmpf oeq, %concatenate3A, %eq3A_975 : vector<8x128xf32>
    %lt3A_977 = arith.constant 51 : i32
    %lt3A_978 = vector.broadcast %lt3A_977 : i32 to vector<8x128xi32>
    %lt3A_979 = arith.cmpi slt, %iota3A_208, %lt3A_978 : vector<8x128xi32>
    %and3A_980 = arith.andi %eq3A_976, %lt3A_979 : vector<8x128xi1>
    %or3A_981 = arith.ori %gt3A_974, %and3A_980 : vector<8x128xi1>
    %convert_element_type3A_982 = arith.extui %or3A_981 : vector<8x128xi1> to vector<8x128xi32>
    %convert_element_type3A_983 = arith.sitofp %convert_element_type3A_982 : vector<8x128xi32> to vector<8x128xf32>
    %reduce_sum3A_984 = arith.constant dense<0.000000e+00> : vector<8xf32>
    %reduce_sum3A_985 = vector.multi_reduction <add>, %convert_element_type3A_983, %reduce_sum3A_984 [1] : vector<8x128xf32> to vector<8xf32>
    %broadcast_in_dim3A_986 = vector.shape_cast %reduce_sum3A_985 : vector<8xf32> to vector<8x1xf32>
    %slice3A_987 = vector.extract_strided_slice %concatenate3A {offsets = [0, 52], sizes = [8, 1], strides = [1, 1]} : vector<8x128xf32> to vector<8x1xf32>
    %gt3A_988 = vector.broadcast %slice3A_987 : vector<8x1xf32> to vector<8x128xf32>
    %gt3A_989 = arith.cmpf ogt, %concatenate3A, %gt3A_988 : vector<8x128xf32>
    %eq3A_990 = vector.broadcast %slice3A_987 : vector<8x1xf32> to vector<8x128xf32>
    %eq3A_991 = arith.cmpf oeq, %concatenate3A, %eq3A_990 : vector<8x128xf32>
    %lt3A_992 = arith.constant 52 : i32
    %lt3A_993 = vector.broadcast %lt3A_992 : i32 to vector<8x128xi32>
    %lt3A_994 = arith.cmpi slt, %iota3A_208, %lt3A_993 : vector<8x128xi32>
    %and3A_995 = arith.andi %eq3A_991, %lt3A_994 : vector<8x128xi1>
    %or3A_996 = arith.ori %gt3A_989, %and3A_995 : vector<8x128xi1>
    %convert_element_type3A_997 = arith.extui %or3A_996 : vector<8x128xi1> to vector<8x128xi32>
    %convert_element_type3A_998 = arith.sitofp %convert_element_type3A_997 : vector<8x128xi32> to vector<8x128xf32>
    %reduce_sum3A_999 = arith.constant dense<0.000000e+00> : vector<8xf32>
    %reduce_sum3A_1000 = vector.multi_reduction <add>, %convert_element_type3A_998, %reduce_sum3A_999 [1] : vector<8x128xf32> to vector<8xf32>
    %broadcast_in_dim3A_1001 = vector.shape_cast %reduce_sum3A_1000 : vector<8xf32> to vector<8x1xf32>
    %slice3A_1002 = vector.extract_strided_slice %concatenate3A {offsets = [0, 53], sizes = [8, 1], strides = [1, 1]} : vector<8x128xf32> to vector<8x1xf32>
    %gt3A_1003 = vector.broadcast %slice3A_1002 : vector<8x1xf32> to vector<8x128xf32>
    %gt3A_1004 = arith.cmpf ogt, %concatenate3A, %gt3A_1003 : vector<8x128xf32>
    %eq3A_1005 = vector.broadcast %slice3A_1002 : vector<8x1xf32> to vector<8x128xf32>
    %eq3A_1006 = arith.cmpf oeq, %concatenate3A, %eq3A_1005 : vector<8x128xf32>
    %lt3A_1007 = arith.constant 53 : i32
    %lt3A_1008 = vector.broadcast %lt3A_1007 : i32 to vector<8x128xi32>
    %lt3A_1009 = arith.cmpi slt, %iota3A_208, %lt3A_1008 : vector<8x128xi32>
    %and3A_1010 = arith.andi %eq3A_1006, %lt3A_1009 : vector<8x128xi1>
    %or3A_1011 = arith.ori %gt3A_1004, %and3A_1010 : vector<8x128xi1>
    %convert_element_type3A_1012 = arith.extui %or3A_1011 : vector<8x128xi1> to vector<8x128xi32>
    %convert_element_type3A_1013 = arith.sitofp %convert_element_type3A_1012 : vector<8x128xi32> to vector<8x128xf32>
    %reduce_sum3A_1014 = arith.constant dense<0.000000e+00> : vector<8xf32>
    %reduce_sum3A_1015 = vector.multi_reduction <add>, %convert_element_type3A_1013, %reduce_sum3A_1014 [1] : vector<8x128xf32> to vector<8xf32>
    %broadcast_in_dim3A_1016 = vector.shape_cast %reduce_sum3A_1015 : vector<8xf32> to vector<8x1xf32>
    %slice3A_1017 = vector.extract_strided_slice %concatenate3A {offsets = [0, 54], sizes = [8, 1], strides = [1, 1]} : vector<8x128xf32> to vector<8x1xf32>
    %gt3A_1018 = vector.broadcast %slice3A_1017 : vector<8x1xf32> to vector<8x128xf32>
    %gt3A_1019 = arith.cmpf ogt, %concatenate3A, %gt3A_1018 : vector<8x128xf32>
    %eq3A_1020 = vector.broadcast %slice3A_1017 : vector<8x1xf32> to vector<8x128xf32>
    %eq3A_1021 = arith.cmpf oeq, %concatenate3A, %eq3A_1020 : vector<8x128xf32>
    %lt3A_1022 = arith.constant 54 : i32
    %lt3A_1023 = vector.broadcast %lt3A_1022 : i32 to vector<8x128xi32>
    %lt3A_1024 = arith.cmpi slt, %iota3A_208, %lt3A_1023 : vector<8x128xi32>
    %and3A_1025 = arith.andi %eq3A_1021, %lt3A_1024 : vector<8x128xi1>
    %or3A_1026 = arith.ori %gt3A_1019, %and3A_1025 : vector<8x128xi1>
    %convert_element_type3A_1027 = arith.extui %or3A_1026 : vector<8x128xi1> to vector<8x128xi32>
    %convert_element_type3A_1028 = arith.sitofp %convert_element_type3A_1027 : vector<8x128xi32> to vector<8x128xf32>
    %reduce_sum3A_1029 = arith.constant dense<0.000000e+00> : vector<8xf32>
    %reduce_sum3A_1030 = vector.multi_reduction <add>, %convert_element_type3A_1028, %reduce_sum3A_1029 [1] : vector<8x128xf32> to vector<8xf32>
    %broadcast_in_dim3A_1031 = vector.shape_cast %reduce_sum3A_1030 : vector<8xf32> to vector<8x1xf32>
    %slice3A_1032 = vector.extract_strided_slice %concatenate3A {offsets = [0, 55], sizes = [8, 1], strides = [1, 1]} : vector<8x128xf32> to vector<8x1xf32>
    %gt3A_1033 = vector.broadcast %slice3A_1032 : vector<8x1xf32> to vector<8x128xf32>
    %gt3A_1034 = arith.cmpf ogt, %concatenate3A, %gt3A_1033 : vector<8x128xf32>
    %eq3A_1035 = vector.broadcast %slice3A_1032 : vector<8x1xf32> to vector<8x128xf32>
    %eq3A_1036 = arith.cmpf oeq, %concatenate3A, %eq3A_1035 : vector<8x128xf32>
    %lt3A_1037 = arith.constant 55 : i32
    %lt3A_1038 = vector.broadcast %lt3A_1037 : i32 to vector<8x128xi32>
    %lt3A_1039 = arith.cmpi slt, %iota3A_208, %lt3A_1038 : vector<8x128xi32>
    %and3A_1040 = arith.andi %eq3A_1036, %lt3A_1039 : vector<8x128xi1>
    %or3A_1041 = arith.ori %gt3A_1034, %and3A_1040 : vector<8x128xi1>
    %convert_element_type3A_1042 = arith.extui %or3A_1041 : vector<8x128xi1> to vector<8x128xi32>
    %convert_element_type3A_1043 = arith.sitofp %convert_element_type3A_1042 : vector<8x128xi32> to vector<8x128xf32>
    %reduce_sum3A_1044 = arith.constant dense<0.000000e+00> : vector<8xf32>
    %reduce_sum3A_1045 = vector.multi_reduction <add>, %convert_element_type3A_1043, %reduce_sum3A_1044 [1] : vector<8x128xf32> to vector<8xf32>
    %broadcast_in_dim3A_1046 = vector.shape_cast %reduce_sum3A_1045 : vector<8xf32> to vector<8x1xf32>
    %slice3A_1047 = vector.extract_strided_slice %concatenate3A {offsets = [0, 56], sizes = [8, 1], strides = [1, 1]} : vector<8x128xf32> to vector<8x1xf32>
    %gt3A_1048 = vector.broadcast %slice3A_1047 : vector<8x1xf32> to vector<8x128xf32>
    %gt3A_1049 = arith.cmpf ogt, %concatenate3A, %gt3A_1048 : vector<8x128xf32>
    %eq3A_1050 = vector.broadcast %slice3A_1047 : vector<8x1xf32> to vector<8x128xf32>
    %eq3A_1051 = arith.cmpf oeq, %concatenate3A, %eq3A_1050 : vector<8x128xf32>
    %lt3A_1052 = arith.constant 56 : i32
    %lt3A_1053 = vector.broadcast %lt3A_1052 : i32 to vector<8x128xi32>
    %lt3A_1054 = arith.cmpi slt, %iota3A_208, %lt3A_1053 : vector<8x128xi32>
    %and3A_1055 = arith.andi %eq3A_1051, %lt3A_1054 : vector<8x128xi1>
    %or3A_1056 = arith.ori %gt3A_1049, %and3A_1055 : vector<8x128xi1>
    %convert_element_type3A_1057 = arith.extui %or3A_1056 : vector<8x128xi1> to vector<8x128xi32>
    %convert_element_type3A_1058 = arith.sitofp %convert_element_type3A_1057 : vector<8x128xi32> to vector<8x128xf32>
    %reduce_sum3A_1059 = arith.constant dense<0.000000e+00> : vector<8xf32>
    %reduce_sum3A_1060 = vector.multi_reduction <add>, %convert_element_type3A_1058, %reduce_sum3A_1059 [1] : vector<8x128xf32> to vector<8xf32>
    %broadcast_in_dim3A_1061 = vector.shape_cast %reduce_sum3A_1060 : vector<8xf32> to vector<8x1xf32>
    %slice3A_1062 = vector.extract_strided_slice %concatenate3A {offsets = [0, 57], sizes = [8, 1], strides = [1, 1]} : vector<8x128xf32> to vector<8x1xf32>
    %gt3A_1063 = vector.broadcast %slice3A_1062 : vector<8x1xf32> to vector<8x128xf32>
    %gt3A_1064 = arith.cmpf ogt, %concatenate3A, %gt3A_1063 : vector<8x128xf32>
    %eq3A_1065 = vector.broadcast %slice3A_1062 : vector<8x1xf32> to vector<8x128xf32>
    %eq3A_1066 = arith.cmpf oeq, %concatenate3A, %eq3A_1065 : vector<8x128xf32>
    %lt3A_1067 = arith.constant 57 : i32
    %lt3A_1068 = vector.broadcast %lt3A_1067 : i32 to vector<8x128xi32>
    %lt3A_1069 = arith.cmpi slt, %iota3A_208, %lt3A_1068 : vector<8x128xi32>
    %and3A_1070 = arith.andi %eq3A_1066, %lt3A_1069 : vector<8x128xi1>
    %or3A_1071 = arith.ori %gt3A_1064, %and3A_1070 : vector<8x128xi1>
    %convert_element_type3A_1072 = arith.extui %or3A_1071 : vector<8x128xi1> to vector<8x128xi32>
    %convert_element_type3A_1073 = arith.sitofp %convert_element_type3A_1072 : vector<8x128xi32> to vector<8x128xf32>
    %reduce_sum3A_1074 = arith.constant dense<0.000000e+00> : vector<8xf32>
    %reduce_sum3A_1075 = vector.multi_reduction <add>, %convert_element_type3A_1073, %reduce_sum3A_1074 [1] : vector<8x128xf32> to vector<8xf32>
    %broadcast_in_dim3A_1076 = vector.shape_cast %reduce_sum3A_1075 : vector<8xf32> to vector<8x1xf32>
    %slice3A_1077 = vector.extract_strided_slice %concatenate3A {offsets = [0, 58], sizes = [8, 1], strides = [1, 1]} : vector<8x128xf32> to vector<8x1xf32>
    %gt3A_1078 = vector.broadcast %slice3A_1077 : vector<8x1xf32> to vector<8x128xf32>
    %gt3A_1079 = arith.cmpf ogt, %concatenate3A, %gt3A_1078 : vector<8x128xf32>
    %eq3A_1080 = vector.broadcast %slice3A_1077 : vector<8x1xf32> to vector<8x128xf32>
    %eq3A_1081 = arith.cmpf oeq, %concatenate3A, %eq3A_1080 : vector<8x128xf32>
    %lt3A_1082 = arith.constant 58 : i32
    %lt3A_1083 = vector.broadcast %lt3A_1082 : i32 to vector<8x128xi32>
    %lt3A_1084 = arith.cmpi slt, %iota3A_208, %lt3A_1083 : vector<8x128xi32>
    %and3A_1085 = arith.andi %eq3A_1081, %lt3A_1084 : vector<8x128xi1>
    %or3A_1086 = arith.ori %gt3A_1079, %and3A_1085 : vector<8x128xi1>
    %convert_element_type3A_1087 = arith.extui %or3A_1086 : vector<8x128xi1> to vector<8x128xi32>
    %convert_element_type3A_1088 = arith.sitofp %convert_element_type3A_1087 : vector<8x128xi32> to vector<8x128xf32>
    %reduce_sum3A_1089 = arith.constant dense<0.000000e+00> : vector<8xf32>
    %reduce_sum3A_1090 = vector.multi_reduction <add>, %convert_element_type3A_1088, %reduce_sum3A_1089 [1] : vector<8x128xf32> to vector<8xf32>
    %broadcast_in_dim3A_1091 = vector.shape_cast %reduce_sum3A_1090 : vector<8xf32> to vector<8x1xf32>
    %slice3A_1092 = vector.extract_strided_slice %concatenate3A {offsets = [0, 59], sizes = [8, 1], strides = [1, 1]} : vector<8x128xf32> to vector<8x1xf32>
    %gt3A_1093 = vector.broadcast %slice3A_1092 : vector<8x1xf32> to vector<8x128xf32>
    %gt3A_1094 = arith.cmpf ogt, %concatenate3A, %gt3A_1093 : vector<8x128xf32>
    %eq3A_1095 = vector.broadcast %slice3A_1092 : vector<8x1xf32> to vector<8x128xf32>
    %eq3A_1096 = arith.cmpf oeq, %concatenate3A, %eq3A_1095 : vector<8x128xf32>
    %lt3A_1097 = arith.constant 59 : i32
    %lt3A_1098 = vector.broadcast %lt3A_1097 : i32 to vector<8x128xi32>
    %lt3A_1099 = arith.cmpi slt, %iota3A_208, %lt3A_1098 : vector<8x128xi32>
    %and3A_1100 = arith.andi %eq3A_1096, %lt3A_1099 : vector<8x128xi1>
    %or3A_1101 = arith.ori %gt3A_1094, %and3A_1100 : vector<8x128xi1>
    %convert_element_type3A_1102 = arith.extui %or3A_1101 : vector<8x128xi1> to vector<8x128xi32>
    %convert_element_type3A_1103 = arith.sitofp %convert_element_type3A_1102 : vector<8x128xi32> to vector<8x128xf32>
    %reduce_sum3A_1104 = arith.constant dense<0.000000e+00> : vector<8xf32>
    %reduce_sum3A_1105 = vector.multi_reduction <add>, %convert_element_type3A_1103, %reduce_sum3A_1104 [1] : vector<8x128xf32> to vector<8xf32>
    %broadcast_in_dim3A_1106 = vector.shape_cast %reduce_sum3A_1105 : vector<8xf32> to vector<8x1xf32>
    %slice3A_1107 = vector.extract_strided_slice %concatenate3A {offsets = [0, 60], sizes = [8, 1], strides = [1, 1]} : vector<8x128xf32> to vector<8x1xf32>
    %gt3A_1108 = vector.broadcast %slice3A_1107 : vector<8x1xf32> to vector<8x128xf32>
    %gt3A_1109 = arith.cmpf ogt, %concatenate3A, %gt3A_1108 : vector<8x128xf32>
    %eq3A_1110 = vector.broadcast %slice3A_1107 : vector<8x1xf32> to vector<8x128xf32>
    %eq3A_1111 = arith.cmpf oeq, %concatenate3A, %eq3A_1110 : vector<8x128xf32>
    %lt3A_1112 = arith.constant 60 : i32
    %lt3A_1113 = vector.broadcast %lt3A_1112 : i32 to vector<8x128xi32>
    %lt3A_1114 = arith.cmpi slt, %iota3A_208, %lt3A_1113 : vector<8x128xi32>
    %and3A_1115 = arith.andi %eq3A_1111, %lt3A_1114 : vector<8x128xi1>
    %or3A_1116 = arith.ori %gt3A_1109, %and3A_1115 : vector<8x128xi1>
    %convert_element_type3A_1117 = arith.extui %or3A_1116 : vector<8x128xi1> to vector<8x128xi32>
    %convert_element_type3A_1118 = arith.sitofp %convert_element_type3A_1117 : vector<8x128xi32> to vector<8x128xf32>
    %reduce_sum3A_1119 = arith.constant dense<0.000000e+00> : vector<8xf32>
    %reduce_sum3A_1120 = vector.multi_reduction <add>, %convert_element_type3A_1118, %reduce_sum3A_1119 [1] : vector<8x128xf32> to vector<8xf32>
    %broadcast_in_dim3A_1121 = vector.shape_cast %reduce_sum3A_1120 : vector<8xf32> to vector<8x1xf32>
    %slice3A_1122 = vector.extract_strided_slice %concatenate3A {offsets = [0, 61], sizes = [8, 1], strides = [1, 1]} : vector<8x128xf32> to vector<8x1xf32>
    %gt3A_1123 = vector.broadcast %slice3A_1122 : vector<8x1xf32> to vector<8x128xf32>
    %gt3A_1124 = arith.cmpf ogt, %concatenate3A, %gt3A_1123 : vector<8x128xf32>
    %eq3A_1125 = vector.broadcast %slice3A_1122 : vector<8x1xf32> to vector<8x128xf32>
    %eq3A_1126 = arith.cmpf oeq, %concatenate3A, %eq3A_1125 : vector<8x128xf32>
    %lt3A_1127 = arith.constant 61 : i32
    %lt3A_1128 = vector.broadcast %lt3A_1127 : i32 to vector<8x128xi32>
    %lt3A_1129 = arith.cmpi slt, %iota3A_208, %lt3A_1128 : vector<8x128xi32>
    %and3A_1130 = arith.andi %eq3A_1126, %lt3A_1129 : vector<8x128xi1>
    %or3A_1131 = arith.ori %gt3A_1124, %and3A_1130 : vector<8x128xi1>
    %convert_element_type3A_1132 = arith.extui %or3A_1131 : vector<8x128xi1> to vector<8x128xi32>
    %convert_element_type3A_1133 = arith.sitofp %convert_element_type3A_1132 : vector<8x128xi32> to vector<8x128xf32>
    %reduce_sum3A_1134 = arith.constant dense<0.000000e+00> : vector<8xf32>
    %reduce_sum3A_1135 = vector.multi_reduction <add>, %convert_element_type3A_1133, %reduce_sum3A_1134 [1] : vector<8x128xf32> to vector<8xf32>
    %broadcast_in_dim3A_1136 = vector.shape_cast %reduce_sum3A_1135 : vector<8xf32> to vector<8x1xf32>
    %slice3A_1137 = vector.extract_strided_slice %concatenate3A {offsets = [0, 62], sizes = [8, 1], strides = [1, 1]} : vector<8x128xf32> to vector<8x1xf32>
    %gt3A_1138 = vector.broadcast %slice3A_1137 : vector<8x1xf32> to vector<8x128xf32>
    %gt3A_1139 = arith.cmpf ogt, %concatenate3A, %gt3A_1138 : vector<8x128xf32>
    %eq3A_1140 = vector.broadcast %slice3A_1137 : vector<8x1xf32> to vector<8x128xf32>
    %eq3A_1141 = arith.cmpf oeq, %concatenate3A, %eq3A_1140 : vector<8x128xf32>
    %lt3A_1142 = arith.constant 62 : i32
    %lt3A_1143 = vector.broadcast %lt3A_1142 : i32 to vector<8x128xi32>
    %lt3A_1144 = arith.cmpi slt, %iota3A_208, %lt3A_1143 : vector<8x128xi32>
    %and3A_1145 = arith.andi %eq3A_1141, %lt3A_1144 : vector<8x128xi1>
    %or3A_1146 = arith.ori %gt3A_1139, %and3A_1145 : vector<8x128xi1>
    %convert_element_type3A_1147 = arith.extui %or3A_1146 : vector<8x128xi1> to vector<8x128xi32>
    %convert_element_type3A_1148 = arith.sitofp %convert_element_type3A_1147 : vector<8x128xi32> to vector<8x128xf32>
    %reduce_sum3A_1149 = arith.constant dense<0.000000e+00> : vector<8xf32>
    %reduce_sum3A_1150 = vector.multi_reduction <add>, %convert_element_type3A_1148, %reduce_sum3A_1149 [1] : vector<8x128xf32> to vector<8xf32>
    %broadcast_in_dim3A_1151 = vector.shape_cast %reduce_sum3A_1150 : vector<8xf32> to vector<8x1xf32>
    %slice3A_1152 = vector.extract_strided_slice %concatenate3A {offsets = [0, 63], sizes = [8, 1], strides = [1, 1]} : vector<8x128xf32> to vector<8x1xf32>
    %gt3A_1153 = vector.broadcast %slice3A_1152 : vector<8x1xf32> to vector<8x128xf32>
    %gt3A_1154 = arith.cmpf ogt, %concatenate3A, %gt3A_1153 : vector<8x128xf32>
    %eq3A_1155 = vector.broadcast %slice3A_1152 : vector<8x1xf32> to vector<8x128xf32>
    %eq3A_1156 = arith.cmpf oeq, %concatenate3A, %eq3A_1155 : vector<8x128xf32>
    %lt3A_1157 = arith.constant 63 : i32
    %lt3A_1158 = vector.broadcast %lt3A_1157 : i32 to vector<8x128xi32>
    %lt3A_1159 = arith.cmpi slt, %iota3A_208, %lt3A_1158 : vector<8x128xi32>
    %and3A_1160 = arith.andi %eq3A_1156, %lt3A_1159 : vector<8x128xi1>
    %or3A_1161 = arith.ori %gt3A_1154, %and3A_1160 : vector<8x128xi1>
    %convert_element_type3A_1162 = arith.extui %or3A_1161 : vector<8x128xi1> to vector<8x128xi32>
    %convert_element_type3A_1163 = arith.sitofp %convert_element_type3A_1162 : vector<8x128xi32> to vector<8x128xf32>
    %reduce_sum3A_1164 = arith.constant dense<0.000000e+00> : vector<8xf32>
    %reduce_sum3A_1165 = vector.multi_reduction <add>, %convert_element_type3A_1163, %reduce_sum3A_1164 [1] : vector<8x128xf32> to vector<8xf32>
    %broadcast_in_dim3A_1166 = vector.shape_cast %reduce_sum3A_1165 : vector<8xf32> to vector<8x1xf32>
    %slice3A_1167 = vector.extract_strided_slice %concatenate3A {offsets = [0, 64], sizes = [8, 1], strides = [1, 1]} : vector<8x128xf32> to vector<8x1xf32>
    %gt3A_1168 = vector.broadcast %slice3A_1167 : vector<8x1xf32> to vector<8x128xf32>
    %gt3A_1169 = arith.cmpf ogt, %concatenate3A, %gt3A_1168 : vector<8x128xf32>
    %eq3A_1170 = vector.broadcast %slice3A_1167 : vector<8x1xf32> to vector<8x128xf32>
    %eq3A_1171 = arith.cmpf oeq, %concatenate3A, %eq3A_1170 : vector<8x128xf32>
    %lt3A_1172 = arith.constant 64 : i32
    %lt3A_1173 = vector.broadcast %lt3A_1172 : i32 to vector<8x128xi32>
    %lt3A_1174 = arith.cmpi slt, %iota3A_208, %lt3A_1173 : vector<8x128xi32>
    %and3A_1175 = arith.andi %eq3A_1171, %lt3A_1174 : vector<8x128xi1>
    %or3A_1176 = arith.ori %gt3A_1169, %and3A_1175 : vector<8x128xi1>
    %convert_element_type3A_1177 = arith.extui %or3A_1176 : vector<8x128xi1> to vector<8x128xi32>
    %convert_element_type3A_1178 = arith.sitofp %convert_element_type3A_1177 : vector<8x128xi32> to vector<8x128xf32>
    %reduce_sum3A_1179 = arith.constant dense<0.000000e+00> : vector<8xf32>
    %reduce_sum3A_1180 = vector.multi_reduction <add>, %convert_element_type3A_1178, %reduce_sum3A_1179 [1] : vector<8x128xf32> to vector<8xf32>
    %broadcast_in_dim3A_1181 = vector.shape_cast %reduce_sum3A_1180 : vector<8xf32> to vector<8x1xf32>
    %slice3A_1182 = vector.extract_strided_slice %concatenate3A {offsets = [0, 65], sizes = [8, 1], strides = [1, 1]} : vector<8x128xf32> to vector<8x1xf32>
    %gt3A_1183 = vector.broadcast %slice3A_1182 : vector<8x1xf32> to vector<8x128xf32>
    %gt3A_1184 = arith.cmpf ogt, %concatenate3A, %gt3A_1183 : vector<8x128xf32>
    %eq3A_1185 = vector.broadcast %slice3A_1182 : vector<8x1xf32> to vector<8x128xf32>
    %eq3A_1186 = arith.cmpf oeq, %concatenate3A, %eq3A_1185 : vector<8x128xf32>
    %lt3A_1187 = arith.constant 65 : i32
    %lt3A_1188 = vector.broadcast %lt3A_1187 : i32 to vector<8x128xi32>
    %lt3A_1189 = arith.cmpi slt, %iota3A_208, %lt3A_1188 : vector<8x128xi32>
    %and3A_1190 = arith.andi %eq3A_1186, %lt3A_1189 : vector<8x128xi1>
    %or3A_1191 = arith.ori %gt3A_1184, %and3A_1190 : vector<8x128xi1>
    %convert_element_type3A_1192 = arith.extui %or3A_1191 : vector<8x128xi1> to vector<8x128xi32>
    %convert_element_type3A_1193 = arith.sitofp %convert_element_type3A_1192 : vector<8x128xi32> to vector<8x128xf32>
    %reduce_sum3A_1194 = arith.constant dense<0.000000e+00> : vector<8xf32>
    %reduce_sum3A_1195 = vector.multi_reduction <add>, %convert_element_type3A_1193, %reduce_sum3A_1194 [1] : vector<8x128xf32> to vector<8xf32>
    %broadcast_in_dim3A_1196 = vector.shape_cast %reduce_sum3A_1195 : vector<8xf32> to vector<8x1xf32>
    %slice3A_1197 = vector.extract_strided_slice %concatenate3A {offsets = [0, 66], sizes = [8, 1], strides = [1, 1]} : vector<8x128xf32> to vector<8x1xf32>
    %gt3A_1198 = vector.broadcast %slice3A_1197 : vector<8x1xf32> to vector<8x128xf32>
    %gt3A_1199 = arith.cmpf ogt, %concatenate3A, %gt3A_1198 : vector<8x128xf32>
    %eq3A_1200 = vector.broadcast %slice3A_1197 : vector<8x1xf32> to vector<8x128xf32>
    %eq3A_1201 = arith.cmpf oeq, %concatenate3A, %eq3A_1200 : vector<8x128xf32>
    %lt3A_1202 = arith.constant 66 : i32
    %lt3A_1203 = vector.broadcast %lt3A_1202 : i32 to vector<8x128xi32>
    %lt3A_1204 = arith.cmpi slt, %iota3A_208, %lt3A_1203 : vector<8x128xi32>
    %and3A_1205 = arith.andi %eq3A_1201, %lt3A_1204 : vector<8x128xi1>
    %or3A_1206 = arith.ori %gt3A_1199, %and3A_1205 : vector<8x128xi1>
    %convert_element_type3A_1207 = arith.extui %or3A_1206 : vector<8x128xi1> to vector<8x128xi32>
    %convert_element_type3A_1208 = arith.sitofp %convert_element_type3A_1207 : vector<8x128xi32> to vector<8x128xf32>
    %reduce_sum3A_1209 = arith.constant dense<0.000000e+00> : vector<8xf32>
    %reduce_sum3A_1210 = vector.multi_reduction <add>, %convert_element_type3A_1208, %reduce_sum3A_1209 [1] : vector<8x128xf32> to vector<8xf32>
    %broadcast_in_dim3A_1211 = vector.shape_cast %reduce_sum3A_1210 : vector<8xf32> to vector<8x1xf32>
    %slice3A_1212 = vector.extract_strided_slice %concatenate3A {offsets = [0, 67], sizes = [8, 1], strides = [1, 1]} : vector<8x128xf32> to vector<8x1xf32>
    %gt3A_1213 = vector.broadcast %slice3A_1212 : vector<8x1xf32> to vector<8x128xf32>
    %gt3A_1214 = arith.cmpf ogt, %concatenate3A, %gt3A_1213 : vector<8x128xf32>
    %eq3A_1215 = vector.broadcast %slice3A_1212 : vector<8x1xf32> to vector<8x128xf32>
    %eq3A_1216 = arith.cmpf oeq, %concatenate3A, %eq3A_1215 : vector<8x128xf32>
    %lt3A_1217 = arith.constant 67 : i32
    %lt3A_1218 = vector.broadcast %lt3A_1217 : i32 to vector<8x128xi32>
    %lt3A_1219 = arith.cmpi slt, %iota3A_208, %lt3A_1218 : vector<8x128xi32>
    %and3A_1220 = arith.andi %eq3A_1216, %lt3A_1219 : vector<8x128xi1>
    %or3A_1221 = arith.ori %gt3A_1214, %and3A_1220 : vector<8x128xi1>
    %convert_element_type3A_1222 = arith.extui %or3A_1221 : vector<8x128xi1> to vector<8x128xi32>
    %convert_element_type3A_1223 = arith.sitofp %convert_element_type3A_1222 : vector<8x128xi32> to vector<8x128xf32>
    %reduce_sum3A_1224 = arith.constant dense<0.000000e+00> : vector<8xf32>
    %reduce_sum3A_1225 = vector.multi_reduction <add>, %convert_element_type3A_1223, %reduce_sum3A_1224 [1] : vector<8x128xf32> to vector<8xf32>
    %broadcast_in_dim3A_1226 = vector.shape_cast %reduce_sum3A_1225 : vector<8xf32> to vector<8x1xf32>
    %slice3A_1227 = vector.extract_strided_slice %concatenate3A {offsets = [0, 68], sizes = [8, 1], strides = [1, 1]} : vector<8x128xf32> to vector<8x1xf32>
    %gt3A_1228 = vector.broadcast %slice3A_1227 : vector<8x1xf32> to vector<8x128xf32>
    %gt3A_1229 = arith.cmpf ogt, %concatenate3A, %gt3A_1228 : vector<8x128xf32>
    %eq3A_1230 = vector.broadcast %slice3A_1227 : vector<8x1xf32> to vector<8x128xf32>
    %eq3A_1231 = arith.cmpf oeq, %concatenate3A, %eq3A_1230 : vector<8x128xf32>
    %lt3A_1232 = arith.constant 68 : i32
    %lt3A_1233 = vector.broadcast %lt3A_1232 : i32 to vector<8x128xi32>
    %lt3A_1234 = arith.cmpi slt, %iota3A_208, %lt3A_1233 : vector<8x128xi32>
    %and3A_1235 = arith.andi %eq3A_1231, %lt3A_1234 : vector<8x128xi1>
    %or3A_1236 = arith.ori %gt3A_1229, %and3A_1235 : vector<8x128xi1>
    %convert_element_type3A_1237 = arith.extui %or3A_1236 : vector<8x128xi1> to vector<8x128xi32>
    %convert_element_type3A_1238 = arith.sitofp %convert_element_type3A_1237 : vector<8x128xi32> to vector<8x128xf32>
    %reduce_sum3A_1239 = arith.constant dense<0.000000e+00> : vector<8xf32>
    %reduce_sum3A_1240 = vector.multi_reduction <add>, %convert_element_type3A_1238, %reduce_sum3A_1239 [1] : vector<8x128xf32> to vector<8xf32>
    %broadcast_in_dim3A_1241 = vector.shape_cast %reduce_sum3A_1240 : vector<8xf32> to vector<8x1xf32>
    %slice3A_1242 = vector.extract_strided_slice %concatenate3A {offsets = [0, 69], sizes = [8, 1], strides = [1, 1]} : vector<8x128xf32> to vector<8x1xf32>
    %gt3A_1243 = vector.broadcast %slice3A_1242 : vector<8x1xf32> to vector<8x128xf32>
    %gt3A_1244 = arith.cmpf ogt, %concatenate3A, %gt3A_1243 : vector<8x128xf32>
    %eq3A_1245 = vector.broadcast %slice3A_1242 : vector<8x1xf32> to vector<8x128xf32>
    %eq3A_1246 = arith.cmpf oeq, %concatenate3A, %eq3A_1245 : vector<8x128xf32>
    %lt3A_1247 = arith.constant 69 : i32
    %lt3A_1248 = vector.broadcast %lt3A_1247 : i32 to vector<8x128xi32>
    %lt3A_1249 = arith.cmpi slt, %iota3A_208, %lt3A_1248 : vector<8x128xi32>
    %and3A_1250 = arith.andi %eq3A_1246, %lt3A_1249 : vector<8x128xi1>
    %or3A_1251 = arith.ori %gt3A_1244, %and3A_1250 : vector<8x128xi1>
    %convert_element_type3A_1252 = arith.extui %or3A_1251 : vector<8x128xi1> to vector<8x128xi32>
    %convert_element_type3A_1253 = arith.sitofp %convert_element_type3A_1252 : vector<8x128xi32> to vector<8x128xf32>
    %reduce_sum3A_1254 = arith.constant dense<0.000000e+00> : vector<8xf32>
    %reduce_sum3A_1255 = vector.multi_reduction <add>, %convert_element_type3A_1253, %reduce_sum3A_1254 [1] : vector<8x128xf32> to vector<8xf32>
    %broadcast_in_dim3A_1256 = vector.shape_cast %reduce_sum3A_1255 : vector<8xf32> to vector<8x1xf32>
    %slice3A_1257 = vector.extract_strided_slice %concatenate3A {offsets = [0, 70], sizes = [8, 1], strides = [1, 1]} : vector<8x128xf32> to vector<8x1xf32>
    %gt3A_1258 = vector.broadcast %slice3A_1257 : vector<8x1xf32> to vector<8x128xf32>
    %gt3A_1259 = arith.cmpf ogt, %concatenate3A, %gt3A_1258 : vector<8x128xf32>
    %eq3A_1260 = vector.broadcast %slice3A_1257 : vector<8x1xf32> to vector<8x128xf32>
    %eq3A_1261 = arith.cmpf oeq, %concatenate3A, %eq3A_1260 : vector<8x128xf32>
    %lt3A_1262 = arith.constant 70 : i32
    %lt3A_1263 = vector.broadcast %lt3A_1262 : i32 to vector<8x128xi32>
    %lt3A_1264 = arith.cmpi slt, %iota3A_208, %lt3A_1263 : vector<8x128xi32>
    %and3A_1265 = arith.andi %eq3A_1261, %lt3A_1264 : vector<8x128xi1>
    %or3A_1266 = arith.ori %gt3A_1259, %and3A_1265 : vector<8x128xi1>
    %convert_element_type3A_1267 = arith.extui %or3A_1266 : vector<8x128xi1> to vector<8x128xi32>
    %convert_element_type3A_1268 = arith.sitofp %convert_element_type3A_1267 : vector<8x128xi32> to vector<8x128xf32>
    %reduce_sum3A_1269 = arith.constant dense<0.000000e+00> : vector<8xf32>
    %reduce_sum3A_1270 = vector.multi_reduction <add>, %convert_element_type3A_1268, %reduce_sum3A_1269 [1] : vector<8x128xf32> to vector<8xf32>
    %broadcast_in_dim3A_1271 = vector.shape_cast %reduce_sum3A_1270 : vector<8xf32> to vector<8x1xf32>
    %slice3A_1272 = vector.extract_strided_slice %concatenate3A {offsets = [0, 71], sizes = [8, 1], strides = [1, 1]} : vector<8x128xf32> to vector<8x1xf32>
    %gt3A_1273 = vector.broadcast %slice3A_1272 : vector<8x1xf32> to vector<8x128xf32>
    %gt3A_1274 = arith.cmpf ogt, %concatenate3A, %gt3A_1273 : vector<8x128xf32>
    %eq3A_1275 = vector.broadcast %slice3A_1272 : vector<8x1xf32> to vector<8x128xf32>
    %eq3A_1276 = arith.cmpf oeq, %concatenate3A, %eq3A_1275 : vector<8x128xf32>
    %lt3A_1277 = arith.constant 71 : i32
    %lt3A_1278 = vector.broadcast %lt3A_1277 : i32 to vector<8x128xi32>
    %lt3A_1279 = arith.cmpi slt, %iota3A_208, %lt3A_1278 : vector<8x128xi32>
    %and3A_1280 = arith.andi %eq3A_1276, %lt3A_1279 : vector<8x128xi1>
    %or3A_1281 = arith.ori %gt3A_1274, %and3A_1280 : vector<8x128xi1>
    %convert_element_type3A_1282 = arith.extui %or3A_1281 : vector<8x128xi1> to vector<8x128xi32>
    %convert_element_type3A_1283 = arith.sitofp %convert_element_type3A_1282 : vector<8x128xi32> to vector<8x128xf32>
    %reduce_sum3A_1284 = arith.constant dense<0.000000e+00> : vector<8xf32>
    %reduce_sum3A_1285 = vector.multi_reduction <add>, %convert_element_type3A_1283, %reduce_sum3A_1284 [1] : vector<8x128xf32> to vector<8xf32>
    %broadcast_in_dim3A_1286 = vector.shape_cast %reduce_sum3A_1285 : vector<8xf32> to vector<8x1xf32>
    %slice3A_1287 = vector.extract_strided_slice %concatenate3A {offsets = [0, 72], sizes = [8, 1], strides = [1, 1]} : vector<8x128xf32> to vector<8x1xf32>
    %gt3A_1288 = vector.broadcast %slice3A_1287 : vector<8x1xf32> to vector<8x128xf32>
    %gt3A_1289 = arith.cmpf ogt, %concatenate3A, %gt3A_1288 : vector<8x128xf32>
    %eq3A_1290 = vector.broadcast %slice3A_1287 : vector<8x1xf32> to vector<8x128xf32>
    %eq3A_1291 = arith.cmpf oeq, %concatenate3A, %eq3A_1290 : vector<8x128xf32>
    %lt3A_1292 = arith.constant 72 : i32
    %lt3A_1293 = vector.broadcast %lt3A_1292 : i32 to vector<8x128xi32>
    %lt3A_1294 = arith.cmpi slt, %iota3A_208, %lt3A_1293 : vector<8x128xi32>
    %and3A_1295 = arith.andi %eq3A_1291, %lt3A_1294 : vector<8x128xi1>
    %or3A_1296 = arith.ori %gt3A_1289, %and3A_1295 : vector<8x128xi1>
    %convert_element_type3A_1297 = arith.extui %or3A_1296 : vector<8x128xi1> to vector<8x128xi32>
    %convert_element_type3A_1298 = arith.sitofp %convert_element_type3A_1297 : vector<8x128xi32> to vector<8x128xf32>
    %reduce_sum3A_1299 = arith.constant dense<0.000000e+00> : vector<8xf32>
    %reduce_sum3A_1300 = vector.multi_reduction <add>, %convert_element_type3A_1298, %reduce_sum3A_1299 [1] : vector<8x128xf32> to vector<8xf32>
    %broadcast_in_dim3A_1301 = vector.shape_cast %reduce_sum3A_1300 : vector<8xf32> to vector<8x1xf32>
    %slice3A_1302 = vector.extract_strided_slice %concatenate3A {offsets = [0, 73], sizes = [8, 1], strides = [1, 1]} : vector<8x128xf32> to vector<8x1xf32>
    %gt3A_1303 = vector.broadcast %slice3A_1302 : vector<8x1xf32> to vector<8x128xf32>
    %gt3A_1304 = arith.cmpf ogt, %concatenate3A, %gt3A_1303 : vector<8x128xf32>
    %eq3A_1305 = vector.broadcast %slice3A_1302 : vector<8x1xf32> to vector<8x128xf32>
    %eq3A_1306 = arith.cmpf oeq, %concatenate3A, %eq3A_1305 : vector<8x128xf32>
    %lt3A_1307 = arith.constant 73 : i32
    %lt3A_1308 = vector.broadcast %lt3A_1307 : i32 to vector<8x128xi32>
    %lt3A_1309 = arith.cmpi slt, %iota3A_208, %lt3A_1308 : vector<8x128xi32>
    %and3A_1310 = arith.andi %eq3A_1306, %lt3A_1309 : vector<8x128xi1>
    %or3A_1311 = arith.ori %gt3A_1304, %and3A_1310 : vector<8x128xi1>
    %convert_element_type3A_1312 = arith.extui %or3A_1311 : vector<8x128xi1> to vector<8x128xi32>
    %convert_element_type3A_1313 = arith.sitofp %convert_element_type3A_1312 : vector<8x128xi32> to vector<8x128xf32>
    %reduce_sum3A_1314 = arith.constant dense<0.000000e+00> : vector<8xf32>
    %reduce_sum3A_1315 = vector.multi_reduction <add>, %convert_element_type3A_1313, %reduce_sum3A_1314 [1] : vector<8x128xf32> to vector<8xf32>
    %broadcast_in_dim3A_1316 = vector.shape_cast %reduce_sum3A_1315 : vector<8xf32> to vector<8x1xf32>
    %slice3A_1317 = vector.extract_strided_slice %concatenate3A {offsets = [0, 74], sizes = [8, 1], strides = [1, 1]} : vector<8x128xf32> to vector<8x1xf32>
    %gt3A_1318 = vector.broadcast %slice3A_1317 : vector<8x1xf32> to vector<8x128xf32>
    %gt3A_1319 = arith.cmpf ogt, %concatenate3A, %gt3A_1318 : vector<8x128xf32>
    %eq3A_1320 = vector.broadcast %slice3A_1317 : vector<8x1xf32> to vector<8x128xf32>
    %eq3A_1321 = arith.cmpf oeq, %concatenate3A, %eq3A_1320 : vector<8x128xf32>
    %lt3A_1322 = arith.constant 74 : i32
    %lt3A_1323 = vector.broadcast %lt3A_1322 : i32 to vector<8x128xi32>
    %lt3A_1324 = arith.cmpi slt, %iota3A_208, %lt3A_1323 : vector<8x128xi32>
    %and3A_1325 = arith.andi %eq3A_1321, %lt3A_1324 : vector<8x128xi1>
    %or3A_1326 = arith.ori %gt3A_1319, %and3A_1325 : vector<8x128xi1>
    %convert_element_type3A_1327 = arith.extui %or3A_1326 : vector<8x128xi1> to vector<8x128xi32>
    %convert_element_type3A_1328 = arith.sitofp %convert_element_type3A_1327 : vector<8x128xi32> to vector<8x128xf32>
    %reduce_sum3A_1329 = arith.constant dense<0.000000e+00> : vector<8xf32>
    %reduce_sum3A_1330 = vector.multi_reduction <add>, %convert_element_type3A_1328, %reduce_sum3A_1329 [1] : vector<8x128xf32> to vector<8xf32>
    %broadcast_in_dim3A_1331 = vector.shape_cast %reduce_sum3A_1330 : vector<8xf32> to vector<8x1xf32>
    %slice3A_1332 = vector.extract_strided_slice %concatenate3A {offsets = [0, 75], sizes = [8, 1], strides = [1, 1]} : vector<8x128xf32> to vector<8x1xf32>
    %gt3A_1333 = vector.broadcast %slice3A_1332 : vector<8x1xf32> to vector<8x128xf32>
    %gt3A_1334 = arith.cmpf ogt, %concatenate3A, %gt3A_1333 : vector<8x128xf32>
    %eq3A_1335 = vector.broadcast %slice3A_1332 : vector<8x1xf32> to vector<8x128xf32>
    %eq3A_1336 = arith.cmpf oeq, %concatenate3A, %eq3A_1335 : vector<8x128xf32>
    %lt3A_1337 = arith.constant 75 : i32
    %lt3A_1338 = vector.broadcast %lt3A_1337 : i32 to vector<8x128xi32>
    %lt3A_1339 = arith.cmpi slt, %iota3A_208, %lt3A_1338 : vector<8x128xi32>
    %and3A_1340 = arith.andi %eq3A_1336, %lt3A_1339 : vector<8x128xi1>
    %or3A_1341 = arith.ori %gt3A_1334, %and3A_1340 : vector<8x128xi1>
    %convert_element_type3A_1342 = arith.extui %or3A_1341 : vector<8x128xi1> to vector<8x128xi32>
    %convert_element_type3A_1343 = arith.sitofp %convert_element_type3A_1342 : vector<8x128xi32> to vector<8x128xf32>
    %reduce_sum3A_1344 = arith.constant dense<0.000000e+00> : vector<8xf32>
    %reduce_sum3A_1345 = vector.multi_reduction <add>, %convert_element_type3A_1343, %reduce_sum3A_1344 [1] : vector<8x128xf32> to vector<8xf32>
    %broadcast_in_dim3A_1346 = vector.shape_cast %reduce_sum3A_1345 : vector<8xf32> to vector<8x1xf32>
    %slice3A_1347 = vector.extract_strided_slice %concatenate3A {offsets = [0, 76], sizes = [8, 1], strides = [1, 1]} : vector<8x128xf32> to vector<8x1xf32>
    %gt3A_1348 = vector.broadcast %slice3A_1347 : vector<8x1xf32> to vector<8x128xf32>
    %gt3A_1349 = arith.cmpf ogt, %concatenate3A, %gt3A_1348 : vector<8x128xf32>
    %eq3A_1350 = vector.broadcast %slice3A_1347 : vector<8x1xf32> to vector<8x128xf32>
    %eq3A_1351 = arith.cmpf oeq, %concatenate3A, %eq3A_1350 : vector<8x128xf32>
    %lt3A_1352 = arith.constant 76 : i32
    %lt3A_1353 = vector.broadcast %lt3A_1352 : i32 to vector<8x128xi32>
    %lt3A_1354 = arith.cmpi slt, %iota3A_208, %lt3A_1353 : vector<8x128xi32>
    %and3A_1355 = arith.andi %eq3A_1351, %lt3A_1354 : vector<8x128xi1>
    %or3A_1356 = arith.ori %gt3A_1349, %and3A_1355 : vector<8x128xi1>
    %convert_element_type3A_1357 = arith.extui %or3A_1356 : vector<8x128xi1> to vector<8x128xi32>
    %convert_element_type3A_1358 = arith.sitofp %convert_element_type3A_1357 : vector<8x128xi32> to vector<8x128xf32>
    %reduce_sum3A_1359 = arith.constant dense<0.000000e+00> : vector<8xf32>
    %reduce_sum3A_1360 = vector.multi_reduction <add>, %convert_element_type3A_1358, %reduce_sum3A_1359 [1] : vector<8x128xf32> to vector<8xf32>
    %broadcast_in_dim3A_1361 = vector.shape_cast %reduce_sum3A_1360 : vector<8xf32> to vector<8x1xf32>
    %slice3A_1362 = vector.extract_strided_slice %concatenate3A {offsets = [0, 77], sizes = [8, 1], strides = [1, 1]} : vector<8x128xf32> to vector<8x1xf32>
    %gt3A_1363 = vector.broadcast %slice3A_1362 : vector<8x1xf32> to vector<8x128xf32>
    %gt3A_1364 = arith.cmpf ogt, %concatenate3A, %gt3A_1363 : vector<8x128xf32>
    %eq3A_1365 = vector.broadcast %slice3A_1362 : vector<8x1xf32> to vector<8x128xf32>
    %eq3A_1366 = arith.cmpf oeq, %concatenate3A, %eq3A_1365 : vector<8x128xf32>
    %lt3A_1367 = arith.constant 77 : i32
    %lt3A_1368 = vector.broadcast %lt3A_1367 : i32 to vector<8x128xi32>
    %lt3A_1369 = arith.cmpi slt, %iota3A_208, %lt3A_1368 : vector<8x128xi32>
    %and3A_1370 = arith.andi %eq3A_1366, %lt3A_1369 : vector<8x128xi1>
    %or3A_1371 = arith.ori %gt3A_1364, %and3A_1370 : vector<8x128xi1>
    %convert_element_type3A_1372 = arith.extui %or3A_1371 : vector<8x128xi1> to vector<8x128xi32>
    %convert_element_type3A_1373 = arith.sitofp %convert_element_type3A_1372 : vector<8x128xi32> to vector<8x128xf32>
    %reduce_sum3A_1374 = arith.constant dense<0.000000e+00> : vector<8xf32>
    %reduce_sum3A_1375 = vector.multi_reduction <add>, %convert_element_type3A_1373, %reduce_sum3A_1374 [1] : vector<8x128xf32> to vector<8xf32>
    %broadcast_in_dim3A_1376 = vector.shape_cast %reduce_sum3A_1375 : vector<8xf32> to vector<8x1xf32>
    %slice3A_1377 = vector.extract_strided_slice %concatenate3A {offsets = [0, 78], sizes = [8, 1], strides = [1, 1]} : vector<8x128xf32> to vector<8x1xf32>
    %gt3A_1378 = vector.broadcast %slice3A_1377 : vector<8x1xf32> to vector<8x128xf32>
    %gt3A_1379 = arith.cmpf ogt, %concatenate3A, %gt3A_1378 : vector<8x128xf32>
    %eq3A_1380 = vector.broadcast %slice3A_1377 : vector<8x1xf32> to vector<8x128xf32>
    %eq3A_1381 = arith.cmpf oeq, %concatenate3A, %eq3A_1380 : vector<8x128xf32>
    %lt3A_1382 = arith.constant 78 : i32
    %lt3A_1383 = vector.broadcast %lt3A_1382 : i32 to vector<8x128xi32>
    %lt3A_1384 = arith.cmpi slt, %iota3A_208, %lt3A_1383 : vector<8x128xi32>
    %and3A_1385 = arith.andi %eq3A_1381, %lt3A_1384 : vector<8x128xi1>
    %or3A_1386 = arith.ori %gt3A_1379, %and3A_1385 : vector<8x128xi1>
    %convert_element_type3A_1387 = arith.extui %or3A_1386 : vector<8x128xi1> to vector<8x128xi32>
    %convert_element_type3A_1388 = arith.sitofp %convert_element_type3A_1387 : vector<8x128xi32> to vector<8x128xf32>
    %reduce_sum3A_1389 = arith.constant dense<0.000000e+00> : vector<8xf32>
    %reduce_sum3A_1390 = vector.multi_reduction <add>, %convert_element_type3A_1388, %reduce_sum3A_1389 [1] : vector<8x128xf32> to vector<8xf32>
    %broadcast_in_dim3A_1391 = vector.shape_cast %reduce_sum3A_1390 : vector<8xf32> to vector<8x1xf32>
    %slice3A_1392 = vector.extract_strided_slice %concatenate3A {offsets = [0, 79], sizes = [8, 1], strides = [1, 1]} : vector<8x128xf32> to vector<8x1xf32>
    %gt3A_1393 = vector.broadcast %slice3A_1392 : vector<8x1xf32> to vector<8x128xf32>
    %gt3A_1394 = arith.cmpf ogt, %concatenate3A, %gt3A_1393 : vector<8x128xf32>
    %eq3A_1395 = vector.broadcast %slice3A_1392 : vector<8x1xf32> to vector<8x128xf32>
    %eq3A_1396 = arith.cmpf oeq, %concatenate3A, %eq3A_1395 : vector<8x128xf32>
    %lt3A_1397 = arith.constant 79 : i32
    %lt3A_1398 = vector.broadcast %lt3A_1397 : i32 to vector<8x128xi32>
    %lt3A_1399 = arith.cmpi slt, %iota3A_208, %lt3A_1398 : vector<8x128xi32>
    %and3A_1400 = arith.andi %eq3A_1396, %lt3A_1399 : vector<8x128xi1>
    %or3A_1401 = arith.ori %gt3A_1394, %and3A_1400 : vector<8x128xi1>
    %convert_element_type3A_1402 = arith.extui %or3A_1401 : vector<8x128xi1> to vector<8x128xi32>
    %convert_element_type3A_1403 = arith.sitofp %convert_element_type3A_1402 : vector<8x128xi32> to vector<8x128xf32>
    %reduce_sum3A_1404 = arith.constant dense<0.000000e+00> : vector<8xf32>
    %reduce_sum3A_1405 = vector.multi_reduction <add>, %convert_element_type3A_1403, %reduce_sum3A_1404 [1] : vector<8x128xf32> to vector<8xf32>
    %broadcast_in_dim3A_1406 = vector.shape_cast %reduce_sum3A_1405 : vector<8xf32> to vector<8x1xf32>
    %slice3A_1407 = vector.extract_strided_slice %concatenate3A {offsets = [0, 80], sizes = [8, 1], strides = [1, 1]} : vector<8x128xf32> to vector<8x1xf32>
    %gt3A_1408 = vector.broadcast %slice3A_1407 : vector<8x1xf32> to vector<8x128xf32>
    %gt3A_1409 = arith.cmpf ogt, %concatenate3A, %gt3A_1408 : vector<8x128xf32>
    %eq3A_1410 = vector.broadcast %slice3A_1407 : vector<8x1xf32> to vector<8x128xf32>
    %eq3A_1411 = arith.cmpf oeq, %concatenate3A, %eq3A_1410 : vector<8x128xf32>
    %lt3A_1412 = arith.constant 80 : i32
    %lt3A_1413 = vector.broadcast %lt3A_1412 : i32 to vector<8x128xi32>
    %lt3A_1414 = arith.cmpi slt, %iota3A_208, %lt3A_1413 : vector<8x128xi32>
    %and3A_1415 = arith.andi %eq3A_1411, %lt3A_1414 : vector<8x128xi1>
    %or3A_1416 = arith.ori %gt3A_1409, %and3A_1415 : vector<8x128xi1>
    %convert_element_type3A_1417 = arith.extui %or3A_1416 : vector<8x128xi1> to vector<8x128xi32>
    %convert_element_type3A_1418 = arith.sitofp %convert_element_type3A_1417 : vector<8x128xi32> to vector<8x128xf32>
    %reduce_sum3A_1419 = arith.constant dense<0.000000e+00> : vector<8xf32>
    %reduce_sum3A_1420 = vector.multi_reduction <add>, %convert_element_type3A_1418, %reduce_sum3A_1419 [1] : vector<8x128xf32> to vector<8xf32>
    %broadcast_in_dim3A_1421 = vector.shape_cast %reduce_sum3A_1420 : vector<8xf32> to vector<8x1xf32>
    %slice3A_1422 = vector.extract_strided_slice %concatenate3A {offsets = [0, 81], sizes = [8, 1], strides = [1, 1]} : vector<8x128xf32> to vector<8x1xf32>
    %gt3A_1423 = vector.broadcast %slice3A_1422 : vector<8x1xf32> to vector<8x128xf32>
    %gt3A_1424 = arith.cmpf ogt, %concatenate3A, %gt3A_1423 : vector<8x128xf32>
    %eq3A_1425 = vector.broadcast %slice3A_1422 : vector<8x1xf32> to vector<8x128xf32>
    %eq3A_1426 = arith.cmpf oeq, %concatenate3A, %eq3A_1425 : vector<8x128xf32>
    %lt3A_1427 = arith.constant 81 : i32
    %lt3A_1428 = vector.broadcast %lt3A_1427 : i32 to vector<8x128xi32>
    %lt3A_1429 = arith.cmpi slt, %iota3A_208, %lt3A_1428 : vector<8x128xi32>
    %and3A_1430 = arith.andi %eq3A_1426, %lt3A_1429 : vector<8x128xi1>
    %or3A_1431 = arith.ori %gt3A_1424, %and3A_1430 : vector<8x128xi1>
    %convert_element_type3A_1432 = arith.extui %or3A_1431 : vector<8x128xi1> to vector<8x128xi32>
    %convert_element_type3A_1433 = arith.sitofp %convert_element_type3A_1432 : vector<8x128xi32> to vector<8x128xf32>
    %reduce_sum3A_1434 = arith.constant dense<0.000000e+00> : vector<8xf32>
    %reduce_sum3A_1435 = vector.multi_reduction <add>, %convert_element_type3A_1433, %reduce_sum3A_1434 [1] : vector<8x128xf32> to vector<8xf32>
    %broadcast_in_dim3A_1436 = vector.shape_cast %reduce_sum3A_1435 : vector<8xf32> to vector<8x1xf32>
    %slice3A_1437 = vector.extract_strided_slice %concatenate3A {offsets = [0, 82], sizes = [8, 1], strides = [1, 1]} : vector<8x128xf32> to vector<8x1xf32>
    %gt3A_1438 = vector.broadcast %slice3A_1437 : vector<8x1xf32> to vector<8x128xf32>
    %gt3A_1439 = arith.cmpf ogt, %concatenate3A, %gt3A_1438 : vector<8x128xf32>
    %eq3A_1440 = vector.broadcast %slice3A_1437 : vector<8x1xf32> to vector<8x128xf32>
    %eq3A_1441 = arith.cmpf oeq, %concatenate3A, %eq3A_1440 : vector<8x128xf32>
    %lt3A_1442 = arith.constant 82 : i32
    %lt3A_1443 = vector.broadcast %lt3A_1442 : i32 to vector<8x128xi32>
    %lt3A_1444 = arith.cmpi slt, %iota3A_208, %lt3A_1443 : vector<8x128xi32>
    %and3A_1445 = arith.andi %eq3A_1441, %lt3A_1444 : vector<8x128xi1>
    %or3A_1446 = arith.ori %gt3A_1439, %and3A_1445 : vector<8x128xi1>
    %convert_element_type3A_1447 = arith.extui %or3A_1446 : vector<8x128xi1> to vector<8x128xi32>
    %convert_element_type3A_1448 = arith.sitofp %convert_element_type3A_1447 : vector<8x128xi32> to vector<8x128xf32>
    %reduce_sum3A_1449 = arith.constant dense<0.000000e+00> : vector<8xf32>
    %reduce_sum3A_1450 = vector.multi_reduction <add>, %convert_element_type3A_1448, %reduce_sum3A_1449 [1] : vector<8x128xf32> to vector<8xf32>
    %broadcast_in_dim3A_1451 = vector.shape_cast %reduce_sum3A_1450 : vector<8xf32> to vector<8x1xf32>
    %slice3A_1452 = vector.extract_strided_slice %concatenate3A {offsets = [0, 83], sizes = [8, 1], strides = [1, 1]} : vector<8x128xf32> to vector<8x1xf32>
    %gt3A_1453 = vector.broadcast %slice3A_1452 : vector<8x1xf32> to vector<8x128xf32>
    %gt3A_1454 = arith.cmpf ogt, %concatenate3A, %gt3A_1453 : vector<8x128xf32>
    %eq3A_1455 = vector.broadcast %slice3A_1452 : vector<8x1xf32> to vector<8x128xf32>
    %eq3A_1456 = arith.cmpf oeq, %concatenate3A, %eq3A_1455 : vector<8x128xf32>
    %lt3A_1457 = arith.constant 83 : i32
    %lt3A_1458 = vector.broadcast %lt3A_1457 : i32 to vector<8x128xi32>
    %lt3A_1459 = arith.cmpi slt, %iota3A_208, %lt3A_1458 : vector<8x128xi32>
    %and3A_1460 = arith.andi %eq3A_1456, %lt3A_1459 : vector<8x128xi1>
    %or3A_1461 = arith.ori %gt3A_1454, %and3A_1460 : vector<8x128xi1>
    %convert_element_type3A_1462 = arith.extui %or3A_1461 : vector<8x128xi1> to vector<8x128xi32>
    %convert_element_type3A_1463 = arith.sitofp %convert_element_type3A_1462 : vector<8x128xi32> to vector<8x128xf32>
    %reduce_sum3A_1464 = arith.constant dense<0.000000e+00> : vector<8xf32>
    %reduce_sum3A_1465 = vector.multi_reduction <add>, %convert_element_type3A_1463, %reduce_sum3A_1464 [1] : vector<8x128xf32> to vector<8xf32>
    %broadcast_in_dim3A_1466 = vector.shape_cast %reduce_sum3A_1465 : vector<8xf32> to vector<8x1xf32>
    %slice3A_1467 = vector.extract_strided_slice %concatenate3A {offsets = [0, 84], sizes = [8, 1], strides = [1, 1]} : vector<8x128xf32> to vector<8x1xf32>
    %gt3A_1468 = vector.broadcast %slice3A_1467 : vector<8x1xf32> to vector<8x128xf32>
    %gt3A_1469 = arith.cmpf ogt, %concatenate3A, %gt3A_1468 : vector<8x128xf32>
    %eq3A_1470 = vector.broadcast %slice3A_1467 : vector<8x1xf32> to vector<8x128xf32>
    %eq3A_1471 = arith.cmpf oeq, %concatenate3A, %eq3A_1470 : vector<8x128xf32>
    %lt3A_1472 = arith.constant 84 : i32
    %lt3A_1473 = vector.broadcast %lt3A_1472 : i32 to vector<8x128xi32>
    %lt3A_1474 = arith.cmpi slt, %iota3A_208, %lt3A_1473 : vector<8x128xi32>
    %and3A_1475 = arith.andi %eq3A_1471, %lt3A_1474 : vector<8x128xi1>
    %or3A_1476 = arith.ori %gt3A_1469, %and3A_1475 : vector<8x128xi1>
    %convert_element_type3A_1477 = arith.extui %or3A_1476 : vector<8x128xi1> to vector<8x128xi32>
    %convert_element_type3A_1478 = arith.sitofp %convert_element_type3A_1477 : vector<8x128xi32> to vector<8x128xf32>
    %reduce_sum3A_1479 = arith.constant dense<0.000000e+00> : vector<8xf32>
    %reduce_sum3A_1480 = vector.multi_reduction <add>, %convert_element_type3A_1478, %reduce_sum3A_1479 [1] : vector<8x128xf32> to vector<8xf32>
    %broadcast_in_dim3A_1481 = vector.shape_cast %reduce_sum3A_1480 : vector<8xf32> to vector<8x1xf32>
    %slice3A_1482 = vector.extract_strided_slice %concatenate3A {offsets = [0, 85], sizes = [8, 1], strides = [1, 1]} : vector<8x128xf32> to vector<8x1xf32>
    %gt3A_1483 = vector.broadcast %slice3A_1482 : vector<8x1xf32> to vector<8x128xf32>
    %gt3A_1484 = arith.cmpf ogt, %concatenate3A, %gt3A_1483 : vector<8x128xf32>
    %eq3A_1485 = vector.broadcast %slice3A_1482 : vector<8x1xf32> to vector<8x128xf32>
    %eq3A_1486 = arith.cmpf oeq, %concatenate3A, %eq3A_1485 : vector<8x128xf32>
    %lt3A_1487 = arith.constant 85 : i32
    %lt3A_1488 = vector.broadcast %lt3A_1487 : i32 to vector<8x128xi32>
    %lt3A_1489 = arith.cmpi slt, %iota3A_208, %lt3A_1488 : vector<8x128xi32>
    %and3A_1490 = arith.andi %eq3A_1486, %lt3A_1489 : vector<8x128xi1>
    %or3A_1491 = arith.ori %gt3A_1484, %and3A_1490 : vector<8x128xi1>
    %convert_element_type3A_1492 = arith.extui %or3A_1491 : vector<8x128xi1> to vector<8x128xi32>
    %convert_element_type3A_1493 = arith.sitofp %convert_element_type3A_1492 : vector<8x128xi32> to vector<8x128xf32>
    %reduce_sum3A_1494 = arith.constant dense<0.000000e+00> : vector<8xf32>
    %reduce_sum3A_1495 = vector.multi_reduction <add>, %convert_element_type3A_1493, %reduce_sum3A_1494 [1] : vector<8x128xf32> to vector<8xf32>
    %broadcast_in_dim3A_1496 = vector.shape_cast %reduce_sum3A_1495 : vector<8xf32> to vector<8x1xf32>
    %slice3A_1497 = vector.extract_strided_slice %concatenate3A {offsets = [0, 86], sizes = [8, 1], strides = [1, 1]} : vector<8x128xf32> to vector<8x1xf32>
    %gt3A_1498 = vector.broadcast %slice3A_1497 : vector<8x1xf32> to vector<8x128xf32>
    %gt3A_1499 = arith.cmpf ogt, %concatenate3A, %gt3A_1498 : vector<8x128xf32>
    %eq3A_1500 = vector.broadcast %slice3A_1497 : vector<8x1xf32> to vector<8x128xf32>
    %eq3A_1501 = arith.cmpf oeq, %concatenate3A, %eq3A_1500 : vector<8x128xf32>
    %lt3A_1502 = arith.constant 86 : i32
    %lt3A_1503 = vector.broadcast %lt3A_1502 : i32 to vector<8x128xi32>
    %lt3A_1504 = arith.cmpi slt, %iota3A_208, %lt3A_1503 : vector<8x128xi32>
    %and3A_1505 = arith.andi %eq3A_1501, %lt3A_1504 : vector<8x128xi1>
    %or3A_1506 = arith.ori %gt3A_1499, %and3A_1505 : vector<8x128xi1>
    %convert_element_type3A_1507 = arith.extui %or3A_1506 : vector<8x128xi1> to vector<8x128xi32>
    %convert_element_type3A_1508 = arith.sitofp %convert_element_type3A_1507 : vector<8x128xi32> to vector<8x128xf32>
    %reduce_sum3A_1509 = arith.constant dense<0.000000e+00> : vector<8xf32>
    %reduce_sum3A_1510 = vector.multi_reduction <add>, %convert_element_type3A_1508, %reduce_sum3A_1509 [1] : vector<8x128xf32> to vector<8xf32>
    %broadcast_in_dim3A_1511 = vector.shape_cast %reduce_sum3A_1510 : vector<8xf32> to vector<8x1xf32>
    %slice3A_1512 = vector.extract_strided_slice %concatenate3A {offsets = [0, 87], sizes = [8, 1], strides = [1, 1]} : vector<8x128xf32> to vector<8x1xf32>
    %gt3A_1513 = vector.broadcast %slice3A_1512 : vector<8x1xf32> to vector<8x128xf32>
    %gt3A_1514 = arith.cmpf ogt, %concatenate3A, %gt3A_1513 : vector<8x128xf32>
    %eq3A_1515 = vector.broadcast %slice3A_1512 : vector<8x1xf32> to vector<8x128xf32>
    %eq3A_1516 = arith.cmpf oeq, %concatenate3A, %eq3A_1515 : vector<8x128xf32>
    %lt3A_1517 = arith.constant 87 : i32
    %lt3A_1518 = vector.broadcast %lt3A_1517 : i32 to vector<8x128xi32>
    %lt3A_1519 = arith.cmpi slt, %iota3A_208, %lt3A_1518 : vector<8x128xi32>
    %and3A_1520 = arith.andi %eq3A_1516, %lt3A_1519 : vector<8x128xi1>
    %or3A_1521 = arith.ori %gt3A_1514, %and3A_1520 : vector<8x128xi1>
    %convert_element_type3A_1522 = arith.extui %or3A_1521 : vector<8x128xi1> to vector<8x128xi32>
    %convert_element_type3A_1523 = arith.sitofp %convert_element_type3A_1522 : vector<8x128xi32> to vector<8x128xf32>
    %reduce_sum3A_1524 = arith.constant dense<0.000000e+00> : vector<8xf32>
    %reduce_sum3A_1525 = vector.multi_reduction <add>, %convert_element_type3A_1523, %reduce_sum3A_1524 [1] : vector<8x128xf32> to vector<8xf32>
    %broadcast_in_dim3A_1526 = vector.shape_cast %reduce_sum3A_1525 : vector<8xf32> to vector<8x1xf32>
    %slice3A_1527 = vector.extract_strided_slice %concatenate3A {offsets = [0, 88], sizes = [8, 1], strides = [1, 1]} : vector<8x128xf32> to vector<8x1xf32>
    %gt3A_1528 = vector.broadcast %slice3A_1527 : vector<8x1xf32> to vector<8x128xf32>
    %gt3A_1529 = arith.cmpf ogt, %concatenate3A, %gt3A_1528 : vector<8x128xf32>
    %eq3A_1530 = vector.broadcast %slice3A_1527 : vector<8x1xf32> to vector<8x128xf32>
    %eq3A_1531 = arith.cmpf oeq, %concatenate3A, %eq3A_1530 : vector<8x128xf32>
    %lt3A_1532 = arith.constant 88 : i32
    %lt3A_1533 = vector.broadcast %lt3A_1532 : i32 to vector<8x128xi32>
    %lt3A_1534 = arith.cmpi slt, %iota3A_208, %lt3A_1533 : vector<8x128xi32>
    %and3A_1535 = arith.andi %eq3A_1531, %lt3A_1534 : vector<8x128xi1>
    %or3A_1536 = arith.ori %gt3A_1529, %and3A_1535 : vector<8x128xi1>
    %convert_element_type3A_1537 = arith.extui %or3A_1536 : vector<8x128xi1> to vector<8x128xi32>
    %convert_element_type3A_1538 = arith.sitofp %convert_element_type3A_1537 : vector<8x128xi32> to vector<8x128xf32>
    %reduce_sum3A_1539 = arith.constant dense<0.000000e+00> : vector<8xf32>
    %reduce_sum3A_1540 = vector.multi_reduction <add>, %convert_element_type3A_1538, %reduce_sum3A_1539 [1] : vector<8x128xf32> to vector<8xf32>
    %broadcast_in_dim3A_1541 = vector.shape_cast %reduce_sum3A_1540 : vector<8xf32> to vector<8x1xf32>
    %slice3A_1542 = vector.extract_strided_slice %concatenate3A {offsets = [0, 89], sizes = [8, 1], strides = [1, 1]} : vector<8x128xf32> to vector<8x1xf32>
    %gt3A_1543 = vector.broadcast %slice3A_1542 : vector<8x1xf32> to vector<8x128xf32>
    %gt3A_1544 = arith.cmpf ogt, %concatenate3A, %gt3A_1543 : vector<8x128xf32>
    %eq3A_1545 = vector.broadcast %slice3A_1542 : vector<8x1xf32> to vector<8x128xf32>
    %eq3A_1546 = arith.cmpf oeq, %concatenate3A, %eq3A_1545 : vector<8x128xf32>
    %lt3A_1547 = arith.constant 89 : i32
    %lt3A_1548 = vector.broadcast %lt3A_1547 : i32 to vector<8x128xi32>
    %lt3A_1549 = arith.cmpi slt, %iota3A_208, %lt3A_1548 : vector<8x128xi32>
    %and3A_1550 = arith.andi %eq3A_1546, %lt3A_1549 : vector<8x128xi1>
    %or3A_1551 = arith.ori %gt3A_1544, %and3A_1550 : vector<8x128xi1>
    %convert_element_type3A_1552 = arith.extui %or3A_1551 : vector<8x128xi1> to vector<8x128xi32>
    %convert_element_type3A_1553 = arith.sitofp %convert_element_type3A_1552 : vector<8x128xi32> to vector<8x128xf32>
    %reduce_sum3A_1554 = arith.constant dense<0.000000e+00> : vector<8xf32>
    %reduce_sum3A_1555 = vector.multi_reduction <add>, %convert_element_type3A_1553, %reduce_sum3A_1554 [1] : vector<8x128xf32> to vector<8xf32>
    %broadcast_in_dim3A_1556 = vector.shape_cast %reduce_sum3A_1555 : vector<8xf32> to vector<8x1xf32>
    %slice3A_1557 = vector.extract_strided_slice %concatenate3A {offsets = [0, 90], sizes = [8, 1], strides = [1, 1]} : vector<8x128xf32> to vector<8x1xf32>
    %gt3A_1558 = vector.broadcast %slice3A_1557 : vector<8x1xf32> to vector<8x128xf32>
    %gt3A_1559 = arith.cmpf ogt, %concatenate3A, %gt3A_1558 : vector<8x128xf32>
    %eq3A_1560 = vector.broadcast %slice3A_1557 : vector<8x1xf32> to vector<8x128xf32>
    %eq3A_1561 = arith.cmpf oeq, %concatenate3A, %eq3A_1560 : vector<8x128xf32>
    %lt3A_1562 = arith.constant 90 : i32
    %lt3A_1563 = vector.broadcast %lt3A_1562 : i32 to vector<8x128xi32>
    %lt3A_1564 = arith.cmpi slt, %iota3A_208, %lt3A_1563 : vector<8x128xi32>
    %and3A_1565 = arith.andi %eq3A_1561, %lt3A_1564 : vector<8x128xi1>
    %or3A_1566 = arith.ori %gt3A_1559, %and3A_1565 : vector<8x128xi1>
    %convert_element_type3A_1567 = arith.extui %or3A_1566 : vector<8x128xi1> to vector<8x128xi32>
    %convert_element_type3A_1568 = arith.sitofp %convert_element_type3A_1567 : vector<8x128xi32> to vector<8x128xf32>
    %reduce_sum3A_1569 = arith.constant dense<0.000000e+00> : vector<8xf32>
    %reduce_sum3A_1570 = vector.multi_reduction <add>, %convert_element_type3A_1568, %reduce_sum3A_1569 [1] : vector<8x128xf32> to vector<8xf32>
    %broadcast_in_dim3A_1571 = vector.shape_cast %reduce_sum3A_1570 : vector<8xf32> to vector<8x1xf32>
    %slice3A_1572 = vector.extract_strided_slice %concatenate3A {offsets = [0, 91], sizes = [8, 1], strides = [1, 1]} : vector<8x128xf32> to vector<8x1xf32>
    %gt3A_1573 = vector.broadcast %slice3A_1572 : vector<8x1xf32> to vector<8x128xf32>
    %gt3A_1574 = arith.cmpf ogt, %concatenate3A, %gt3A_1573 : vector<8x128xf32>
    %eq3A_1575 = vector.broadcast %slice3A_1572 : vector<8x1xf32> to vector<8x128xf32>
    %eq3A_1576 = arith.cmpf oeq, %concatenate3A, %eq3A_1575 : vector<8x128xf32>
    %lt3A_1577 = arith.constant 91 : i32
    %lt3A_1578 = vector.broadcast %lt3A_1577 : i32 to vector<8x128xi32>
    %lt3A_1579 = arith.cmpi slt, %iota3A_208, %lt3A_1578 : vector<8x128xi32>
    %and3A_1580 = arith.andi %eq3A_1576, %lt3A_1579 : vector<8x128xi1>
    %or3A_1581 = arith.ori %gt3A_1574, %and3A_1580 : vector<8x128xi1>
    %convert_element_type3A_1582 = arith.extui %or3A_1581 : vector<8x128xi1> to vector<8x128xi32>
    %convert_element_type3A_1583 = arith.sitofp %convert_element_type3A_1582 : vector<8x128xi32> to vector<8x128xf32>
    %reduce_sum3A_1584 = arith.constant dense<0.000000e+00> : vector<8xf32>
    %reduce_sum3A_1585 = vector.multi_reduction <add>, %convert_element_type3A_1583, %reduce_sum3A_1584 [1] : vector<8x128xf32> to vector<8xf32>
    %broadcast_in_dim3A_1586 = vector.shape_cast %reduce_sum3A_1585 : vector<8xf32> to vector<8x1xf32>
    %slice3A_1587 = vector.extract_strided_slice %concatenate3A {offsets = [0, 92], sizes = [8, 1], strides = [1, 1]} : vector<8x128xf32> to vector<8x1xf32>
    %gt3A_1588 = vector.broadcast %slice3A_1587 : vector<8x1xf32> to vector<8x128xf32>
    %gt3A_1589 = arith.cmpf ogt, %concatenate3A, %gt3A_1588 : vector<8x128xf32>
    %eq3A_1590 = vector.broadcast %slice3A_1587 : vector<8x1xf32> to vector<8x128xf32>
    %eq3A_1591 = arith.cmpf oeq, %concatenate3A, %eq3A_1590 : vector<8x128xf32>
    %lt3A_1592 = arith.constant 92 : i32
    %lt3A_1593 = vector.broadcast %lt3A_1592 : i32 to vector<8x128xi32>
    %lt3A_1594 = arith.cmpi slt, %iota3A_208, %lt3A_1593 : vector<8x128xi32>
    %and3A_1595 = arith.andi %eq3A_1591, %lt3A_1594 : vector<8x128xi1>
    %or3A_1596 = arith.ori %gt3A_1589, %and3A_1595 : vector<8x128xi1>
    %convert_element_type3A_1597 = arith.extui %or3A_1596 : vector<8x128xi1> to vector<8x128xi32>
    %convert_element_type3A_1598 = arith.sitofp %convert_element_type3A_1597 : vector<8x128xi32> to vector<8x128xf32>
    %reduce_sum3A_1599 = arith.constant dense<0.000000e+00> : vector<8xf32>
    %reduce_sum3A_1600 = vector.multi_reduction <add>, %convert_element_type3A_1598, %reduce_sum3A_1599 [1] : vector<8x128xf32> to vector<8xf32>
    %broadcast_in_dim3A_1601 = vector.shape_cast %reduce_sum3A_1600 : vector<8xf32> to vector<8x1xf32>
    %slice3A_1602 = vector.extract_strided_slice %concatenate3A {offsets = [0, 93], sizes = [8, 1], strides = [1, 1]} : vector<8x128xf32> to vector<8x1xf32>
    %gt3A_1603 = vector.broadcast %slice3A_1602 : vector<8x1xf32> to vector<8x128xf32>
    %gt3A_1604 = arith.cmpf ogt, %concatenate3A, %gt3A_1603 : vector<8x128xf32>
    %eq3A_1605 = vector.broadcast %slice3A_1602 : vector<8x1xf32> to vector<8x128xf32>
    %eq3A_1606 = arith.cmpf oeq, %concatenate3A, %eq3A_1605 : vector<8x128xf32>
    %lt3A_1607 = arith.constant 93 : i32
    %lt3A_1608 = vector.broadcast %lt3A_1607 : i32 to vector<8x128xi32>
    %lt3A_1609 = arith.cmpi slt, %iota3A_208, %lt3A_1608 : vector<8x128xi32>
    %and3A_1610 = arith.andi %eq3A_1606, %lt3A_1609 : vector<8x128xi1>
    %or3A_1611 = arith.ori %gt3A_1604, %and3A_1610 : vector<8x128xi1>
    %convert_element_type3A_1612 = arith.extui %or3A_1611 : vector<8x128xi1> to vector<8x128xi32>
    %convert_element_type3A_1613 = arith.sitofp %convert_element_type3A_1612 : vector<8x128xi32> to vector<8x128xf32>
    %reduce_sum3A_1614 = arith.constant dense<0.000000e+00> : vector<8xf32>
    %reduce_sum3A_1615 = vector.multi_reduction <add>, %convert_element_type3A_1613, %reduce_sum3A_1614 [1] : vector<8x128xf32> to vector<8xf32>
    %broadcast_in_dim3A_1616 = vector.shape_cast %reduce_sum3A_1615 : vector<8xf32> to vector<8x1xf32>
    %slice3A_1617 = vector.extract_strided_slice %concatenate3A {offsets = [0, 94], sizes = [8, 1], strides = [1, 1]} : vector<8x128xf32> to vector<8x1xf32>
    %gt3A_1618 = vector.broadcast %slice3A_1617 : vector<8x1xf32> to vector<8x128xf32>
    %gt3A_1619 = arith.cmpf ogt, %concatenate3A, %gt3A_1618 : vector<8x128xf32>
    %eq3A_1620 = vector.broadcast %slice3A_1617 : vector<8x1xf32> to vector<8x128xf32>
    %eq3A_1621 = arith.cmpf oeq, %concatenate3A, %eq3A_1620 : vector<8x128xf32>
    %lt3A_1622 = arith.constant 94 : i32
    %lt3A_1623 = vector.broadcast %lt3A_1622 : i32 to vector<8x128xi32>
    %lt3A_1624 = arith.cmpi slt, %iota3A_208, %lt3A_1623 : vector<8x128xi32>
    %and3A_1625 = arith.andi %eq3A_1621, %lt3A_1624 : vector<8x128xi1>
    %or3A_1626 = arith.ori %gt3A_1619, %and3A_1625 : vector<8x128xi1>
    %convert_element_type3A_1627 = arith.extui %or3A_1626 : vector<8x128xi1> to vector<8x128xi32>
    %convert_element_type3A_1628 = arith.sitofp %convert_element_type3A_1627 : vector<8x128xi32> to vector<8x128xf32>
    %reduce_sum3A_1629 = arith.constant dense<0.000000e+00> : vector<8xf32>
    %reduce_sum3A_1630 = vector.multi_reduction <add>, %convert_element_type3A_1628, %reduce_sum3A_1629 [1] : vector<8x128xf32> to vector<8xf32>
    %broadcast_in_dim3A_1631 = vector.shape_cast %reduce_sum3A_1630 : vector<8xf32> to vector<8x1xf32>
    %slice3A_1632 = vector.extract_strided_slice %concatenate3A {offsets = [0, 95], sizes = [8, 1], strides = [1, 1]} : vector<8x128xf32> to vector<8x1xf32>
    %gt3A_1633 = vector.broadcast %slice3A_1632 : vector<8x1xf32> to vector<8x128xf32>
    %gt3A_1634 = arith.cmpf ogt, %concatenate3A, %gt3A_1633 : vector<8x128xf32>
    %eq3A_1635 = vector.broadcast %slice3A_1632 : vector<8x1xf32> to vector<8x128xf32>
    %eq3A_1636 = arith.cmpf oeq, %concatenate3A, %eq3A_1635 : vector<8x128xf32>
    %lt3A_1637 = arith.constant 95 : i32
    %lt3A_1638 = vector.broadcast %lt3A_1637 : i32 to vector<8x128xi32>
    %lt3A_1639 = arith.cmpi slt, %iota3A_208, %lt3A_1638 : vector<8x128xi32>
    %and3A_1640 = arith.andi %eq3A_1636, %lt3A_1639 : vector<8x128xi1>
    %or3A_1641 = arith.ori %gt3A_1634, %and3A_1640 : vector<8x128xi1>
    %convert_element_type3A_1642 = arith.extui %or3A_1641 : vector<8x128xi1> to vector<8x128xi32>
    %convert_element_type3A_1643 = arith.sitofp %convert_element_type3A_1642 : vector<8x128xi32> to vector<8x128xf32>
    %reduce_sum3A_1644 = arith.constant dense<0.000000e+00> : vector<8xf32>
    %reduce_sum3A_1645 = vector.multi_reduction <add>, %convert_element_type3A_1643, %reduce_sum3A_1644 [1] : vector<8x128xf32> to vector<8xf32>
    %broadcast_in_dim3A_1646 = vector.shape_cast %reduce_sum3A_1645 : vector<8xf32> to vector<8x1xf32>
    %slice3A_1647 = vector.extract_strided_slice %concatenate3A {offsets = [0, 96], sizes = [8, 1], strides = [1, 1]} : vector<8x128xf32> to vector<8x1xf32>
    %gt3A_1648 = vector.broadcast %slice3A_1647 : vector<8x1xf32> to vector<8x128xf32>
    %gt3A_1649 = arith.cmpf ogt, %concatenate3A, %gt3A_1648 : vector<8x128xf32>
    %eq3A_1650 = vector.broadcast %slice3A_1647 : vector<8x1xf32> to vector<8x128xf32>
    %eq3A_1651 = arith.cmpf oeq, %concatenate3A, %eq3A_1650 : vector<8x128xf32>
    %lt3A_1652 = arith.constant 96 : i32
    %lt3A_1653 = vector.broadcast %lt3A_1652 : i32 to vector<8x128xi32>
    %lt3A_1654 = arith.cmpi slt, %iota3A_208, %lt3A_1653 : vector<8x128xi32>
    %and3A_1655 = arith.andi %eq3A_1651, %lt3A_1654 : vector<8x128xi1>
    %or3A_1656 = arith.ori %gt3A_1649, %and3A_1655 : vector<8x128xi1>
    %convert_element_type3A_1657 = arith.extui %or3A_1656 : vector<8x128xi1> to vector<8x128xi32>
    %convert_element_type3A_1658 = arith.sitofp %convert_element_type3A_1657 : vector<8x128xi32> to vector<8x128xf32>
    %reduce_sum3A_1659 = arith.constant dense<0.000000e+00> : vector<8xf32>
    %reduce_sum3A_1660 = vector.multi_reduction <add>, %convert_element_type3A_1658, %reduce_sum3A_1659 [1] : vector<8x128xf32> to vector<8xf32>
    %broadcast_in_dim3A_1661 = vector.shape_cast %reduce_sum3A_1660 : vector<8xf32> to vector<8x1xf32>
    %slice3A_1662 = vector.extract_strided_slice %concatenate3A {offsets = [0, 97], sizes = [8, 1], strides = [1, 1]} : vector<8x128xf32> to vector<8x1xf32>
    %gt3A_1663 = vector.broadcast %slice3A_1662 : vector<8x1xf32> to vector<8x128xf32>
    %gt3A_1664 = arith.cmpf ogt, %concatenate3A, %gt3A_1663 : vector<8x128xf32>
    %eq3A_1665 = vector.broadcast %slice3A_1662 : vector<8x1xf32> to vector<8x128xf32>
    %eq3A_1666 = arith.cmpf oeq, %concatenate3A, %eq3A_1665 : vector<8x128xf32>
    %lt3A_1667 = arith.constant 97 : i32
    %lt3A_1668 = vector.broadcast %lt3A_1667 : i32 to vector<8x128xi32>
    %lt3A_1669 = arith.cmpi slt, %iota3A_208, %lt3A_1668 : vector<8x128xi32>
    %and3A_1670 = arith.andi %eq3A_1666, %lt3A_1669 : vector<8x128xi1>
    %or3A_1671 = arith.ori %gt3A_1664, %and3A_1670 : vector<8x128xi1>
    %convert_element_type3A_1672 = arith.extui %or3A_1671 : vector<8x128xi1> to vector<8x128xi32>
    %convert_element_type3A_1673 = arith.sitofp %convert_element_type3A_1672 : vector<8x128xi32> to vector<8x128xf32>
    %reduce_sum3A_1674 = arith.constant dense<0.000000e+00> : vector<8xf32>
    %reduce_sum3A_1675 = vector.multi_reduction <add>, %convert_element_type3A_1673, %reduce_sum3A_1674 [1] : vector<8x128xf32> to vector<8xf32>
    %broadcast_in_dim3A_1676 = vector.shape_cast %reduce_sum3A_1675 : vector<8xf32> to vector<8x1xf32>
    %slice3A_1677 = vector.extract_strided_slice %concatenate3A {offsets = [0, 98], sizes = [8, 1], strides = [1, 1]} : vector<8x128xf32> to vector<8x1xf32>
    %gt3A_1678 = vector.broadcast %slice3A_1677 : vector<8x1xf32> to vector<8x128xf32>
    %gt3A_1679 = arith.cmpf ogt, %concatenate3A, %gt3A_1678 : vector<8x128xf32>
    %eq3A_1680 = vector.broadcast %slice3A_1677 : vector<8x1xf32> to vector<8x128xf32>
    %eq3A_1681 = arith.cmpf oeq, %concatenate3A, %eq3A_1680 : vector<8x128xf32>
    %lt3A_1682 = arith.constant 98 : i32
    %lt3A_1683 = vector.broadcast %lt3A_1682 : i32 to vector<8x128xi32>
    %lt3A_1684 = arith.cmpi slt, %iota3A_208, %lt3A_1683 : vector<8x128xi32>
    %and3A_1685 = arith.andi %eq3A_1681, %lt3A_1684 : vector<8x128xi1>
    %or3A_1686 = arith.ori %gt3A_1679, %and3A_1685 : vector<8x128xi1>
    %convert_element_type3A_1687 = arith.extui %or3A_1686 : vector<8x128xi1> to vector<8x128xi32>
    %convert_element_type3A_1688 = arith.sitofp %convert_element_type3A_1687 : vector<8x128xi32> to vector<8x128xf32>
    %reduce_sum3A_1689 = arith.constant dense<0.000000e+00> : vector<8xf32>
    %reduce_sum3A_1690 = vector.multi_reduction <add>, %convert_element_type3A_1688, %reduce_sum3A_1689 [1] : vector<8x128xf32> to vector<8xf32>
    %broadcast_in_dim3A_1691 = vector.shape_cast %reduce_sum3A_1690 : vector<8xf32> to vector<8x1xf32>
    %slice3A_1692 = vector.extract_strided_slice %concatenate3A {offsets = [0, 99], sizes = [8, 1], strides = [1, 1]} : vector<8x128xf32> to vector<8x1xf32>
    %gt3A_1693 = vector.broadcast %slice3A_1692 : vector<8x1xf32> to vector<8x128xf32>
    %gt3A_1694 = arith.cmpf ogt, %concatenate3A, %gt3A_1693 : vector<8x128xf32>
    %eq3A_1695 = vector.broadcast %slice3A_1692 : vector<8x1xf32> to vector<8x128xf32>
    %eq3A_1696 = arith.cmpf oeq, %concatenate3A, %eq3A_1695 : vector<8x128xf32>
    %lt3A_1697 = arith.constant 99 : i32
    %lt3A_1698 = vector.broadcast %lt3A_1697 : i32 to vector<8x128xi32>
    %lt3A_1699 = arith.cmpi slt, %iota3A_208, %lt3A_1698 : vector<8x128xi32>
    %and3A_1700 = arith.andi %eq3A_1696, %lt3A_1699 : vector<8x128xi1>
    %or3A_1701 = arith.ori %gt3A_1694, %and3A_1700 : vector<8x128xi1>
    %convert_element_type3A_1702 = arith.extui %or3A_1701 : vector<8x128xi1> to vector<8x128xi32>
    %convert_element_type3A_1703 = arith.sitofp %convert_element_type3A_1702 : vector<8x128xi32> to vector<8x128xf32>
    %reduce_sum3A_1704 = arith.constant dense<0.000000e+00> : vector<8xf32>
    %reduce_sum3A_1705 = vector.multi_reduction <add>, %convert_element_type3A_1703, %reduce_sum3A_1704 [1] : vector<8x128xf32> to vector<8xf32>
    %broadcast_in_dim3A_1706 = vector.shape_cast %reduce_sum3A_1705 : vector<8xf32> to vector<8x1xf32>
    %slice3A_1707 = vector.extract_strided_slice %concatenate3A {offsets = [0, 100], sizes = [8, 1], strides = [1, 1]} : vector<8x128xf32> to vector<8x1xf32>
    %gt3A_1708 = vector.broadcast %slice3A_1707 : vector<8x1xf32> to vector<8x128xf32>
    %gt3A_1709 = arith.cmpf ogt, %concatenate3A, %gt3A_1708 : vector<8x128xf32>
    %eq3A_1710 = vector.broadcast %slice3A_1707 : vector<8x1xf32> to vector<8x128xf32>
    %eq3A_1711 = arith.cmpf oeq, %concatenate3A, %eq3A_1710 : vector<8x128xf32>
    %lt3A_1712 = arith.constant 100 : i32
    %lt3A_1713 = vector.broadcast %lt3A_1712 : i32 to vector<8x128xi32>
    %lt3A_1714 = arith.cmpi slt, %iota3A_208, %lt3A_1713 : vector<8x128xi32>
    %and3A_1715 = arith.andi %eq3A_1711, %lt3A_1714 : vector<8x128xi1>
    %or3A_1716 = arith.ori %gt3A_1709, %and3A_1715 : vector<8x128xi1>
    %convert_element_type3A_1717 = arith.extui %or3A_1716 : vector<8x128xi1> to vector<8x128xi32>
    %convert_element_type3A_1718 = arith.sitofp %convert_element_type3A_1717 : vector<8x128xi32> to vector<8x128xf32>
    %reduce_sum3A_1719 = arith.constant dense<0.000000e+00> : vector<8xf32>
    %reduce_sum3A_1720 = vector.multi_reduction <add>, %convert_element_type3A_1718, %reduce_sum3A_1719 [1] : vector<8x128xf32> to vector<8xf32>
    %broadcast_in_dim3A_1721 = vector.shape_cast %reduce_sum3A_1720 : vector<8xf32> to vector<8x1xf32>
    %slice3A_1722 = vector.extract_strided_slice %concatenate3A {offsets = [0, 101], sizes = [8, 1], strides = [1, 1]} : vector<8x128xf32> to vector<8x1xf32>
    %gt3A_1723 = vector.broadcast %slice3A_1722 : vector<8x1xf32> to vector<8x128xf32>
    %gt3A_1724 = arith.cmpf ogt, %concatenate3A, %gt3A_1723 : vector<8x128xf32>
    %eq3A_1725 = vector.broadcast %slice3A_1722 : vector<8x1xf32> to vector<8x128xf32>
    %eq3A_1726 = arith.cmpf oeq, %concatenate3A, %eq3A_1725 : vector<8x128xf32>
    %lt3A_1727 = arith.constant 101 : i32
    %lt3A_1728 = vector.broadcast %lt3A_1727 : i32 to vector<8x128xi32>
    %lt3A_1729 = arith.cmpi slt, %iota3A_208, %lt3A_1728 : vector<8x128xi32>
    %and3A_1730 = arith.andi %eq3A_1726, %lt3A_1729 : vector<8x128xi1>
    %or3A_1731 = arith.ori %gt3A_1724, %and3A_1730 : vector<8x128xi1>
    %convert_element_type3A_1732 = arith.extui %or3A_1731 : vector<8x128xi1> to vector<8x128xi32>
    %convert_element_type3A_1733 = arith.sitofp %convert_element_type3A_1732 : vector<8x128xi32> to vector<8x128xf32>
    %reduce_sum3A_1734 = arith.constant dense<0.000000e+00> : vector<8xf32>
    %reduce_sum3A_1735 = vector.multi_reduction <add>, %convert_element_type3A_1733, %reduce_sum3A_1734 [1] : vector<8x128xf32> to vector<8xf32>
    %broadcast_in_dim3A_1736 = vector.shape_cast %reduce_sum3A_1735 : vector<8xf32> to vector<8x1xf32>
    %slice3A_1737 = vector.extract_strided_slice %concatenate3A {offsets = [0, 102], sizes = [8, 1], strides = [1, 1]} : vector<8x128xf32> to vector<8x1xf32>
    %gt3A_1738 = vector.broadcast %slice3A_1737 : vector<8x1xf32> to vector<8x128xf32>
    %gt3A_1739 = arith.cmpf ogt, %concatenate3A, %gt3A_1738 : vector<8x128xf32>
    %eq3A_1740 = vector.broadcast %slice3A_1737 : vector<8x1xf32> to vector<8x128xf32>
    %eq3A_1741 = arith.cmpf oeq, %concatenate3A, %eq3A_1740 : vector<8x128xf32>
    %lt3A_1742 = arith.constant 102 : i32
    %lt3A_1743 = vector.broadcast %lt3A_1742 : i32 to vector<8x128xi32>
    %lt3A_1744 = arith.cmpi slt, %iota3A_208, %lt3A_1743 : vector<8x128xi32>
    %and3A_1745 = arith.andi %eq3A_1741, %lt3A_1744 : vector<8x128xi1>
    %or3A_1746 = arith.ori %gt3A_1739, %and3A_1745 : vector<8x128xi1>
    %convert_element_type3A_1747 = arith.extui %or3A_1746 : vector<8x128xi1> to vector<8x128xi32>
    %convert_element_type3A_1748 = arith.sitofp %convert_element_type3A_1747 : vector<8x128xi32> to vector<8x128xf32>
    %reduce_sum3A_1749 = arith.constant dense<0.000000e+00> : vector<8xf32>
    %reduce_sum3A_1750 = vector.multi_reduction <add>, %convert_element_type3A_1748, %reduce_sum3A_1749 [1] : vector<8x128xf32> to vector<8xf32>
    %broadcast_in_dim3A_1751 = vector.shape_cast %reduce_sum3A_1750 : vector<8xf32> to vector<8x1xf32>
    %slice3A_1752 = vector.extract_strided_slice %concatenate3A {offsets = [0, 103], sizes = [8, 1], strides = [1, 1]} : vector<8x128xf32> to vector<8x1xf32>
    %gt3A_1753 = vector.broadcast %slice3A_1752 : vector<8x1xf32> to vector<8x128xf32>
    %gt3A_1754 = arith.cmpf ogt, %concatenate3A, %gt3A_1753 : vector<8x128xf32>
    %eq3A_1755 = vector.broadcast %slice3A_1752 : vector<8x1xf32> to vector<8x128xf32>
    %eq3A_1756 = arith.cmpf oeq, %concatenate3A, %eq3A_1755 : vector<8x128xf32>
    %lt3A_1757 = arith.constant 103 : i32
    %lt3A_1758 = vector.broadcast %lt3A_1757 : i32 to vector<8x128xi32>
    %lt3A_1759 = arith.cmpi slt, %iota3A_208, %lt3A_1758 : vector<8x128xi32>
    %and3A_1760 = arith.andi %eq3A_1756, %lt3A_1759 : vector<8x128xi1>
    %or3A_1761 = arith.ori %gt3A_1754, %and3A_1760 : vector<8x128xi1>
    %convert_element_type3A_1762 = arith.extui %or3A_1761 : vector<8x128xi1> to vector<8x128xi32>
    %convert_element_type3A_1763 = arith.sitofp %convert_element_type3A_1762 : vector<8x128xi32> to vector<8x128xf32>
    %reduce_sum3A_1764 = arith.constant dense<0.000000e+00> : vector<8xf32>
    %reduce_sum3A_1765 = vector.multi_reduction <add>, %convert_element_type3A_1763, %reduce_sum3A_1764 [1] : vector<8x128xf32> to vector<8xf32>
    %broadcast_in_dim3A_1766 = vector.shape_cast %reduce_sum3A_1765 : vector<8xf32> to vector<8x1xf32>
    %slice3A_1767 = vector.extract_strided_slice %concatenate3A {offsets = [0, 104], sizes = [8, 1], strides = [1, 1]} : vector<8x128xf32> to vector<8x1xf32>
    %gt3A_1768 = vector.broadcast %slice3A_1767 : vector<8x1xf32> to vector<8x128xf32>
    %gt3A_1769 = arith.cmpf ogt, %concatenate3A, %gt3A_1768 : vector<8x128xf32>
    %eq3A_1770 = vector.broadcast %slice3A_1767 : vector<8x1xf32> to vector<8x128xf32>
    %eq3A_1771 = arith.cmpf oeq, %concatenate3A, %eq3A_1770 : vector<8x128xf32>
    %lt3A_1772 = arith.constant 104 : i32
    %lt3A_1773 = vector.broadcast %lt3A_1772 : i32 to vector<8x128xi32>
    %lt3A_1774 = arith.cmpi slt, %iota3A_208, %lt3A_1773 : vector<8x128xi32>
    %and3A_1775 = arith.andi %eq3A_1771, %lt3A_1774 : vector<8x128xi1>
    %or3A_1776 = arith.ori %gt3A_1769, %and3A_1775 : vector<8x128xi1>
    %convert_element_type3A_1777 = arith.extui %or3A_1776 : vector<8x128xi1> to vector<8x128xi32>
    %convert_element_type3A_1778 = arith.sitofp %convert_element_type3A_1777 : vector<8x128xi32> to vector<8x128xf32>
    %reduce_sum3A_1779 = arith.constant dense<0.000000e+00> : vector<8xf32>
    %reduce_sum3A_1780 = vector.multi_reduction <add>, %convert_element_type3A_1778, %reduce_sum3A_1779 [1] : vector<8x128xf32> to vector<8xf32>
    %broadcast_in_dim3A_1781 = vector.shape_cast %reduce_sum3A_1780 : vector<8xf32> to vector<8x1xf32>
    %slice3A_1782 = vector.extract_strided_slice %concatenate3A {offsets = [0, 105], sizes = [8, 1], strides = [1, 1]} : vector<8x128xf32> to vector<8x1xf32>
    %gt3A_1783 = vector.broadcast %slice3A_1782 : vector<8x1xf32> to vector<8x128xf32>
    %gt3A_1784 = arith.cmpf ogt, %concatenate3A, %gt3A_1783 : vector<8x128xf32>
    %eq3A_1785 = vector.broadcast %slice3A_1782 : vector<8x1xf32> to vector<8x128xf32>
    %eq3A_1786 = arith.cmpf oeq, %concatenate3A, %eq3A_1785 : vector<8x128xf32>
    %lt3A_1787 = arith.constant 105 : i32
    %lt3A_1788 = vector.broadcast %lt3A_1787 : i32 to vector<8x128xi32>
    %lt3A_1789 = arith.cmpi slt, %iota3A_208, %lt3A_1788 : vector<8x128xi32>
    %and3A_1790 = arith.andi %eq3A_1786, %lt3A_1789 : vector<8x128xi1>
    %or3A_1791 = arith.ori %gt3A_1784, %and3A_1790 : vector<8x128xi1>
    %convert_element_type3A_1792 = arith.extui %or3A_1791 : vector<8x128xi1> to vector<8x128xi32>
    %convert_element_type3A_1793 = arith.sitofp %convert_element_type3A_1792 : vector<8x128xi32> to vector<8x128xf32>
    %reduce_sum3A_1794 = arith.constant dense<0.000000e+00> : vector<8xf32>
    %reduce_sum3A_1795 = vector.multi_reduction <add>, %convert_element_type3A_1793, %reduce_sum3A_1794 [1] : vector<8x128xf32> to vector<8xf32>
    %broadcast_in_dim3A_1796 = vector.shape_cast %reduce_sum3A_1795 : vector<8xf32> to vector<8x1xf32>
    %slice3A_1797 = vector.extract_strided_slice %concatenate3A {offsets = [0, 106], sizes = [8, 1], strides = [1, 1]} : vector<8x128xf32> to vector<8x1xf32>
    %gt3A_1798 = vector.broadcast %slice3A_1797 : vector<8x1xf32> to vector<8x128xf32>
    %gt3A_1799 = arith.cmpf ogt, %concatenate3A, %gt3A_1798 : vector<8x128xf32>
    %eq3A_1800 = vector.broadcast %slice3A_1797 : vector<8x1xf32> to vector<8x128xf32>
    %eq3A_1801 = arith.cmpf oeq, %concatenate3A, %eq3A_1800 : vector<8x128xf32>
    %lt3A_1802 = arith.constant 106 : i32
    %lt3A_1803 = vector.broadcast %lt3A_1802 : i32 to vector<8x128xi32>
    %lt3A_1804 = arith.cmpi slt, %iota3A_208, %lt3A_1803 : vector<8x128xi32>
    %and3A_1805 = arith.andi %eq3A_1801, %lt3A_1804 : vector<8x128xi1>
    %or3A_1806 = arith.ori %gt3A_1799, %and3A_1805 : vector<8x128xi1>
    %convert_element_type3A_1807 = arith.extui %or3A_1806 : vector<8x128xi1> to vector<8x128xi32>
    %convert_element_type3A_1808 = arith.sitofp %convert_element_type3A_1807 : vector<8x128xi32> to vector<8x128xf32>
    %reduce_sum3A_1809 = arith.constant dense<0.000000e+00> : vector<8xf32>
    %reduce_sum3A_1810 = vector.multi_reduction <add>, %convert_element_type3A_1808, %reduce_sum3A_1809 [1] : vector<8x128xf32> to vector<8xf32>
    %broadcast_in_dim3A_1811 = vector.shape_cast %reduce_sum3A_1810 : vector<8xf32> to vector<8x1xf32>
    %slice3A_1812 = vector.extract_strided_slice %concatenate3A {offsets = [0, 107], sizes = [8, 1], strides = [1, 1]} : vector<8x128xf32> to vector<8x1xf32>
    %gt3A_1813 = vector.broadcast %slice3A_1812 : vector<8x1xf32> to vector<8x128xf32>
    %gt3A_1814 = arith.cmpf ogt, %concatenate3A, %gt3A_1813 : vector<8x128xf32>
    %eq3A_1815 = vector.broadcast %slice3A_1812 : vector<8x1xf32> to vector<8x128xf32>
    %eq3A_1816 = arith.cmpf oeq, %concatenate3A, %eq3A_1815 : vector<8x128xf32>
    %lt3A_1817 = arith.constant 107 : i32
    %lt3A_1818 = vector.broadcast %lt3A_1817 : i32 to vector<8x128xi32>
    %lt3A_1819 = arith.cmpi slt, %iota3A_208, %lt3A_1818 : vector<8x128xi32>
    %and3A_1820 = arith.andi %eq3A_1816, %lt3A_1819 : vector<8x128xi1>
    %or3A_1821 = arith.ori %gt3A_1814, %and3A_1820 : vector<8x128xi1>
    %convert_element_type3A_1822 = arith.extui %or3A_1821 : vector<8x128xi1> to vector<8x128xi32>
    %convert_element_type3A_1823 = arith.sitofp %convert_element_type3A_1822 : vector<8x128xi32> to vector<8x128xf32>
    %reduce_sum3A_1824 = arith.constant dense<0.000000e+00> : vector<8xf32>
    %reduce_sum3A_1825 = vector.multi_reduction <add>, %convert_element_type3A_1823, %reduce_sum3A_1824 [1] : vector<8x128xf32> to vector<8xf32>
    %broadcast_in_dim3A_1826 = vector.shape_cast %reduce_sum3A_1825 : vector<8xf32> to vector<8x1xf32>
    %slice3A_1827 = vector.extract_strided_slice %concatenate3A {offsets = [0, 108], sizes = [8, 1], strides = [1, 1]} : vector<8x128xf32> to vector<8x1xf32>
    %gt3A_1828 = vector.broadcast %slice3A_1827 : vector<8x1xf32> to vector<8x128xf32>
    %gt3A_1829 = arith.cmpf ogt, %concatenate3A, %gt3A_1828 : vector<8x128xf32>
    %eq3A_1830 = vector.broadcast %slice3A_1827 : vector<8x1xf32> to vector<8x128xf32>
    %eq3A_1831 = arith.cmpf oeq, %concatenate3A, %eq3A_1830 : vector<8x128xf32>
    %lt3A_1832 = arith.constant 108 : i32
    %lt3A_1833 = vector.broadcast %lt3A_1832 : i32 to vector<8x128xi32>
    %lt3A_1834 = arith.cmpi slt, %iota3A_208, %lt3A_1833 : vector<8x128xi32>
    %and3A_1835 = arith.andi %eq3A_1831, %lt3A_1834 : vector<8x128xi1>
    %or3A_1836 = arith.ori %gt3A_1829, %and3A_1835 : vector<8x128xi1>
    %convert_element_type3A_1837 = arith.extui %or3A_1836 : vector<8x128xi1> to vector<8x128xi32>
    %convert_element_type3A_1838 = arith.sitofp %convert_element_type3A_1837 : vector<8x128xi32> to vector<8x128xf32>
    %reduce_sum3A_1839 = arith.constant dense<0.000000e+00> : vector<8xf32>
    %reduce_sum3A_1840 = vector.multi_reduction <add>, %convert_element_type3A_1838, %reduce_sum3A_1839 [1] : vector<8x128xf32> to vector<8xf32>
    %broadcast_in_dim3A_1841 = vector.shape_cast %reduce_sum3A_1840 : vector<8xf32> to vector<8x1xf32>
    %slice3A_1842 = vector.extract_strided_slice %concatenate3A {offsets = [0, 109], sizes = [8, 1], strides = [1, 1]} : vector<8x128xf32> to vector<8x1xf32>
    %gt3A_1843 = vector.broadcast %slice3A_1842 : vector<8x1xf32> to vector<8x128xf32>
    %gt3A_1844 = arith.cmpf ogt, %concatenate3A, %gt3A_1843 : vector<8x128xf32>
    %eq3A_1845 = vector.broadcast %slice3A_1842 : vector<8x1xf32> to vector<8x128xf32>
    %eq3A_1846 = arith.cmpf oeq, %concatenate3A, %eq3A_1845 : vector<8x128xf32>
    %lt3A_1847 = arith.constant 109 : i32
    %lt3A_1848 = vector.broadcast %lt3A_1847 : i32 to vector<8x128xi32>
    %lt3A_1849 = arith.cmpi slt, %iota3A_208, %lt3A_1848 : vector<8x128xi32>
    %and3A_1850 = arith.andi %eq3A_1846, %lt3A_1849 : vector<8x128xi1>
    %or3A_1851 = arith.ori %gt3A_1844, %and3A_1850 : vector<8x128xi1>
    %convert_element_type3A_1852 = arith.extui %or3A_1851 : vector<8x128xi1> to vector<8x128xi32>
    %convert_element_type3A_1853 = arith.sitofp %convert_element_type3A_1852 : vector<8x128xi32> to vector<8x128xf32>
    %reduce_sum3A_1854 = arith.constant dense<0.000000e+00> : vector<8xf32>
    %reduce_sum3A_1855 = vector.multi_reduction <add>, %convert_element_type3A_1853, %reduce_sum3A_1854 [1] : vector<8x128xf32> to vector<8xf32>
    %broadcast_in_dim3A_1856 = vector.shape_cast %reduce_sum3A_1855 : vector<8xf32> to vector<8x1xf32>
    %slice3A_1857 = vector.extract_strided_slice %concatenate3A {offsets = [0, 110], sizes = [8, 1], strides = [1, 1]} : vector<8x128xf32> to vector<8x1xf32>
    %gt3A_1858 = vector.broadcast %slice3A_1857 : vector<8x1xf32> to vector<8x128xf32>
    %gt3A_1859 = arith.cmpf ogt, %concatenate3A, %gt3A_1858 : vector<8x128xf32>
    %eq3A_1860 = vector.broadcast %slice3A_1857 : vector<8x1xf32> to vector<8x128xf32>
    %eq3A_1861 = arith.cmpf oeq, %concatenate3A, %eq3A_1860 : vector<8x128xf32>
    %lt3A_1862 = arith.constant 110 : i32
    %lt3A_1863 = vector.broadcast %lt3A_1862 : i32 to vector<8x128xi32>
    %lt3A_1864 = arith.cmpi slt, %iota3A_208, %lt3A_1863 : vector<8x128xi32>
    %and3A_1865 = arith.andi %eq3A_1861, %lt3A_1864 : vector<8x128xi1>
    %or3A_1866 = arith.ori %gt3A_1859, %and3A_1865 : vector<8x128xi1>
    %convert_element_type3A_1867 = arith.extui %or3A_1866 : vector<8x128xi1> to vector<8x128xi32>
    %convert_element_type3A_1868 = arith.sitofp %convert_element_type3A_1867 : vector<8x128xi32> to vector<8x128xf32>
    %reduce_sum3A_1869 = arith.constant dense<0.000000e+00> : vector<8xf32>
    %reduce_sum3A_1870 = vector.multi_reduction <add>, %convert_element_type3A_1868, %reduce_sum3A_1869 [1] : vector<8x128xf32> to vector<8xf32>
    %broadcast_in_dim3A_1871 = vector.shape_cast %reduce_sum3A_1870 : vector<8xf32> to vector<8x1xf32>
    %slice3A_1872 = vector.extract_strided_slice %concatenate3A {offsets = [0, 111], sizes = [8, 1], strides = [1, 1]} : vector<8x128xf32> to vector<8x1xf32>
    %gt3A_1873 = vector.broadcast %slice3A_1872 : vector<8x1xf32> to vector<8x128xf32>
    %gt3A_1874 = arith.cmpf ogt, %concatenate3A, %gt3A_1873 : vector<8x128xf32>
    %eq3A_1875 = vector.broadcast %slice3A_1872 : vector<8x1xf32> to vector<8x128xf32>
    %eq3A_1876 = arith.cmpf oeq, %concatenate3A, %eq3A_1875 : vector<8x128xf32>
    %lt3A_1877 = arith.constant 111 : i32
    %lt3A_1878 = vector.broadcast %lt3A_1877 : i32 to vector<8x128xi32>
    %lt3A_1879 = arith.cmpi slt, %iota3A_208, %lt3A_1878 : vector<8x128xi32>
    %and3A_1880 = arith.andi %eq3A_1876, %lt3A_1879 : vector<8x128xi1>
    %or3A_1881 = arith.ori %gt3A_1874, %and3A_1880 : vector<8x128xi1>
    %convert_element_type3A_1882 = arith.extui %or3A_1881 : vector<8x128xi1> to vector<8x128xi32>
    %convert_element_type3A_1883 = arith.sitofp %convert_element_type3A_1882 : vector<8x128xi32> to vector<8x128xf32>
    %reduce_sum3A_1884 = arith.constant dense<0.000000e+00> : vector<8xf32>
    %reduce_sum3A_1885 = vector.multi_reduction <add>, %convert_element_type3A_1883, %reduce_sum3A_1884 [1] : vector<8x128xf32> to vector<8xf32>
    %broadcast_in_dim3A_1886 = vector.shape_cast %reduce_sum3A_1885 : vector<8xf32> to vector<8x1xf32>
    %slice3A_1887 = vector.extract_strided_slice %concatenate3A {offsets = [0, 112], sizes = [8, 1], strides = [1, 1]} : vector<8x128xf32> to vector<8x1xf32>
    %gt3A_1888 = vector.broadcast %slice3A_1887 : vector<8x1xf32> to vector<8x128xf32>
    %gt3A_1889 = arith.cmpf ogt, %concatenate3A, %gt3A_1888 : vector<8x128xf32>
    %eq3A_1890 = vector.broadcast %slice3A_1887 : vector<8x1xf32> to vector<8x128xf32>
    %eq3A_1891 = arith.cmpf oeq, %concatenate3A, %eq3A_1890 : vector<8x128xf32>
    %lt3A_1892 = arith.constant 112 : i32
    %lt3A_1893 = vector.broadcast %lt3A_1892 : i32 to vector<8x128xi32>
    %lt3A_1894 = arith.cmpi slt, %iota3A_208, %lt3A_1893 : vector<8x128xi32>
    %and3A_1895 = arith.andi %eq3A_1891, %lt3A_1894 : vector<8x128xi1>
    %or3A_1896 = arith.ori %gt3A_1889, %and3A_1895 : vector<8x128xi1>
    %convert_element_type3A_1897 = arith.extui %or3A_1896 : vector<8x128xi1> to vector<8x128xi32>
    %convert_element_type3A_1898 = arith.sitofp %convert_element_type3A_1897 : vector<8x128xi32> to vector<8x128xf32>
    %reduce_sum3A_1899 = arith.constant dense<0.000000e+00> : vector<8xf32>
    %reduce_sum3A_1900 = vector.multi_reduction <add>, %convert_element_type3A_1898, %reduce_sum3A_1899 [1] : vector<8x128xf32> to vector<8xf32>
    %broadcast_in_dim3A_1901 = vector.shape_cast %reduce_sum3A_1900 : vector<8xf32> to vector<8x1xf32>
    %slice3A_1902 = vector.extract_strided_slice %concatenate3A {offsets = [0, 113], sizes = [8, 1], strides = [1, 1]} : vector<8x128xf32> to vector<8x1xf32>
    %gt3A_1903 = vector.broadcast %slice3A_1902 : vector<8x1xf32> to vector<8x128xf32>
    %gt3A_1904 = arith.cmpf ogt, %concatenate3A, %gt3A_1903 : vector<8x128xf32>
    %eq3A_1905 = vector.broadcast %slice3A_1902 : vector<8x1xf32> to vector<8x128xf32>
    %eq3A_1906 = arith.cmpf oeq, %concatenate3A, %eq3A_1905 : vector<8x128xf32>
    %lt3A_1907 = arith.constant 113 : i32
    %lt3A_1908 = vector.broadcast %lt3A_1907 : i32 to vector<8x128xi32>
    %lt3A_1909 = arith.cmpi slt, %iota3A_208, %lt3A_1908 : vector<8x128xi32>
    %and3A_1910 = arith.andi %eq3A_1906, %lt3A_1909 : vector<8x128xi1>
    %or3A_1911 = arith.ori %gt3A_1904, %and3A_1910 : vector<8x128xi1>
    %convert_element_type3A_1912 = arith.extui %or3A_1911 : vector<8x128xi1> to vector<8x128xi32>
    %convert_element_type3A_1913 = arith.sitofp %convert_element_type3A_1912 : vector<8x128xi32> to vector<8x128xf32>
    %reduce_sum3A_1914 = arith.constant dense<0.000000e+00> : vector<8xf32>
    %reduce_sum3A_1915 = vector.multi_reduction <add>, %convert_element_type3A_1913, %reduce_sum3A_1914 [1] : vector<8x128xf32> to vector<8xf32>
    %broadcast_in_dim3A_1916 = vector.shape_cast %reduce_sum3A_1915 : vector<8xf32> to vector<8x1xf32>
    %slice3A_1917 = vector.extract_strided_slice %concatenate3A {offsets = [0, 114], sizes = [8, 1], strides = [1, 1]} : vector<8x128xf32> to vector<8x1xf32>
    %gt3A_1918 = vector.broadcast %slice3A_1917 : vector<8x1xf32> to vector<8x128xf32>
    %gt3A_1919 = arith.cmpf ogt, %concatenate3A, %gt3A_1918 : vector<8x128xf32>
    %eq3A_1920 = vector.broadcast %slice3A_1917 : vector<8x1xf32> to vector<8x128xf32>
    %eq3A_1921 = arith.cmpf oeq, %concatenate3A, %eq3A_1920 : vector<8x128xf32>
    %lt3A_1922 = arith.constant 114 : i32
    %lt3A_1923 = vector.broadcast %lt3A_1922 : i32 to vector<8x128xi32>
    %lt3A_1924 = arith.cmpi slt, %iota3A_208, %lt3A_1923 : vector<8x128xi32>
    %and3A_1925 = arith.andi %eq3A_1921, %lt3A_1924 : vector<8x128xi1>
    %or3A_1926 = arith.ori %gt3A_1919, %and3A_1925 : vector<8x128xi1>
    %convert_element_type3A_1927 = arith.extui %or3A_1926 : vector<8x128xi1> to vector<8x128xi32>
    %convert_element_type3A_1928 = arith.sitofp %convert_element_type3A_1927 : vector<8x128xi32> to vector<8x128xf32>
    %reduce_sum3A_1929 = arith.constant dense<0.000000e+00> : vector<8xf32>
    %reduce_sum3A_1930 = vector.multi_reduction <add>, %convert_element_type3A_1928, %reduce_sum3A_1929 [1] : vector<8x128xf32> to vector<8xf32>
    %broadcast_in_dim3A_1931 = vector.shape_cast %reduce_sum3A_1930 : vector<8xf32> to vector<8x1xf32>
    %slice3A_1932 = vector.extract_strided_slice %concatenate3A {offsets = [0, 115], sizes = [8, 1], strides = [1, 1]} : vector<8x128xf32> to vector<8x1xf32>
    %gt3A_1933 = vector.broadcast %slice3A_1932 : vector<8x1xf32> to vector<8x128xf32>
    %gt3A_1934 = arith.cmpf ogt, %concatenate3A, %gt3A_1933 : vector<8x128xf32>
    %eq3A_1935 = vector.broadcast %slice3A_1932 : vector<8x1xf32> to vector<8x128xf32>
    %eq3A_1936 = arith.cmpf oeq, %concatenate3A, %eq3A_1935 : vector<8x128xf32>
    %lt3A_1937 = arith.constant 115 : i32
    %lt3A_1938 = vector.broadcast %lt3A_1937 : i32 to vector<8x128xi32>
    %lt3A_1939 = arith.cmpi slt, %iota3A_208, %lt3A_1938 : vector<8x128xi32>
    %and3A_1940 = arith.andi %eq3A_1936, %lt3A_1939 : vector<8x128xi1>
    %or3A_1941 = arith.ori %gt3A_1934, %and3A_1940 : vector<8x128xi1>
    %convert_element_type3A_1942 = arith.extui %or3A_1941 : vector<8x128xi1> to vector<8x128xi32>
    %convert_element_type3A_1943 = arith.sitofp %convert_element_type3A_1942 : vector<8x128xi32> to vector<8x128xf32>
    %reduce_sum3A_1944 = arith.constant dense<0.000000e+00> : vector<8xf32>
    %reduce_sum3A_1945 = vector.multi_reduction <add>, %convert_element_type3A_1943, %reduce_sum3A_1944 [1] : vector<8x128xf32> to vector<8xf32>
    %broadcast_in_dim3A_1946 = vector.shape_cast %reduce_sum3A_1945 : vector<8xf32> to vector<8x1xf32>
    %slice3A_1947 = vector.extract_strided_slice %concatenate3A {offsets = [0, 116], sizes = [8, 1], strides = [1, 1]} : vector<8x128xf32> to vector<8x1xf32>
    %gt3A_1948 = vector.broadcast %slice3A_1947 : vector<8x1xf32> to vector<8x128xf32>
    %gt3A_1949 = arith.cmpf ogt, %concatenate3A, %gt3A_1948 : vector<8x128xf32>
    %eq3A_1950 = vector.broadcast %slice3A_1947 : vector<8x1xf32> to vector<8x128xf32>
    %eq3A_1951 = arith.cmpf oeq, %concatenate3A, %eq3A_1950 : vector<8x128xf32>
    %lt3A_1952 = arith.constant 116 : i32
    %lt3A_1953 = vector.broadcast %lt3A_1952 : i32 to vector<8x128xi32>
    %lt3A_1954 = arith.cmpi slt, %iota3A_208, %lt3A_1953 : vector<8x128xi32>
    %and3A_1955 = arith.andi %eq3A_1951, %lt3A_1954 : vector<8x128xi1>
    %or3A_1956 = arith.ori %gt3A_1949, %and3A_1955 : vector<8x128xi1>
    %convert_element_type3A_1957 = arith.extui %or3A_1956 : vector<8x128xi1> to vector<8x128xi32>
    %convert_element_type3A_1958 = arith.sitofp %convert_element_type3A_1957 : vector<8x128xi32> to vector<8x128xf32>
    %reduce_sum3A_1959 = arith.constant dense<0.000000e+00> : vector<8xf32>
    %reduce_sum3A_1960 = vector.multi_reduction <add>, %convert_element_type3A_1958, %reduce_sum3A_1959 [1] : vector<8x128xf32> to vector<8xf32>
    %broadcast_in_dim3A_1961 = vector.shape_cast %reduce_sum3A_1960 : vector<8xf32> to vector<8x1xf32>
    %slice3A_1962 = vector.extract_strided_slice %concatenate3A {offsets = [0, 117], sizes = [8, 1], strides = [1, 1]} : vector<8x128xf32> to vector<8x1xf32>
    %gt3A_1963 = vector.broadcast %slice3A_1962 : vector<8x1xf32> to vector<8x128xf32>
    %gt3A_1964 = arith.cmpf ogt, %concatenate3A, %gt3A_1963 : vector<8x128xf32>
    %eq3A_1965 = vector.broadcast %slice3A_1962 : vector<8x1xf32> to vector<8x128xf32>
    %eq3A_1966 = arith.cmpf oeq, %concatenate3A, %eq3A_1965 : vector<8x128xf32>
    %lt3A_1967 = arith.constant 117 : i32
    %lt3A_1968 = vector.broadcast %lt3A_1967 : i32 to vector<8x128xi32>
    %lt3A_1969 = arith.cmpi slt, %iota3A_208, %lt3A_1968 : vector<8x128xi32>
    %and3A_1970 = arith.andi %eq3A_1966, %lt3A_1969 : vector<8x128xi1>
    %or3A_1971 = arith.ori %gt3A_1964, %and3A_1970 : vector<8x128xi1>
    %convert_element_type3A_1972 = arith.extui %or3A_1971 : vector<8x128xi1> to vector<8x128xi32>
    %convert_element_type3A_1973 = arith.sitofp %convert_element_type3A_1972 : vector<8x128xi32> to vector<8x128xf32>
    %reduce_sum3A_1974 = arith.constant dense<0.000000e+00> : vector<8xf32>
    %reduce_sum3A_1975 = vector.multi_reduction <add>, %convert_element_type3A_1973, %reduce_sum3A_1974 [1] : vector<8x128xf32> to vector<8xf32>
    %broadcast_in_dim3A_1976 = vector.shape_cast %reduce_sum3A_1975 : vector<8xf32> to vector<8x1xf32>
    %slice3A_1977 = vector.extract_strided_slice %concatenate3A {offsets = [0, 118], sizes = [8, 1], strides = [1, 1]} : vector<8x128xf32> to vector<8x1xf32>
    %gt3A_1978 = vector.broadcast %slice3A_1977 : vector<8x1xf32> to vector<8x128xf32>
    %gt3A_1979 = arith.cmpf ogt, %concatenate3A, %gt3A_1978 : vector<8x128xf32>
    %eq3A_1980 = vector.broadcast %slice3A_1977 : vector<8x1xf32> to vector<8x128xf32>
    %eq3A_1981 = arith.cmpf oeq, %concatenate3A, %eq3A_1980 : vector<8x128xf32>
    %lt3A_1982 = arith.constant 118 : i32
    %lt3A_1983 = vector.broadcast %lt3A_1982 : i32 to vector<8x128xi32>
    %lt3A_1984 = arith.cmpi slt, %iota3A_208, %lt3A_1983 : vector<8x128xi32>
    %and3A_1985 = arith.andi %eq3A_1981, %lt3A_1984 : vector<8x128xi1>
    %or3A_1986 = arith.ori %gt3A_1979, %and3A_1985 : vector<8x128xi1>
    %convert_element_type3A_1987 = arith.extui %or3A_1986 : vector<8x128xi1> to vector<8x128xi32>
    %convert_element_type3A_1988 = arith.sitofp %convert_element_type3A_1987 : vector<8x128xi32> to vector<8x128xf32>
    %reduce_sum3A_1989 = arith.constant dense<0.000000e+00> : vector<8xf32>
    %reduce_sum3A_1990 = vector.multi_reduction <add>, %convert_element_type3A_1988, %reduce_sum3A_1989 [1] : vector<8x128xf32> to vector<8xf32>
    %broadcast_in_dim3A_1991 = vector.shape_cast %reduce_sum3A_1990 : vector<8xf32> to vector<8x1xf32>
    %slice3A_1992 = vector.extract_strided_slice %concatenate3A {offsets = [0, 119], sizes = [8, 1], strides = [1, 1]} : vector<8x128xf32> to vector<8x1xf32>
    %gt3A_1993 = vector.broadcast %slice3A_1992 : vector<8x1xf32> to vector<8x128xf32>
    %gt3A_1994 = arith.cmpf ogt, %concatenate3A, %gt3A_1993 : vector<8x128xf32>
    %eq3A_1995 = vector.broadcast %slice3A_1992 : vector<8x1xf32> to vector<8x128xf32>
    %eq3A_1996 = arith.cmpf oeq, %concatenate3A, %eq3A_1995 : vector<8x128xf32>
    %lt3A_1997 = arith.constant 119 : i32
    %lt3A_1998 = vector.broadcast %lt3A_1997 : i32 to vector<8x128xi32>
    %lt3A_1999 = arith.cmpi slt, %iota3A_208, %lt3A_1998 : vector<8x128xi32>
    %and3A_2000 = arith.andi %eq3A_1996, %lt3A_1999 : vector<8x128xi1>
    %or3A_2001 = arith.ori %gt3A_1994, %and3A_2000 : vector<8x128xi1>
    %convert_element_type3A_2002 = arith.extui %or3A_2001 : vector<8x128xi1> to vector<8x128xi32>
    %convert_element_type3A_2003 = arith.sitofp %convert_element_type3A_2002 : vector<8x128xi32> to vector<8x128xf32>
    %reduce_sum3A_2004 = arith.constant dense<0.000000e+00> : vector<8xf32>
    %reduce_sum3A_2005 = vector.multi_reduction <add>, %convert_element_type3A_2003, %reduce_sum3A_2004 [1] : vector<8x128xf32> to vector<8xf32>
    %broadcast_in_dim3A_2006 = vector.shape_cast %reduce_sum3A_2005 : vector<8xf32> to vector<8x1xf32>
    %slice3A_2007 = vector.extract_strided_slice %concatenate3A {offsets = [0, 120], sizes = [8, 1], strides = [1, 1]} : vector<8x128xf32> to vector<8x1xf32>
    %gt3A_2008 = vector.broadcast %slice3A_2007 : vector<8x1xf32> to vector<8x128xf32>
    %gt3A_2009 = arith.cmpf ogt, %concatenate3A, %gt3A_2008 : vector<8x128xf32>
    %eq3A_2010 = vector.broadcast %slice3A_2007 : vector<8x1xf32> to vector<8x128xf32>
    %eq3A_2011 = arith.cmpf oeq, %concatenate3A, %eq3A_2010 : vector<8x128xf32>
    %lt3A_2012 = arith.constant 120 : i32
    %lt3A_2013 = vector.broadcast %lt3A_2012 : i32 to vector<8x128xi32>
    %lt3A_2014 = arith.cmpi slt, %iota3A_208, %lt3A_2013 : vector<8x128xi32>
    %and3A_2015 = arith.andi %eq3A_2011, %lt3A_2014 : vector<8x128xi1>
    %or3A_2016 = arith.ori %gt3A_2009, %and3A_2015 : vector<8x128xi1>
    %convert_element_type3A_2017 = arith.extui %or3A_2016 : vector<8x128xi1> to vector<8x128xi32>
    %convert_element_type3A_2018 = arith.sitofp %convert_element_type3A_2017 : vector<8x128xi32> to vector<8x128xf32>
    %reduce_sum3A_2019 = arith.constant dense<0.000000e+00> : vector<8xf32>
    %reduce_sum3A_2020 = vector.multi_reduction <add>, %convert_element_type3A_2018, %reduce_sum3A_2019 [1] : vector<8x128xf32> to vector<8xf32>
    %broadcast_in_dim3A_2021 = vector.shape_cast %reduce_sum3A_2020 : vector<8xf32> to vector<8x1xf32>
    %slice3A_2022 = vector.extract_strided_slice %concatenate3A {offsets = [0, 121], sizes = [8, 1], strides = [1, 1]} : vector<8x128xf32> to vector<8x1xf32>
    %gt3A_2023 = vector.broadcast %slice3A_2022 : vector<8x1xf32> to vector<8x128xf32>
    %gt3A_2024 = arith.cmpf ogt, %concatenate3A, %gt3A_2023 : vector<8x128xf32>
    %eq3A_2025 = vector.broadcast %slice3A_2022 : vector<8x1xf32> to vector<8x128xf32>
    %eq3A_2026 = arith.cmpf oeq, %concatenate3A, %eq3A_2025 : vector<8x128xf32>
    %lt3A_2027 = arith.constant 121 : i32
    %lt3A_2028 = vector.broadcast %lt3A_2027 : i32 to vector<8x128xi32>
    %lt3A_2029 = arith.cmpi slt, %iota3A_208, %lt3A_2028 : vector<8x128xi32>
    %and3A_2030 = arith.andi %eq3A_2026, %lt3A_2029 : vector<8x128xi1>
    %or3A_2031 = arith.ori %gt3A_2024, %and3A_2030 : vector<8x128xi1>
    %convert_element_type3A_2032 = arith.extui %or3A_2031 : vector<8x128xi1> to vector<8x128xi32>
    %convert_element_type3A_2033 = arith.sitofp %convert_element_type3A_2032 : vector<8x128xi32> to vector<8x128xf32>
    %reduce_sum3A_2034 = arith.constant dense<0.000000e+00> : vector<8xf32>
    %reduce_sum3A_2035 = vector.multi_reduction <add>, %convert_element_type3A_2033, %reduce_sum3A_2034 [1] : vector<8x128xf32> to vector<8xf32>
    %broadcast_in_dim3A_2036 = vector.shape_cast %reduce_sum3A_2035 : vector<8xf32> to vector<8x1xf32>
    %slice3A_2037 = vector.extract_strided_slice %concatenate3A {offsets = [0, 122], sizes = [8, 1], strides = [1, 1]} : vector<8x128xf32> to vector<8x1xf32>
    %gt3A_2038 = vector.broadcast %slice3A_2037 : vector<8x1xf32> to vector<8x128xf32>
    %gt3A_2039 = arith.cmpf ogt, %concatenate3A, %gt3A_2038 : vector<8x128xf32>
    %eq3A_2040 = vector.broadcast %slice3A_2037 : vector<8x1xf32> to vector<8x128xf32>
    %eq3A_2041 = arith.cmpf oeq, %concatenate3A, %eq3A_2040 : vector<8x128xf32>
    %lt3A_2042 = arith.constant 122 : i32
    %lt3A_2043 = vector.broadcast %lt3A_2042 : i32 to vector<8x128xi32>
    %lt3A_2044 = arith.cmpi slt, %iota3A_208, %lt3A_2043 : vector<8x128xi32>
    %and3A_2045 = arith.andi %eq3A_2041, %lt3A_2044 : vector<8x128xi1>
    %or3A_2046 = arith.ori %gt3A_2039, %and3A_2045 : vector<8x128xi1>
    %convert_element_type3A_2047 = arith.extui %or3A_2046 : vector<8x128xi1> to vector<8x128xi32>
    %convert_element_type3A_2048 = arith.sitofp %convert_element_type3A_2047 : vector<8x128xi32> to vector<8x128xf32>
    %reduce_sum3A_2049 = arith.constant dense<0.000000e+00> : vector<8xf32>
    %reduce_sum3A_2050 = vector.multi_reduction <add>, %convert_element_type3A_2048, %reduce_sum3A_2049 [1] : vector<8x128xf32> to vector<8xf32>
    %broadcast_in_dim3A_2051 = vector.shape_cast %reduce_sum3A_2050 : vector<8xf32> to vector<8x1xf32>
    %slice3A_2052 = vector.extract_strided_slice %concatenate3A {offsets = [0, 123], sizes = [8, 1], strides = [1, 1]} : vector<8x128xf32> to vector<8x1xf32>
    %gt3A_2053 = vector.broadcast %slice3A_2052 : vector<8x1xf32> to vector<8x128xf32>
    %gt3A_2054 = arith.cmpf ogt, %concatenate3A, %gt3A_2053 : vector<8x128xf32>
    %eq3A_2055 = vector.broadcast %slice3A_2052 : vector<8x1xf32> to vector<8x128xf32>
    %eq3A_2056 = arith.cmpf oeq, %concatenate3A, %eq3A_2055 : vector<8x128xf32>
    %lt3A_2057 = arith.constant 123 : i32
    %lt3A_2058 = vector.broadcast %lt3A_2057 : i32 to vector<8x128xi32>
    %lt3A_2059 = arith.cmpi slt, %iota3A_208, %lt3A_2058 : vector<8x128xi32>
    %and3A_2060 = arith.andi %eq3A_2056, %lt3A_2059 : vector<8x128xi1>
    %or3A_2061 = arith.ori %gt3A_2054, %and3A_2060 : vector<8x128xi1>
    %convert_element_type3A_2062 = arith.extui %or3A_2061 : vector<8x128xi1> to vector<8x128xi32>
    %convert_element_type3A_2063 = arith.sitofp %convert_element_type3A_2062 : vector<8x128xi32> to vector<8x128xf32>
    %reduce_sum3A_2064 = arith.constant dense<0.000000e+00> : vector<8xf32>
    %reduce_sum3A_2065 = vector.multi_reduction <add>, %convert_element_type3A_2063, %reduce_sum3A_2064 [1] : vector<8x128xf32> to vector<8xf32>
    %broadcast_in_dim3A_2066 = vector.shape_cast %reduce_sum3A_2065 : vector<8xf32> to vector<8x1xf32>
    %slice3A_2067 = vector.extract_strided_slice %concatenate3A {offsets = [0, 124], sizes = [8, 1], strides = [1, 1]} : vector<8x128xf32> to vector<8x1xf32>
    %gt3A_2068 = vector.broadcast %slice3A_2067 : vector<8x1xf32> to vector<8x128xf32>
    %gt3A_2069 = arith.cmpf ogt, %concatenate3A, %gt3A_2068 : vector<8x128xf32>
    %eq3A_2070 = vector.broadcast %slice3A_2067 : vector<8x1xf32> to vector<8x128xf32>
    %eq3A_2071 = arith.cmpf oeq, %concatenate3A, %eq3A_2070 : vector<8x128xf32>
    %lt3A_2072 = arith.constant 124 : i32
    %lt3A_2073 = vector.broadcast %lt3A_2072 : i32 to vector<8x128xi32>
    %lt3A_2074 = arith.cmpi slt, %iota3A_208, %lt3A_2073 : vector<8x128xi32>
    %and3A_2075 = arith.andi %eq3A_2071, %lt3A_2074 : vector<8x128xi1>
    %or3A_2076 = arith.ori %gt3A_2069, %and3A_2075 : vector<8x128xi1>
    %convert_element_type3A_2077 = arith.extui %or3A_2076 : vector<8x128xi1> to vector<8x128xi32>
    %convert_element_type3A_2078 = arith.sitofp %convert_element_type3A_2077 : vector<8x128xi32> to vector<8x128xf32>
    %reduce_sum3A_2079 = arith.constant dense<0.000000e+00> : vector<8xf32>
    %reduce_sum3A_2080 = vector.multi_reduction <add>, %convert_element_type3A_2078, %reduce_sum3A_2079 [1] : vector<8x128xf32> to vector<8xf32>
    %broadcast_in_dim3A_2081 = vector.shape_cast %reduce_sum3A_2080 : vector<8xf32> to vector<8x1xf32>
    %slice3A_2082 = vector.extract_strided_slice %concatenate3A {offsets = [0, 125], sizes = [8, 1], strides = [1, 1]} : vector<8x128xf32> to vector<8x1xf32>
    %gt3A_2083 = vector.broadcast %slice3A_2082 : vector<8x1xf32> to vector<8x128xf32>
    %gt3A_2084 = arith.cmpf ogt, %concatenate3A, %gt3A_2083 : vector<8x128xf32>
    %eq3A_2085 = vector.broadcast %slice3A_2082 : vector<8x1xf32> to vector<8x128xf32>
    %eq3A_2086 = arith.cmpf oeq, %concatenate3A, %eq3A_2085 : vector<8x128xf32>
    %lt3A_2087 = arith.constant 125 : i32
    %lt3A_2088 = vector.broadcast %lt3A_2087 : i32 to vector<8x128xi32>
    %lt3A_2089 = arith.cmpi slt, %iota3A_208, %lt3A_2088 : vector<8x128xi32>
    %and3A_2090 = arith.andi %eq3A_2086, %lt3A_2089 : vector<8x128xi1>
    %or3A_2091 = arith.ori %gt3A_2084, %and3A_2090 : vector<8x128xi1>
    %convert_element_type3A_2092 = arith.extui %or3A_2091 : vector<8x128xi1> to vector<8x128xi32>
    %convert_element_type3A_2093 = arith.sitofp %convert_element_type3A_2092 : vector<8x128xi32> to vector<8x128xf32>
    %reduce_sum3A_2094 = arith.constant dense<0.000000e+00> : vector<8xf32>
    %reduce_sum3A_2095 = vector.multi_reduction <add>, %convert_element_type3A_2093, %reduce_sum3A_2094 [1] : vector<8x128xf32> to vector<8xf32>
    %broadcast_in_dim3A_2096 = vector.shape_cast %reduce_sum3A_2095 : vector<8xf32> to vector<8x1xf32>
    %slice3A_2097 = vector.extract_strided_slice %concatenate3A {offsets = [0, 126], sizes = [8, 1], strides = [1, 1]} : vector<8x128xf32> to vector<8x1xf32>
    %gt3A_2098 = vector.broadcast %slice3A_2097 : vector<8x1xf32> to vector<8x128xf32>
    %gt3A_2099 = arith.cmpf ogt, %concatenate3A, %gt3A_2098 : vector<8x128xf32>
    %eq3A_2100 = vector.broadcast %slice3A_2097 : vector<8x1xf32> to vector<8x128xf32>
    %eq3A_2101 = arith.cmpf oeq, %concatenate3A, %eq3A_2100 : vector<8x128xf32>
    %lt3A_2102 = arith.constant 126 : i32
    %lt3A_2103 = vector.broadcast %lt3A_2102 : i32 to vector<8x128xi32>
    %lt3A_2104 = arith.cmpi slt, %iota3A_208, %lt3A_2103 : vector<8x128xi32>
    %and3A_2105 = arith.andi %eq3A_2101, %lt3A_2104 : vector<8x128xi1>
    %or3A_2106 = arith.ori %gt3A_2099, %and3A_2105 : vector<8x128xi1>
    %convert_element_type3A_2107 = arith.extui %or3A_2106 : vector<8x128xi1> to vector<8x128xi32>
    %convert_element_type3A_2108 = arith.sitofp %convert_element_type3A_2107 : vector<8x128xi32> to vector<8x128xf32>
    %reduce_sum3A_2109 = arith.constant dense<0.000000e+00> : vector<8xf32>
    %reduce_sum3A_2110 = vector.multi_reduction <add>, %convert_element_type3A_2108, %reduce_sum3A_2109 [1] : vector<8x128xf32> to vector<8xf32>
    %broadcast_in_dim3A_2111 = vector.shape_cast %reduce_sum3A_2110 : vector<8xf32> to vector<8x1xf32>
    %slice3A_2112 = vector.extract_strided_slice %concatenate3A {offsets = [0, 127], sizes = [8, 1], strides = [1, 1]} : vector<8x128xf32> to vector<8x1xf32>
    %gt3A_2113 = vector.broadcast %slice3A_2112 : vector<8x1xf32> to vector<8x128xf32>
    %gt3A_2114 = arith.cmpf ogt, %concatenate3A, %gt3A_2113 : vector<8x128xf32>
    %eq3A_2115 = vector.broadcast %slice3A_2112 : vector<8x1xf32> to vector<8x128xf32>
    %eq3A_2116 = arith.cmpf oeq, %concatenate3A, %eq3A_2115 : vector<8x128xf32>
    %lt3A_2117 = arith.constant 127 : i32
    %lt3A_2118 = vector.broadcast %lt3A_2117 : i32 to vector<8x128xi32>
    %lt3A_2119 = arith.cmpi slt, %iota3A_208, %lt3A_2118 : vector<8x128xi32>
    %and3A_2120 = arith.andi %eq3A_2116, %lt3A_2119 : vector<8x128xi1>
    %or3A_2121 = arith.ori %gt3A_2114, %and3A_2120 : vector<8x128xi1>
    %convert_element_type3A_2122 = arith.extui %or3A_2121 : vector<8x128xi1> to vector<8x128xi32>
    %convert_element_type3A_2123 = arith.sitofp %convert_element_type3A_2122 : vector<8x128xi32> to vector<8x128xf32>
    %reduce_sum3A_2124 = arith.constant dense<0.000000e+00> : vector<8xf32>
    %reduce_sum3A_2125 = vector.multi_reduction <add>, %convert_element_type3A_2123, %reduce_sum3A_2124 [1] : vector<8x128xf32> to vector<8xf32>
    %broadcast_in_dim3A_2126 = vector.shape_cast %reduce_sum3A_2125 : vector<8xf32> to vector<8x1xf32>
    %concatenate3A_2127 = tpu.concatenate %broadcast_in_dim3A_221, %broadcast_in_dim3A_236, %broadcast_in_dim3A_251, %broadcast_in_dim3A_266, %broadcast_in_dim3A_281, %broadcast_in_dim3A_296, %broadcast_in_dim3A_311, %broadcast_in_dim3A_326, %broadcast_in_dim3A_341, %broadcast_in_dim3A_356, %broadcast_in_dim3A_371, %broadcast_in_dim3A_386, %broadcast_in_dim3A_401, %broadcast_in_dim3A_416, %broadcast_in_dim3A_431, %broadcast_in_dim3A_446, %broadcast_in_dim3A_461, %broadcast_in_dim3A_476, %broadcast_in_dim3A_491, %broadcast_in_dim3A_506, %broadcast_in_dim3A_521, %broadcast_in_dim3A_536, %broadcast_in_dim3A_551, %broadcast_in_dim3A_566, %broadcast_in_dim3A_581, %broadcast_in_dim3A_596, %broadcast_in_dim3A_611, %broadcast_in_dim3A_626, %broadcast_in_dim3A_641, %broadcast_in_dim3A_656, %broadcast_in_dim3A_671, %broadcast_in_dim3A_686, %broadcast_in_dim3A_701, %broadcast_in_dim3A_716, %broadcast_in_dim3A_731, %broadcast_in_dim3A_746, %broadcast_in_dim3A_761, %broadcast_in_dim3A_776, %broadcast_in_dim3A_791, %broadcast_in_dim3A_806, %broadcast_in_dim3A_821, %broadcast_in_dim3A_836, %broadcast_in_dim3A_851, %broadcast_in_dim3A_866, %broadcast_in_dim3A_881, %broadcast_in_dim3A_896, %broadcast_in_dim3A_911, %broadcast_in_dim3A_926, %broadcast_in_dim3A_941, %broadcast_in_dim3A_956, %broadcast_in_dim3A_971, %broadcast_in_dim3A_986, %broadcast_in_dim3A_1001, %broadcast_in_dim3A_1016, %broadcast_in_dim3A_1031, %broadcast_in_dim3A_1046, %broadcast_in_dim3A_1061, %broadcast_in_dim3A_1076, %broadcast_in_dim3A_1091, %broadcast_in_dim3A_1106, %broadcast_in_dim3A_1121, %broadcast_in_dim3A_1136, %broadcast_in_dim3A_1151, %broadcast_in_dim3A_1166, %broadcast_in_dim3A_1181, %broadcast_in_dim3A_1196, %broadcast_in_dim3A_1211, %broadcast_in_dim3A_1226, %broadcast_in_dim3A_1241, %broadcast_in_dim3A_1256, %broadcast_in_dim3A_1271, %broadcast_in_dim3A_1286, %broadcast_in_dim3A_1301, %broadcast_in_dim3A_1316, %broadcast_in_dim3A_1331, %broadcast_in_dim3A_1346, %broadcast_in_dim3A_1361, %broadcast_in_dim3A_1376, %broadcast_in_dim3A_1391, %broadcast_in_dim3A_1406, %broadcast_in_dim3A_1421, %broadcast_in_dim3A_1436, %broadcast_in_dim3A_1451, %broadcast_in_dim3A_1466, %broadcast_in_dim3A_1481, %broadcast_in_dim3A_1496, %broadcast_in_dim3A_1511, %broadcast_in_dim3A_1526, %broadcast_in_dim3A_1541, %broadcast_in_dim3A_1556, %broadcast_in_dim3A_1571, %broadcast_in_dim3A_1586, %broadcast_in_dim3A_1601, %broadcast_in_dim3A_1616, %broadcast_in_dim3A_1631, %broadcast_in_dim3A_1646, %broadcast_in_dim3A_1661, %broadcast_in_dim3A_1676, %broadcast_in_dim3A_1691, %broadcast_in_dim3A_1706, %broadcast_in_dim3A_1721, %broadcast_in_dim3A_1736, %broadcast_in_dim3A_1751, %broadcast_in_dim3A_1766, %broadcast_in_dim3A_1781, %broadcast_in_dim3A_1796, %broadcast_in_dim3A_1811, %broadcast_in_dim3A_1826, %broadcast_in_dim3A_1841, %broadcast_in_dim3A_1856, %broadcast_in_dim3A_1871, %broadcast_in_dim3A_1886, %broadcast_in_dim3A_1901, %broadcast_in_dim3A_1916, %broadcast_in_dim3A_1931, %broadcast_in_dim3A_1946, %broadcast_in_dim3A_1961, %broadcast_in_dim3A_1976, %broadcast_in_dim3A_1991, %broadcast_in_dim3A_2006, %broadcast_in_dim3A_2021, %broadcast_in_dim3A_2036, %broadcast_in_dim3A_2051, %broadcast_in_dim3A_2066, %broadcast_in_dim3A_2081, %broadcast_in_dim3A_2096, %broadcast_in_dim3A_2111, %broadcast_in_dim3A_2126 in 1 : vector<8x1xf32>, vector<8x1xf32>, vector<8x1xf32>, vector<8x1xf32>, vector<8x1xf32>, vector<8x1xf32>, vector<8x1xf32>, vector<8x1xf32>, vector<8x1xf32>, vector<8x1xf32>, vector<8x1xf32>, vector<8x1xf32>, vector<8x1xf32>, vector<8x1xf32>, vector<8x1xf32>, vector<8x1xf32>, vector<8x1xf32>, vector<8x1xf32>, vector<8x1xf32>, vector<8x1xf32>, vector<8x1xf32>, vector<8x1xf32>, vector<8x1xf32>, vector<8x1xf32>, vector<8x1xf32>, vector<8x1xf32>, vector<8x1xf32>, vector<8x1xf32>, vector<8x1xf32>, vector<8x1xf32>, vector<8x1xf32>, vector<8x1xf32>, vector<8x1xf32>, vector<8x1xf32>, vector<8x1xf32>, vector<8x1xf32>, vector<8x1xf32>, vector<8x1xf32>, vector<8x1xf32>, vector<8x1xf32>, vector<8x1xf32>, vector<8x1xf32>, vector<8x1xf32>, vector<8x1xf32>, vector<8x1xf32>, vector<8x1xf32>, vector<8x1xf32>, vector<8x1xf32>, vector<8x1xf32>, vector<8x1xf32>, vector<8x1xf32>, vector<8x1xf32>, vector<8x1xf32>, vector<8x1xf32>, vector<8x1xf32>, vector<8x1xf32>, vector<8x1xf32>, vector<8x1xf32>, vector<8x1xf32>, vector<8x1xf32>, vector<8x1xf32>, vector<8x1xf32>, vector<8x1xf32>, vector<8x1xf32>, vector<8x1xf32>, vector<8x1xf32>, vector<8x1xf32>, vector<8x1xf32>, vector<8x1xf32>, vector<8x1xf32>, vector<8x1xf32>, vector<8x1xf32>, vector<8x1xf32>, vector<8x1xf32>, vector<8x1xf32>, vector<8x1xf32>, vector<8x1xf32>, vector<8x1xf32>, vector<8x1xf32>, vector<8x1xf32>, vector<8x1xf32>, vector<8x1xf32>, vector<8x1xf32>, vector<8x1xf32>, vector<8x1xf32>, vector<8x1xf32>, vector<8x1xf32>, vector<8x1xf32>, vector<8x1xf32>, vector<8x1xf32>, vector<8x1xf32>, vector<8x1xf32>, vector<8x1xf32>, vector<8x1xf32>, vector<8x1xf32>, vector<8x1xf32>, vector<8x1xf32>, vector<8x1xf32>, vector<8x1xf32>, vector<8x1xf32>, vector<8x1xf32>, vector<8x1xf32>, vector<8x1xf32>, vector<8x1xf32>, vector<8x1xf32>, vector<8x1xf32>, vector<8x1xf32>, vector<8x1xf32>, vector<8x1xf32>, vector<8x1xf32>, vector<8x1xf32>, vector<8x1xf32>, vector<8x1xf32>, vector<8x1xf32>, vector<8x1xf32>, vector<8x1xf32>, vector<8x1xf32>, vector<8x1xf32>, vector<8x1xf32>, vector<8x1xf32>, vector<8x1xf32>, vector<8x1xf32>, vector<8x1xf32>, vector<8x1xf32>, vector<8x1xf32>, vector<8x1xf32>, vector<8x1xf32>, vector<8x1xf32> -> vector<8x128xf32>
    %convert_element_type3A_2128 = arith.fptosi %concatenate3A_2127 : vector<8x128xf32> to vector<8x128xi32>
    %broadcast_in_dim3A_2129 = arith.constant 0.000000e+00 : f32
    %broadcast_in_dim3A_2130 = vector.broadcast %broadcast_in_dim3A_2129 : f32 to vector<8x128xf32>
    %slice3A_2131 = vector.extract_strided_slice %convert_element_type3A_2128 {offsets = [0, 0], sizes = [8, 1], strides = [1, 1]} : vector<8x128xi32> to vector<8x1xi32>
    %eq3A_2132 = vector.broadcast %slice3A_2131 : vector<8x1xi32> to vector<8x128xi32>
    %eq3A_2133 = arith.cmpi eq, %iota3A_208, %eq3A_2132 : vector<8x128xi32>
    %convert_element_type3A_2134 = arith.extui %eq3A_2133 : vector<8x128xi1> to vector<8x128xi32>
    %convert_element_type3A_2135 = arith.sitofp %convert_element_type3A_2134 : vector<8x128xi32> to vector<8x128xf32>
    %slice3A_2136 = vector.extract_strided_slice %concatenate3A {offsets = [0, 0], sizes = [8, 1], strides = [1, 1]} : vector<8x128xf32> to vector<8x1xf32>
    %mul3A_2137 = vector.broadcast %slice3A_2136 : vector<8x1xf32> to vector<8x128xf32>
    %mul3A_2138 = arith.mulf %convert_element_type3A_2135, %mul3A_2137 : vector<8x128xf32>
    %add3A_2139 = arith.addf %broadcast_in_dim3A_2130, %mul3A_2138 : vector<8x128xf32>
    %slice3A_2140 = vector.extract_strided_slice %convert_element_type3A_2128 {offsets = [0, 1], sizes = [8, 1], strides = [1, 1]} : vector<8x128xi32> to vector<8x1xi32>
    %eq3A_2141 = vector.broadcast %slice3A_2140 : vector<8x1xi32> to vector<8x128xi32>
    %eq3A_2142 = arith.cmpi eq, %iota3A_208, %eq3A_2141 : vector<8x128xi32>
    %convert_element_type3A_2143 = arith.extui %eq3A_2142 : vector<8x128xi1> to vector<8x128xi32>
    %convert_element_type3A_2144 = arith.sitofp %convert_element_type3A_2143 : vector<8x128xi32> to vector<8x128xf32>
    %slice3A_2145 = vector.extract_strided_slice %concatenate3A {offsets = [0, 1], sizes = [8, 1], strides = [1, 1]} : vector<8x128xf32> to vector<8x1xf32>
    %mul3A_2146 = vector.broadcast %slice3A_2145 : vector<8x1xf32> to vector<8x128xf32>
    %mul3A_2147 = arith.mulf %convert_element_type3A_2144, %mul3A_2146 : vector<8x128xf32>
    %add3A_2148 = arith.addf %add3A_2139, %mul3A_2147 : vector<8x128xf32>
    %slice3A_2149 = vector.extract_strided_slice %convert_element_type3A_2128 {offsets = [0, 2], sizes = [8, 1], strides = [1, 1]} : vector<8x128xi32> to vector<8x1xi32>
    %eq3A_2150 = vector.broadcast %slice3A_2149 : vector<8x1xi32> to vector<8x128xi32>
    %eq3A_2151 = arith.cmpi eq, %iota3A_208, %eq3A_2150 : vector<8x128xi32>
    %convert_element_type3A_2152 = arith.extui %eq3A_2151 : vector<8x128xi1> to vector<8x128xi32>
    %convert_element_type3A_2153 = arith.sitofp %convert_element_type3A_2152 : vector<8x128xi32> to vector<8x128xf32>
    %slice3A_2154 = vector.extract_strided_slice %concatenate3A {offsets = [0, 2], sizes = [8, 1], strides = [1, 1]} : vector<8x128xf32> to vector<8x1xf32>
    %mul3A_2155 = vector.broadcast %slice3A_2154 : vector<8x1xf32> to vector<8x128xf32>
    %mul3A_2156 = arith.mulf %convert_element_type3A_2153, %mul3A_2155 : vector<8x128xf32>
    %add3A_2157 = arith.addf %add3A_2148, %mul3A_2156 : vector<8x128xf32>
    %slice3A_2158 = vector.extract_strided_slice %convert_element_type3A_2128 {offsets = [0, 3], sizes = [8, 1], strides = [1, 1]} : vector<8x128xi32> to vector<8x1xi32>
    %eq3A_2159 = vector.broadcast %slice3A_2158 : vector<8x1xi32> to vector<8x128xi32>
    %eq3A_2160 = arith.cmpi eq, %iota3A_208, %eq3A_2159 : vector<8x128xi32>
    %convert_element_type3A_2161 = arith.extui %eq3A_2160 : vector<8x128xi1> to vector<8x128xi32>
    %convert_element_type3A_2162 = arith.sitofp %convert_element_type3A_2161 : vector<8x128xi32> to vector<8x128xf32>
    %slice3A_2163 = vector.extract_strided_slice %concatenate3A {offsets = [0, 3], sizes = [8, 1], strides = [1, 1]} : vector<8x128xf32> to vector<8x1xf32>
    %mul3A_2164 = vector.broadcast %slice3A_2163 : vector<8x1xf32> to vector<8x128xf32>
    %mul3A_2165 = arith.mulf %convert_element_type3A_2162, %mul3A_2164 : vector<8x128xf32>
    %add3A_2166 = arith.addf %add3A_2157, %mul3A_2165 : vector<8x128xf32>
    %slice3A_2167 = vector.extract_strided_slice %convert_element_type3A_2128 {offsets = [0, 4], sizes = [8, 1], strides = [1, 1]} : vector<8x128xi32> to vector<8x1xi32>
    %eq3A_2168 = vector.broadcast %slice3A_2167 : vector<8x1xi32> to vector<8x128xi32>
    %eq3A_2169 = arith.cmpi eq, %iota3A_208, %eq3A_2168 : vector<8x128xi32>
    %convert_element_type3A_2170 = arith.extui %eq3A_2169 : vector<8x128xi1> to vector<8x128xi32>
    %convert_element_type3A_2171 = arith.sitofp %convert_element_type3A_2170 : vector<8x128xi32> to vector<8x128xf32>
    %slice3A_2172 = vector.extract_strided_slice %concatenate3A {offsets = [0, 4], sizes = [8, 1], strides = [1, 1]} : vector<8x128xf32> to vector<8x1xf32>
    %mul3A_2173 = vector.broadcast %slice3A_2172 : vector<8x1xf32> to vector<8x128xf32>
    %mul3A_2174 = arith.mulf %convert_element_type3A_2171, %mul3A_2173 : vector<8x128xf32>
    %add3A_2175 = arith.addf %add3A_2166, %mul3A_2174 : vector<8x128xf32>
    %slice3A_2176 = vector.extract_strided_slice %convert_element_type3A_2128 {offsets = [0, 5], sizes = [8, 1], strides = [1, 1]} : vector<8x128xi32> to vector<8x1xi32>
    %eq3A_2177 = vector.broadcast %slice3A_2176 : vector<8x1xi32> to vector<8x128xi32>
    %eq3A_2178 = arith.cmpi eq, %iota3A_208, %eq3A_2177 : vector<8x128xi32>
    %convert_element_type3A_2179 = arith.extui %eq3A_2178 : vector<8x128xi1> to vector<8x128xi32>
    %convert_element_type3A_2180 = arith.sitofp %convert_element_type3A_2179 : vector<8x128xi32> to vector<8x128xf32>
    %slice3A_2181 = vector.extract_strided_slice %concatenate3A {offsets = [0, 5], sizes = [8, 1], strides = [1, 1]} : vector<8x128xf32> to vector<8x1xf32>
    %mul3A_2182 = vector.broadcast %slice3A_2181 : vector<8x1xf32> to vector<8x128xf32>
    %mul3A_2183 = arith.mulf %convert_element_type3A_2180, %mul3A_2182 : vector<8x128xf32>
    %add3A_2184 = arith.addf %add3A_2175, %mul3A_2183 : vector<8x128xf32>
    %slice3A_2185 = vector.extract_strided_slice %convert_element_type3A_2128 {offsets = [0, 6], sizes = [8, 1], strides = [1, 1]} : vector<8x128xi32> to vector<8x1xi32>
    %eq3A_2186 = vector.broadcast %slice3A_2185 : vector<8x1xi32> to vector<8x128xi32>
    %eq3A_2187 = arith.cmpi eq, %iota3A_208, %eq3A_2186 : vector<8x128xi32>
    %convert_element_type3A_2188 = arith.extui %eq3A_2187 : vector<8x128xi1> to vector<8x128xi32>
    %convert_element_type3A_2189 = arith.sitofp %convert_element_type3A_2188 : vector<8x128xi32> to vector<8x128xf32>
    %slice3A_2190 = vector.extract_strided_slice %concatenate3A {offsets = [0, 6], sizes = [8, 1], strides = [1, 1]} : vector<8x128xf32> to vector<8x1xf32>
    %mul3A_2191 = vector.broadcast %slice3A_2190 : vector<8x1xf32> to vector<8x128xf32>
    %mul3A_2192 = arith.mulf %convert_element_type3A_2189, %mul3A_2191 : vector<8x128xf32>
    %add3A_2193 = arith.addf %add3A_2184, %mul3A_2192 : vector<8x128xf32>
    %slice3A_2194 = vector.extract_strided_slice %convert_element_type3A_2128 {offsets = [0, 7], sizes = [8, 1], strides = [1, 1]} : vector<8x128xi32> to vector<8x1xi32>
    %eq3A_2195 = vector.broadcast %slice3A_2194 : vector<8x1xi32> to vector<8x128xi32>
    %eq3A_2196 = arith.cmpi eq, %iota3A_208, %eq3A_2195 : vector<8x128xi32>
    %convert_element_type3A_2197 = arith.extui %eq3A_2196 : vector<8x128xi1> to vector<8x128xi32>
    %convert_element_type3A_2198 = arith.sitofp %convert_element_type3A_2197 : vector<8x128xi32> to vector<8x128xf32>
    %slice3A_2199 = vector.extract_strided_slice %concatenate3A {offsets = [0, 7], sizes = [8, 1], strides = [1, 1]} : vector<8x128xf32> to vector<8x1xf32>
    %mul3A_2200 = vector.broadcast %slice3A_2199 : vector<8x1xf32> to vector<8x128xf32>
    %mul3A_2201 = arith.mulf %convert_element_type3A_2198, %mul3A_2200 : vector<8x128xf32>
    %add3A_2202 = arith.addf %add3A_2193, %mul3A_2201 : vector<8x128xf32>
    %slice3A_2203 = vector.extract_strided_slice %convert_element_type3A_2128 {offsets = [0, 8], sizes = [8, 1], strides = [1, 1]} : vector<8x128xi32> to vector<8x1xi32>
    %eq3A_2204 = vector.broadcast %slice3A_2203 : vector<8x1xi32> to vector<8x128xi32>
    %eq3A_2205 = arith.cmpi eq, %iota3A_208, %eq3A_2204 : vector<8x128xi32>
    %convert_element_type3A_2206 = arith.extui %eq3A_2205 : vector<8x128xi1> to vector<8x128xi32>
    %convert_element_type3A_2207 = arith.sitofp %convert_element_type3A_2206 : vector<8x128xi32> to vector<8x128xf32>
    %slice3A_2208 = vector.extract_strided_slice %concatenate3A {offsets = [0, 8], sizes = [8, 1], strides = [1, 1]} : vector<8x128xf32> to vector<8x1xf32>
    %mul3A_2209 = vector.broadcast %slice3A_2208 : vector<8x1xf32> to vector<8x128xf32>
    %mul3A_2210 = arith.mulf %convert_element_type3A_2207, %mul3A_2209 : vector<8x128xf32>
    %add3A_2211 = arith.addf %add3A_2202, %mul3A_2210 : vector<8x128xf32>
    %slice3A_2212 = vector.extract_strided_slice %convert_element_type3A_2128 {offsets = [0, 9], sizes = [8, 1], strides = [1, 1]} : vector<8x128xi32> to vector<8x1xi32>
    %eq3A_2213 = vector.broadcast %slice3A_2212 : vector<8x1xi32> to vector<8x128xi32>
    %eq3A_2214 = arith.cmpi eq, %iota3A_208, %eq3A_2213 : vector<8x128xi32>
    %convert_element_type3A_2215 = arith.extui %eq3A_2214 : vector<8x128xi1> to vector<8x128xi32>
    %convert_element_type3A_2216 = arith.sitofp %convert_element_type3A_2215 : vector<8x128xi32> to vector<8x128xf32>
    %slice3A_2217 = vector.extract_strided_slice %concatenate3A {offsets = [0, 9], sizes = [8, 1], strides = [1, 1]} : vector<8x128xf32> to vector<8x1xf32>
    %mul3A_2218 = vector.broadcast %slice3A_2217 : vector<8x1xf32> to vector<8x128xf32>
    %mul3A_2219 = arith.mulf %convert_element_type3A_2216, %mul3A_2218 : vector<8x128xf32>
    %add3A_2220 = arith.addf %add3A_2211, %mul3A_2219 : vector<8x128xf32>
    %slice3A_2221 = vector.extract_strided_slice %convert_element_type3A_2128 {offsets = [0, 10], sizes = [8, 1], strides = [1, 1]} : vector<8x128xi32> to vector<8x1xi32>
    %eq3A_2222 = vector.broadcast %slice3A_2221 : vector<8x1xi32> to vector<8x128xi32>
    %eq3A_2223 = arith.cmpi eq, %iota3A_208, %eq3A_2222 : vector<8x128xi32>
    %convert_element_type3A_2224 = arith.extui %eq3A_2223 : vector<8x128xi1> to vector<8x128xi32>
    %convert_element_type3A_2225 = arith.sitofp %convert_element_type3A_2224 : vector<8x128xi32> to vector<8x128xf32>
    %slice3A_2226 = vector.extract_strided_slice %concatenate3A {offsets = [0, 10], sizes = [8, 1], strides = [1, 1]} : vector<8x128xf32> to vector<8x1xf32>
    %mul3A_2227 = vector.broadcast %slice3A_2226 : vector<8x1xf32> to vector<8x128xf32>
    %mul3A_2228 = arith.mulf %convert_element_type3A_2225, %mul3A_2227 : vector<8x128xf32>
    %add3A_2229 = arith.addf %add3A_2220, %mul3A_2228 : vector<8x128xf32>
    %slice3A_2230 = vector.extract_strided_slice %convert_element_type3A_2128 {offsets = [0, 11], sizes = [8, 1], strides = [1, 1]} : vector<8x128xi32> to vector<8x1xi32>
    %eq3A_2231 = vector.broadcast %slice3A_2230 : vector<8x1xi32> to vector<8x128xi32>
    %eq3A_2232 = arith.cmpi eq, %iota3A_208, %eq3A_2231 : vector<8x128xi32>
    %convert_element_type3A_2233 = arith.extui %eq3A_2232 : vector<8x128xi1> to vector<8x128xi32>
    %convert_element_type3A_2234 = arith.sitofp %convert_element_type3A_2233 : vector<8x128xi32> to vector<8x128xf32>
    %slice3A_2235 = vector.extract_strided_slice %concatenate3A {offsets = [0, 11], sizes = [8, 1], strides = [1, 1]} : vector<8x128xf32> to vector<8x1xf32>
    %mul3A_2236 = vector.broadcast %slice3A_2235 : vector<8x1xf32> to vector<8x128xf32>
    %mul3A_2237 = arith.mulf %convert_element_type3A_2234, %mul3A_2236 : vector<8x128xf32>
    %add3A_2238 = arith.addf %add3A_2229, %mul3A_2237 : vector<8x128xf32>
    %slice3A_2239 = vector.extract_strided_slice %convert_element_type3A_2128 {offsets = [0, 12], sizes = [8, 1], strides = [1, 1]} : vector<8x128xi32> to vector<8x1xi32>
    %eq3A_2240 = vector.broadcast %slice3A_2239 : vector<8x1xi32> to vector<8x128xi32>
    %eq3A_2241 = arith.cmpi eq, %iota3A_208, %eq3A_2240 : vector<8x128xi32>
    %convert_element_type3A_2242 = arith.extui %eq3A_2241 : vector<8x128xi1> to vector<8x128xi32>
    %convert_element_type3A_2243 = arith.sitofp %convert_element_type3A_2242 : vector<8x128xi32> to vector<8x128xf32>
    %slice3A_2244 = vector.extract_strided_slice %concatenate3A {offsets = [0, 12], sizes = [8, 1], strides = [1, 1]} : vector<8x128xf32> to vector<8x1xf32>
    %mul3A_2245 = vector.broadcast %slice3A_2244 : vector<8x1xf32> to vector<8x128xf32>
    %mul3A_2246 = arith.mulf %convert_element_type3A_2243, %mul3A_2245 : vector<8x128xf32>
    %add3A_2247 = arith.addf %add3A_2238, %mul3A_2246 : vector<8x128xf32>
    %slice3A_2248 = vector.extract_strided_slice %convert_element_type3A_2128 {offsets = [0, 13], sizes = [8, 1], strides = [1, 1]} : vector<8x128xi32> to vector<8x1xi32>
    %eq3A_2249 = vector.broadcast %slice3A_2248 : vector<8x1xi32> to vector<8x128xi32>
    %eq3A_2250 = arith.cmpi eq, %iota3A_208, %eq3A_2249 : vector<8x128xi32>
    %convert_element_type3A_2251 = arith.extui %eq3A_2250 : vector<8x128xi1> to vector<8x128xi32>
    %convert_element_type3A_2252 = arith.sitofp %convert_element_type3A_2251 : vector<8x128xi32> to vector<8x128xf32>
    %slice3A_2253 = vector.extract_strided_slice %concatenate3A {offsets = [0, 13], sizes = [8, 1], strides = [1, 1]} : vector<8x128xf32> to vector<8x1xf32>
    %mul3A_2254 = vector.broadcast %slice3A_2253 : vector<8x1xf32> to vector<8x128xf32>
    %mul3A_2255 = arith.mulf %convert_element_type3A_2252, %mul3A_2254 : vector<8x128xf32>
    %add3A_2256 = arith.addf %add3A_2247, %mul3A_2255 : vector<8x128xf32>
    %slice3A_2257 = vector.extract_strided_slice %convert_element_type3A_2128 {offsets = [0, 14], sizes = [8, 1], strides = [1, 1]} : vector<8x128xi32> to vector<8x1xi32>
    %eq3A_2258 = vector.broadcast %slice3A_2257 : vector<8x1xi32> to vector<8x128xi32>
    %eq3A_2259 = arith.cmpi eq, %iota3A_208, %eq3A_2258 : vector<8x128xi32>
    %convert_element_type3A_2260 = arith.extui %eq3A_2259 : vector<8x128xi1> to vector<8x128xi32>
    %convert_element_type3A_2261 = arith.sitofp %convert_element_type3A_2260 : vector<8x128xi32> to vector<8x128xf32>
    %slice3A_2262 = vector.extract_strided_slice %concatenate3A {offsets = [0, 14], sizes = [8, 1], strides = [1, 1]} : vector<8x128xf32> to vector<8x1xf32>
    %mul3A_2263 = vector.broadcast %slice3A_2262 : vector<8x1xf32> to vector<8x128xf32>
    %mul3A_2264 = arith.mulf %convert_element_type3A_2261, %mul3A_2263 : vector<8x128xf32>
    %add3A_2265 = arith.addf %add3A_2256, %mul3A_2264 : vector<8x128xf32>
    %slice3A_2266 = vector.extract_strided_slice %convert_element_type3A_2128 {offsets = [0, 15], sizes = [8, 1], strides = [1, 1]} : vector<8x128xi32> to vector<8x1xi32>
    %eq3A_2267 = vector.broadcast %slice3A_2266 : vector<8x1xi32> to vector<8x128xi32>
    %eq3A_2268 = arith.cmpi eq, %iota3A_208, %eq3A_2267 : vector<8x128xi32>
    %convert_element_type3A_2269 = arith.extui %eq3A_2268 : vector<8x128xi1> to vector<8x128xi32>
    %convert_element_type3A_2270 = arith.sitofp %convert_element_type3A_2269 : vector<8x128xi32> to vector<8x128xf32>
    %slice3A_2271 = vector.extract_strided_slice %concatenate3A {offsets = [0, 15], sizes = [8, 1], strides = [1, 1]} : vector<8x128xf32> to vector<8x1xf32>
    %mul3A_2272 = vector.broadcast %slice3A_2271 : vector<8x1xf32> to vector<8x128xf32>
    %mul3A_2273 = arith.mulf %convert_element_type3A_2270, %mul3A_2272 : vector<8x128xf32>
    %add3A_2274 = arith.addf %add3A_2265, %mul3A_2273 : vector<8x128xf32>
    %slice3A_2275 = vector.extract_strided_slice %convert_element_type3A_2128 {offsets = [0, 16], sizes = [8, 1], strides = [1, 1]} : vector<8x128xi32> to vector<8x1xi32>
    %eq3A_2276 = vector.broadcast %slice3A_2275 : vector<8x1xi32> to vector<8x128xi32>
    %eq3A_2277 = arith.cmpi eq, %iota3A_208, %eq3A_2276 : vector<8x128xi32>
    %convert_element_type3A_2278 = arith.extui %eq3A_2277 : vector<8x128xi1> to vector<8x128xi32>
    %convert_element_type3A_2279 = arith.sitofp %convert_element_type3A_2278 : vector<8x128xi32> to vector<8x128xf32>
    %slice3A_2280 = vector.extract_strided_slice %concatenate3A {offsets = [0, 16], sizes = [8, 1], strides = [1, 1]} : vector<8x128xf32> to vector<8x1xf32>
    %mul3A_2281 = vector.broadcast %slice3A_2280 : vector<8x1xf32> to vector<8x128xf32>
    %mul3A_2282 = arith.mulf %convert_element_type3A_2279, %mul3A_2281 : vector<8x128xf32>
    %add3A_2283 = arith.addf %add3A_2274, %mul3A_2282 : vector<8x128xf32>
    %slice3A_2284 = vector.extract_strided_slice %convert_element_type3A_2128 {offsets = [0, 17], sizes = [8, 1], strides = [1, 1]} : vector<8x128xi32> to vector<8x1xi32>
    %eq3A_2285 = vector.broadcast %slice3A_2284 : vector<8x1xi32> to vector<8x128xi32>
    %eq3A_2286 = arith.cmpi eq, %iota3A_208, %eq3A_2285 : vector<8x128xi32>
    %convert_element_type3A_2287 = arith.extui %eq3A_2286 : vector<8x128xi1> to vector<8x128xi32>
    %convert_element_type3A_2288 = arith.sitofp %convert_element_type3A_2287 : vector<8x128xi32> to vector<8x128xf32>
    %slice3A_2289 = vector.extract_strided_slice %concatenate3A {offsets = [0, 17], sizes = [8, 1], strides = [1, 1]} : vector<8x128xf32> to vector<8x1xf32>
    %mul3A_2290 = vector.broadcast %slice3A_2289 : vector<8x1xf32> to vector<8x128xf32>
    %mul3A_2291 = arith.mulf %convert_element_type3A_2288, %mul3A_2290 : vector<8x128xf32>
    %add3A_2292 = arith.addf %add3A_2283, %mul3A_2291 : vector<8x128xf32>
    %slice3A_2293 = vector.extract_strided_slice %convert_element_type3A_2128 {offsets = [0, 18], sizes = [8, 1], strides = [1, 1]} : vector<8x128xi32> to vector<8x1xi32>
    %eq3A_2294 = vector.broadcast %slice3A_2293 : vector<8x1xi32> to vector<8x128xi32>
    %eq3A_2295 = arith.cmpi eq, %iota3A_208, %eq3A_2294 : vector<8x128xi32>
    %convert_element_type3A_2296 = arith.extui %eq3A_2295 : vector<8x128xi1> to vector<8x128xi32>
    %convert_element_type3A_2297 = arith.sitofp %convert_element_type3A_2296 : vector<8x128xi32> to vector<8x128xf32>
    %slice3A_2298 = vector.extract_strided_slice %concatenate3A {offsets = [0, 18], sizes = [8, 1], strides = [1, 1]} : vector<8x128xf32> to vector<8x1xf32>
    %mul3A_2299 = vector.broadcast %slice3A_2298 : vector<8x1xf32> to vector<8x128xf32>
    %mul3A_2300 = arith.mulf %convert_element_type3A_2297, %mul3A_2299 : vector<8x128xf32>
    %add3A_2301 = arith.addf %add3A_2292, %mul3A_2300 : vector<8x128xf32>
    %slice3A_2302 = vector.extract_strided_slice %convert_element_type3A_2128 {offsets = [0, 19], sizes = [8, 1], strides = [1, 1]} : vector<8x128xi32> to vector<8x1xi32>
    %eq3A_2303 = vector.broadcast %slice3A_2302 : vector<8x1xi32> to vector<8x128xi32>
    %eq3A_2304 = arith.cmpi eq, %iota3A_208, %eq3A_2303 : vector<8x128xi32>
    %convert_element_type3A_2305 = arith.extui %eq3A_2304 : vector<8x128xi1> to vector<8x128xi32>
    %convert_element_type3A_2306 = arith.sitofp %convert_element_type3A_2305 : vector<8x128xi32> to vector<8x128xf32>
    %slice3A_2307 = vector.extract_strided_slice %concatenate3A {offsets = [0, 19], sizes = [8, 1], strides = [1, 1]} : vector<8x128xf32> to vector<8x1xf32>
    %mul3A_2308 = vector.broadcast %slice3A_2307 : vector<8x1xf32> to vector<8x128xf32>
    %mul3A_2309 = arith.mulf %convert_element_type3A_2306, %mul3A_2308 : vector<8x128xf32>
    %add3A_2310 = arith.addf %add3A_2301, %mul3A_2309 : vector<8x128xf32>
    %slice3A_2311 = vector.extract_strided_slice %convert_element_type3A_2128 {offsets = [0, 20], sizes = [8, 1], strides = [1, 1]} : vector<8x128xi32> to vector<8x1xi32>
    %eq3A_2312 = vector.broadcast %slice3A_2311 : vector<8x1xi32> to vector<8x128xi32>
    %eq3A_2313 = arith.cmpi eq, %iota3A_208, %eq3A_2312 : vector<8x128xi32>
    %convert_element_type3A_2314 = arith.extui %eq3A_2313 : vector<8x128xi1> to vector<8x128xi32>
    %convert_element_type3A_2315 = arith.sitofp %convert_element_type3A_2314 : vector<8x128xi32> to vector<8x128xf32>
    %slice3A_2316 = vector.extract_strided_slice %concatenate3A {offsets = [0, 20], sizes = [8, 1], strides = [1, 1]} : vector<8x128xf32> to vector<8x1xf32>
    %mul3A_2317 = vector.broadcast %slice3A_2316 : vector<8x1xf32> to vector<8x128xf32>
    %mul3A_2318 = arith.mulf %convert_element_type3A_2315, %mul3A_2317 : vector<8x128xf32>
    %add3A_2319 = arith.addf %add3A_2310, %mul3A_2318 : vector<8x128xf32>
    %slice3A_2320 = vector.extract_strided_slice %convert_element_type3A_2128 {offsets = [0, 21], sizes = [8, 1], strides = [1, 1]} : vector<8x128xi32> to vector<8x1xi32>
    %eq3A_2321 = vector.broadcast %slice3A_2320 : vector<8x1xi32> to vector<8x128xi32>
    %eq3A_2322 = arith.cmpi eq, %iota3A_208, %eq3A_2321 : vector<8x128xi32>
    %convert_element_type3A_2323 = arith.extui %eq3A_2322 : vector<8x128xi1> to vector<8x128xi32>
    %convert_element_type3A_2324 = arith.sitofp %convert_element_type3A_2323 : vector<8x128xi32> to vector<8x128xf32>
    %slice3A_2325 = vector.extract_strided_slice %concatenate3A {offsets = [0, 21], sizes = [8, 1], strides = [1, 1]} : vector<8x128xf32> to vector<8x1xf32>
    %mul3A_2326 = vector.broadcast %slice3A_2325 : vector<8x1xf32> to vector<8x128xf32>
    %mul3A_2327 = arith.mulf %convert_element_type3A_2324, %mul3A_2326 : vector<8x128xf32>
    %add3A_2328 = arith.addf %add3A_2319, %mul3A_2327 : vector<8x128xf32>
    %slice3A_2329 = vector.extract_strided_slice %convert_element_type3A_2128 {offsets = [0, 22], sizes = [8, 1], strides = [1, 1]} : vector<8x128xi32> to vector<8x1xi32>
    %eq3A_2330 = vector.broadcast %slice3A_2329 : vector<8x1xi32> to vector<8x128xi32>
    %eq3A_2331 = arith.cmpi eq, %iota3A_208, %eq3A_2330 : vector<8x128xi32>
    %convert_element_type3A_2332 = arith.extui %eq3A_2331 : vector<8x128xi1> to vector<8x128xi32>
    %convert_element_type3A_2333 = arith.sitofp %convert_element_type3A_2332 : vector<8x128xi32> to vector<8x128xf32>
    %slice3A_2334 = vector.extract_strided_slice %concatenate3A {offsets = [0, 22], sizes = [8, 1], strides = [1, 1]} : vector<8x128xf32> to vector<8x1xf32>
    %mul3A_2335 = vector.broadcast %slice3A_2334 : vector<8x1xf32> to vector<8x128xf32>
    %mul3A_2336 = arith.mulf %convert_element_type3A_2333, %mul3A_2335 : vector<8x128xf32>
    %add3A_2337 = arith.addf %add3A_2328, %mul3A_2336 : vector<8x128xf32>
    %slice3A_2338 = vector.extract_strided_slice %convert_element_type3A_2128 {offsets = [0, 23], sizes = [8, 1], strides = [1, 1]} : vector<8x128xi32> to vector<8x1xi32>
    %eq3A_2339 = vector.broadcast %slice3A_2338 : vector<8x1xi32> to vector<8x128xi32>
    %eq3A_2340 = arith.cmpi eq, %iota3A_208, %eq3A_2339 : vector<8x128xi32>
    %convert_element_type3A_2341 = arith.extui %eq3A_2340 : vector<8x128xi1> to vector<8x128xi32>
    %convert_element_type3A_2342 = arith.sitofp %convert_element_type3A_2341 : vector<8x128xi32> to vector<8x128xf32>
    %slice3A_2343 = vector.extract_strided_slice %concatenate3A {offsets = [0, 23], sizes = [8, 1], strides = [1, 1]} : vector<8x128xf32> to vector<8x1xf32>
    %mul3A_2344 = vector.broadcast %slice3A_2343 : vector<8x1xf32> to vector<8x128xf32>
    %mul3A_2345 = arith.mulf %convert_element_type3A_2342, %mul3A_2344 : vector<8x128xf32>
    %add3A_2346 = arith.addf %add3A_2337, %mul3A_2345 : vector<8x128xf32>
    %slice3A_2347 = vector.extract_strided_slice %convert_element_type3A_2128 {offsets = [0, 24], sizes = [8, 1], strides = [1, 1]} : vector<8x128xi32> to vector<8x1xi32>
    %eq3A_2348 = vector.broadcast %slice3A_2347 : vector<8x1xi32> to vector<8x128xi32>
    %eq3A_2349 = arith.cmpi eq, %iota3A_208, %eq3A_2348 : vector<8x128xi32>
    %convert_element_type3A_2350 = arith.extui %eq3A_2349 : vector<8x128xi1> to vector<8x128xi32>
    %convert_element_type3A_2351 = arith.sitofp %convert_element_type3A_2350 : vector<8x128xi32> to vector<8x128xf32>
    %slice3A_2352 = vector.extract_strided_slice %concatenate3A {offsets = [0, 24], sizes = [8, 1], strides = [1, 1]} : vector<8x128xf32> to vector<8x1xf32>
    %mul3A_2353 = vector.broadcast %slice3A_2352 : vector<8x1xf32> to vector<8x128xf32>
    %mul3A_2354 = arith.mulf %convert_element_type3A_2351, %mul3A_2353 : vector<8x128xf32>
    %add3A_2355 = arith.addf %add3A_2346, %mul3A_2354 : vector<8x128xf32>
    %slice3A_2356 = vector.extract_strided_slice %convert_element_type3A_2128 {offsets = [0, 25], sizes = [8, 1], strides = [1, 1]} : vector<8x128xi32> to vector<8x1xi32>
    %eq3A_2357 = vector.broadcast %slice3A_2356 : vector<8x1xi32> to vector<8x128xi32>
    %eq3A_2358 = arith.cmpi eq, %iota3A_208, %eq3A_2357 : vector<8x128xi32>
    %convert_element_type3A_2359 = arith.extui %eq3A_2358 : vector<8x128xi1> to vector<8x128xi32>
    %convert_element_type3A_2360 = arith.sitofp %convert_element_type3A_2359 : vector<8x128xi32> to vector<8x128xf32>
    %slice3A_2361 = vector.extract_strided_slice %concatenate3A {offsets = [0, 25], sizes = [8, 1], strides = [1, 1]} : vector<8x128xf32> to vector<8x1xf32>
    %mul3A_2362 = vector.broadcast %slice3A_2361 : vector<8x1xf32> to vector<8x128xf32>
    %mul3A_2363 = arith.mulf %convert_element_type3A_2360, %mul3A_2362 : vector<8x128xf32>
    %add3A_2364 = arith.addf %add3A_2355, %mul3A_2363 : vector<8x128xf32>
    %slice3A_2365 = vector.extract_strided_slice %convert_element_type3A_2128 {offsets = [0, 26], sizes = [8, 1], strides = [1, 1]} : vector<8x128xi32> to vector<8x1xi32>
    %eq3A_2366 = vector.broadcast %slice3A_2365 : vector<8x1xi32> to vector<8x128xi32>
    %eq3A_2367 = arith.cmpi eq, %iota3A_208, %eq3A_2366 : vector<8x128xi32>
    %convert_element_type3A_2368 = arith.extui %eq3A_2367 : vector<8x128xi1> to vector<8x128xi32>
    %convert_element_type3A_2369 = arith.sitofp %convert_element_type3A_2368 : vector<8x128xi32> to vector<8x128xf32>
    %slice3A_2370 = vector.extract_strided_slice %concatenate3A {offsets = [0, 26], sizes = [8, 1], strides = [1, 1]} : vector<8x128xf32> to vector<8x1xf32>
    %mul3A_2371 = vector.broadcast %slice3A_2370 : vector<8x1xf32> to vector<8x128xf32>
    %mul3A_2372 = arith.mulf %convert_element_type3A_2369, %mul3A_2371 : vector<8x128xf32>
    %add3A_2373 = arith.addf %add3A_2364, %mul3A_2372 : vector<8x128xf32>
    %slice3A_2374 = vector.extract_strided_slice %convert_element_type3A_2128 {offsets = [0, 27], sizes = [8, 1], strides = [1, 1]} : vector<8x128xi32> to vector<8x1xi32>
    %eq3A_2375 = vector.broadcast %slice3A_2374 : vector<8x1xi32> to vector<8x128xi32>
    %eq3A_2376 = arith.cmpi eq, %iota3A_208, %eq3A_2375 : vector<8x128xi32>
    %convert_element_type3A_2377 = arith.extui %eq3A_2376 : vector<8x128xi1> to vector<8x128xi32>
    %convert_element_type3A_2378 = arith.sitofp %convert_element_type3A_2377 : vector<8x128xi32> to vector<8x128xf32>
    %slice3A_2379 = vector.extract_strided_slice %concatenate3A {offsets = [0, 27], sizes = [8, 1], strides = [1, 1]} : vector<8x128xf32> to vector<8x1xf32>
    %mul3A_2380 = vector.broadcast %slice3A_2379 : vector<8x1xf32> to vector<8x128xf32>
    %mul3A_2381 = arith.mulf %convert_element_type3A_2378, %mul3A_2380 : vector<8x128xf32>
    %add3A_2382 = arith.addf %add3A_2373, %mul3A_2381 : vector<8x128xf32>
    %slice3A_2383 = vector.extract_strided_slice %convert_element_type3A_2128 {offsets = [0, 28], sizes = [8, 1], strides = [1, 1]} : vector<8x128xi32> to vector<8x1xi32>
    %eq3A_2384 = vector.broadcast %slice3A_2383 : vector<8x1xi32> to vector<8x128xi32>
    %eq3A_2385 = arith.cmpi eq, %iota3A_208, %eq3A_2384 : vector<8x128xi32>
    %convert_element_type3A_2386 = arith.extui %eq3A_2385 : vector<8x128xi1> to vector<8x128xi32>
    %convert_element_type3A_2387 = arith.sitofp %convert_element_type3A_2386 : vector<8x128xi32> to vector<8x128xf32>
    %slice3A_2388 = vector.extract_strided_slice %concatenate3A {offsets = [0, 28], sizes = [8, 1], strides = [1, 1]} : vector<8x128xf32> to vector<8x1xf32>
    %mul3A_2389 = vector.broadcast %slice3A_2388 : vector<8x1xf32> to vector<8x128xf32>
    %mul3A_2390 = arith.mulf %convert_element_type3A_2387, %mul3A_2389 : vector<8x128xf32>
    %add3A_2391 = arith.addf %add3A_2382, %mul3A_2390 : vector<8x128xf32>
    %slice3A_2392 = vector.extract_strided_slice %convert_element_type3A_2128 {offsets = [0, 29], sizes = [8, 1], strides = [1, 1]} : vector<8x128xi32> to vector<8x1xi32>
    %eq3A_2393 = vector.broadcast %slice3A_2392 : vector<8x1xi32> to vector<8x128xi32>
    %eq3A_2394 = arith.cmpi eq, %iota3A_208, %eq3A_2393 : vector<8x128xi32>
    %convert_element_type3A_2395 = arith.extui %eq3A_2394 : vector<8x128xi1> to vector<8x128xi32>
    %convert_element_type3A_2396 = arith.sitofp %convert_element_type3A_2395 : vector<8x128xi32> to vector<8x128xf32>
    %slice3A_2397 = vector.extract_strided_slice %concatenate3A {offsets = [0, 29], sizes = [8, 1], strides = [1, 1]} : vector<8x128xf32> to vector<8x1xf32>
    %mul3A_2398 = vector.broadcast %slice3A_2397 : vector<8x1xf32> to vector<8x128xf32>
    %mul3A_2399 = arith.mulf %convert_element_type3A_2396, %mul3A_2398 : vector<8x128xf32>
    %add3A_2400 = arith.addf %add3A_2391, %mul3A_2399 : vector<8x128xf32>
    %slice3A_2401 = vector.extract_strided_slice %convert_element_type3A_2128 {offsets = [0, 30], sizes = [8, 1], strides = [1, 1]} : vector<8x128xi32> to vector<8x1xi32>
    %eq3A_2402 = vector.broadcast %slice3A_2401 : vector<8x1xi32> to vector<8x128xi32>
    %eq3A_2403 = arith.cmpi eq, %iota3A_208, %eq3A_2402 : vector<8x128xi32>
    %convert_element_type3A_2404 = arith.extui %eq3A_2403 : vector<8x128xi1> to vector<8x128xi32>
    %convert_element_type3A_2405 = arith.sitofp %convert_element_type3A_2404 : vector<8x128xi32> to vector<8x128xf32>
    %slice3A_2406 = vector.extract_strided_slice %concatenate3A {offsets = [0, 30], sizes = [8, 1], strides = [1, 1]} : vector<8x128xf32> to vector<8x1xf32>
    %mul3A_2407 = vector.broadcast %slice3A_2406 : vector<8x1xf32> to vector<8x128xf32>
    %mul3A_2408 = arith.mulf %convert_element_type3A_2405, %mul3A_2407 : vector<8x128xf32>
    %add3A_2409 = arith.addf %add3A_2400, %mul3A_2408 : vector<8x128xf32>
    %slice3A_2410 = vector.extract_strided_slice %convert_element_type3A_2128 {offsets = [0, 31], sizes = [8, 1], strides = [1, 1]} : vector<8x128xi32> to vector<8x1xi32>
    %eq3A_2411 = vector.broadcast %slice3A_2410 : vector<8x1xi32> to vector<8x128xi32>
    %eq3A_2412 = arith.cmpi eq, %iota3A_208, %eq3A_2411 : vector<8x128xi32>
    %convert_element_type3A_2413 = arith.extui %eq3A_2412 : vector<8x128xi1> to vector<8x128xi32>
    %convert_element_type3A_2414 = arith.sitofp %convert_element_type3A_2413 : vector<8x128xi32> to vector<8x128xf32>
    %slice3A_2415 = vector.extract_strided_slice %concatenate3A {offsets = [0, 31], sizes = [8, 1], strides = [1, 1]} : vector<8x128xf32> to vector<8x1xf32>
    %mul3A_2416 = vector.broadcast %slice3A_2415 : vector<8x1xf32> to vector<8x128xf32>
    %mul3A_2417 = arith.mulf %convert_element_type3A_2414, %mul3A_2416 : vector<8x128xf32>
    %add3A_2418 = arith.addf %add3A_2409, %mul3A_2417 : vector<8x128xf32>
    %slice3A_2419 = vector.extract_strided_slice %convert_element_type3A_2128 {offsets = [0, 32], sizes = [8, 1], strides = [1, 1]} : vector<8x128xi32> to vector<8x1xi32>
    %eq3A_2420 = vector.broadcast %slice3A_2419 : vector<8x1xi32> to vector<8x128xi32>
    %eq3A_2421 = arith.cmpi eq, %iota3A_208, %eq3A_2420 : vector<8x128xi32>
    %convert_element_type3A_2422 = arith.extui %eq3A_2421 : vector<8x128xi1> to vector<8x128xi32>
    %convert_element_type3A_2423 = arith.sitofp %convert_element_type3A_2422 : vector<8x128xi32> to vector<8x128xf32>
    %slice3A_2424 = vector.extract_strided_slice %concatenate3A {offsets = [0, 32], sizes = [8, 1], strides = [1, 1]} : vector<8x128xf32> to vector<8x1xf32>
    %mul3A_2425 = vector.broadcast %slice3A_2424 : vector<8x1xf32> to vector<8x128xf32>
    %mul3A_2426 = arith.mulf %convert_element_type3A_2423, %mul3A_2425 : vector<8x128xf32>
    %add3A_2427 = arith.addf %add3A_2418, %mul3A_2426 : vector<8x128xf32>
    %slice3A_2428 = vector.extract_strided_slice %convert_element_type3A_2128 {offsets = [0, 33], sizes = [8, 1], strides = [1, 1]} : vector<8x128xi32> to vector<8x1xi32>
    %eq3A_2429 = vector.broadcast %slice3A_2428 : vector<8x1xi32> to vector<8x128xi32>
    %eq3A_2430 = arith.cmpi eq, %iota3A_208, %eq3A_2429 : vector<8x128xi32>
    %convert_element_type3A_2431 = arith.extui %eq3A_2430 : vector<8x128xi1> to vector<8x128xi32>
    %convert_element_type3A_2432 = arith.sitofp %convert_element_type3A_2431 : vector<8x128xi32> to vector<8x128xf32>
    %slice3A_2433 = vector.extract_strided_slice %concatenate3A {offsets = [0, 33], sizes = [8, 1], strides = [1, 1]} : vector<8x128xf32> to vector<8x1xf32>
    %mul3A_2434 = vector.broadcast %slice3A_2433 : vector<8x1xf32> to vector<8x128xf32>
    %mul3A_2435 = arith.mulf %convert_element_type3A_2432, %mul3A_2434 : vector<8x128xf32>
    %add3A_2436 = arith.addf %add3A_2427, %mul3A_2435 : vector<8x128xf32>
    %slice3A_2437 = vector.extract_strided_slice %convert_element_type3A_2128 {offsets = [0, 34], sizes = [8, 1], strides = [1, 1]} : vector<8x128xi32> to vector<8x1xi32>
    %eq3A_2438 = vector.broadcast %slice3A_2437 : vector<8x1xi32> to vector<8x128xi32>
    %eq3A_2439 = arith.cmpi eq, %iota3A_208, %eq3A_2438 : vector<8x128xi32>
    %convert_element_type3A_2440 = arith.extui %eq3A_2439 : vector<8x128xi1> to vector<8x128xi32>
    %convert_element_type3A_2441 = arith.sitofp %convert_element_type3A_2440 : vector<8x128xi32> to vector<8x128xf32>
    %slice3A_2442 = vector.extract_strided_slice %concatenate3A {offsets = [0, 34], sizes = [8, 1], strides = [1, 1]} : vector<8x128xf32> to vector<8x1xf32>
    %mul3A_2443 = vector.broadcast %slice3A_2442 : vector<8x1xf32> to vector<8x128xf32>
    %mul3A_2444 = arith.mulf %convert_element_type3A_2441, %mul3A_2443 : vector<8x128xf32>
    %add3A_2445 = arith.addf %add3A_2436, %mul3A_2444 : vector<8x128xf32>
    %slice3A_2446 = vector.extract_strided_slice %convert_element_type3A_2128 {offsets = [0, 35], sizes = [8, 1], strides = [1, 1]} : vector<8x128xi32> to vector<8x1xi32>
    %eq3A_2447 = vector.broadcast %slice3A_2446 : vector<8x1xi32> to vector<8x128xi32>
    %eq3A_2448 = arith.cmpi eq, %iota3A_208, %eq3A_2447 : vector<8x128xi32>
    %convert_element_type3A_2449 = arith.extui %eq3A_2448 : vector<8x128xi1> to vector<8x128xi32>
    %convert_element_type3A_2450 = arith.sitofp %convert_element_type3A_2449 : vector<8x128xi32> to vector<8x128xf32>
    %slice3A_2451 = vector.extract_strided_slice %concatenate3A {offsets = [0, 35], sizes = [8, 1], strides = [1, 1]} : vector<8x128xf32> to vector<8x1xf32>
    %mul3A_2452 = vector.broadcast %slice3A_2451 : vector<8x1xf32> to vector<8x128xf32>
    %mul3A_2453 = arith.mulf %convert_element_type3A_2450, %mul3A_2452 : vector<8x128xf32>
    %add3A_2454 = arith.addf %add3A_2445, %mul3A_2453 : vector<8x128xf32>
    %slice3A_2455 = vector.extract_strided_slice %convert_element_type3A_2128 {offsets = [0, 36], sizes = [8, 1], strides = [1, 1]} : vector<8x128xi32> to vector<8x1xi32>
    %eq3A_2456 = vector.broadcast %slice3A_2455 : vector<8x1xi32> to vector<8x128xi32>
    %eq3A_2457 = arith.cmpi eq, %iota3A_208, %eq3A_2456 : vector<8x128xi32>
    %convert_element_type3A_2458 = arith.extui %eq3A_2457 : vector<8x128xi1> to vector<8x128xi32>
    %convert_element_type3A_2459 = arith.sitofp %convert_element_type3A_2458 : vector<8x128xi32> to vector<8x128xf32>
    %slice3A_2460 = vector.extract_strided_slice %concatenate3A {offsets = [0, 36], sizes = [8, 1], strides = [1, 1]} : vector<8x128xf32> to vector<8x1xf32>
    %mul3A_2461 = vector.broadcast %slice3A_2460 : vector<8x1xf32> to vector<8x128xf32>
    %mul3A_2462 = arith.mulf %convert_element_type3A_2459, %mul3A_2461 : vector<8x128xf32>
    %add3A_2463 = arith.addf %add3A_2454, %mul3A_2462 : vector<8x128xf32>
    %slice3A_2464 = vector.extract_strided_slice %convert_element_type3A_2128 {offsets = [0, 37], sizes = [8, 1], strides = [1, 1]} : vector<8x128xi32> to vector<8x1xi32>
    %eq3A_2465 = vector.broadcast %slice3A_2464 : vector<8x1xi32> to vector<8x128xi32>
    %eq3A_2466 = arith.cmpi eq, %iota3A_208, %eq3A_2465 : vector<8x128xi32>
    %convert_element_type3A_2467 = arith.extui %eq3A_2466 : vector<8x128xi1> to vector<8x128xi32>
    %convert_element_type3A_2468 = arith.sitofp %convert_element_type3A_2467 : vector<8x128xi32> to vector<8x128xf32>
    %slice3A_2469 = vector.extract_strided_slice %concatenate3A {offsets = [0, 37], sizes = [8, 1], strides = [1, 1]} : vector<8x128xf32> to vector<8x1xf32>
    %mul3A_2470 = vector.broadcast %slice3A_2469 : vector<8x1xf32> to vector<8x128xf32>
    %mul3A_2471 = arith.mulf %convert_element_type3A_2468, %mul3A_2470 : vector<8x128xf32>
    %add3A_2472 = arith.addf %add3A_2463, %mul3A_2471 : vector<8x128xf32>
    %slice3A_2473 = vector.extract_strided_slice %convert_element_type3A_2128 {offsets = [0, 38], sizes = [8, 1], strides = [1, 1]} : vector<8x128xi32> to vector<8x1xi32>
    %eq3A_2474 = vector.broadcast %slice3A_2473 : vector<8x1xi32> to vector<8x128xi32>
    %eq3A_2475 = arith.cmpi eq, %iota3A_208, %eq3A_2474 : vector<8x128xi32>
    %convert_element_type3A_2476 = arith.extui %eq3A_2475 : vector<8x128xi1> to vector<8x128xi32>
    %convert_element_type3A_2477 = arith.sitofp %convert_element_type3A_2476 : vector<8x128xi32> to vector<8x128xf32>
    %slice3A_2478 = vector.extract_strided_slice %concatenate3A {offsets = [0, 38], sizes = [8, 1], strides = [1, 1]} : vector<8x128xf32> to vector<8x1xf32>
    %mul3A_2479 = vector.broadcast %slice3A_2478 : vector<8x1xf32> to vector<8x128xf32>
    %mul3A_2480 = arith.mulf %convert_element_type3A_2477, %mul3A_2479 : vector<8x128xf32>
    %add3A_2481 = arith.addf %add3A_2472, %mul3A_2480 : vector<8x128xf32>
    %slice3A_2482 = vector.extract_strided_slice %convert_element_type3A_2128 {offsets = [0, 39], sizes = [8, 1], strides = [1, 1]} : vector<8x128xi32> to vector<8x1xi32>
    %eq3A_2483 = vector.broadcast %slice3A_2482 : vector<8x1xi32> to vector<8x128xi32>
    %eq3A_2484 = arith.cmpi eq, %iota3A_208, %eq3A_2483 : vector<8x128xi32>
    %convert_element_type3A_2485 = arith.extui %eq3A_2484 : vector<8x128xi1> to vector<8x128xi32>
    %convert_element_type3A_2486 = arith.sitofp %convert_element_type3A_2485 : vector<8x128xi32> to vector<8x128xf32>
    %slice3A_2487 = vector.extract_strided_slice %concatenate3A {offsets = [0, 39], sizes = [8, 1], strides = [1, 1]} : vector<8x128xf32> to vector<8x1xf32>
    %mul3A_2488 = vector.broadcast %slice3A_2487 : vector<8x1xf32> to vector<8x128xf32>
    %mul3A_2489 = arith.mulf %convert_element_type3A_2486, %mul3A_2488 : vector<8x128xf32>
    %add3A_2490 = arith.addf %add3A_2481, %mul3A_2489 : vector<8x128xf32>
    %slice3A_2491 = vector.extract_strided_slice %convert_element_type3A_2128 {offsets = [0, 40], sizes = [8, 1], strides = [1, 1]} : vector<8x128xi32> to vector<8x1xi32>
    %eq3A_2492 = vector.broadcast %slice3A_2491 : vector<8x1xi32> to vector<8x128xi32>
    %eq3A_2493 = arith.cmpi eq, %iota3A_208, %eq3A_2492 : vector<8x128xi32>
    %convert_element_type3A_2494 = arith.extui %eq3A_2493 : vector<8x128xi1> to vector<8x128xi32>
    %convert_element_type3A_2495 = arith.sitofp %convert_element_type3A_2494 : vector<8x128xi32> to vector<8x128xf32>
    %slice3A_2496 = vector.extract_strided_slice %concatenate3A {offsets = [0, 40], sizes = [8, 1], strides = [1, 1]} : vector<8x128xf32> to vector<8x1xf32>
    %mul3A_2497 = vector.broadcast %slice3A_2496 : vector<8x1xf32> to vector<8x128xf32>
    %mul3A_2498 = arith.mulf %convert_element_type3A_2495, %mul3A_2497 : vector<8x128xf32>
    %add3A_2499 = arith.addf %add3A_2490, %mul3A_2498 : vector<8x128xf32>
    %slice3A_2500 = vector.extract_strided_slice %convert_element_type3A_2128 {offsets = [0, 41], sizes = [8, 1], strides = [1, 1]} : vector<8x128xi32> to vector<8x1xi32>
    %eq3A_2501 = vector.broadcast %slice3A_2500 : vector<8x1xi32> to vector<8x128xi32>
    %eq3A_2502 = arith.cmpi eq, %iota3A_208, %eq3A_2501 : vector<8x128xi32>
    %convert_element_type3A_2503 = arith.extui %eq3A_2502 : vector<8x128xi1> to vector<8x128xi32>
    %convert_element_type3A_2504 = arith.sitofp %convert_element_type3A_2503 : vector<8x128xi32> to vector<8x128xf32>
    %slice3A_2505 = vector.extract_strided_slice %concatenate3A {offsets = [0, 41], sizes = [8, 1], strides = [1, 1]} : vector<8x128xf32> to vector<8x1xf32>
    %mul3A_2506 = vector.broadcast %slice3A_2505 : vector<8x1xf32> to vector<8x128xf32>
    %mul3A_2507 = arith.mulf %convert_element_type3A_2504, %mul3A_2506 : vector<8x128xf32>
    %add3A_2508 = arith.addf %add3A_2499, %mul3A_2507 : vector<8x128xf32>
    %slice3A_2509 = vector.extract_strided_slice %convert_element_type3A_2128 {offsets = [0, 42], sizes = [8, 1], strides = [1, 1]} : vector<8x128xi32> to vector<8x1xi32>
    %eq3A_2510 = vector.broadcast %slice3A_2509 : vector<8x1xi32> to vector<8x128xi32>
    %eq3A_2511 = arith.cmpi eq, %iota3A_208, %eq3A_2510 : vector<8x128xi32>
    %convert_element_type3A_2512 = arith.extui %eq3A_2511 : vector<8x128xi1> to vector<8x128xi32>
    %convert_element_type3A_2513 = arith.sitofp %convert_element_type3A_2512 : vector<8x128xi32> to vector<8x128xf32>
    %slice3A_2514 = vector.extract_strided_slice %concatenate3A {offsets = [0, 42], sizes = [8, 1], strides = [1, 1]} : vector<8x128xf32> to vector<8x1xf32>
    %mul3A_2515 = vector.broadcast %slice3A_2514 : vector<8x1xf32> to vector<8x128xf32>
    %mul3A_2516 = arith.mulf %convert_element_type3A_2513, %mul3A_2515 : vector<8x128xf32>
    %add3A_2517 = arith.addf %add3A_2508, %mul3A_2516 : vector<8x128xf32>
    %slice3A_2518 = vector.extract_strided_slice %convert_element_type3A_2128 {offsets = [0, 43], sizes = [8, 1], strides = [1, 1]} : vector<8x128xi32> to vector<8x1xi32>
    %eq3A_2519 = vector.broadcast %slice3A_2518 : vector<8x1xi32> to vector<8x128xi32>
    %eq3A_2520 = arith.cmpi eq, %iota3A_208, %eq3A_2519 : vector<8x128xi32>
    %convert_element_type3A_2521 = arith.extui %eq3A_2520 : vector<8x128xi1> to vector<8x128xi32>
    %convert_element_type3A_2522 = arith.sitofp %convert_element_type3A_2521 : vector<8x128xi32> to vector<8x128xf32>
    %slice3A_2523 = vector.extract_strided_slice %concatenate3A {offsets = [0, 43], sizes = [8, 1], strides = [1, 1]} : vector<8x128xf32> to vector<8x1xf32>
    %mul3A_2524 = vector.broadcast %slice3A_2523 : vector<8x1xf32> to vector<8x128xf32>
    %mul3A_2525 = arith.mulf %convert_element_type3A_2522, %mul3A_2524 : vector<8x128xf32>
    %add3A_2526 = arith.addf %add3A_2517, %mul3A_2525 : vector<8x128xf32>
    %slice3A_2527 = vector.extract_strided_slice %convert_element_type3A_2128 {offsets = [0, 44], sizes = [8, 1], strides = [1, 1]} : vector<8x128xi32> to vector<8x1xi32>
    %eq3A_2528 = vector.broadcast %slice3A_2527 : vector<8x1xi32> to vector<8x128xi32>
    %eq3A_2529 = arith.cmpi eq, %iota3A_208, %eq3A_2528 : vector<8x128xi32>
    %convert_element_type3A_2530 = arith.extui %eq3A_2529 : vector<8x128xi1> to vector<8x128xi32>
    %convert_element_type3A_2531 = arith.sitofp %convert_element_type3A_2530 : vector<8x128xi32> to vector<8x128xf32>
    %slice3A_2532 = vector.extract_strided_slice %concatenate3A {offsets = [0, 44], sizes = [8, 1], strides = [1, 1]} : vector<8x128xf32> to vector<8x1xf32>
    %mul3A_2533 = vector.broadcast %slice3A_2532 : vector<8x1xf32> to vector<8x128xf32>
    %mul3A_2534 = arith.mulf %convert_element_type3A_2531, %mul3A_2533 : vector<8x128xf32>
    %add3A_2535 = arith.addf %add3A_2526, %mul3A_2534 : vector<8x128xf32>
    %slice3A_2536 = vector.extract_strided_slice %convert_element_type3A_2128 {offsets = [0, 45], sizes = [8, 1], strides = [1, 1]} : vector<8x128xi32> to vector<8x1xi32>
    %eq3A_2537 = vector.broadcast %slice3A_2536 : vector<8x1xi32> to vector<8x128xi32>
    %eq3A_2538 = arith.cmpi eq, %iota3A_208, %eq3A_2537 : vector<8x128xi32>
    %convert_element_type3A_2539 = arith.extui %eq3A_2538 : vector<8x128xi1> to vector<8x128xi32>
    %convert_element_type3A_2540 = arith.sitofp %convert_element_type3A_2539 : vector<8x128xi32> to vector<8x128xf32>
    %slice3A_2541 = vector.extract_strided_slice %concatenate3A {offsets = [0, 45], sizes = [8, 1], strides = [1, 1]} : vector<8x128xf32> to vector<8x1xf32>
    %mul3A_2542 = vector.broadcast %slice3A_2541 : vector<8x1xf32> to vector<8x128xf32>
    %mul3A_2543 = arith.mulf %convert_element_type3A_2540, %mul3A_2542 : vector<8x128xf32>
    %add3A_2544 = arith.addf %add3A_2535, %mul3A_2543 : vector<8x128xf32>
    %slice3A_2545 = vector.extract_strided_slice %convert_element_type3A_2128 {offsets = [0, 46], sizes = [8, 1], strides = [1, 1]} : vector<8x128xi32> to vector<8x1xi32>
    %eq3A_2546 = vector.broadcast %slice3A_2545 : vector<8x1xi32> to vector<8x128xi32>
    %eq3A_2547 = arith.cmpi eq, %iota3A_208, %eq3A_2546 : vector<8x128xi32>
    %convert_element_type3A_2548 = arith.extui %eq3A_2547 : vector<8x128xi1> to vector<8x128xi32>
    %convert_element_type3A_2549 = arith.sitofp %convert_element_type3A_2548 : vector<8x128xi32> to vector<8x128xf32>
    %slice3A_2550 = vector.extract_strided_slice %concatenate3A {offsets = [0, 46], sizes = [8, 1], strides = [1, 1]} : vector<8x128xf32> to vector<8x1xf32>
    %mul3A_2551 = vector.broadcast %slice3A_2550 : vector<8x1xf32> to vector<8x128xf32>
    %mul3A_2552 = arith.mulf %convert_element_type3A_2549, %mul3A_2551 : vector<8x128xf32>
    %add3A_2553 = arith.addf %add3A_2544, %mul3A_2552 : vector<8x128xf32>
    %slice3A_2554 = vector.extract_strided_slice %convert_element_type3A_2128 {offsets = [0, 47], sizes = [8, 1], strides = [1, 1]} : vector<8x128xi32> to vector<8x1xi32>
    %eq3A_2555 = vector.broadcast %slice3A_2554 : vector<8x1xi32> to vector<8x128xi32>
    %eq3A_2556 = arith.cmpi eq, %iota3A_208, %eq3A_2555 : vector<8x128xi32>
    %convert_element_type3A_2557 = arith.extui %eq3A_2556 : vector<8x128xi1> to vector<8x128xi32>
    %convert_element_type3A_2558 = arith.sitofp %convert_element_type3A_2557 : vector<8x128xi32> to vector<8x128xf32>
    %slice3A_2559 = vector.extract_strided_slice %concatenate3A {offsets = [0, 47], sizes = [8, 1], strides = [1, 1]} : vector<8x128xf32> to vector<8x1xf32>
    %mul3A_2560 = vector.broadcast %slice3A_2559 : vector<8x1xf32> to vector<8x128xf32>
    %mul3A_2561 = arith.mulf %convert_element_type3A_2558, %mul3A_2560 : vector<8x128xf32>
    %add3A_2562 = arith.addf %add3A_2553, %mul3A_2561 : vector<8x128xf32>
    %slice3A_2563 = vector.extract_strided_slice %convert_element_type3A_2128 {offsets = [0, 48], sizes = [8, 1], strides = [1, 1]} : vector<8x128xi32> to vector<8x1xi32>
    %eq3A_2564 = vector.broadcast %slice3A_2563 : vector<8x1xi32> to vector<8x128xi32>
    %eq3A_2565 = arith.cmpi eq, %iota3A_208, %eq3A_2564 : vector<8x128xi32>
    %convert_element_type3A_2566 = arith.extui %eq3A_2565 : vector<8x128xi1> to vector<8x128xi32>
    %convert_element_type3A_2567 = arith.sitofp %convert_element_type3A_2566 : vector<8x128xi32> to vector<8x128xf32>
    %slice3A_2568 = vector.extract_strided_slice %concatenate3A {offsets = [0, 48], sizes = [8, 1], strides = [1, 1]} : vector<8x128xf32> to vector<8x1xf32>
    %mul3A_2569 = vector.broadcast %slice3A_2568 : vector<8x1xf32> to vector<8x128xf32>
    %mul3A_2570 = arith.mulf %convert_element_type3A_2567, %mul3A_2569 : vector<8x128xf32>
    %add3A_2571 = arith.addf %add3A_2562, %mul3A_2570 : vector<8x128xf32>
    %slice3A_2572 = vector.extract_strided_slice %convert_element_type3A_2128 {offsets = [0, 49], sizes = [8, 1], strides = [1, 1]} : vector<8x128xi32> to vector<8x1xi32>
    %eq3A_2573 = vector.broadcast %slice3A_2572 : vector<8x1xi32> to vector<8x128xi32>
    %eq3A_2574 = arith.cmpi eq, %iota3A_208, %eq3A_2573 : vector<8x128xi32>
    %convert_element_type3A_2575 = arith.extui %eq3A_2574 : vector<8x128xi1> to vector<8x128xi32>
    %convert_element_type3A_2576 = arith.sitofp %convert_element_type3A_2575 : vector<8x128xi32> to vector<8x128xf32>
    %slice3A_2577 = vector.extract_strided_slice %concatenate3A {offsets = [0, 49], sizes = [8, 1], strides = [1, 1]} : vector<8x128xf32> to vector<8x1xf32>
    %mul3A_2578 = vector.broadcast %slice3A_2577 : vector<8x1xf32> to vector<8x128xf32>
    %mul3A_2579 = arith.mulf %convert_element_type3A_2576, %mul3A_2578 : vector<8x128xf32>
    %add3A_2580 = arith.addf %add3A_2571, %mul3A_2579 : vector<8x128xf32>
    %slice3A_2581 = vector.extract_strided_slice %convert_element_type3A_2128 {offsets = [0, 50], sizes = [8, 1], strides = [1, 1]} : vector<8x128xi32> to vector<8x1xi32>
    %eq3A_2582 = vector.broadcast %slice3A_2581 : vector<8x1xi32> to vector<8x128xi32>
    %eq3A_2583 = arith.cmpi eq, %iota3A_208, %eq3A_2582 : vector<8x128xi32>
    %convert_element_type3A_2584 = arith.extui %eq3A_2583 : vector<8x128xi1> to vector<8x128xi32>
    %convert_element_type3A_2585 = arith.sitofp %convert_element_type3A_2584 : vector<8x128xi32> to vector<8x128xf32>
    %slice3A_2586 = vector.extract_strided_slice %concatenate3A {offsets = [0, 50], sizes = [8, 1], strides = [1, 1]} : vector<8x128xf32> to vector<8x1xf32>
    %mul3A_2587 = vector.broadcast %slice3A_2586 : vector<8x1xf32> to vector<8x128xf32>
    %mul3A_2588 = arith.mulf %convert_element_type3A_2585, %mul3A_2587 : vector<8x128xf32>
    %add3A_2589 = arith.addf %add3A_2580, %mul3A_2588 : vector<8x128xf32>
    %slice3A_2590 = vector.extract_strided_slice %convert_element_type3A_2128 {offsets = [0, 51], sizes = [8, 1], strides = [1, 1]} : vector<8x128xi32> to vector<8x1xi32>
    %eq3A_2591 = vector.broadcast %slice3A_2590 : vector<8x1xi32> to vector<8x128xi32>
    %eq3A_2592 = arith.cmpi eq, %iota3A_208, %eq3A_2591 : vector<8x128xi32>
    %convert_element_type3A_2593 = arith.extui %eq3A_2592 : vector<8x128xi1> to vector<8x128xi32>
    %convert_element_type3A_2594 = arith.sitofp %convert_element_type3A_2593 : vector<8x128xi32> to vector<8x128xf32>
    %slice3A_2595 = vector.extract_strided_slice %concatenate3A {offsets = [0, 51], sizes = [8, 1], strides = [1, 1]} : vector<8x128xf32> to vector<8x1xf32>
    %mul3A_2596 = vector.broadcast %slice3A_2595 : vector<8x1xf32> to vector<8x128xf32>
    %mul3A_2597 = arith.mulf %convert_element_type3A_2594, %mul3A_2596 : vector<8x128xf32>
    %add3A_2598 = arith.addf %add3A_2589, %mul3A_2597 : vector<8x128xf32>
    %slice3A_2599 = vector.extract_strided_slice %convert_element_type3A_2128 {offsets = [0, 52], sizes = [8, 1], strides = [1, 1]} : vector<8x128xi32> to vector<8x1xi32>
    %eq3A_2600 = vector.broadcast %slice3A_2599 : vector<8x1xi32> to vector<8x128xi32>
    %eq3A_2601 = arith.cmpi eq, %iota3A_208, %eq3A_2600 : vector<8x128xi32>
    %convert_element_type3A_2602 = arith.extui %eq3A_2601 : vector<8x128xi1> to vector<8x128xi32>
    %convert_element_type3A_2603 = arith.sitofp %convert_element_type3A_2602 : vector<8x128xi32> to vector<8x128xf32>
    %slice3A_2604 = vector.extract_strided_slice %concatenate3A {offsets = [0, 52], sizes = [8, 1], strides = [1, 1]} : vector<8x128xf32> to vector<8x1xf32>
    %mul3A_2605 = vector.broadcast %slice3A_2604 : vector<8x1xf32> to vector<8x128xf32>
    %mul3A_2606 = arith.mulf %convert_element_type3A_2603, %mul3A_2605 : vector<8x128xf32>
    %add3A_2607 = arith.addf %add3A_2598, %mul3A_2606 : vector<8x128xf32>
    %slice3A_2608 = vector.extract_strided_slice %convert_element_type3A_2128 {offsets = [0, 53], sizes = [8, 1], strides = [1, 1]} : vector<8x128xi32> to vector<8x1xi32>
    %eq3A_2609 = vector.broadcast %slice3A_2608 : vector<8x1xi32> to vector<8x128xi32>
    %eq3A_2610 = arith.cmpi eq, %iota3A_208, %eq3A_2609 : vector<8x128xi32>
    %convert_element_type3A_2611 = arith.extui %eq3A_2610 : vector<8x128xi1> to vector<8x128xi32>
    %convert_element_type3A_2612 = arith.sitofp %convert_element_type3A_2611 : vector<8x128xi32> to vector<8x128xf32>
    %slice3A_2613 = vector.extract_strided_slice %concatenate3A {offsets = [0, 53], sizes = [8, 1], strides = [1, 1]} : vector<8x128xf32> to vector<8x1xf32>
    %mul3A_2614 = vector.broadcast %slice3A_2613 : vector<8x1xf32> to vector<8x128xf32>
    %mul3A_2615 = arith.mulf %convert_element_type3A_2612, %mul3A_2614 : vector<8x128xf32>
    %add3A_2616 = arith.addf %add3A_2607, %mul3A_2615 : vector<8x128xf32>
    %slice3A_2617 = vector.extract_strided_slice %convert_element_type3A_2128 {offsets = [0, 54], sizes = [8, 1], strides = [1, 1]} : vector<8x128xi32> to vector<8x1xi32>
    %eq3A_2618 = vector.broadcast %slice3A_2617 : vector<8x1xi32> to vector<8x128xi32>
    %eq3A_2619 = arith.cmpi eq, %iota3A_208, %eq3A_2618 : vector<8x128xi32>
    %convert_element_type3A_2620 = arith.extui %eq3A_2619 : vector<8x128xi1> to vector<8x128xi32>
    %convert_element_type3A_2621 = arith.sitofp %convert_element_type3A_2620 : vector<8x128xi32> to vector<8x128xf32>
    %slice3A_2622 = vector.extract_strided_slice %concatenate3A {offsets = [0, 54], sizes = [8, 1], strides = [1, 1]} : vector<8x128xf32> to vector<8x1xf32>
    %mul3A_2623 = vector.broadcast %slice3A_2622 : vector<8x1xf32> to vector<8x128xf32>
    %mul3A_2624 = arith.mulf %convert_element_type3A_2621, %mul3A_2623 : vector<8x128xf32>
    %add3A_2625 = arith.addf %add3A_2616, %mul3A_2624 : vector<8x128xf32>
    %slice3A_2626 = vector.extract_strided_slice %convert_element_type3A_2128 {offsets = [0, 55], sizes = [8, 1], strides = [1, 1]} : vector<8x128xi32> to vector<8x1xi32>
    %eq3A_2627 = vector.broadcast %slice3A_2626 : vector<8x1xi32> to vector<8x128xi32>
    %eq3A_2628 = arith.cmpi eq, %iota3A_208, %eq3A_2627 : vector<8x128xi32>
    %convert_element_type3A_2629 = arith.extui %eq3A_2628 : vector<8x128xi1> to vector<8x128xi32>
    %convert_element_type3A_2630 = arith.sitofp %convert_element_type3A_2629 : vector<8x128xi32> to vector<8x128xf32>
    %slice3A_2631 = vector.extract_strided_slice %concatenate3A {offsets = [0, 55], sizes = [8, 1], strides = [1, 1]} : vector<8x128xf32> to vector<8x1xf32>
    %mul3A_2632 = vector.broadcast %slice3A_2631 : vector<8x1xf32> to vector<8x128xf32>
    %mul3A_2633 = arith.mulf %convert_element_type3A_2630, %mul3A_2632 : vector<8x128xf32>
    %add3A_2634 = arith.addf %add3A_2625, %mul3A_2633 : vector<8x128xf32>
    %slice3A_2635 = vector.extract_strided_slice %convert_element_type3A_2128 {offsets = [0, 56], sizes = [8, 1], strides = [1, 1]} : vector<8x128xi32> to vector<8x1xi32>
    %eq3A_2636 = vector.broadcast %slice3A_2635 : vector<8x1xi32> to vector<8x128xi32>
    %eq3A_2637 = arith.cmpi eq, %iota3A_208, %eq3A_2636 : vector<8x128xi32>
    %convert_element_type3A_2638 = arith.extui %eq3A_2637 : vector<8x128xi1> to vector<8x128xi32>
    %convert_element_type3A_2639 = arith.sitofp %convert_element_type3A_2638 : vector<8x128xi32> to vector<8x128xf32>
    %slice3A_2640 = vector.extract_strided_slice %concatenate3A {offsets = [0, 56], sizes = [8, 1], strides = [1, 1]} : vector<8x128xf32> to vector<8x1xf32>
    %mul3A_2641 = vector.broadcast %slice3A_2640 : vector<8x1xf32> to vector<8x128xf32>
    %mul3A_2642 = arith.mulf %convert_element_type3A_2639, %mul3A_2641 : vector<8x128xf32>
    %add3A_2643 = arith.addf %add3A_2634, %mul3A_2642 : vector<8x128xf32>
    %slice3A_2644 = vector.extract_strided_slice %convert_element_type3A_2128 {offsets = [0, 57], sizes = [8, 1], strides = [1, 1]} : vector<8x128xi32> to vector<8x1xi32>
    %eq3A_2645 = vector.broadcast %slice3A_2644 : vector<8x1xi32> to vector<8x128xi32>
    %eq3A_2646 = arith.cmpi eq, %iota3A_208, %eq3A_2645 : vector<8x128xi32>
    %convert_element_type3A_2647 = arith.extui %eq3A_2646 : vector<8x128xi1> to vector<8x128xi32>
    %convert_element_type3A_2648 = arith.sitofp %convert_element_type3A_2647 : vector<8x128xi32> to vector<8x128xf32>
    %slice3A_2649 = vector.extract_strided_slice %concatenate3A {offsets = [0, 57], sizes = [8, 1], strides = [1, 1]} : vector<8x128xf32> to vector<8x1xf32>
    %mul3A_2650 = vector.broadcast %slice3A_2649 : vector<8x1xf32> to vector<8x128xf32>
    %mul3A_2651 = arith.mulf %convert_element_type3A_2648, %mul3A_2650 : vector<8x128xf32>
    %add3A_2652 = arith.addf %add3A_2643, %mul3A_2651 : vector<8x128xf32>
    %slice3A_2653 = vector.extract_strided_slice %convert_element_type3A_2128 {offsets = [0, 58], sizes = [8, 1], strides = [1, 1]} : vector<8x128xi32> to vector<8x1xi32>
    %eq3A_2654 = vector.broadcast %slice3A_2653 : vector<8x1xi32> to vector<8x128xi32>
    %eq3A_2655 = arith.cmpi eq, %iota3A_208, %eq3A_2654 : vector<8x128xi32>
    %convert_element_type3A_2656 = arith.extui %eq3A_2655 : vector<8x128xi1> to vector<8x128xi32>
    %convert_element_type3A_2657 = arith.sitofp %convert_element_type3A_2656 : vector<8x128xi32> to vector<8x128xf32>
    %slice3A_2658 = vector.extract_strided_slice %concatenate3A {offsets = [0, 58], sizes = [8, 1], strides = [1, 1]} : vector<8x128xf32> to vector<8x1xf32>
    %mul3A_2659 = vector.broadcast %slice3A_2658 : vector<8x1xf32> to vector<8x128xf32>
    %mul3A_2660 = arith.mulf %convert_element_type3A_2657, %mul3A_2659 : vector<8x128xf32>
    %add3A_2661 = arith.addf %add3A_2652, %mul3A_2660 : vector<8x128xf32>
    %slice3A_2662 = vector.extract_strided_slice %convert_element_type3A_2128 {offsets = [0, 59], sizes = [8, 1], strides = [1, 1]} : vector<8x128xi32> to vector<8x1xi32>
    %eq3A_2663 = vector.broadcast %slice3A_2662 : vector<8x1xi32> to vector<8x128xi32>
    %eq3A_2664 = arith.cmpi eq, %iota3A_208, %eq3A_2663 : vector<8x128xi32>
    %convert_element_type3A_2665 = arith.extui %eq3A_2664 : vector<8x128xi1> to vector<8x128xi32>
    %convert_element_type3A_2666 = arith.sitofp %convert_element_type3A_2665 : vector<8x128xi32> to vector<8x128xf32>
    %slice3A_2667 = vector.extract_strided_slice %concatenate3A {offsets = [0, 59], sizes = [8, 1], strides = [1, 1]} : vector<8x128xf32> to vector<8x1xf32>
    %mul3A_2668 = vector.broadcast %slice3A_2667 : vector<8x1xf32> to vector<8x128xf32>
    %mul3A_2669 = arith.mulf %convert_element_type3A_2666, %mul3A_2668 : vector<8x128xf32>
    %add3A_2670 = arith.addf %add3A_2661, %mul3A_2669 : vector<8x128xf32>
    %slice3A_2671 = vector.extract_strided_slice %convert_element_type3A_2128 {offsets = [0, 60], sizes = [8, 1], strides = [1, 1]} : vector<8x128xi32> to vector<8x1xi32>
    %eq3A_2672 = vector.broadcast %slice3A_2671 : vector<8x1xi32> to vector<8x128xi32>
    %eq3A_2673 = arith.cmpi eq, %iota3A_208, %eq3A_2672 : vector<8x128xi32>
    %convert_element_type3A_2674 = arith.extui %eq3A_2673 : vector<8x128xi1> to vector<8x128xi32>
    %convert_element_type3A_2675 = arith.sitofp %convert_element_type3A_2674 : vector<8x128xi32> to vector<8x128xf32>
    %slice3A_2676 = vector.extract_strided_slice %concatenate3A {offsets = [0, 60], sizes = [8, 1], strides = [1, 1]} : vector<8x128xf32> to vector<8x1xf32>
    %mul3A_2677 = vector.broadcast %slice3A_2676 : vector<8x1xf32> to vector<8x128xf32>
    %mul3A_2678 = arith.mulf %convert_element_type3A_2675, %mul3A_2677 : vector<8x128xf32>
    %add3A_2679 = arith.addf %add3A_2670, %mul3A_2678 : vector<8x128xf32>
    %slice3A_2680 = vector.extract_strided_slice %convert_element_type3A_2128 {offsets = [0, 61], sizes = [8, 1], strides = [1, 1]} : vector<8x128xi32> to vector<8x1xi32>
    %eq3A_2681 = vector.broadcast %slice3A_2680 : vector<8x1xi32> to vector<8x128xi32>
    %eq3A_2682 = arith.cmpi eq, %iota3A_208, %eq3A_2681 : vector<8x128xi32>
    %convert_element_type3A_2683 = arith.extui %eq3A_2682 : vector<8x128xi1> to vector<8x128xi32>
    %convert_element_type3A_2684 = arith.sitofp %convert_element_type3A_2683 : vector<8x128xi32> to vector<8x128xf32>
    %slice3A_2685 = vector.extract_strided_slice %concatenate3A {offsets = [0, 61], sizes = [8, 1], strides = [1, 1]} : vector<8x128xf32> to vector<8x1xf32>
    %mul3A_2686 = vector.broadcast %slice3A_2685 : vector<8x1xf32> to vector<8x128xf32>
    %mul3A_2687 = arith.mulf %convert_element_type3A_2684, %mul3A_2686 : vector<8x128xf32>
    %add3A_2688 = arith.addf %add3A_2679, %mul3A_2687 : vector<8x128xf32>
    %slice3A_2689 = vector.extract_strided_slice %convert_element_type3A_2128 {offsets = [0, 62], sizes = [8, 1], strides = [1, 1]} : vector<8x128xi32> to vector<8x1xi32>
    %eq3A_2690 = vector.broadcast %slice3A_2689 : vector<8x1xi32> to vector<8x128xi32>
    %eq3A_2691 = arith.cmpi eq, %iota3A_208, %eq3A_2690 : vector<8x128xi32>
    %convert_element_type3A_2692 = arith.extui %eq3A_2691 : vector<8x128xi1> to vector<8x128xi32>
    %convert_element_type3A_2693 = arith.sitofp %convert_element_type3A_2692 : vector<8x128xi32> to vector<8x128xf32>
    %slice3A_2694 = vector.extract_strided_slice %concatenate3A {offsets = [0, 62], sizes = [8, 1], strides = [1, 1]} : vector<8x128xf32> to vector<8x1xf32>
    %mul3A_2695 = vector.broadcast %slice3A_2694 : vector<8x1xf32> to vector<8x128xf32>
    %mul3A_2696 = arith.mulf %convert_element_type3A_2693, %mul3A_2695 : vector<8x128xf32>
    %add3A_2697 = arith.addf %add3A_2688, %mul3A_2696 : vector<8x128xf32>
    %slice3A_2698 = vector.extract_strided_slice %convert_element_type3A_2128 {offsets = [0, 63], sizes = [8, 1], strides = [1, 1]} : vector<8x128xi32> to vector<8x1xi32>
    %eq3A_2699 = vector.broadcast %slice3A_2698 : vector<8x1xi32> to vector<8x128xi32>
    %eq3A_2700 = arith.cmpi eq, %iota3A_208, %eq3A_2699 : vector<8x128xi32>
    %convert_element_type3A_2701 = arith.extui %eq3A_2700 : vector<8x128xi1> to vector<8x128xi32>
    %convert_element_type3A_2702 = arith.sitofp %convert_element_type3A_2701 : vector<8x128xi32> to vector<8x128xf32>
    %slice3A_2703 = vector.extract_strided_slice %concatenate3A {offsets = [0, 63], sizes = [8, 1], strides = [1, 1]} : vector<8x128xf32> to vector<8x1xf32>
    %mul3A_2704 = vector.broadcast %slice3A_2703 : vector<8x1xf32> to vector<8x128xf32>
    %mul3A_2705 = arith.mulf %convert_element_type3A_2702, %mul3A_2704 : vector<8x128xf32>
    %add3A_2706 = arith.addf %add3A_2697, %mul3A_2705 : vector<8x128xf32>
    %slice3A_2707 = vector.extract_strided_slice %convert_element_type3A_2128 {offsets = [0, 64], sizes = [8, 1], strides = [1, 1]} : vector<8x128xi32> to vector<8x1xi32>
    %eq3A_2708 = vector.broadcast %slice3A_2707 : vector<8x1xi32> to vector<8x128xi32>
    %eq3A_2709 = arith.cmpi eq, %iota3A_208, %eq3A_2708 : vector<8x128xi32>
    %convert_element_type3A_2710 = arith.extui %eq3A_2709 : vector<8x128xi1> to vector<8x128xi32>
    %convert_element_type3A_2711 = arith.sitofp %convert_element_type3A_2710 : vector<8x128xi32> to vector<8x128xf32>
    %slice3A_2712 = vector.extract_strided_slice %concatenate3A {offsets = [0, 64], sizes = [8, 1], strides = [1, 1]} : vector<8x128xf32> to vector<8x1xf32>
    %mul3A_2713 = vector.broadcast %slice3A_2712 : vector<8x1xf32> to vector<8x128xf32>
    %mul3A_2714 = arith.mulf %convert_element_type3A_2711, %mul3A_2713 : vector<8x128xf32>
    %add3A_2715 = arith.addf %add3A_2706, %mul3A_2714 : vector<8x128xf32>
    %slice3A_2716 = vector.extract_strided_slice %convert_element_type3A_2128 {offsets = [0, 65], sizes = [8, 1], strides = [1, 1]} : vector<8x128xi32> to vector<8x1xi32>
    %eq3A_2717 = vector.broadcast %slice3A_2716 : vector<8x1xi32> to vector<8x128xi32>
    %eq3A_2718 = arith.cmpi eq, %iota3A_208, %eq3A_2717 : vector<8x128xi32>
    %convert_element_type3A_2719 = arith.extui %eq3A_2718 : vector<8x128xi1> to vector<8x128xi32>
    %convert_element_type3A_2720 = arith.sitofp %convert_element_type3A_2719 : vector<8x128xi32> to vector<8x128xf32>
    %slice3A_2721 = vector.extract_strided_slice %concatenate3A {offsets = [0, 65], sizes = [8, 1], strides = [1, 1]} : vector<8x128xf32> to vector<8x1xf32>
    %mul3A_2722 = vector.broadcast %slice3A_2721 : vector<8x1xf32> to vector<8x128xf32>
    %mul3A_2723 = arith.mulf %convert_element_type3A_2720, %mul3A_2722 : vector<8x128xf32>
    %add3A_2724 = arith.addf %add3A_2715, %mul3A_2723 : vector<8x128xf32>
    %slice3A_2725 = vector.extract_strided_slice %convert_element_type3A_2128 {offsets = [0, 66], sizes = [8, 1], strides = [1, 1]} : vector<8x128xi32> to vector<8x1xi32>
    %eq3A_2726 = vector.broadcast %slice3A_2725 : vector<8x1xi32> to vector<8x128xi32>
    %eq3A_2727 = arith.cmpi eq, %iota3A_208, %eq3A_2726 : vector<8x128xi32>
    %convert_element_type3A_2728 = arith.extui %eq3A_2727 : vector<8x128xi1> to vector<8x128xi32>
    %convert_element_type3A_2729 = arith.sitofp %convert_element_type3A_2728 : vector<8x128xi32> to vector<8x128xf32>
    %slice3A_2730 = vector.extract_strided_slice %concatenate3A {offsets = [0, 66], sizes = [8, 1], strides = [1, 1]} : vector<8x128xf32> to vector<8x1xf32>
    %mul3A_2731 = vector.broadcast %slice3A_2730 : vector<8x1xf32> to vector<8x128xf32>
    %mul3A_2732 = arith.mulf %convert_element_type3A_2729, %mul3A_2731 : vector<8x128xf32>
    %add3A_2733 = arith.addf %add3A_2724, %mul3A_2732 : vector<8x128xf32>
    %slice3A_2734 = vector.extract_strided_slice %convert_element_type3A_2128 {offsets = [0, 67], sizes = [8, 1], strides = [1, 1]} : vector<8x128xi32> to vector<8x1xi32>
    %eq3A_2735 = vector.broadcast %slice3A_2734 : vector<8x1xi32> to vector<8x128xi32>
    %eq3A_2736 = arith.cmpi eq, %iota3A_208, %eq3A_2735 : vector<8x128xi32>
    %convert_element_type3A_2737 = arith.extui %eq3A_2736 : vector<8x128xi1> to vector<8x128xi32>
    %convert_element_type3A_2738 = arith.sitofp %convert_element_type3A_2737 : vector<8x128xi32> to vector<8x128xf32>
    %slice3A_2739 = vector.extract_strided_slice %concatenate3A {offsets = [0, 67], sizes = [8, 1], strides = [1, 1]} : vector<8x128xf32> to vector<8x1xf32>
    %mul3A_2740 = vector.broadcast %slice3A_2739 : vector<8x1xf32> to vector<8x128xf32>
    %mul3A_2741 = arith.mulf %convert_element_type3A_2738, %mul3A_2740 : vector<8x128xf32>
    %add3A_2742 = arith.addf %add3A_2733, %mul3A_2741 : vector<8x128xf32>
    %slice3A_2743 = vector.extract_strided_slice %convert_element_type3A_2128 {offsets = [0, 68], sizes = [8, 1], strides = [1, 1]} : vector<8x128xi32> to vector<8x1xi32>
    %eq3A_2744 = vector.broadcast %slice3A_2743 : vector<8x1xi32> to vector<8x128xi32>
    %eq3A_2745 = arith.cmpi eq, %iota3A_208, %eq3A_2744 : vector<8x128xi32>
    %convert_element_type3A_2746 = arith.extui %eq3A_2745 : vector<8x128xi1> to vector<8x128xi32>
    %convert_element_type3A_2747 = arith.sitofp %convert_element_type3A_2746 : vector<8x128xi32> to vector<8x128xf32>
    %slice3A_2748 = vector.extract_strided_slice %concatenate3A {offsets = [0, 68], sizes = [8, 1], strides = [1, 1]} : vector<8x128xf32> to vector<8x1xf32>
    %mul3A_2749 = vector.broadcast %slice3A_2748 : vector<8x1xf32> to vector<8x128xf32>
    %mul3A_2750 = arith.mulf %convert_element_type3A_2747, %mul3A_2749 : vector<8x128xf32>
    %add3A_2751 = arith.addf %add3A_2742, %mul3A_2750 : vector<8x128xf32>
    %slice3A_2752 = vector.extract_strided_slice %convert_element_type3A_2128 {offsets = [0, 69], sizes = [8, 1], strides = [1, 1]} : vector<8x128xi32> to vector<8x1xi32>
    %eq3A_2753 = vector.broadcast %slice3A_2752 : vector<8x1xi32> to vector<8x128xi32>
    %eq3A_2754 = arith.cmpi eq, %iota3A_208, %eq3A_2753 : vector<8x128xi32>
    %convert_element_type3A_2755 = arith.extui %eq3A_2754 : vector<8x128xi1> to vector<8x128xi32>
    %convert_element_type3A_2756 = arith.sitofp %convert_element_type3A_2755 : vector<8x128xi32> to vector<8x128xf32>
    %slice3A_2757 = vector.extract_strided_slice %concatenate3A {offsets = [0, 69], sizes = [8, 1], strides = [1, 1]} : vector<8x128xf32> to vector<8x1xf32>
    %mul3A_2758 = vector.broadcast %slice3A_2757 : vector<8x1xf32> to vector<8x128xf32>
    %mul3A_2759 = arith.mulf %convert_element_type3A_2756, %mul3A_2758 : vector<8x128xf32>
    %add3A_2760 = arith.addf %add3A_2751, %mul3A_2759 : vector<8x128xf32>
    %slice3A_2761 = vector.extract_strided_slice %convert_element_type3A_2128 {offsets = [0, 70], sizes = [8, 1], strides = [1, 1]} : vector<8x128xi32> to vector<8x1xi32>
    %eq3A_2762 = vector.broadcast %slice3A_2761 : vector<8x1xi32> to vector<8x128xi32>
    %eq3A_2763 = arith.cmpi eq, %iota3A_208, %eq3A_2762 : vector<8x128xi32>
    %convert_element_type3A_2764 = arith.extui %eq3A_2763 : vector<8x128xi1> to vector<8x128xi32>
    %convert_element_type3A_2765 = arith.sitofp %convert_element_type3A_2764 : vector<8x128xi32> to vector<8x128xf32>
    %slice3A_2766 = vector.extract_strided_slice %concatenate3A {offsets = [0, 70], sizes = [8, 1], strides = [1, 1]} : vector<8x128xf32> to vector<8x1xf32>
    %mul3A_2767 = vector.broadcast %slice3A_2766 : vector<8x1xf32> to vector<8x128xf32>
    %mul3A_2768 = arith.mulf %convert_element_type3A_2765, %mul3A_2767 : vector<8x128xf32>
    %add3A_2769 = arith.addf %add3A_2760, %mul3A_2768 : vector<8x128xf32>
    %slice3A_2770 = vector.extract_strided_slice %convert_element_type3A_2128 {offsets = [0, 71], sizes = [8, 1], strides = [1, 1]} : vector<8x128xi32> to vector<8x1xi32>
    %eq3A_2771 = vector.broadcast %slice3A_2770 : vector<8x1xi32> to vector<8x128xi32>
    %eq3A_2772 = arith.cmpi eq, %iota3A_208, %eq3A_2771 : vector<8x128xi32>
    %convert_element_type3A_2773 = arith.extui %eq3A_2772 : vector<8x128xi1> to vector<8x128xi32>
    %convert_element_type3A_2774 = arith.sitofp %convert_element_type3A_2773 : vector<8x128xi32> to vector<8x128xf32>
    %slice3A_2775 = vector.extract_strided_slice %concatenate3A {offsets = [0, 71], sizes = [8, 1], strides = [1, 1]} : vector<8x128xf32> to vector<8x1xf32>
    %mul3A_2776 = vector.broadcast %slice3A_2775 : vector<8x1xf32> to vector<8x128xf32>
    %mul3A_2777 = arith.mulf %convert_element_type3A_2774, %mul3A_2776 : vector<8x128xf32>
    %add3A_2778 = arith.addf %add3A_2769, %mul3A_2777 : vector<8x128xf32>
    %slice3A_2779 = vector.extract_strided_slice %convert_element_type3A_2128 {offsets = [0, 72], sizes = [8, 1], strides = [1, 1]} : vector<8x128xi32> to vector<8x1xi32>
    %eq3A_2780 = vector.broadcast %slice3A_2779 : vector<8x1xi32> to vector<8x128xi32>
    %eq3A_2781 = arith.cmpi eq, %iota3A_208, %eq3A_2780 : vector<8x128xi32>
    %convert_element_type3A_2782 = arith.extui %eq3A_2781 : vector<8x128xi1> to vector<8x128xi32>
    %convert_element_type3A_2783 = arith.sitofp %convert_element_type3A_2782 : vector<8x128xi32> to vector<8x128xf32>
    %slice3A_2784 = vector.extract_strided_slice %concatenate3A {offsets = [0, 72], sizes = [8, 1], strides = [1, 1]} : vector<8x128xf32> to vector<8x1xf32>
    %mul3A_2785 = vector.broadcast %slice3A_2784 : vector<8x1xf32> to vector<8x128xf32>
    %mul3A_2786 = arith.mulf %convert_element_type3A_2783, %mul3A_2785 : vector<8x128xf32>
    %add3A_2787 = arith.addf %add3A_2778, %mul3A_2786 : vector<8x128xf32>
    %slice3A_2788 = vector.extract_strided_slice %convert_element_type3A_2128 {offsets = [0, 73], sizes = [8, 1], strides = [1, 1]} : vector<8x128xi32> to vector<8x1xi32>
    %eq3A_2789 = vector.broadcast %slice3A_2788 : vector<8x1xi32> to vector<8x128xi32>
    %eq3A_2790 = arith.cmpi eq, %iota3A_208, %eq3A_2789 : vector<8x128xi32>
    %convert_element_type3A_2791 = arith.extui %eq3A_2790 : vector<8x128xi1> to vector<8x128xi32>
    %convert_element_type3A_2792 = arith.sitofp %convert_element_type3A_2791 : vector<8x128xi32> to vector<8x128xf32>
    %slice3A_2793 = vector.extract_strided_slice %concatenate3A {offsets = [0, 73], sizes = [8, 1], strides = [1, 1]} : vector<8x128xf32> to vector<8x1xf32>
    %mul3A_2794 = vector.broadcast %slice3A_2793 : vector<8x1xf32> to vector<8x128xf32>
    %mul3A_2795 = arith.mulf %convert_element_type3A_2792, %mul3A_2794 : vector<8x128xf32>
    %add3A_2796 = arith.addf %add3A_2787, %mul3A_2795 : vector<8x128xf32>
    %slice3A_2797 = vector.extract_strided_slice %convert_element_type3A_2128 {offsets = [0, 74], sizes = [8, 1], strides = [1, 1]} : vector<8x128xi32> to vector<8x1xi32>
    %eq3A_2798 = vector.broadcast %slice3A_2797 : vector<8x1xi32> to vector<8x128xi32>
    %eq3A_2799 = arith.cmpi eq, %iota3A_208, %eq3A_2798 : vector<8x128xi32>
    %convert_element_type3A_2800 = arith.extui %eq3A_2799 : vector<8x128xi1> to vector<8x128xi32>
    %convert_element_type3A_2801 = arith.sitofp %convert_element_type3A_2800 : vector<8x128xi32> to vector<8x128xf32>
    %slice3A_2802 = vector.extract_strided_slice %concatenate3A {offsets = [0, 74], sizes = [8, 1], strides = [1, 1]} : vector<8x128xf32> to vector<8x1xf32>
    %mul3A_2803 = vector.broadcast %slice3A_2802 : vector<8x1xf32> to vector<8x128xf32>
    %mul3A_2804 = arith.mulf %convert_element_type3A_2801, %mul3A_2803 : vector<8x128xf32>
    %add3A_2805 = arith.addf %add3A_2796, %mul3A_2804 : vector<8x128xf32>
    %slice3A_2806 = vector.extract_strided_slice %convert_element_type3A_2128 {offsets = [0, 75], sizes = [8, 1], strides = [1, 1]} : vector<8x128xi32> to vector<8x1xi32>
    %eq3A_2807 = vector.broadcast %slice3A_2806 : vector<8x1xi32> to vector<8x128xi32>
    %eq3A_2808 = arith.cmpi eq, %iota3A_208, %eq3A_2807 : vector<8x128xi32>
    %convert_element_type3A_2809 = arith.extui %eq3A_2808 : vector<8x128xi1> to vector<8x128xi32>
    %convert_element_type3A_2810 = arith.sitofp %convert_element_type3A_2809 : vector<8x128xi32> to vector<8x128xf32>
    %slice3A_2811 = vector.extract_strided_slice %concatenate3A {offsets = [0, 75], sizes = [8, 1], strides = [1, 1]} : vector<8x128xf32> to vector<8x1xf32>
    %mul3A_2812 = vector.broadcast %slice3A_2811 : vector<8x1xf32> to vector<8x128xf32>
    %mul3A_2813 = arith.mulf %convert_element_type3A_2810, %mul3A_2812 : vector<8x128xf32>
    %add3A_2814 = arith.addf %add3A_2805, %mul3A_2813 : vector<8x128xf32>
    %slice3A_2815 = vector.extract_strided_slice %convert_element_type3A_2128 {offsets = [0, 76], sizes = [8, 1], strides = [1, 1]} : vector<8x128xi32> to vector<8x1xi32>
    %eq3A_2816 = vector.broadcast %slice3A_2815 : vector<8x1xi32> to vector<8x128xi32>
    %eq3A_2817 = arith.cmpi eq, %iota3A_208, %eq3A_2816 : vector<8x128xi32>
    %convert_element_type3A_2818 = arith.extui %eq3A_2817 : vector<8x128xi1> to vector<8x128xi32>
    %convert_element_type3A_2819 = arith.sitofp %convert_element_type3A_2818 : vector<8x128xi32> to vector<8x128xf32>
    %slice3A_2820 = vector.extract_strided_slice %concatenate3A {offsets = [0, 76], sizes = [8, 1], strides = [1, 1]} : vector<8x128xf32> to vector<8x1xf32>
    %mul3A_2821 = vector.broadcast %slice3A_2820 : vector<8x1xf32> to vector<8x128xf32>
    %mul3A_2822 = arith.mulf %convert_element_type3A_2819, %mul3A_2821 : vector<8x128xf32>
    %add3A_2823 = arith.addf %add3A_2814, %mul3A_2822 : vector<8x128xf32>
    %slice3A_2824 = vector.extract_strided_slice %convert_element_type3A_2128 {offsets = [0, 77], sizes = [8, 1], strides = [1, 1]} : vector<8x128xi32> to vector<8x1xi32>
    %eq3A_2825 = vector.broadcast %slice3A_2824 : vector<8x1xi32> to vector<8x128xi32>
    %eq3A_2826 = arith.cmpi eq, %iota3A_208, %eq3A_2825 : vector<8x128xi32>
    %convert_element_type3A_2827 = arith.extui %eq3A_2826 : vector<8x128xi1> to vector<8x128xi32>
    %convert_element_type3A_2828 = arith.sitofp %convert_element_type3A_2827 : vector<8x128xi32> to vector<8x128xf32>
    %slice3A_2829 = vector.extract_strided_slice %concatenate3A {offsets = [0, 77], sizes = [8, 1], strides = [1, 1]} : vector<8x128xf32> to vector<8x1xf32>
    %mul3A_2830 = vector.broadcast %slice3A_2829 : vector<8x1xf32> to vector<8x128xf32>
    %mul3A_2831 = arith.mulf %convert_element_type3A_2828, %mul3A_2830 : vector<8x128xf32>
    %add3A_2832 = arith.addf %add3A_2823, %mul3A_2831 : vector<8x128xf32>
    %slice3A_2833 = vector.extract_strided_slice %convert_element_type3A_2128 {offsets = [0, 78], sizes = [8, 1], strides = [1, 1]} : vector<8x128xi32> to vector<8x1xi32>
    %eq3A_2834 = vector.broadcast %slice3A_2833 : vector<8x1xi32> to vector<8x128xi32>
    %eq3A_2835 = arith.cmpi eq, %iota3A_208, %eq3A_2834 : vector<8x128xi32>
    %convert_element_type3A_2836 = arith.extui %eq3A_2835 : vector<8x128xi1> to vector<8x128xi32>
    %convert_element_type3A_2837 = arith.sitofp %convert_element_type3A_2836 : vector<8x128xi32> to vector<8x128xf32>
    %slice3A_2838 = vector.extract_strided_slice %concatenate3A {offsets = [0, 78], sizes = [8, 1], strides = [1, 1]} : vector<8x128xf32> to vector<8x1xf32>
    %mul3A_2839 = vector.broadcast %slice3A_2838 : vector<8x1xf32> to vector<8x128xf32>
    %mul3A_2840 = arith.mulf %convert_element_type3A_2837, %mul3A_2839 : vector<8x128xf32>
    %add3A_2841 = arith.addf %add3A_2832, %mul3A_2840 : vector<8x128xf32>
    %slice3A_2842 = vector.extract_strided_slice %convert_element_type3A_2128 {offsets = [0, 79], sizes = [8, 1], strides = [1, 1]} : vector<8x128xi32> to vector<8x1xi32>
    %eq3A_2843 = vector.broadcast %slice3A_2842 : vector<8x1xi32> to vector<8x128xi32>
    %eq3A_2844 = arith.cmpi eq, %iota3A_208, %eq3A_2843 : vector<8x128xi32>
    %convert_element_type3A_2845 = arith.extui %eq3A_2844 : vector<8x128xi1> to vector<8x128xi32>
    %convert_element_type3A_2846 = arith.sitofp %convert_element_type3A_2845 : vector<8x128xi32> to vector<8x128xf32>
    %slice3A_2847 = vector.extract_strided_slice %concatenate3A {offsets = [0, 79], sizes = [8, 1], strides = [1, 1]} : vector<8x128xf32> to vector<8x1xf32>
    %mul3A_2848 = vector.broadcast %slice3A_2847 : vector<8x1xf32> to vector<8x128xf32>
    %mul3A_2849 = arith.mulf %convert_element_type3A_2846, %mul3A_2848 : vector<8x128xf32>
    %add3A_2850 = arith.addf %add3A_2841, %mul3A_2849 : vector<8x128xf32>
    %slice3A_2851 = vector.extract_strided_slice %convert_element_type3A_2128 {offsets = [0, 80], sizes = [8, 1], strides = [1, 1]} : vector<8x128xi32> to vector<8x1xi32>
    %eq3A_2852 = vector.broadcast %slice3A_2851 : vector<8x1xi32> to vector<8x128xi32>
    %eq3A_2853 = arith.cmpi eq, %iota3A_208, %eq3A_2852 : vector<8x128xi32>
    %convert_element_type3A_2854 = arith.extui %eq3A_2853 : vector<8x128xi1> to vector<8x128xi32>
    %convert_element_type3A_2855 = arith.sitofp %convert_element_type3A_2854 : vector<8x128xi32> to vector<8x128xf32>
    %slice3A_2856 = vector.extract_strided_slice %concatenate3A {offsets = [0, 80], sizes = [8, 1], strides = [1, 1]} : vector<8x128xf32> to vector<8x1xf32>
    %mul3A_2857 = vector.broadcast %slice3A_2856 : vector<8x1xf32> to vector<8x128xf32>
    %mul3A_2858 = arith.mulf %convert_element_type3A_2855, %mul3A_2857 : vector<8x128xf32>
    %add3A_2859 = arith.addf %add3A_2850, %mul3A_2858 : vector<8x128xf32>
    %slice3A_2860 = vector.extract_strided_slice %convert_element_type3A_2128 {offsets = [0, 81], sizes = [8, 1], strides = [1, 1]} : vector<8x128xi32> to vector<8x1xi32>
    %eq3A_2861 = vector.broadcast %slice3A_2860 : vector<8x1xi32> to vector<8x128xi32>
    %eq3A_2862 = arith.cmpi eq, %iota3A_208, %eq3A_2861 : vector<8x128xi32>
    %convert_element_type3A_2863 = arith.extui %eq3A_2862 : vector<8x128xi1> to vector<8x128xi32>
    %convert_element_type3A_2864 = arith.sitofp %convert_element_type3A_2863 : vector<8x128xi32> to vector<8x128xf32>
    %slice3A_2865 = vector.extract_strided_slice %concatenate3A {offsets = [0, 81], sizes = [8, 1], strides = [1, 1]} : vector<8x128xf32> to vector<8x1xf32>
    %mul3A_2866 = vector.broadcast %slice3A_2865 : vector<8x1xf32> to vector<8x128xf32>
    %mul3A_2867 = arith.mulf %convert_element_type3A_2864, %mul3A_2866 : vector<8x128xf32>
    %add3A_2868 = arith.addf %add3A_2859, %mul3A_2867 : vector<8x128xf32>
    %slice3A_2869 = vector.extract_strided_slice %convert_element_type3A_2128 {offsets = [0, 82], sizes = [8, 1], strides = [1, 1]} : vector<8x128xi32> to vector<8x1xi32>
    %eq3A_2870 = vector.broadcast %slice3A_2869 : vector<8x1xi32> to vector<8x128xi32>
    %eq3A_2871 = arith.cmpi eq, %iota3A_208, %eq3A_2870 : vector<8x128xi32>
    %convert_element_type3A_2872 = arith.extui %eq3A_2871 : vector<8x128xi1> to vector<8x128xi32>
    %convert_element_type3A_2873 = arith.sitofp %convert_element_type3A_2872 : vector<8x128xi32> to vector<8x128xf32>
    %slice3A_2874 = vector.extract_strided_slice %concatenate3A {offsets = [0, 82], sizes = [8, 1], strides = [1, 1]} : vector<8x128xf32> to vector<8x1xf32>
    %mul3A_2875 = vector.broadcast %slice3A_2874 : vector<8x1xf32> to vector<8x128xf32>
    %mul3A_2876 = arith.mulf %convert_element_type3A_2873, %mul3A_2875 : vector<8x128xf32>
    %add3A_2877 = arith.addf %add3A_2868, %mul3A_2876 : vector<8x128xf32>
    %slice3A_2878 = vector.extract_strided_slice %convert_element_type3A_2128 {offsets = [0, 83], sizes = [8, 1], strides = [1, 1]} : vector<8x128xi32> to vector<8x1xi32>
    %eq3A_2879 = vector.broadcast %slice3A_2878 : vector<8x1xi32> to vector<8x128xi32>
    %eq3A_2880 = arith.cmpi eq, %iota3A_208, %eq3A_2879 : vector<8x128xi32>
    %convert_element_type3A_2881 = arith.extui %eq3A_2880 : vector<8x128xi1> to vector<8x128xi32>
    %convert_element_type3A_2882 = arith.sitofp %convert_element_type3A_2881 : vector<8x128xi32> to vector<8x128xf32>
    %slice3A_2883 = vector.extract_strided_slice %concatenate3A {offsets = [0, 83], sizes = [8, 1], strides = [1, 1]} : vector<8x128xf32> to vector<8x1xf32>
    %mul3A_2884 = vector.broadcast %slice3A_2883 : vector<8x1xf32> to vector<8x128xf32>
    %mul3A_2885 = arith.mulf %convert_element_type3A_2882, %mul3A_2884 : vector<8x128xf32>
    %add3A_2886 = arith.addf %add3A_2877, %mul3A_2885 : vector<8x128xf32>
    %slice3A_2887 = vector.extract_strided_slice %convert_element_type3A_2128 {offsets = [0, 84], sizes = [8, 1], strides = [1, 1]} : vector<8x128xi32> to vector<8x1xi32>
    %eq3A_2888 = vector.broadcast %slice3A_2887 : vector<8x1xi32> to vector<8x128xi32>
    %eq3A_2889 = arith.cmpi eq, %iota3A_208, %eq3A_2888 : vector<8x128xi32>
    %convert_element_type3A_2890 = arith.extui %eq3A_2889 : vector<8x128xi1> to vector<8x128xi32>
    %convert_element_type3A_2891 = arith.sitofp %convert_element_type3A_2890 : vector<8x128xi32> to vector<8x128xf32>
    %slice3A_2892 = vector.extract_strided_slice %concatenate3A {offsets = [0, 84], sizes = [8, 1], strides = [1, 1]} : vector<8x128xf32> to vector<8x1xf32>
    %mul3A_2893 = vector.broadcast %slice3A_2892 : vector<8x1xf32> to vector<8x128xf32>
    %mul3A_2894 = arith.mulf %convert_element_type3A_2891, %mul3A_2893 : vector<8x128xf32>
    %add3A_2895 = arith.addf %add3A_2886, %mul3A_2894 : vector<8x128xf32>
    %slice3A_2896 = vector.extract_strided_slice %convert_element_type3A_2128 {offsets = [0, 85], sizes = [8, 1], strides = [1, 1]} : vector<8x128xi32> to vector<8x1xi32>
    %eq3A_2897 = vector.broadcast %slice3A_2896 : vector<8x1xi32> to vector<8x128xi32>
    %eq3A_2898 = arith.cmpi eq, %iota3A_208, %eq3A_2897 : vector<8x128xi32>
    %convert_element_type3A_2899 = arith.extui %eq3A_2898 : vector<8x128xi1> to vector<8x128xi32>
    %convert_element_type3A_2900 = arith.sitofp %convert_element_type3A_2899 : vector<8x128xi32> to vector<8x128xf32>
    %slice3A_2901 = vector.extract_strided_slice %concatenate3A {offsets = [0, 85], sizes = [8, 1], strides = [1, 1]} : vector<8x128xf32> to vector<8x1xf32>
    %mul3A_2902 = vector.broadcast %slice3A_2901 : vector<8x1xf32> to vector<8x128xf32>
    %mul3A_2903 = arith.mulf %convert_element_type3A_2900, %mul3A_2902 : vector<8x128xf32>
    %add3A_2904 = arith.addf %add3A_2895, %mul3A_2903 : vector<8x128xf32>
    %slice3A_2905 = vector.extract_strided_slice %convert_element_type3A_2128 {offsets = [0, 86], sizes = [8, 1], strides = [1, 1]} : vector<8x128xi32> to vector<8x1xi32>
    %eq3A_2906 = vector.broadcast %slice3A_2905 : vector<8x1xi32> to vector<8x128xi32>
    %eq3A_2907 = arith.cmpi eq, %iota3A_208, %eq3A_2906 : vector<8x128xi32>
    %convert_element_type3A_2908 = arith.extui %eq3A_2907 : vector<8x128xi1> to vector<8x128xi32>
    %convert_element_type3A_2909 = arith.sitofp %convert_element_type3A_2908 : vector<8x128xi32> to vector<8x128xf32>
    %slice3A_2910 = vector.extract_strided_slice %concatenate3A {offsets = [0, 86], sizes = [8, 1], strides = [1, 1]} : vector<8x128xf32> to vector<8x1xf32>
    %mul3A_2911 = vector.broadcast %slice3A_2910 : vector<8x1xf32> to vector<8x128xf32>
    %mul3A_2912 = arith.mulf %convert_element_type3A_2909, %mul3A_2911 : vector<8x128xf32>
    %add3A_2913 = arith.addf %add3A_2904, %mul3A_2912 : vector<8x128xf32>
    %slice3A_2914 = vector.extract_strided_slice %convert_element_type3A_2128 {offsets = [0, 87], sizes = [8, 1], strides = [1, 1]} : vector<8x128xi32> to vector<8x1xi32>
    %eq3A_2915 = vector.broadcast %slice3A_2914 : vector<8x1xi32> to vector<8x128xi32>
    %eq3A_2916 = arith.cmpi eq, %iota3A_208, %eq3A_2915 : vector<8x128xi32>
    %convert_element_type3A_2917 = arith.extui %eq3A_2916 : vector<8x128xi1> to vector<8x128xi32>
    %convert_element_type3A_2918 = arith.sitofp %convert_element_type3A_2917 : vector<8x128xi32> to vector<8x128xf32>
    %slice3A_2919 = vector.extract_strided_slice %concatenate3A {offsets = [0, 87], sizes = [8, 1], strides = [1, 1]} : vector<8x128xf32> to vector<8x1xf32>
    %mul3A_2920 = vector.broadcast %slice3A_2919 : vector<8x1xf32> to vector<8x128xf32>
    %mul3A_2921 = arith.mulf %convert_element_type3A_2918, %mul3A_2920 : vector<8x128xf32>
    %add3A_2922 = arith.addf %add3A_2913, %mul3A_2921 : vector<8x128xf32>
    %slice3A_2923 = vector.extract_strided_slice %convert_element_type3A_2128 {offsets = [0, 88], sizes = [8, 1], strides = [1, 1]} : vector<8x128xi32> to vector<8x1xi32>
    %eq3A_2924 = vector.broadcast %slice3A_2923 : vector<8x1xi32> to vector<8x128xi32>
    %eq3A_2925 = arith.cmpi eq, %iota3A_208, %eq3A_2924 : vector<8x128xi32>
    %convert_element_type3A_2926 = arith.extui %eq3A_2925 : vector<8x128xi1> to vector<8x128xi32>
    %convert_element_type3A_2927 = arith.sitofp %convert_element_type3A_2926 : vector<8x128xi32> to vector<8x128xf32>
    %slice3A_2928 = vector.extract_strided_slice %concatenate3A {offsets = [0, 88], sizes = [8, 1], strides = [1, 1]} : vector<8x128xf32> to vector<8x1xf32>
    %mul3A_2929 = vector.broadcast %slice3A_2928 : vector<8x1xf32> to vector<8x128xf32>
    %mul3A_2930 = arith.mulf %convert_element_type3A_2927, %mul3A_2929 : vector<8x128xf32>
    %add3A_2931 = arith.addf %add3A_2922, %mul3A_2930 : vector<8x128xf32>
    %slice3A_2932 = vector.extract_strided_slice %convert_element_type3A_2128 {offsets = [0, 89], sizes = [8, 1], strides = [1, 1]} : vector<8x128xi32> to vector<8x1xi32>
    %eq3A_2933 = vector.broadcast %slice3A_2932 : vector<8x1xi32> to vector<8x128xi32>
    %eq3A_2934 = arith.cmpi eq, %iota3A_208, %eq3A_2933 : vector<8x128xi32>
    %convert_element_type3A_2935 = arith.extui %eq3A_2934 : vector<8x128xi1> to vector<8x128xi32>
    %convert_element_type3A_2936 = arith.sitofp %convert_element_type3A_2935 : vector<8x128xi32> to vector<8x128xf32>
    %slice3A_2937 = vector.extract_strided_slice %concatenate3A {offsets = [0, 89], sizes = [8, 1], strides = [1, 1]} : vector<8x128xf32> to vector<8x1xf32>
    %mul3A_2938 = vector.broadcast %slice3A_2937 : vector<8x1xf32> to vector<8x128xf32>
    %mul3A_2939 = arith.mulf %convert_element_type3A_2936, %mul3A_2938 : vector<8x128xf32>
    %add3A_2940 = arith.addf %add3A_2931, %mul3A_2939 : vector<8x128xf32>
    %slice3A_2941 = vector.extract_strided_slice %convert_element_type3A_2128 {offsets = [0, 90], sizes = [8, 1], strides = [1, 1]} : vector<8x128xi32> to vector<8x1xi32>
    %eq3A_2942 = vector.broadcast %slice3A_2941 : vector<8x1xi32> to vector<8x128xi32>
    %eq3A_2943 = arith.cmpi eq, %iota3A_208, %eq3A_2942 : vector<8x128xi32>
    %convert_element_type3A_2944 = arith.extui %eq3A_2943 : vector<8x128xi1> to vector<8x128xi32>
    %convert_element_type3A_2945 = arith.sitofp %convert_element_type3A_2944 : vector<8x128xi32> to vector<8x128xf32>
    %slice3A_2946 = vector.extract_strided_slice %concatenate3A {offsets = [0, 90], sizes = [8, 1], strides = [1, 1]} : vector<8x128xf32> to vector<8x1xf32>
    %mul3A_2947 = vector.broadcast %slice3A_2946 : vector<8x1xf32> to vector<8x128xf32>
    %mul3A_2948 = arith.mulf %convert_element_type3A_2945, %mul3A_2947 : vector<8x128xf32>
    %add3A_2949 = arith.addf %add3A_2940, %mul3A_2948 : vector<8x128xf32>
    %slice3A_2950 = vector.extract_strided_slice %convert_element_type3A_2128 {offsets = [0, 91], sizes = [8, 1], strides = [1, 1]} : vector<8x128xi32> to vector<8x1xi32>
    %eq3A_2951 = vector.broadcast %slice3A_2950 : vector<8x1xi32> to vector<8x128xi32>
    %eq3A_2952 = arith.cmpi eq, %iota3A_208, %eq3A_2951 : vector<8x128xi32>
    %convert_element_type3A_2953 = arith.extui %eq3A_2952 : vector<8x128xi1> to vector<8x128xi32>
    %convert_element_type3A_2954 = arith.sitofp %convert_element_type3A_2953 : vector<8x128xi32> to vector<8x128xf32>
    %slice3A_2955 = vector.extract_strided_slice %concatenate3A {offsets = [0, 91], sizes = [8, 1], strides = [1, 1]} : vector<8x128xf32> to vector<8x1xf32>
    %mul3A_2956 = vector.broadcast %slice3A_2955 : vector<8x1xf32> to vector<8x128xf32>
    %mul3A_2957 = arith.mulf %convert_element_type3A_2954, %mul3A_2956 : vector<8x128xf32>
    %add3A_2958 = arith.addf %add3A_2949, %mul3A_2957 : vector<8x128xf32>
    %slice3A_2959 = vector.extract_strided_slice %convert_element_type3A_2128 {offsets = [0, 92], sizes = [8, 1], strides = [1, 1]} : vector<8x128xi32> to vector<8x1xi32>
    %eq3A_2960 = vector.broadcast %slice3A_2959 : vector<8x1xi32> to vector<8x128xi32>
    %eq3A_2961 = arith.cmpi eq, %iota3A_208, %eq3A_2960 : vector<8x128xi32>
    %convert_element_type3A_2962 = arith.extui %eq3A_2961 : vector<8x128xi1> to vector<8x128xi32>
    %convert_element_type3A_2963 = arith.sitofp %convert_element_type3A_2962 : vector<8x128xi32> to vector<8x128xf32>
    %slice3A_2964 = vector.extract_strided_slice %concatenate3A {offsets = [0, 92], sizes = [8, 1], strides = [1, 1]} : vector<8x128xf32> to vector<8x1xf32>
    %mul3A_2965 = vector.broadcast %slice3A_2964 : vector<8x1xf32> to vector<8x128xf32>
    %mul3A_2966 = arith.mulf %convert_element_type3A_2963, %mul3A_2965 : vector<8x128xf32>
    %add3A_2967 = arith.addf %add3A_2958, %mul3A_2966 : vector<8x128xf32>
    %slice3A_2968 = vector.extract_strided_slice %convert_element_type3A_2128 {offsets = [0, 93], sizes = [8, 1], strides = [1, 1]} : vector<8x128xi32> to vector<8x1xi32>
    %eq3A_2969 = vector.broadcast %slice3A_2968 : vector<8x1xi32> to vector<8x128xi32>
    %eq3A_2970 = arith.cmpi eq, %iota3A_208, %eq3A_2969 : vector<8x128xi32>
    %convert_element_type3A_2971 = arith.extui %eq3A_2970 : vector<8x128xi1> to vector<8x128xi32>
    %convert_element_type3A_2972 = arith.sitofp %convert_element_type3A_2971 : vector<8x128xi32> to vector<8x128xf32>
    %slice3A_2973 = vector.extract_strided_slice %concatenate3A {offsets = [0, 93], sizes = [8, 1], strides = [1, 1]} : vector<8x128xf32> to vector<8x1xf32>
    %mul3A_2974 = vector.broadcast %slice3A_2973 : vector<8x1xf32> to vector<8x128xf32>
    %mul3A_2975 = arith.mulf %convert_element_type3A_2972, %mul3A_2974 : vector<8x128xf32>
    %add3A_2976 = arith.addf %add3A_2967, %mul3A_2975 : vector<8x128xf32>
    %slice3A_2977 = vector.extract_strided_slice %convert_element_type3A_2128 {offsets = [0, 94], sizes = [8, 1], strides = [1, 1]} : vector<8x128xi32> to vector<8x1xi32>
    %eq3A_2978 = vector.broadcast %slice3A_2977 : vector<8x1xi32> to vector<8x128xi32>
    %eq3A_2979 = arith.cmpi eq, %iota3A_208, %eq3A_2978 : vector<8x128xi32>
    %convert_element_type3A_2980 = arith.extui %eq3A_2979 : vector<8x128xi1> to vector<8x128xi32>
    %convert_element_type3A_2981 = arith.sitofp %convert_element_type3A_2980 : vector<8x128xi32> to vector<8x128xf32>
    %slice3A_2982 = vector.extract_strided_slice %concatenate3A {offsets = [0, 94], sizes = [8, 1], strides = [1, 1]} : vector<8x128xf32> to vector<8x1xf32>
    %mul3A_2983 = vector.broadcast %slice3A_2982 : vector<8x1xf32> to vector<8x128xf32>
    %mul3A_2984 = arith.mulf %convert_element_type3A_2981, %mul3A_2983 : vector<8x128xf32>
    %add3A_2985 = arith.addf %add3A_2976, %mul3A_2984 : vector<8x128xf32>
    %slice3A_2986 = vector.extract_strided_slice %convert_element_type3A_2128 {offsets = [0, 95], sizes = [8, 1], strides = [1, 1]} : vector<8x128xi32> to vector<8x1xi32>
    %eq3A_2987 = vector.broadcast %slice3A_2986 : vector<8x1xi32> to vector<8x128xi32>
    %eq3A_2988 = arith.cmpi eq, %iota3A_208, %eq3A_2987 : vector<8x128xi32>
    %convert_element_type3A_2989 = arith.extui %eq3A_2988 : vector<8x128xi1> to vector<8x128xi32>
    %convert_element_type3A_2990 = arith.sitofp %convert_element_type3A_2989 : vector<8x128xi32> to vector<8x128xf32>
    %slice3A_2991 = vector.extract_strided_slice %concatenate3A {offsets = [0, 95], sizes = [8, 1], strides = [1, 1]} : vector<8x128xf32> to vector<8x1xf32>
    %mul3A_2992 = vector.broadcast %slice3A_2991 : vector<8x1xf32> to vector<8x128xf32>
    %mul3A_2993 = arith.mulf %convert_element_type3A_2990, %mul3A_2992 : vector<8x128xf32>
    %add3A_2994 = arith.addf %add3A_2985, %mul3A_2993 : vector<8x128xf32>
    %slice3A_2995 = vector.extract_strided_slice %convert_element_type3A_2128 {offsets = [0, 96], sizes = [8, 1], strides = [1, 1]} : vector<8x128xi32> to vector<8x1xi32>
    %eq3A_2996 = vector.broadcast %slice3A_2995 : vector<8x1xi32> to vector<8x128xi32>
    %eq3A_2997 = arith.cmpi eq, %iota3A_208, %eq3A_2996 : vector<8x128xi32>
    %convert_element_type3A_2998 = arith.extui %eq3A_2997 : vector<8x128xi1> to vector<8x128xi32>
    %convert_element_type3A_2999 = arith.sitofp %convert_element_type3A_2998 : vector<8x128xi32> to vector<8x128xf32>
    %slice3A_3000 = vector.extract_strided_slice %concatenate3A {offsets = [0, 96], sizes = [8, 1], strides = [1, 1]} : vector<8x128xf32> to vector<8x1xf32>
    %mul3A_3001 = vector.broadcast %slice3A_3000 : vector<8x1xf32> to vector<8x128xf32>
    %mul3A_3002 = arith.mulf %convert_element_type3A_2999, %mul3A_3001 : vector<8x128xf32>
    %add3A_3003 = arith.addf %add3A_2994, %mul3A_3002 : vector<8x128xf32>
    %slice3A_3004 = vector.extract_strided_slice %convert_element_type3A_2128 {offsets = [0, 97], sizes = [8, 1], strides = [1, 1]} : vector<8x128xi32> to vector<8x1xi32>
    %eq3A_3005 = vector.broadcast %slice3A_3004 : vector<8x1xi32> to vector<8x128xi32>
    %eq3A_3006 = arith.cmpi eq, %iota3A_208, %eq3A_3005 : vector<8x128xi32>
    %convert_element_type3A_3007 = arith.extui %eq3A_3006 : vector<8x128xi1> to vector<8x128xi32>
    %convert_element_type3A_3008 = arith.sitofp %convert_element_type3A_3007 : vector<8x128xi32> to vector<8x128xf32>
    %slice3A_3009 = vector.extract_strided_slice %concatenate3A {offsets = [0, 97], sizes = [8, 1], strides = [1, 1]} : vector<8x128xf32> to vector<8x1xf32>
    %mul3A_3010 = vector.broadcast %slice3A_3009 : vector<8x1xf32> to vector<8x128xf32>
    %mul3A_3011 = arith.mulf %convert_element_type3A_3008, %mul3A_3010 : vector<8x128xf32>
    %add3A_3012 = arith.addf %add3A_3003, %mul3A_3011 : vector<8x128xf32>
    %slice3A_3013 = vector.extract_strided_slice %convert_element_type3A_2128 {offsets = [0, 98], sizes = [8, 1], strides = [1, 1]} : vector<8x128xi32> to vector<8x1xi32>
    %eq3A_3014 = vector.broadcast %slice3A_3013 : vector<8x1xi32> to vector<8x128xi32>
    %eq3A_3015 = arith.cmpi eq, %iota3A_208, %eq3A_3014 : vector<8x128xi32>
    %convert_element_type3A_3016 = arith.extui %eq3A_3015 : vector<8x128xi1> to vector<8x128xi32>
    %convert_element_type3A_3017 = arith.sitofp %convert_element_type3A_3016 : vector<8x128xi32> to vector<8x128xf32>
    %slice3A_3018 = vector.extract_strided_slice %concatenate3A {offsets = [0, 98], sizes = [8, 1], strides = [1, 1]} : vector<8x128xf32> to vector<8x1xf32>
    %mul3A_3019 = vector.broadcast %slice3A_3018 : vector<8x1xf32> to vector<8x128xf32>
    %mul3A_3020 = arith.mulf %convert_element_type3A_3017, %mul3A_3019 : vector<8x128xf32>
    %add3A_3021 = arith.addf %add3A_3012, %mul3A_3020 : vector<8x128xf32>
    %slice3A_3022 = vector.extract_strided_slice %convert_element_type3A_2128 {offsets = [0, 99], sizes = [8, 1], strides = [1, 1]} : vector<8x128xi32> to vector<8x1xi32>
    %eq3A_3023 = vector.broadcast %slice3A_3022 : vector<8x1xi32> to vector<8x128xi32>
    %eq3A_3024 = arith.cmpi eq, %iota3A_208, %eq3A_3023 : vector<8x128xi32>
    %convert_element_type3A_3025 = arith.extui %eq3A_3024 : vector<8x128xi1> to vector<8x128xi32>
    %convert_element_type3A_3026 = arith.sitofp %convert_element_type3A_3025 : vector<8x128xi32> to vector<8x128xf32>
    %slice3A_3027 = vector.extract_strided_slice %concatenate3A {offsets = [0, 99], sizes = [8, 1], strides = [1, 1]} : vector<8x128xf32> to vector<8x1xf32>
    %mul3A_3028 = vector.broadcast %slice3A_3027 : vector<8x1xf32> to vector<8x128xf32>
    %mul3A_3029 = arith.mulf %convert_element_type3A_3026, %mul3A_3028 : vector<8x128xf32>
    %add3A_3030 = arith.addf %add3A_3021, %mul3A_3029 : vector<8x128xf32>
    %slice3A_3031 = vector.extract_strided_slice %convert_element_type3A_2128 {offsets = [0, 100], sizes = [8, 1], strides = [1, 1]} : vector<8x128xi32> to vector<8x1xi32>
    %eq3A_3032 = vector.broadcast %slice3A_3031 : vector<8x1xi32> to vector<8x128xi32>
    %eq3A_3033 = arith.cmpi eq, %iota3A_208, %eq3A_3032 : vector<8x128xi32>
    %convert_element_type3A_3034 = arith.extui %eq3A_3033 : vector<8x128xi1> to vector<8x128xi32>
    %convert_element_type3A_3035 = arith.sitofp %convert_element_type3A_3034 : vector<8x128xi32> to vector<8x128xf32>
    %slice3A_3036 = vector.extract_strided_slice %concatenate3A {offsets = [0, 100], sizes = [8, 1], strides = [1, 1]} : vector<8x128xf32> to vector<8x1xf32>
    %mul3A_3037 = vector.broadcast %slice3A_3036 : vector<8x1xf32> to vector<8x128xf32>
    %mul3A_3038 = arith.mulf %convert_element_type3A_3035, %mul3A_3037 : vector<8x128xf32>
    %add3A_3039 = arith.addf %add3A_3030, %mul3A_3038 : vector<8x128xf32>
    %slice3A_3040 = vector.extract_strided_slice %convert_element_type3A_2128 {offsets = [0, 101], sizes = [8, 1], strides = [1, 1]} : vector<8x128xi32> to vector<8x1xi32>
    %eq3A_3041 = vector.broadcast %slice3A_3040 : vector<8x1xi32> to vector<8x128xi32>
    %eq3A_3042 = arith.cmpi eq, %iota3A_208, %eq3A_3041 : vector<8x128xi32>
    %convert_element_type3A_3043 = arith.extui %eq3A_3042 : vector<8x128xi1> to vector<8x128xi32>
    %convert_element_type3A_3044 = arith.sitofp %convert_element_type3A_3043 : vector<8x128xi32> to vector<8x128xf32>
    %slice3A_3045 = vector.extract_strided_slice %concatenate3A {offsets = [0, 101], sizes = [8, 1], strides = [1, 1]} : vector<8x128xf32> to vector<8x1xf32>
    %mul3A_3046 = vector.broadcast %slice3A_3045 : vector<8x1xf32> to vector<8x128xf32>
    %mul3A_3047 = arith.mulf %convert_element_type3A_3044, %mul3A_3046 : vector<8x128xf32>
    %add3A_3048 = arith.addf %add3A_3039, %mul3A_3047 : vector<8x128xf32>
    %slice3A_3049 = vector.extract_strided_slice %convert_element_type3A_2128 {offsets = [0, 102], sizes = [8, 1], strides = [1, 1]} : vector<8x128xi32> to vector<8x1xi32>
    %eq3A_3050 = vector.broadcast %slice3A_3049 : vector<8x1xi32> to vector<8x128xi32>
    %eq3A_3051 = arith.cmpi eq, %iota3A_208, %eq3A_3050 : vector<8x128xi32>
    %convert_element_type3A_3052 = arith.extui %eq3A_3051 : vector<8x128xi1> to vector<8x128xi32>
    %convert_element_type3A_3053 = arith.sitofp %convert_element_type3A_3052 : vector<8x128xi32> to vector<8x128xf32>
    %slice3A_3054 = vector.extract_strided_slice %concatenate3A {offsets = [0, 102], sizes = [8, 1], strides = [1, 1]} : vector<8x128xf32> to vector<8x1xf32>
    %mul3A_3055 = vector.broadcast %slice3A_3054 : vector<8x1xf32> to vector<8x128xf32>
    %mul3A_3056 = arith.mulf %convert_element_type3A_3053, %mul3A_3055 : vector<8x128xf32>
    %add3A_3057 = arith.addf %add3A_3048, %mul3A_3056 : vector<8x128xf32>
    %slice3A_3058 = vector.extract_strided_slice %convert_element_type3A_2128 {offsets = [0, 103], sizes = [8, 1], strides = [1, 1]} : vector<8x128xi32> to vector<8x1xi32>
    %eq3A_3059 = vector.broadcast %slice3A_3058 : vector<8x1xi32> to vector<8x128xi32>
    %eq3A_3060 = arith.cmpi eq, %iota3A_208, %eq3A_3059 : vector<8x128xi32>
    %convert_element_type3A_3061 = arith.extui %eq3A_3060 : vector<8x128xi1> to vector<8x128xi32>
    %convert_element_type3A_3062 = arith.sitofp %convert_element_type3A_3061 : vector<8x128xi32> to vector<8x128xf32>
    %slice3A_3063 = vector.extract_strided_slice %concatenate3A {offsets = [0, 103], sizes = [8, 1], strides = [1, 1]} : vector<8x128xf32> to vector<8x1xf32>
    %mul3A_3064 = vector.broadcast %slice3A_3063 : vector<8x1xf32> to vector<8x128xf32>
    %mul3A_3065 = arith.mulf %convert_element_type3A_3062, %mul3A_3064 : vector<8x128xf32>
    %add3A_3066 = arith.addf %add3A_3057, %mul3A_3065 : vector<8x128xf32>
    %slice3A_3067 = vector.extract_strided_slice %convert_element_type3A_2128 {offsets = [0, 104], sizes = [8, 1], strides = [1, 1]} : vector<8x128xi32> to vector<8x1xi32>
    %eq3A_3068 = vector.broadcast %slice3A_3067 : vector<8x1xi32> to vector<8x128xi32>
    %eq3A_3069 = arith.cmpi eq, %iota3A_208, %eq3A_3068 : vector<8x128xi32>
    %convert_element_type3A_3070 = arith.extui %eq3A_3069 : vector<8x128xi1> to vector<8x128xi32>
    %convert_element_type3A_3071 = arith.sitofp %convert_element_type3A_3070 : vector<8x128xi32> to vector<8x128xf32>
    %slice3A_3072 = vector.extract_strided_slice %concatenate3A {offsets = [0, 104], sizes = [8, 1], strides = [1, 1]} : vector<8x128xf32> to vector<8x1xf32>
    %mul3A_3073 = vector.broadcast %slice3A_3072 : vector<8x1xf32> to vector<8x128xf32>
    %mul3A_3074 = arith.mulf %convert_element_type3A_3071, %mul3A_3073 : vector<8x128xf32>
    %add3A_3075 = arith.addf %add3A_3066, %mul3A_3074 : vector<8x128xf32>
    %slice3A_3076 = vector.extract_strided_slice %convert_element_type3A_2128 {offsets = [0, 105], sizes = [8, 1], strides = [1, 1]} : vector<8x128xi32> to vector<8x1xi32>
    %eq3A_3077 = vector.broadcast %slice3A_3076 : vector<8x1xi32> to vector<8x128xi32>
    %eq3A_3078 = arith.cmpi eq, %iota3A_208, %eq3A_3077 : vector<8x128xi32>
    %convert_element_type3A_3079 = arith.extui %eq3A_3078 : vector<8x128xi1> to vector<8x128xi32>
    %convert_element_type3A_3080 = arith.sitofp %convert_element_type3A_3079 : vector<8x128xi32> to vector<8x128xf32>
    %slice3A_3081 = vector.extract_strided_slice %concatenate3A {offsets = [0, 105], sizes = [8, 1], strides = [1, 1]} : vector<8x128xf32> to vector<8x1xf32>
    %mul3A_3082 = vector.broadcast %slice3A_3081 : vector<8x1xf32> to vector<8x128xf32>
    %mul3A_3083 = arith.mulf %convert_element_type3A_3080, %mul3A_3082 : vector<8x128xf32>
    %add3A_3084 = arith.addf %add3A_3075, %mul3A_3083 : vector<8x128xf32>
    %slice3A_3085 = vector.extract_strided_slice %convert_element_type3A_2128 {offsets = [0, 106], sizes = [8, 1], strides = [1, 1]} : vector<8x128xi32> to vector<8x1xi32>
    %eq3A_3086 = vector.broadcast %slice3A_3085 : vector<8x1xi32> to vector<8x128xi32>
    %eq3A_3087 = arith.cmpi eq, %iota3A_208, %eq3A_3086 : vector<8x128xi32>
    %convert_element_type3A_3088 = arith.extui %eq3A_3087 : vector<8x128xi1> to vector<8x128xi32>
    %convert_element_type3A_3089 = arith.sitofp %convert_element_type3A_3088 : vector<8x128xi32> to vector<8x128xf32>
    %slice3A_3090 = vector.extract_strided_slice %concatenate3A {offsets = [0, 106], sizes = [8, 1], strides = [1, 1]} : vector<8x128xf32> to vector<8x1xf32>
    %mul3A_3091 = vector.broadcast %slice3A_3090 : vector<8x1xf32> to vector<8x128xf32>
    %mul3A_3092 = arith.mulf %convert_element_type3A_3089, %mul3A_3091 : vector<8x128xf32>
    %add3A_3093 = arith.addf %add3A_3084, %mul3A_3092 : vector<8x128xf32>
    %slice3A_3094 = vector.extract_strided_slice %convert_element_type3A_2128 {offsets = [0, 107], sizes = [8, 1], strides = [1, 1]} : vector<8x128xi32> to vector<8x1xi32>
    %eq3A_3095 = vector.broadcast %slice3A_3094 : vector<8x1xi32> to vector<8x128xi32>
    %eq3A_3096 = arith.cmpi eq, %iota3A_208, %eq3A_3095 : vector<8x128xi32>
    %convert_element_type3A_3097 = arith.extui %eq3A_3096 : vector<8x128xi1> to vector<8x128xi32>
    %convert_element_type3A_3098 = arith.sitofp %convert_element_type3A_3097 : vector<8x128xi32> to vector<8x128xf32>
    %slice3A_3099 = vector.extract_strided_slice %concatenate3A {offsets = [0, 107], sizes = [8, 1], strides = [1, 1]} : vector<8x128xf32> to vector<8x1xf32>
    %mul3A_3100 = vector.broadcast %slice3A_3099 : vector<8x1xf32> to vector<8x128xf32>
    %mul3A_3101 = arith.mulf %convert_element_type3A_3098, %mul3A_3100 : vector<8x128xf32>
    %add3A_3102 = arith.addf %add3A_3093, %mul3A_3101 : vector<8x128xf32>
    %slice3A_3103 = vector.extract_strided_slice %convert_element_type3A_2128 {offsets = [0, 108], sizes = [8, 1], strides = [1, 1]} : vector<8x128xi32> to vector<8x1xi32>
    %eq3A_3104 = vector.broadcast %slice3A_3103 : vector<8x1xi32> to vector<8x128xi32>
    %eq3A_3105 = arith.cmpi eq, %iota3A_208, %eq3A_3104 : vector<8x128xi32>
    %convert_element_type3A_3106 = arith.extui %eq3A_3105 : vector<8x128xi1> to vector<8x128xi32>
    %convert_element_type3A_3107 = arith.sitofp %convert_element_type3A_3106 : vector<8x128xi32> to vector<8x128xf32>
    %slice3A_3108 = vector.extract_strided_slice %concatenate3A {offsets = [0, 108], sizes = [8, 1], strides = [1, 1]} : vector<8x128xf32> to vector<8x1xf32>
    %mul3A_3109 = vector.broadcast %slice3A_3108 : vector<8x1xf32> to vector<8x128xf32>
    %mul3A_3110 = arith.mulf %convert_element_type3A_3107, %mul3A_3109 : vector<8x128xf32>
    %add3A_3111 = arith.addf %add3A_3102, %mul3A_3110 : vector<8x128xf32>
    %slice3A_3112 = vector.extract_strided_slice %convert_element_type3A_2128 {offsets = [0, 109], sizes = [8, 1], strides = [1, 1]} : vector<8x128xi32> to vector<8x1xi32>
    %eq3A_3113 = vector.broadcast %slice3A_3112 : vector<8x1xi32> to vector<8x128xi32>
    %eq3A_3114 = arith.cmpi eq, %iota3A_208, %eq3A_3113 : vector<8x128xi32>
    %convert_element_type3A_3115 = arith.extui %eq3A_3114 : vector<8x128xi1> to vector<8x128xi32>
    %convert_element_type3A_3116 = arith.sitofp %convert_element_type3A_3115 : vector<8x128xi32> to vector<8x128xf32>
    %slice3A_3117 = vector.extract_strided_slice %concatenate3A {offsets = [0, 109], sizes = [8, 1], strides = [1, 1]} : vector<8x128xf32> to vector<8x1xf32>
    %mul3A_3118 = vector.broadcast %slice3A_3117 : vector<8x1xf32> to vector<8x128xf32>
    %mul3A_3119 = arith.mulf %convert_element_type3A_3116, %mul3A_3118 : vector<8x128xf32>
    %add3A_3120 = arith.addf %add3A_3111, %mul3A_3119 : vector<8x128xf32>
    %slice3A_3121 = vector.extract_strided_slice %convert_element_type3A_2128 {offsets = [0, 110], sizes = [8, 1], strides = [1, 1]} : vector<8x128xi32> to vector<8x1xi32>
    %eq3A_3122 = vector.broadcast %slice3A_3121 : vector<8x1xi32> to vector<8x128xi32>
    %eq3A_3123 = arith.cmpi eq, %iota3A_208, %eq3A_3122 : vector<8x128xi32>
    %convert_element_type3A_3124 = arith.extui %eq3A_3123 : vector<8x128xi1> to vector<8x128xi32>
    %convert_element_type3A_3125 = arith.sitofp %convert_element_type3A_3124 : vector<8x128xi32> to vector<8x128xf32>
    %slice3A_3126 = vector.extract_strided_slice %concatenate3A {offsets = [0, 110], sizes = [8, 1], strides = [1, 1]} : vector<8x128xf32> to vector<8x1xf32>
    %mul3A_3127 = vector.broadcast %slice3A_3126 : vector<8x1xf32> to vector<8x128xf32>
    %mul3A_3128 = arith.mulf %convert_element_type3A_3125, %mul3A_3127 : vector<8x128xf32>
    %add3A_3129 = arith.addf %add3A_3120, %mul3A_3128 : vector<8x128xf32>
    %slice3A_3130 = vector.extract_strided_slice %convert_element_type3A_2128 {offsets = [0, 111], sizes = [8, 1], strides = [1, 1]} : vector<8x128xi32> to vector<8x1xi32>
    %eq3A_3131 = vector.broadcast %slice3A_3130 : vector<8x1xi32> to vector<8x128xi32>
    %eq3A_3132 = arith.cmpi eq, %iota3A_208, %eq3A_3131 : vector<8x128xi32>
    %convert_element_type3A_3133 = arith.extui %eq3A_3132 : vector<8x128xi1> to vector<8x128xi32>
    %convert_element_type3A_3134 = arith.sitofp %convert_element_type3A_3133 : vector<8x128xi32> to vector<8x128xf32>
    %slice3A_3135 = vector.extract_strided_slice %concatenate3A {offsets = [0, 111], sizes = [8, 1], strides = [1, 1]} : vector<8x128xf32> to vector<8x1xf32>
    %mul3A_3136 = vector.broadcast %slice3A_3135 : vector<8x1xf32> to vector<8x128xf32>
    %mul3A_3137 = arith.mulf %convert_element_type3A_3134, %mul3A_3136 : vector<8x128xf32>
    %add3A_3138 = arith.addf %add3A_3129, %mul3A_3137 : vector<8x128xf32>
    %slice3A_3139 = vector.extract_strided_slice %convert_element_type3A_2128 {offsets = [0, 112], sizes = [8, 1], strides = [1, 1]} : vector<8x128xi32> to vector<8x1xi32>
    %eq3A_3140 = vector.broadcast %slice3A_3139 : vector<8x1xi32> to vector<8x128xi32>
    %eq3A_3141 = arith.cmpi eq, %iota3A_208, %eq3A_3140 : vector<8x128xi32>
    %convert_element_type3A_3142 = arith.extui %eq3A_3141 : vector<8x128xi1> to vector<8x128xi32>
    %convert_element_type3A_3143 = arith.sitofp %convert_element_type3A_3142 : vector<8x128xi32> to vector<8x128xf32>
    %slice3A_3144 = vector.extract_strided_slice %concatenate3A {offsets = [0, 112], sizes = [8, 1], strides = [1, 1]} : vector<8x128xf32> to vector<8x1xf32>
    %mul3A_3145 = vector.broadcast %slice3A_3144 : vector<8x1xf32> to vector<8x128xf32>
    %mul3A_3146 = arith.mulf %convert_element_type3A_3143, %mul3A_3145 : vector<8x128xf32>
    %add3A_3147 = arith.addf %add3A_3138, %mul3A_3146 : vector<8x128xf32>
    %slice3A_3148 = vector.extract_strided_slice %convert_element_type3A_2128 {offsets = [0, 113], sizes = [8, 1], strides = [1, 1]} : vector<8x128xi32> to vector<8x1xi32>
    %eq3A_3149 = vector.broadcast %slice3A_3148 : vector<8x1xi32> to vector<8x128xi32>
    %eq3A_3150 = arith.cmpi eq, %iota3A_208, %eq3A_3149 : vector<8x128xi32>
    %convert_element_type3A_3151 = arith.extui %eq3A_3150 : vector<8x128xi1> to vector<8x128xi32>
    %convert_element_type3A_3152 = arith.sitofp %convert_element_type3A_3151 : vector<8x128xi32> to vector<8x128xf32>
    %slice3A_3153 = vector.extract_strided_slice %concatenate3A {offsets = [0, 113], sizes = [8, 1], strides = [1, 1]} : vector<8x128xf32> to vector<8x1xf32>
    %mul3A_3154 = vector.broadcast %slice3A_3153 : vector<8x1xf32> to vector<8x128xf32>
    %mul3A_3155 = arith.mulf %convert_element_type3A_3152, %mul3A_3154 : vector<8x128xf32>
    %add3A_3156 = arith.addf %add3A_3147, %mul3A_3155 : vector<8x128xf32>
    %slice3A_3157 = vector.extract_strided_slice %convert_element_type3A_2128 {offsets = [0, 114], sizes = [8, 1], strides = [1, 1]} : vector<8x128xi32> to vector<8x1xi32>
    %eq3A_3158 = vector.broadcast %slice3A_3157 : vector<8x1xi32> to vector<8x128xi32>
    %eq3A_3159 = arith.cmpi eq, %iota3A_208, %eq3A_3158 : vector<8x128xi32>
    %convert_element_type3A_3160 = arith.extui %eq3A_3159 : vector<8x128xi1> to vector<8x128xi32>
    %convert_element_type3A_3161 = arith.sitofp %convert_element_type3A_3160 : vector<8x128xi32> to vector<8x128xf32>
    %slice3A_3162 = vector.extract_strided_slice %concatenate3A {offsets = [0, 114], sizes = [8, 1], strides = [1, 1]} : vector<8x128xf32> to vector<8x1xf32>
    %mul3A_3163 = vector.broadcast %slice3A_3162 : vector<8x1xf32> to vector<8x128xf32>
    %mul3A_3164 = arith.mulf %convert_element_type3A_3161, %mul3A_3163 : vector<8x128xf32>
    %add3A_3165 = arith.addf %add3A_3156, %mul3A_3164 : vector<8x128xf32>
    %slice3A_3166 = vector.extract_strided_slice %convert_element_type3A_2128 {offsets = [0, 115], sizes = [8, 1], strides = [1, 1]} : vector<8x128xi32> to vector<8x1xi32>
    %eq3A_3167 = vector.broadcast %slice3A_3166 : vector<8x1xi32> to vector<8x128xi32>
    %eq3A_3168 = arith.cmpi eq, %iota3A_208, %eq3A_3167 : vector<8x128xi32>
    %convert_element_type3A_3169 = arith.extui %eq3A_3168 : vector<8x128xi1> to vector<8x128xi32>
    %convert_element_type3A_3170 = arith.sitofp %convert_element_type3A_3169 : vector<8x128xi32> to vector<8x128xf32>
    %slice3A_3171 = vector.extract_strided_slice %concatenate3A {offsets = [0, 115], sizes = [8, 1], strides = [1, 1]} : vector<8x128xf32> to vector<8x1xf32>
    %mul3A_3172 = vector.broadcast %slice3A_3171 : vector<8x1xf32> to vector<8x128xf32>
    %mul3A_3173 = arith.mulf %convert_element_type3A_3170, %mul3A_3172 : vector<8x128xf32>
    %add3A_3174 = arith.addf %add3A_3165, %mul3A_3173 : vector<8x128xf32>
    %slice3A_3175 = vector.extract_strided_slice %convert_element_type3A_2128 {offsets = [0, 116], sizes = [8, 1], strides = [1, 1]} : vector<8x128xi32> to vector<8x1xi32>
    %eq3A_3176 = vector.broadcast %slice3A_3175 : vector<8x1xi32> to vector<8x128xi32>
    %eq3A_3177 = arith.cmpi eq, %iota3A_208, %eq3A_3176 : vector<8x128xi32>
    %convert_element_type3A_3178 = arith.extui %eq3A_3177 : vector<8x128xi1> to vector<8x128xi32>
    %convert_element_type3A_3179 = arith.sitofp %convert_element_type3A_3178 : vector<8x128xi32> to vector<8x128xf32>
    %slice3A_3180 = vector.extract_strided_slice %concatenate3A {offsets = [0, 116], sizes = [8, 1], strides = [1, 1]} : vector<8x128xf32> to vector<8x1xf32>
    %mul3A_3181 = vector.broadcast %slice3A_3180 : vector<8x1xf32> to vector<8x128xf32>
    %mul3A_3182 = arith.mulf %convert_element_type3A_3179, %mul3A_3181 : vector<8x128xf32>
    %add3A_3183 = arith.addf %add3A_3174, %mul3A_3182 : vector<8x128xf32>
    %slice3A_3184 = vector.extract_strided_slice %convert_element_type3A_2128 {offsets = [0, 117], sizes = [8, 1], strides = [1, 1]} : vector<8x128xi32> to vector<8x1xi32>
    %eq3A_3185 = vector.broadcast %slice3A_3184 : vector<8x1xi32> to vector<8x128xi32>
    %eq3A_3186 = arith.cmpi eq, %iota3A_208, %eq3A_3185 : vector<8x128xi32>
    %convert_element_type3A_3187 = arith.extui %eq3A_3186 : vector<8x128xi1> to vector<8x128xi32>
    %convert_element_type3A_3188 = arith.sitofp %convert_element_type3A_3187 : vector<8x128xi32> to vector<8x128xf32>
    %slice3A_3189 = vector.extract_strided_slice %concatenate3A {offsets = [0, 117], sizes = [8, 1], strides = [1, 1]} : vector<8x128xf32> to vector<8x1xf32>
    %mul3A_3190 = vector.broadcast %slice3A_3189 : vector<8x1xf32> to vector<8x128xf32>
    %mul3A_3191 = arith.mulf %convert_element_type3A_3188, %mul3A_3190 : vector<8x128xf32>
    %add3A_3192 = arith.addf %add3A_3183, %mul3A_3191 : vector<8x128xf32>
    %slice3A_3193 = vector.extract_strided_slice %convert_element_type3A_2128 {offsets = [0, 118], sizes = [8, 1], strides = [1, 1]} : vector<8x128xi32> to vector<8x1xi32>
    %eq3A_3194 = vector.broadcast %slice3A_3193 : vector<8x1xi32> to vector<8x128xi32>
    %eq3A_3195 = arith.cmpi eq, %iota3A_208, %eq3A_3194 : vector<8x128xi32>
    %convert_element_type3A_3196 = arith.extui %eq3A_3195 : vector<8x128xi1> to vector<8x128xi32>
    %convert_element_type3A_3197 = arith.sitofp %convert_element_type3A_3196 : vector<8x128xi32> to vector<8x128xf32>
    %slice3A_3198 = vector.extract_strided_slice %concatenate3A {offsets = [0, 118], sizes = [8, 1], strides = [1, 1]} : vector<8x128xf32> to vector<8x1xf32>
    %mul3A_3199 = vector.broadcast %slice3A_3198 : vector<8x1xf32> to vector<8x128xf32>
    %mul3A_3200 = arith.mulf %convert_element_type3A_3197, %mul3A_3199 : vector<8x128xf32>
    %add3A_3201 = arith.addf %add3A_3192, %mul3A_3200 : vector<8x128xf32>
    %slice3A_3202 = vector.extract_strided_slice %convert_element_type3A_2128 {offsets = [0, 119], sizes = [8, 1], strides = [1, 1]} : vector<8x128xi32> to vector<8x1xi32>
    %eq3A_3203 = vector.broadcast %slice3A_3202 : vector<8x1xi32> to vector<8x128xi32>
    %eq3A_3204 = arith.cmpi eq, %iota3A_208, %eq3A_3203 : vector<8x128xi32>
    %convert_element_type3A_3205 = arith.extui %eq3A_3204 : vector<8x128xi1> to vector<8x128xi32>
    %convert_element_type3A_3206 = arith.sitofp %convert_element_type3A_3205 : vector<8x128xi32> to vector<8x128xf32>
    %slice3A_3207 = vector.extract_strided_slice %concatenate3A {offsets = [0, 119], sizes = [8, 1], strides = [1, 1]} : vector<8x128xf32> to vector<8x1xf32>
    %mul3A_3208 = vector.broadcast %slice3A_3207 : vector<8x1xf32> to vector<8x128xf32>
    %mul3A_3209 = arith.mulf %convert_element_type3A_3206, %mul3A_3208 : vector<8x128xf32>
    %add3A_3210 = arith.addf %add3A_3201, %mul3A_3209 : vector<8x128xf32>
    %slice3A_3211 = vector.extract_strided_slice %convert_element_type3A_2128 {offsets = [0, 120], sizes = [8, 1], strides = [1, 1]} : vector<8x128xi32> to vector<8x1xi32>
    %eq3A_3212 = vector.broadcast %slice3A_3211 : vector<8x1xi32> to vector<8x128xi32>
    %eq3A_3213 = arith.cmpi eq, %iota3A_208, %eq3A_3212 : vector<8x128xi32>
    %convert_element_type3A_3214 = arith.extui %eq3A_3213 : vector<8x128xi1> to vector<8x128xi32>
    %convert_element_type3A_3215 = arith.sitofp %convert_element_type3A_3214 : vector<8x128xi32> to vector<8x128xf32>
    %slice3A_3216 = vector.extract_strided_slice %concatenate3A {offsets = [0, 120], sizes = [8, 1], strides = [1, 1]} : vector<8x128xf32> to vector<8x1xf32>
    %mul3A_3217 = vector.broadcast %slice3A_3216 : vector<8x1xf32> to vector<8x128xf32>
    %mul3A_3218 = arith.mulf %convert_element_type3A_3215, %mul3A_3217 : vector<8x128xf32>
    %add3A_3219 = arith.addf %add3A_3210, %mul3A_3218 : vector<8x128xf32>
    %slice3A_3220 = vector.extract_strided_slice %convert_element_type3A_2128 {offsets = [0, 121], sizes = [8, 1], strides = [1, 1]} : vector<8x128xi32> to vector<8x1xi32>
    %eq3A_3221 = vector.broadcast %slice3A_3220 : vector<8x1xi32> to vector<8x128xi32>
    %eq3A_3222 = arith.cmpi eq, %iota3A_208, %eq3A_3221 : vector<8x128xi32>
    %convert_element_type3A_3223 = arith.extui %eq3A_3222 : vector<8x128xi1> to vector<8x128xi32>
    %convert_element_type3A_3224 = arith.sitofp %convert_element_type3A_3223 : vector<8x128xi32> to vector<8x128xf32>
    %slice3A_3225 = vector.extract_strided_slice %concatenate3A {offsets = [0, 121], sizes = [8, 1], strides = [1, 1]} : vector<8x128xf32> to vector<8x1xf32>
    %mul3A_3226 = vector.broadcast %slice3A_3225 : vector<8x1xf32> to vector<8x128xf32>
    %mul3A_3227 = arith.mulf %convert_element_type3A_3224, %mul3A_3226 : vector<8x128xf32>
    %add3A_3228 = arith.addf %add3A_3219, %mul3A_3227 : vector<8x128xf32>
    %slice3A_3229 = vector.extract_strided_slice %convert_element_type3A_2128 {offsets = [0, 122], sizes = [8, 1], strides = [1, 1]} : vector<8x128xi32> to vector<8x1xi32>
    %eq3A_3230 = vector.broadcast %slice3A_3229 : vector<8x1xi32> to vector<8x128xi32>
    %eq3A_3231 = arith.cmpi eq, %iota3A_208, %eq3A_3230 : vector<8x128xi32>
    %convert_element_type3A_3232 = arith.extui %eq3A_3231 : vector<8x128xi1> to vector<8x128xi32>
    %convert_element_type3A_3233 = arith.sitofp %convert_element_type3A_3232 : vector<8x128xi32> to vector<8x128xf32>
    %slice3A_3234 = vector.extract_strided_slice %concatenate3A {offsets = [0, 122], sizes = [8, 1], strides = [1, 1]} : vector<8x128xf32> to vector<8x1xf32>
    %mul3A_3235 = vector.broadcast %slice3A_3234 : vector<8x1xf32> to vector<8x128xf32>
    %mul3A_3236 = arith.mulf %convert_element_type3A_3233, %mul3A_3235 : vector<8x128xf32>
    %add3A_3237 = arith.addf %add3A_3228, %mul3A_3236 : vector<8x128xf32>
    %slice3A_3238 = vector.extract_strided_slice %convert_element_type3A_2128 {offsets = [0, 123], sizes = [8, 1], strides = [1, 1]} : vector<8x128xi32> to vector<8x1xi32>
    %eq3A_3239 = vector.broadcast %slice3A_3238 : vector<8x1xi32> to vector<8x128xi32>
    %eq3A_3240 = arith.cmpi eq, %iota3A_208, %eq3A_3239 : vector<8x128xi32>
    %convert_element_type3A_3241 = arith.extui %eq3A_3240 : vector<8x128xi1> to vector<8x128xi32>
    %convert_element_type3A_3242 = arith.sitofp %convert_element_type3A_3241 : vector<8x128xi32> to vector<8x128xf32>
    %slice3A_3243 = vector.extract_strided_slice %concatenate3A {offsets = [0, 123], sizes = [8, 1], strides = [1, 1]} : vector<8x128xf32> to vector<8x1xf32>
    %mul3A_3244 = vector.broadcast %slice3A_3243 : vector<8x1xf32> to vector<8x128xf32>
    %mul3A_3245 = arith.mulf %convert_element_type3A_3242, %mul3A_3244 : vector<8x128xf32>
    %add3A_3246 = arith.addf %add3A_3237, %mul3A_3245 : vector<8x128xf32>
    %slice3A_3247 = vector.extract_strided_slice %convert_element_type3A_2128 {offsets = [0, 124], sizes = [8, 1], strides = [1, 1]} : vector<8x128xi32> to vector<8x1xi32>
    %eq3A_3248 = vector.broadcast %slice3A_3247 : vector<8x1xi32> to vector<8x128xi32>
    %eq3A_3249 = arith.cmpi eq, %iota3A_208, %eq3A_3248 : vector<8x128xi32>
    %convert_element_type3A_3250 = arith.extui %eq3A_3249 : vector<8x128xi1> to vector<8x128xi32>
    %convert_element_type3A_3251 = arith.sitofp %convert_element_type3A_3250 : vector<8x128xi32> to vector<8x128xf32>
    %slice3A_3252 = vector.extract_strided_slice %concatenate3A {offsets = [0, 124], sizes = [8, 1], strides = [1, 1]} : vector<8x128xf32> to vector<8x1xf32>
    %mul3A_3253 = vector.broadcast %slice3A_3252 : vector<8x1xf32> to vector<8x128xf32>
    %mul3A_3254 = arith.mulf %convert_element_type3A_3251, %mul3A_3253 : vector<8x128xf32>
    %add3A_3255 = arith.addf %add3A_3246, %mul3A_3254 : vector<8x128xf32>
    %slice3A_3256 = vector.extract_strided_slice %convert_element_type3A_2128 {offsets = [0, 125], sizes = [8, 1], strides = [1, 1]} : vector<8x128xi32> to vector<8x1xi32>
    %eq3A_3257 = vector.broadcast %slice3A_3256 : vector<8x1xi32> to vector<8x128xi32>
    %eq3A_3258 = arith.cmpi eq, %iota3A_208, %eq3A_3257 : vector<8x128xi32>
    %convert_element_type3A_3259 = arith.extui %eq3A_3258 : vector<8x128xi1> to vector<8x128xi32>
    %convert_element_type3A_3260 = arith.sitofp %convert_element_type3A_3259 : vector<8x128xi32> to vector<8x128xf32>
    %slice3A_3261 = vector.extract_strided_slice %concatenate3A {offsets = [0, 125], sizes = [8, 1], strides = [1, 1]} : vector<8x128xf32> to vector<8x1xf32>
    %mul3A_3262 = vector.broadcast %slice3A_3261 : vector<8x1xf32> to vector<8x128xf32>
    %mul3A_3263 = arith.mulf %convert_element_type3A_3260, %mul3A_3262 : vector<8x128xf32>
    %add3A_3264 = arith.addf %add3A_3255, %mul3A_3263 : vector<8x128xf32>
    %slice3A_3265 = vector.extract_strided_slice %convert_element_type3A_2128 {offsets = [0, 126], sizes = [8, 1], strides = [1, 1]} : vector<8x128xi32> to vector<8x1xi32>
    %eq3A_3266 = vector.broadcast %slice3A_3265 : vector<8x1xi32> to vector<8x128xi32>
    %eq3A_3267 = arith.cmpi eq, %iota3A_208, %eq3A_3266 : vector<8x128xi32>
    %convert_element_type3A_3268 = arith.extui %eq3A_3267 : vector<8x128xi1> to vector<8x128xi32>
    %convert_element_type3A_3269 = arith.sitofp %convert_element_type3A_3268 : vector<8x128xi32> to vector<8x128xf32>
    %slice3A_3270 = vector.extract_strided_slice %concatenate3A {offsets = [0, 126], sizes = [8, 1], strides = [1, 1]} : vector<8x128xf32> to vector<8x1xf32>
    %mul3A_3271 = vector.broadcast %slice3A_3270 : vector<8x1xf32> to vector<8x128xf32>
    %mul3A_3272 = arith.mulf %convert_element_type3A_3269, %mul3A_3271 : vector<8x128xf32>
    %add3A_3273 = arith.addf %add3A_3264, %mul3A_3272 : vector<8x128xf32>
    %slice3A_3274 = vector.extract_strided_slice %convert_element_type3A_2128 {offsets = [0, 127], sizes = [8, 1], strides = [1, 1]} : vector<8x128xi32> to vector<8x1xi32>
    %eq3A_3275 = vector.broadcast %slice3A_3274 : vector<8x1xi32> to vector<8x128xi32>
    %eq3A_3276 = arith.cmpi eq, %iota3A_208, %eq3A_3275 : vector<8x128xi32>
    %convert_element_type3A_3277 = arith.extui %eq3A_3276 : vector<8x128xi1> to vector<8x128xi32>
    %convert_element_type3A_3278 = arith.sitofp %convert_element_type3A_3277 : vector<8x128xi32> to vector<8x128xf32>
    %slice3A_3279 = vector.extract_strided_slice %concatenate3A {offsets = [0, 127], sizes = [8, 1], strides = [1, 1]} : vector<8x128xf32> to vector<8x1xf32>
    %mul3A_3280 = vector.broadcast %slice3A_3279 : vector<8x1xf32> to vector<8x128xf32>
    %mul3A_3281 = arith.mulf %convert_element_type3A_3278, %mul3A_3280 : vector<8x128xf32>
    %add3A_3282 = arith.addf %add3A_3273, %mul3A_3281 : vector<8x128xf32>
    %slice3A_3283 = vector.extract_strided_slice %convert_element_type3A_2128 {offsets = [0, 64], sizes = [8, 1], strides = [1, 1]} : vector<8x128xi32> to vector<8x1xi32>
    %eq3A_3284 = vector.broadcast %slice3A_3283 : vector<8x1xi32> to vector<8x128xi32>
    %eq3A_3285 = arith.cmpi eq, %iota3A_208, %eq3A_3284 : vector<8x128xi32>
    %convert_element_type3A_3286 = arith.extui %eq3A_3285 : vector<8x128xi1> to vector<8x128xi32>
    %convert_element_type3A_3287 = arith.sitofp %convert_element_type3A_3286 : vector<8x128xi32> to vector<8x128xf32>
    %iota3A_3288 = tpu.iota {dimensions = array<i32: 0>} : vector<128x8xi32>
    %iota3A_3289 = tpu.iota {dimensions = array<i32: 1>} : vector<128x8xi32>
    %jit3A_3290 = arith.constant 8 : i32
    %div3A_3291 = vector.broadcast %jit3A_3290 : i32 to vector<128x8xi32>
    %div3A_3292 = arith.divsi %iota3A_3288, %div3A_3291 : vector<128x8xi32>
    %sign3A_3293 = arith.constant 0 : i32
    %sign3A_3294 = vector.broadcast %sign3A_3293 : i32 to vector<128x8xi32>
    %sign3A_3295 = arith.cmpi sgt, %iota3A_3288, %sign3A_3294 : vector<128x8xi32>
    %sign3A_3296 = arith.extui %sign3A_3295 : vector<128x8xi1> to vector<128x8xi32>
    %sign3A_3297 = arith.constant 0 : i32
    %sign3A_3298 = vector.broadcast %sign3A_3297 : i32 to vector<128x8xi32>
    %sign3A_3299 = arith.cmpi slt, %iota3A_3288, %sign3A_3298 : vector<128x8xi32>
    %sign3A_3300 = arith.extui %sign3A_3299 : vector<128x8xi1> to vector<128x8xi32>
    %sign3A_3301 = arith.subi %sign3A_3296, %sign3A_3300 : vector<128x8xi32>
    %sign3A_3302 = arith.constant 0 : i32
    %sign3A_3303 = arith.cmpi sgt, %jit3A_3290, %sign3A_3302 : i32
    %sign3A_3304 = arith.extui %sign3A_3303 : i1 to i32
    %sign3A_3305 = arith.constant 0 : i32
    %sign3A_3306 = arith.cmpi slt, %jit3A_3290, %sign3A_3305 : i32
    %sign3A_3307 = arith.extui %sign3A_3306 : i1 to i32
    %sign3A_3308 = arith.subi %sign3A_3304, %sign3A_3307 : i32
    %ne3A_3309 = vector.broadcast %sign3A_3308 : i32 to vector<128x8xi32>
    %ne3A_3310 = arith.cmpi ne, %sign3A_3301, %ne3A_3309 : vector<128x8xi32>
    %rem3A_3311 = vector.broadcast %jit3A_3290 : i32 to vector<128x8xi32>
    %rem3A_3312 = arith.remsi %iota3A_3288, %rem3A_3311 : vector<128x8xi32>
    %ne3A_3313 = arith.constant 0 : i32
    %ne3A_3314 = vector.broadcast %ne3A_3313 : i32 to vector<128x8xi32>
    %ne3A_3315 = arith.cmpi ne, %rem3A_3312, %ne3A_3314 : vector<128x8xi32>
    %and3A_3316 = arith.andi %ne3A_3310, %ne3A_3315 : vector<128x8xi1>
    %sub3A_3317 = arith.constant 1 : i32
    %sub3A_3318 = vector.broadcast %sub3A_3317 : i32 to vector<128x8xi32>
    %sub3A_3319 = arith.subi %div3A_3292, %sub3A_3318 : vector<128x8xi32>
    %select_n3A_3320 = arith.select %and3A_3316, %sub3A_3319, %div3A_3292 : vector<128x8xi1>, vector<128x8xi32>
    %eq3A_3321 = arith.cmpi eq, %select_n3A_3320, %iota3A_3289 : vector<128x8xi32>
    %lt3A_3322 = arith.constant 64 : i32
    %lt3A_3323 = vector.broadcast %lt3A_3322 : i32 to vector<128x8xi32>
    %lt3A_3324 = arith.cmpi slt, %iota3A_3288, %lt3A_3323 : vector<128x8xi32>
    %and3A_3325 = arith.andi %eq3A_3321, %lt3A_3324 : vector<128x8xi1>
    %convert_element_type3A_3326 = arith.extui %and3A_3325 : vector<128x8xi1> to vector<128x8xi32>
    %convert_element_type3A_3327 = arith.sitofp %convert_element_type3A_3326 : vector<128x8xi32> to vector<128x8xf32>
    %jit3A_3328 = arith.constant 8 : i32
    %eq3A_3329 = arith.constant 0 : i32
    %eq3A_3330 = arith.cmpi eq, %jit3A_3328, %eq3A_3329 : i32
    %jit3A_3331 = arith.constant 1 : i32
    %select_n3A_3332 = arith.select %eq3A_3330, %jit3A_3331, %jit3A_3328 : i32
    %rem3A_3333 = vector.broadcast %select_n3A_3332 : i32 to vector<128x8xi32>
    %rem3A_3334 = arith.remsi %iota3A_3288, %rem3A_3333 : vector<128x8xi32>
    %ne3A_3335 = arith.constant 0 : i32
    %ne3A_3336 = vector.broadcast %ne3A_3335 : i32 to vector<128x8xi32>
    %ne3A_3337 = arith.cmpi ne, %rem3A_3334, %ne3A_3336 : vector<128x8xi32>
    %lt3A_3338 = arith.constant 0 : i32
    %lt3A_3339 = vector.broadcast %lt3A_3338 : i32 to vector<128x8xi32>
    %lt3A_3340 = arith.cmpi slt, %rem3A_3334, %lt3A_3339 : vector<128x8xi32>
    %lt3A_3341 = arith.constant 0 : i32
    %lt3A_3342 = arith.cmpi slt, %select_n3A_3332, %lt3A_3341 : i32
    %ne3A_3343 = vector.broadcast %lt3A_3342 : i1 to vector<128x8xi1>
    %ne3A_3344 = vector.broadcast %ne3A_3343 : vector<128x8xi1> to vector<128x8xi1>
    %ne3A_3345 = arith.xori %lt3A_3340, %ne3A_3344 : vector<128x8xi1>
    %and3A_3346 = arith.andi %ne3A_3345, %ne3A_3337 : vector<128x8xi1>
    %add3A_3347 = vector.broadcast %select_n3A_3332 : i32 to vector<128x8xi32>
    %add3A_3348 = arith.addi %rem3A_3334, %add3A_3347 : vector<128x8xi32>
    %select_n3A_3349 = arith.select %and3A_3346, %add3A_3348, %rem3A_3334 : vector<128x8xi1>, vector<128x8xi32>
    %eq3A_3350 = arith.cmpi eq, %select_n3A_3349, %iota3A_3289 : vector<128x8xi32>
    %lt3A_3351 = arith.constant 64 : i32
    %lt3A_3352 = vector.broadcast %lt3A_3351 : i32 to vector<128x8xi32>
    %lt3A_3353 = arith.cmpi slt, %iota3A_3288, %lt3A_3352 : vector<128x8xi32>
    %and3A_3354 = arith.andi %eq3A_3350, %lt3A_3353 : vector<128x8xi1>
    %convert_element_type3A_3355 = arith.extui %and3A_3354 : vector<128x8xi1> to vector<128x8xi32>
    %convert_element_type3A_3356 = arith.sitofp %convert_element_type3A_3355 : vector<128x8xi32> to vector<128x8xf32>
    %dot_general3A_3357 = arith.constant dense<0.000000e+00> : vector<128x128xf32>
    %dot_general3A_3358 = tpu.matmul %convert_element_type3A_3327, %dot_general3A_63, %dot_general3A_3357 {dimension_numbers = #tpu.dot_dimension_numbers<[1], [0], [0], [1], [0, 0, 1, 1], [], []>, precision = #tpu.contract_precision<fp32>, transpose_lhs_hint = false} : vector<128x8xf32>, vector<8x128xf32>, vector<128x128xf32> -> vector<128x128xf32>
    %dot_general3A_3359 = arith.constant dense<0.000000e+00> : vector<128x128xf32>
    %dot_general3A_3360 = tpu.matmul %convert_element_type3A_3356, %dot_general3A_96, %dot_general3A_3359 {dimension_numbers = #tpu.dot_dimension_numbers<[1], [0], [0], [1], [0, 0, 1, 1], [], []>, precision = #tpu.contract_precision<fp32>, transpose_lhs_hint = false} : vector<128x8xf32>, vector<8x128xf32>, vector<128x128xf32> -> vector<128x128xf32>
    %add3A_3361 = arith.addf %dot_general3A_3358, %dot_general3A_3360 : vector<128x128xf32>
    %iota3A_3362 = tpu.iota {dimensions = array<i32: 0>} : vector<128x1xi32>
    %eq3A_3363 = arith.constant 64 : i32
    %eq3A_3364 = vector.broadcast %eq3A_3363 : i32 to vector<128x1xi32>
    %eq3A_3365 = arith.cmpi eq, %iota3A_3362, %eq3A_3364 : vector<128x1xi32>
    %convert_element_type3A_3366 = arith.extui %eq3A_3365 : vector<128x1xi1> to vector<128x1xi32>
    %convert_element_type3A_3367 = arith.sitofp %convert_element_type3A_3366 : vector<128x1xi32> to vector<128x1xf32>
    %iota3A_3368 = tpu.iota {dimensions = array<i32: 0>} : vector<128x128xi32>
    %slice3A_3369 = vector.extract_strided_slice %dot_general3A_63 {offsets = [0, 0], sizes = [1, 128], strides = [1, 1]} : vector<8x128xf32> to vector<1x128xf32>
    %mul3A_3370 = vector.broadcast %convert_element_type3A_3367 : vector<128x1xf32> to vector<128x128xf32>
    %mul3A_3371 = vector.broadcast %slice3A_3369 : vector<1x128xf32> to vector<128x128xf32>
    %mul3A_3372 = arith.mulf %mul3A_3370, %mul3A_3371 : vector<128x128xf32>
    %add3A_3373 = arith.addf %add3A_3361, %mul3A_3372 : vector<128x128xf32>
    %slice3A_3374 = vector.extract_strided_slice %convert_element_type3A_2128 {offsets = [0, 0], sizes = [1, 128], strides = [1, 1]} : vector<8x128xi32> to vector<1x128xi32>
    %broadcast_in_dim3A_3375 = vector.shape_cast %slice3A_3374 : vector<1x128xi32> to vector<1x128xi32>
    %broadcast_in_dim3A_3376 = vector.broadcast %broadcast_in_dim3A_3375 : vector<1x128xi32> to vector<128x128xi32>
    %eq3A_3377 = arith.cmpi eq, %iota3A_3368, %broadcast_in_dim3A_3376 : vector<128x128xi32>
    %convert_element_type3A_3378 = arith.extui %eq3A_3377 : vector<128x128xi1> to vector<128x128xi32>
    %convert_element_type3A_3379 = arith.sitofp %convert_element_type3A_3378 : vector<128x128xi32> to vector<128x128xf32>
    %dot_general3A_3380 = arith.constant dense<0.000000e+00> : vector<128x128xf32>
    %dot_general3A_3381 = tpu.matmul %convert_element_type3A_3379, %add3A_3373, %dot_general3A_3380 {dimension_numbers = #tpu.dot_dimension_numbers<[1], [0], [0], [1], [0, 0, 1, 1], [], []>, precision = #tpu.contract_precision<fp32>, transpose_lhs_hint = false} : vector<128x128xf32>, vector<128x128xf32>, vector<128x128xf32> -> vector<128x128xf32>
    %slice3A_3382 = vector.extract_strided_slice %dot_general3A_63 {offsets = [1, 0], sizes = [1, 128], strides = [1, 1]} : vector<8x128xf32> to vector<1x128xf32>
    %mul3A_3383 = vector.broadcast %convert_element_type3A_3367 : vector<128x1xf32> to vector<128x128xf32>
    %mul3A_3384 = vector.broadcast %slice3A_3382 : vector<1x128xf32> to vector<128x128xf32>
    %mul3A_3385 = arith.mulf %mul3A_3383, %mul3A_3384 : vector<128x128xf32>
    %add3A_3386 = arith.addf %add3A_3361, %mul3A_3385 : vector<128x128xf32>
    %slice3A_3387 = vector.extract_strided_slice %convert_element_type3A_2128 {offsets = [1, 0], sizes = [1, 128], strides = [1, 1]} : vector<8x128xi32> to vector<1x128xi32>
    %broadcast_in_dim3A_3388 = vector.shape_cast %slice3A_3387 : vector<1x128xi32> to vector<1x128xi32>
    %broadcast_in_dim3A_3389 = vector.broadcast %broadcast_in_dim3A_3388 : vector<1x128xi32> to vector<128x128xi32>
    %eq3A_3390 = arith.cmpi eq, %iota3A_3368, %broadcast_in_dim3A_3389 : vector<128x128xi32>
    %convert_element_type3A_3391 = arith.extui %eq3A_3390 : vector<128x128xi1> to vector<128x128xi32>
    %convert_element_type3A_3392 = arith.sitofp %convert_element_type3A_3391 : vector<128x128xi32> to vector<128x128xf32>
    %dot_general3A_3393 = arith.constant dense<0.000000e+00> : vector<128x128xf32>
    %dot_general3A_3394 = tpu.matmul %convert_element_type3A_3392, %add3A_3386, %dot_general3A_3393 {dimension_numbers = #tpu.dot_dimension_numbers<[1], [0], [0], [1], [0, 0, 1, 1], [], []>, precision = #tpu.contract_precision<fp32>, transpose_lhs_hint = false} : vector<128x128xf32>, vector<128x128xf32>, vector<128x128xf32> -> vector<128x128xf32>
    %slice3A_3395 = vector.extract_strided_slice %dot_general3A_63 {offsets = [2, 0], sizes = [1, 128], strides = [1, 1]} : vector<8x128xf32> to vector<1x128xf32>
    %mul3A_3396 = vector.broadcast %convert_element_type3A_3367 : vector<128x1xf32> to vector<128x128xf32>
    %mul3A_3397 = vector.broadcast %slice3A_3395 : vector<1x128xf32> to vector<128x128xf32>
    %mul3A_3398 = arith.mulf %mul3A_3396, %mul3A_3397 : vector<128x128xf32>
    %add3A_3399 = arith.addf %add3A_3361, %mul3A_3398 : vector<128x128xf32>
    %slice3A_3400 = vector.extract_strided_slice %convert_element_type3A_2128 {offsets = [2, 0], sizes = [1, 128], strides = [1, 1]} : vector<8x128xi32> to vector<1x128xi32>
    %broadcast_in_dim3A_3401 = vector.shape_cast %slice3A_3400 : vector<1x128xi32> to vector<1x128xi32>
    %broadcast_in_dim3A_3402 = vector.broadcast %broadcast_in_dim3A_3401 : vector<1x128xi32> to vector<128x128xi32>
    %eq3A_3403 = arith.cmpi eq, %iota3A_3368, %broadcast_in_dim3A_3402 : vector<128x128xi32>
    %convert_element_type3A_3404 = arith.extui %eq3A_3403 : vector<128x128xi1> to vector<128x128xi32>
    %convert_element_type3A_3405 = arith.sitofp %convert_element_type3A_3404 : vector<128x128xi32> to vector<128x128xf32>
    %dot_general3A_3406 = arith.constant dense<0.000000e+00> : vector<128x128xf32>
    %dot_general3A_3407 = tpu.matmul %convert_element_type3A_3405, %add3A_3399, %dot_general3A_3406 {dimension_numbers = #tpu.dot_dimension_numbers<[1], [0], [0], [1], [0, 0, 1, 1], [], []>, precision = #tpu.contract_precision<fp32>, transpose_lhs_hint = false} : vector<128x128xf32>, vector<128x128xf32>, vector<128x128xf32> -> vector<128x128xf32>
    %slice3A_3408 = vector.extract_strided_slice %dot_general3A_63 {offsets = [3, 0], sizes = [1, 128], strides = [1, 1]} : vector<8x128xf32> to vector<1x128xf32>
    %mul3A_3409 = vector.broadcast %convert_element_type3A_3367 : vector<128x1xf32> to vector<128x128xf32>
    %mul3A_3410 = vector.broadcast %slice3A_3408 : vector<1x128xf32> to vector<128x128xf32>
    %mul3A_3411 = arith.mulf %mul3A_3409, %mul3A_3410 : vector<128x128xf32>
    %add3A_3412 = arith.addf %add3A_3361, %mul3A_3411 : vector<128x128xf32>
    %slice3A_3413 = vector.extract_strided_slice %convert_element_type3A_2128 {offsets = [3, 0], sizes = [1, 128], strides = [1, 1]} : vector<8x128xi32> to vector<1x128xi32>
    %broadcast_in_dim3A_3414 = vector.shape_cast %slice3A_3413 : vector<1x128xi32> to vector<1x128xi32>
    %broadcast_in_dim3A_3415 = vector.broadcast %broadcast_in_dim3A_3414 : vector<1x128xi32> to vector<128x128xi32>
    %eq3A_3416 = arith.cmpi eq, %iota3A_3368, %broadcast_in_dim3A_3415 : vector<128x128xi32>
    %convert_element_type3A_3417 = arith.extui %eq3A_3416 : vector<128x128xi1> to vector<128x128xi32>
    %convert_element_type3A_3418 = arith.sitofp %convert_element_type3A_3417 : vector<128x128xi32> to vector<128x128xf32>
    %dot_general3A_3419 = arith.constant dense<0.000000e+00> : vector<128x128xf32>
    %dot_general3A_3420 = tpu.matmul %convert_element_type3A_3418, %add3A_3412, %dot_general3A_3419 {dimension_numbers = #tpu.dot_dimension_numbers<[1], [0], [0], [1], [0, 0, 1, 1], [], []>, precision = #tpu.contract_precision<fp32>, transpose_lhs_hint = false} : vector<128x128xf32>, vector<128x128xf32>, vector<128x128xf32> -> vector<128x128xf32>
    %slice3A_3421 = vector.extract_strided_slice %dot_general3A_63 {offsets = [4, 0], sizes = [1, 128], strides = [1, 1]} : vector<8x128xf32> to vector<1x128xf32>
    %mul3A_3422 = vector.broadcast %convert_element_type3A_3367 : vector<128x1xf32> to vector<128x128xf32>
    %mul3A_3423 = vector.broadcast %slice3A_3421 : vector<1x128xf32> to vector<128x128xf32>
    %mul3A_3424 = arith.mulf %mul3A_3422, %mul3A_3423 : vector<128x128xf32>
    %add3A_3425 = arith.addf %add3A_3361, %mul3A_3424 : vector<128x128xf32>
    %slice3A_3426 = vector.extract_strided_slice %convert_element_type3A_2128 {offsets = [4, 0], sizes = [1, 128], strides = [1, 1]} : vector<8x128xi32> to vector<1x128xi32>
    %broadcast_in_dim3A_3427 = vector.shape_cast %slice3A_3426 : vector<1x128xi32> to vector<1x128xi32>
    %broadcast_in_dim3A_3428 = vector.broadcast %broadcast_in_dim3A_3427 : vector<1x128xi32> to vector<128x128xi32>
    %eq3A_3429 = arith.cmpi eq, %iota3A_3368, %broadcast_in_dim3A_3428 : vector<128x128xi32>
    %convert_element_type3A_3430 = arith.extui %eq3A_3429 : vector<128x128xi1> to vector<128x128xi32>
    %convert_element_type3A_3431 = arith.sitofp %convert_element_type3A_3430 : vector<128x128xi32> to vector<128x128xf32>
    %dot_general3A_3432 = arith.constant dense<0.000000e+00> : vector<128x128xf32>
    %dot_general3A_3433 = tpu.matmul %convert_element_type3A_3431, %add3A_3425, %dot_general3A_3432 {dimension_numbers = #tpu.dot_dimension_numbers<[1], [0], [0], [1], [0, 0, 1, 1], [], []>, precision = #tpu.contract_precision<fp32>, transpose_lhs_hint = false} : vector<128x128xf32>, vector<128x128xf32>, vector<128x128xf32> -> vector<128x128xf32>
    %slice3A_3434 = vector.extract_strided_slice %dot_general3A_63 {offsets = [5, 0], sizes = [1, 128], strides = [1, 1]} : vector<8x128xf32> to vector<1x128xf32>
    %mul3A_3435 = vector.broadcast %convert_element_type3A_3367 : vector<128x1xf32> to vector<128x128xf32>
    %mul3A_3436 = vector.broadcast %slice3A_3434 : vector<1x128xf32> to vector<128x128xf32>
    %mul3A_3437 = arith.mulf %mul3A_3435, %mul3A_3436 : vector<128x128xf32>
    %add3A_3438 = arith.addf %add3A_3361, %mul3A_3437 : vector<128x128xf32>
    %slice3A_3439 = vector.extract_strided_slice %convert_element_type3A_2128 {offsets = [5, 0], sizes = [1, 128], strides = [1, 1]} : vector<8x128xi32> to vector<1x128xi32>
    %broadcast_in_dim3A_3440 = vector.shape_cast %slice3A_3439 : vector<1x128xi32> to vector<1x128xi32>
    %broadcast_in_dim3A_3441 = vector.broadcast %broadcast_in_dim3A_3440 : vector<1x128xi32> to vector<128x128xi32>
    %eq3A_3442 = arith.cmpi eq, %iota3A_3368, %broadcast_in_dim3A_3441 : vector<128x128xi32>
    %convert_element_type3A_3443 = arith.extui %eq3A_3442 : vector<128x128xi1> to vector<128x128xi32>
    %convert_element_type3A_3444 = arith.sitofp %convert_element_type3A_3443 : vector<128x128xi32> to vector<128x128xf32>
    %dot_general3A_3445 = arith.constant dense<0.000000e+00> : vector<128x128xf32>
    %dot_general3A_3446 = tpu.matmul %convert_element_type3A_3444, %add3A_3438, %dot_general3A_3445 {dimension_numbers = #tpu.dot_dimension_numbers<[1], [0], [0], [1], [0, 0, 1, 1], [], []>, precision = #tpu.contract_precision<fp32>, transpose_lhs_hint = false} : vector<128x128xf32>, vector<128x128xf32>, vector<128x128xf32> -> vector<128x128xf32>
    %slice3A_3447 = vector.extract_strided_slice %dot_general3A_63 {offsets = [6, 0], sizes = [1, 128], strides = [1, 1]} : vector<8x128xf32> to vector<1x128xf32>
    %mul3A_3448 = vector.broadcast %convert_element_type3A_3367 : vector<128x1xf32> to vector<128x128xf32>
    %mul3A_3449 = vector.broadcast %slice3A_3447 : vector<1x128xf32> to vector<128x128xf32>
    %mul3A_3450 = arith.mulf %mul3A_3448, %mul3A_3449 : vector<128x128xf32>
    %add3A_3451 = arith.addf %add3A_3361, %mul3A_3450 : vector<128x128xf32>
    %slice3A_3452 = vector.extract_strided_slice %convert_element_type3A_2128 {offsets = [6, 0], sizes = [1, 128], strides = [1, 1]} : vector<8x128xi32> to vector<1x128xi32>
    %broadcast_in_dim3A_3453 = vector.shape_cast %slice3A_3452 : vector<1x128xi32> to vector<1x128xi32>
    %broadcast_in_dim3A_3454 = vector.broadcast %broadcast_in_dim3A_3453 : vector<1x128xi32> to vector<128x128xi32>
    %eq3A_3455 = arith.cmpi eq, %iota3A_3368, %broadcast_in_dim3A_3454 : vector<128x128xi32>
    %convert_element_type3A_3456 = arith.extui %eq3A_3455 : vector<128x128xi1> to vector<128x128xi32>
    %convert_element_type3A_3457 = arith.sitofp %convert_element_type3A_3456 : vector<128x128xi32> to vector<128x128xf32>
    %dot_general3A_3458 = arith.constant dense<0.000000e+00> : vector<128x128xf32>
    %dot_general3A_3459 = tpu.matmul %convert_element_type3A_3457, %add3A_3451, %dot_general3A_3458 {dimension_numbers = #tpu.dot_dimension_numbers<[1], [0], [0], [1], [0, 0, 1, 1], [], []>, precision = #tpu.contract_precision<fp32>, transpose_lhs_hint = false} : vector<128x128xf32>, vector<128x128xf32>, vector<128x128xf32> -> vector<128x128xf32>
    %slice3A_3460 = vector.extract_strided_slice %dot_general3A_63 {offsets = [7, 0], sizes = [1, 128], strides = [1, 1]} : vector<8x128xf32> to vector<1x128xf32>
    %mul3A_3461 = vector.broadcast %convert_element_type3A_3367 : vector<128x1xf32> to vector<128x128xf32>
    %mul3A_3462 = vector.broadcast %slice3A_3460 : vector<1x128xf32> to vector<128x128xf32>
    %mul3A_3463 = arith.mulf %mul3A_3461, %mul3A_3462 : vector<128x128xf32>
    %add3A_3464 = arith.addf %add3A_3361, %mul3A_3463 : vector<128x128xf32>
    %slice3A_3465 = vector.extract_strided_slice %convert_element_type3A_2128 {offsets = [7, 0], sizes = [1, 128], strides = [1, 1]} : vector<8x128xi32> to vector<1x128xi32>
    %broadcast_in_dim3A_3466 = vector.shape_cast %slice3A_3465 : vector<1x128xi32> to vector<1x128xi32>
    %broadcast_in_dim3A_3467 = vector.broadcast %broadcast_in_dim3A_3466 : vector<1x128xi32> to vector<128x128xi32>
    %eq3A_3468 = arith.cmpi eq, %iota3A_3368, %broadcast_in_dim3A_3467 : vector<128x128xi32>
    %convert_element_type3A_3469 = arith.extui %eq3A_3468 : vector<128x128xi1> to vector<128x128xi32>
    %convert_element_type3A_3470 = arith.sitofp %convert_element_type3A_3469 : vector<128x128xi32> to vector<128x128xf32>
    %dot_general3A_3471 = arith.constant dense<0.000000e+00> : vector<128x128xf32>
    %dot_general3A_3472 = tpu.matmul %convert_element_type3A_3470, %add3A_3464, %dot_general3A_3471 {dimension_numbers = #tpu.dot_dimension_numbers<[1], [0], [0], [1], [0, 0, 1, 1], [], []>, precision = #tpu.contract_precision<fp32>, transpose_lhs_hint = false} : vector<128x128xf32>, vector<128x128xf32>, vector<128x128xf32> -> vector<128x128xf32>
    %concatenate3A_3473 = tpu.concatenate %dot_general3A_3381, %dot_general3A_3394, %dot_general3A_3407, %dot_general3A_3420, %dot_general3A_3433, %dot_general3A_3446, %dot_general3A_3459, %dot_general3A_3472 in 1 : vector<128x128xf32>, vector<128x128xf32>, vector<128x128xf32>, vector<128x128xf32>, vector<128x128xf32>, vector<128x128xf32>, vector<128x128xf32>, vector<128x128xf32> -> vector<128x1024xf32>
    %swap3A = arith.constant 0 : index
    %swap3A_3474 = arith.constant 0 : index
    %swap3A_3475 = vector.load %arg14[%swap3A, %swap3A_3474] : memref<128x1024xf32, #tpu.memory_space<vmem>>, vector<128x1024xf32>
    tpu.vector_store %arg14[%swap3A, %swap3A_3474], %concatenate3A_3473 {strides = array<i32>} : memref<128x1024xf32, #tpu.memory_space<vmem>>, vector<128x1024xf32>,
    %swap3A_3476 = arith.constant 0 : index
    %swap3A_3477 = arith.constant 0 : index
    %swap3A_3478 = vector.load %arg11[%swap3A_3476, %swap3A_3477] : memref<8x128xf32, #tpu.memory_space<vmem>>, vector<8x128xf32>
    tpu.vector_store %arg11[%swap3A_3476, %swap3A_3477], %add3A_3282 {strides = array<i32>} : memref<8x128xf32, #tpu.memory_space<vmem>>, vector<8x128xf32>,
    %swap3A_3479 = arith.constant 0 : index
    %swap3A_3480 = arith.constant 0 : index
    %swap3A_3481 = vector.load %arg12[%swap3A_3479, %swap3A_3480] : memref<8x128xf32, #tpu.memory_space<vmem>>, vector<8x128xf32>
    tpu.vector_store %arg12[%swap3A_3479, %swap3A_3480], %convert_element_type3A_3287 {strides = array<i32>} : memref<8x128xf32, #tpu.memory_space<vmem>>, vector<8x128xf32>,
    %broadcast_in_dim3A_3482 = vector.shape_cast %logistic3A_126 : vector<8x1xf32> to vector<8x1xf32>
    %broadcast_in_dim3A_3483 = vector.broadcast %broadcast_in_dim3A_3482 : vector<8x1xf32> to vector<8x128xf32>
    %swap3A_3484 = arith.constant 0 : index
    %swap3A_3485 = arith.constant 0 : index
    %swap3A_3486 = vector.load %arg13[%swap3A_3484, %swap3A_3485] : memref<8x128xf32, #tpu.memory_space<vmem>>, vector<8x128xf32>
    tpu.vector_store %arg13[%swap3A_3484, %swap3A_3485], %broadcast_in_dim3A_3483 {strides = array<i32>} : memref<8x128xf32, #tpu.memory_space<vmem>>, vector<8x128xf32>,
    %swap3A_3487 = arith.constant 0 : index
    %swap3A_3488 = arith.constant 0 : index
    %swap3A_3489 = vector.load %arg15[%swap3A_3487, %swap3A_3488] : memref<8x128xf32, #tpu.memory_space<vmem>>, vector<8x128xf32>
    tpu.vector_store %arg15[%swap3A_3487, %swap3A_3488], %dot_general3A_9 {strides = array<i32>} : memref<8x128xf32, #tpu.memory_space<vmem>>, vector<8x128xf32>,
    %slice3A_3490 = vector.extract_strided_slice %convert_element_type3A_2128 {offsets = [0, 0], sizes = [8, 64], strides = [1, 1]} : vector<8x128xi32> to vector<8x64xi32>
    %swap3A_3491 = arith.constant 0 : index
    %swap3A_3492 = arith.constant 0 : index
    %swap3A_3493 = vector.load %arg16[%swap3A_3491, %swap3A_3492] : memref<8x64xi32, #tpu.memory_space<vmem>>, vector<8x64xi32>
    tpu.vector_store %arg16[%swap3A_3491, %swap3A_3492], %slice3A_3490 {strides = array<i32>} : memref<8x64xi32, #tpu.memory_space<vmem>>, vector<8x64xi32>,
    return
  }
}

module attributes {stable_mosaic.version = 14 : i64} {
  func.func @_thresh_body(%arg0: i32, %arg1: memref<1x400x128xf32, #tpu.memory_space<vmem>>, %arg2: memref<1x400x128xf32, #tpu.memory_space<vmem>>, %arg3: memref<400x1xi32, #tpu.memory_space<vmem>>, %arg4: memref<8x128xf32, #tpu.memory_space<vmem>>, %arg5: memref<8x128xf32, #tpu.memory_space<vmem>>, %arg6: memref<8x128xf32, #tpu.memory_space<vmem>>, %arg7: memref<128x1024xf32, #tpu.memory_space<vmem>>, %arg8: memref<8x128xf32, #tpu.memory_space<vmem>>, %arg9: memref<8x128xf32, #tpu.memory_space<vmem>>, %arg10: memref<400x128xf32, #tpu.memory_space<vmem>>, %arg11: memref<3200x128xf32, #tpu.memory_space<vmem>>) attributes {dimension_semantics = [#tpu.dimension_semantics<arbitrary>], iteration_bounds = array<i64: 25>, scalar_prefetch = 0 : i64, scratch_operands = 0 : i64, tpu.core_type = #tpu.core_type<tc>, window_params = [{transform_indices = @transform_0, window_bounds = array<i64: 1, 400, 128>}, {transform_indices = @transform_1, window_bounds = array<i64: 1, 400, 128>}, {transform_indices = @transform_2, window_bounds = array<i64: 400, 1>}, {pipeline_mode = #tpu.pipeline_mode<synchronous>, transform_indices = @transform_3, window_bounds = array<i64: 8, 128>}, {pipeline_mode = #tpu.pipeline_mode<synchronous>, transform_indices = @transform_4, window_bounds = array<i64: 8, 128>}, {pipeline_mode = #tpu.pipeline_mode<synchronous>, transform_indices = @transform_5, window_bounds = array<i64: 8, 128>}, {pipeline_mode = #tpu.pipeline_mode<synchronous>, transform_indices = @transform_6, window_bounds = array<i64: 128, 1024>}, {pipeline_mode = #tpu.pipeline_mode<synchronous>, transform_indices = @transform_7, window_bounds = array<i64: 8, 128>}, {pipeline_mode = #tpu.pipeline_mode<synchronous>, transform_indices = @transform_8, window_bounds = array<i64: 8, 128>}, {transform_indices = @transform_9, window_bounds = array<i64: 400, 128>}, {transform_indices = @transform_10, window_bounds = array<i64: 3200, 128>}]} {
    %iota3A = tpu.iota {dimensions = array<i32: 1>} : vector<1x8xi32>
    %get3A = arith.constant 0 : index
    %get3A_0 = arith.constant 0 : index
    %get3A_1 = vector.load %arg3[%get3A, %get3A_0] : memref<400x1xi32, #tpu.memory_space<vmem>>, vector<400x1xi32>
    %eq3A = vector.broadcast %get3A_1 : vector<400x1xi32> to vector<400x8xi32>
    %eq3A_2 = vector.broadcast %iota3A : vector<1x8xi32> to vector<400x8xi32>
    %eq3A_3 = arith.cmpi eq, %eq3A, %eq3A_2 : vector<400x8xi32>
    %convert_element_type3A = arith.extui %eq3A_3 : vector<400x8xi1> to vector<400x8xi32>
    %convert_element_type3A_4 = arith.sitofp %convert_element_type3A : vector<400x8xi32> to vector<400x8xf32>
    %get3A_5 = arith.constant 0 : index
    %get3A_6 = arith.constant 0 : index
    %get3A_7 = arith.constant 0 : index
    %get3A_8 = vector.load %arg1[%get3A_5, %get3A_6, %get3A_7] : memref<1x400x128xf32, #tpu.memory_space<vmem>>, vector<1x400x128xf32>
    %get3A_9 = vector.shape_cast %get3A_8 : vector<1x400x128xf32> to vector<400x128xf32>
    %get3A_10 = arith.constant 0 : index
    %get3A_11 = arith.constant 0 : index
    %get3A_12 = arith.constant 0 : index
    %get3A_13 = vector.load %arg2[%get3A_10, %get3A_11, %get3A_12] : memref<1x400x128xf32, #tpu.memory_space<vmem>>, vector<1x400x128xf32>
    %get3A_14 = vector.shape_cast %get3A_13 : vector<1x400x128xf32> to vector<400x128xf32>
    %add3A = arith.addf %get3A_9, %get3A_14 : vector<400x128xf32>
    %get3A_15 = arith.constant 0 : index
    %get3A_16 = arith.constant 0 : index
    %get3A_17 = vector.load %arg5[%get3A_15, %get3A_16] : memref<8x128xf32, #tpu.memory_space<vmem>>, vector<8x128xf32>
    %dot_general3A = arith.constant dense<0.000000e+00> : vector<400x128xf32>
    %dot_general3A_18 = tpu.matmul %convert_element_type3A_4, %get3A_17, %dot_general3A {dimension_numbers = #tpu.dot_dimension_numbers<[1], [0], [0], [1], [0, 0, 1, 1], [], []>, precision = #tpu.contract_precision<fp32>, transpose_lhs_hint = false} : vector<400x8xf32>, vector<8x128xf32>, vector<400x128xf32> -> vector<400x128xf32>
    %add3A_19 = arith.addf %add3A, %dot_general3A_18 : vector<400x128xf32>
    %broadcast_in_dim3A = arith.constant 0.000000e+00 : f32
    %broadcast_in_dim3A_20 = vector.broadcast %broadcast_in_dim3A : f32 to vector<400x128xf32>
    %broadcast_in_dim3A_21 = arith.constant 0.000000e+00 : f32
    %broadcast_in_dim3A_22 = vector.broadcast %broadcast_in_dim3A_21 : f32 to vector<400x128xf32>
    %slice3A = vector.extract_strided_slice %convert_element_type3A_4 {offsets = [0, 0], sizes = [400, 1], strides = [1, 1]} : vector<400x8xf32> to vector<400x1xf32>
    %get3A_23 = arith.constant 0 : index
    %get3A_24 = arith.constant 0 : index
    %get3A_25 = vector.load %arg4[%get3A_23, %get3A_24] : memref<8x128xf32, #tpu.memory_space<vmem>>, vector<1x128xf32>
    %mul3A = vector.broadcast %slice3A : vector<400x1xf32> to vector<400x128xf32>
    %mul3A_26 = vector.broadcast %get3A_25 : vector<1x128xf32> to vector<400x128xf32>
    %mul3A_27 = arith.mulf %mul3A, %mul3A_26 : vector<400x128xf32>
    %add3A_28 = arith.addf %broadcast_in_dim3A_20, %mul3A_27 : vector<400x128xf32>
    %slice3A_29 = vector.extract_strided_slice %convert_element_type3A_4 {offsets = [0, 0], sizes = [400, 1], strides = [1, 1]} : vector<400x8xf32> to vector<400x1xf32>
    %get3A_30 = arith.constant 0 : index
    %get3A_31 = arith.constant 0 : index
    %get3A_32 = vector.load %arg6[%get3A_30, %get3A_31] : memref<8x128xf32, #tpu.memory_space<vmem>>, vector<1x128xf32>
    %mul3A_33 = vector.broadcast %slice3A_29 : vector<400x1xf32> to vector<400x128xf32>
    %mul3A_34 = vector.broadcast %get3A_32 : vector<1x128xf32> to vector<400x128xf32>
    %mul3A_35 = arith.mulf %mul3A_33, %mul3A_34 : vector<400x128xf32>
    %add3A_36 = arith.addf %broadcast_in_dim3A_22, %mul3A_35 : vector<400x128xf32>
    %slice3A_37 = vector.extract_strided_slice %convert_element_type3A_4 {offsets = [0, 1], sizes = [400, 1], strides = [1, 1]} : vector<400x8xf32> to vector<400x1xf32>
    %get3A_38 = arith.constant 1 : index
    %get3A_39 = arith.constant 0 : index
    %get3A_40 = vector.load %arg4[%get3A_38, %get3A_39] : memref<8x128xf32, #tpu.memory_space<vmem>>, vector<1x128xf32>
    %mul3A_41 = vector.broadcast %slice3A_37 : vector<400x1xf32> to vector<400x128xf32>
    %mul3A_42 = vector.broadcast %get3A_40 : vector<1x128xf32> to vector<400x128xf32>
    %mul3A_43 = arith.mulf %mul3A_41, %mul3A_42 : vector<400x128xf32>
    %add3A_44 = arith.addf %add3A_28, %mul3A_43 : vector<400x128xf32>
    %slice3A_45 = vector.extract_strided_slice %convert_element_type3A_4 {offsets = [0, 1], sizes = [400, 1], strides = [1, 1]} : vector<400x8xf32> to vector<400x1xf32>
    %get3A_46 = arith.constant 1 : index
    %get3A_47 = arith.constant 0 : index
    %get3A_48 = vector.load %arg6[%get3A_46, %get3A_47] : memref<8x128xf32, #tpu.memory_space<vmem>>, vector<1x128xf32>
    %mul3A_49 = vector.broadcast %slice3A_45 : vector<400x1xf32> to vector<400x128xf32>
    %mul3A_50 = vector.broadcast %get3A_48 : vector<1x128xf32> to vector<400x128xf32>
    %mul3A_51 = arith.mulf %mul3A_49, %mul3A_50 : vector<400x128xf32>
    %add3A_52 = arith.addf %add3A_36, %mul3A_51 : vector<400x128xf32>
    %slice3A_53 = vector.extract_strided_slice %convert_element_type3A_4 {offsets = [0, 2], sizes = [400, 1], strides = [1, 1]} : vector<400x8xf32> to vector<400x1xf32>
    %get3A_54 = arith.constant 2 : index
    %get3A_55 = arith.constant 0 : index
    %get3A_56 = vector.load %arg4[%get3A_54, %get3A_55] : memref<8x128xf32, #tpu.memory_space<vmem>>, vector<1x128xf32>
    %mul3A_57 = vector.broadcast %slice3A_53 : vector<400x1xf32> to vector<400x128xf32>
    %mul3A_58 = vector.broadcast %get3A_56 : vector<1x128xf32> to vector<400x128xf32>
    %mul3A_59 = arith.mulf %mul3A_57, %mul3A_58 : vector<400x128xf32>
    %add3A_60 = arith.addf %add3A_44, %mul3A_59 : vector<400x128xf32>
    %slice3A_61 = vector.extract_strided_slice %convert_element_type3A_4 {offsets = [0, 2], sizes = [400, 1], strides = [1, 1]} : vector<400x8xf32> to vector<400x1xf32>
    %get3A_62 = arith.constant 2 : index
    %get3A_63 = arith.constant 0 : index
    %get3A_64 = vector.load %arg6[%get3A_62, %get3A_63] : memref<8x128xf32, #tpu.memory_space<vmem>>, vector<1x128xf32>
    %mul3A_65 = vector.broadcast %slice3A_61 : vector<400x1xf32> to vector<400x128xf32>
    %mul3A_66 = vector.broadcast %get3A_64 : vector<1x128xf32> to vector<400x128xf32>
    %mul3A_67 = arith.mulf %mul3A_65, %mul3A_66 : vector<400x128xf32>
    %add3A_68 = arith.addf %add3A_52, %mul3A_67 : vector<400x128xf32>
    %slice3A_69 = vector.extract_strided_slice %convert_element_type3A_4 {offsets = [0, 3], sizes = [400, 1], strides = [1, 1]} : vector<400x8xf32> to vector<400x1xf32>
    %get3A_70 = arith.constant 3 : index
    %get3A_71 = arith.constant 0 : index
    %get3A_72 = vector.load %arg4[%get3A_70, %get3A_71] : memref<8x128xf32, #tpu.memory_space<vmem>>, vector<1x128xf32>
    %mul3A_73 = vector.broadcast %slice3A_69 : vector<400x1xf32> to vector<400x128xf32>
    %mul3A_74 = vector.broadcast %get3A_72 : vector<1x128xf32> to vector<400x128xf32>
    %mul3A_75 = arith.mulf %mul3A_73, %mul3A_74 : vector<400x128xf32>
    %add3A_76 = arith.addf %add3A_60, %mul3A_75 : vector<400x128xf32>
    %slice3A_77 = vector.extract_strided_slice %convert_element_type3A_4 {offsets = [0, 3], sizes = [400, 1], strides = [1, 1]} : vector<400x8xf32> to vector<400x1xf32>
    %get3A_78 = arith.constant 3 : index
    %get3A_79 = arith.constant 0 : index
    %get3A_80 = vector.load %arg6[%get3A_78, %get3A_79] : memref<8x128xf32, #tpu.memory_space<vmem>>, vector<1x128xf32>
    %mul3A_81 = vector.broadcast %slice3A_77 : vector<400x1xf32> to vector<400x128xf32>
    %mul3A_82 = vector.broadcast %get3A_80 : vector<1x128xf32> to vector<400x128xf32>
    %mul3A_83 = arith.mulf %mul3A_81, %mul3A_82 : vector<400x128xf32>
    %add3A_84 = arith.addf %add3A_68, %mul3A_83 : vector<400x128xf32>
    %slice3A_85 = vector.extract_strided_slice %convert_element_type3A_4 {offsets = [0, 4], sizes = [400, 1], strides = [1, 1]} : vector<400x8xf32> to vector<400x1xf32>
    %get3A_86 = arith.constant 4 : index
    %get3A_87 = arith.constant 0 : index
    %get3A_88 = vector.load %arg4[%get3A_86, %get3A_87] : memref<8x128xf32, #tpu.memory_space<vmem>>, vector<1x128xf32>
    %mul3A_89 = vector.broadcast %slice3A_85 : vector<400x1xf32> to vector<400x128xf32>
    %mul3A_90 = vector.broadcast %get3A_88 : vector<1x128xf32> to vector<400x128xf32>
    %mul3A_91 = arith.mulf %mul3A_89, %mul3A_90 : vector<400x128xf32>
    %add3A_92 = arith.addf %add3A_76, %mul3A_91 : vector<400x128xf32>
    %slice3A_93 = vector.extract_strided_slice %convert_element_type3A_4 {offsets = [0, 4], sizes = [400, 1], strides = [1, 1]} : vector<400x8xf32> to vector<400x1xf32>
    %get3A_94 = arith.constant 4 : index
    %get3A_95 = arith.constant 0 : index
    %get3A_96 = vector.load %arg6[%get3A_94, %get3A_95] : memref<8x128xf32, #tpu.memory_space<vmem>>, vector<1x128xf32>
    %mul3A_97 = vector.broadcast %slice3A_93 : vector<400x1xf32> to vector<400x128xf32>
    %mul3A_98 = vector.broadcast %get3A_96 : vector<1x128xf32> to vector<400x128xf32>
    %mul3A_99 = arith.mulf %mul3A_97, %mul3A_98 : vector<400x128xf32>
    %add3A_100 = arith.addf %add3A_84, %mul3A_99 : vector<400x128xf32>
    %slice3A_101 = vector.extract_strided_slice %convert_element_type3A_4 {offsets = [0, 5], sizes = [400, 1], strides = [1, 1]} : vector<400x8xf32> to vector<400x1xf32>
    %get3A_102 = arith.constant 5 : index
    %get3A_103 = arith.constant 0 : index
    %get3A_104 = vector.load %arg4[%get3A_102, %get3A_103] : memref<8x128xf32, #tpu.memory_space<vmem>>, vector<1x128xf32>
    %mul3A_105 = vector.broadcast %slice3A_101 : vector<400x1xf32> to vector<400x128xf32>
    %mul3A_106 = vector.broadcast %get3A_104 : vector<1x128xf32> to vector<400x128xf32>
    %mul3A_107 = arith.mulf %mul3A_105, %mul3A_106 : vector<400x128xf32>
    %add3A_108 = arith.addf %add3A_92, %mul3A_107 : vector<400x128xf32>
    %slice3A_109 = vector.extract_strided_slice %convert_element_type3A_4 {offsets = [0, 5], sizes = [400, 1], strides = [1, 1]} : vector<400x8xf32> to vector<400x1xf32>
    %get3A_110 = arith.constant 5 : index
    %get3A_111 = arith.constant 0 : index
    %get3A_112 = vector.load %arg6[%get3A_110, %get3A_111] : memref<8x128xf32, #tpu.memory_space<vmem>>, vector<1x128xf32>
    %mul3A_113 = vector.broadcast %slice3A_109 : vector<400x1xf32> to vector<400x128xf32>
    %mul3A_114 = vector.broadcast %get3A_112 : vector<1x128xf32> to vector<400x128xf32>
    %mul3A_115 = arith.mulf %mul3A_113, %mul3A_114 : vector<400x128xf32>
    %add3A_116 = arith.addf %add3A_100, %mul3A_115 : vector<400x128xf32>
    %slice3A_117 = vector.extract_strided_slice %convert_element_type3A_4 {offsets = [0, 6], sizes = [400, 1], strides = [1, 1]} : vector<400x8xf32> to vector<400x1xf32>
    %get3A_118 = arith.constant 6 : index
    %get3A_119 = arith.constant 0 : index
    %get3A_120 = vector.load %arg4[%get3A_118, %get3A_119] : memref<8x128xf32, #tpu.memory_space<vmem>>, vector<1x128xf32>
    %mul3A_121 = vector.broadcast %slice3A_117 : vector<400x1xf32> to vector<400x128xf32>
    %mul3A_122 = vector.broadcast %get3A_120 : vector<1x128xf32> to vector<400x128xf32>
    %mul3A_123 = arith.mulf %mul3A_121, %mul3A_122 : vector<400x128xf32>
    %add3A_124 = arith.addf %add3A_108, %mul3A_123 : vector<400x128xf32>
    %slice3A_125 = vector.extract_strided_slice %convert_element_type3A_4 {offsets = [0, 6], sizes = [400, 1], strides = [1, 1]} : vector<400x8xf32> to vector<400x1xf32>
    %get3A_126 = arith.constant 6 : index
    %get3A_127 = arith.constant 0 : index
    %get3A_128 = vector.load %arg6[%get3A_126, %get3A_127] : memref<8x128xf32, #tpu.memory_space<vmem>>, vector<1x128xf32>
    %mul3A_129 = vector.broadcast %slice3A_125 : vector<400x1xf32> to vector<400x128xf32>
    %mul3A_130 = vector.broadcast %get3A_128 : vector<1x128xf32> to vector<400x128xf32>
    %mul3A_131 = arith.mulf %mul3A_129, %mul3A_130 : vector<400x128xf32>
    %add3A_132 = arith.addf %add3A_116, %mul3A_131 : vector<400x128xf32>
    %slice3A_133 = vector.extract_strided_slice %convert_element_type3A_4 {offsets = [0, 7], sizes = [400, 1], strides = [1, 1]} : vector<400x8xf32> to vector<400x1xf32>
    %get3A_134 = arith.constant 7 : index
    %get3A_135 = arith.constant 0 : index
    %get3A_136 = vector.load %arg4[%get3A_134, %get3A_135] : memref<8x128xf32, #tpu.memory_space<vmem>>, vector<1x128xf32>
    %mul3A_137 = vector.broadcast %slice3A_133 : vector<400x1xf32> to vector<400x128xf32>
    %mul3A_138 = vector.broadcast %get3A_136 : vector<1x128xf32> to vector<400x128xf32>
    %mul3A_139 = arith.mulf %mul3A_137, %mul3A_138 : vector<400x128xf32>
    %add3A_140 = arith.addf %add3A_124, %mul3A_139 : vector<400x128xf32>
    %slice3A_141 = vector.extract_strided_slice %convert_element_type3A_4 {offsets = [0, 7], sizes = [400, 1], strides = [1, 1]} : vector<400x8xf32> to vector<400x1xf32>
    %get3A_142 = arith.constant 7 : index
    %get3A_143 = arith.constant 0 : index
    %get3A_144 = vector.load %arg6[%get3A_142, %get3A_143] : memref<8x128xf32, #tpu.memory_space<vmem>>, vector<1x128xf32>
    %mul3A_145 = vector.broadcast %slice3A_141 : vector<400x1xf32> to vector<400x128xf32>
    %mul3A_146 = vector.broadcast %get3A_144 : vector<1x128xf32> to vector<400x128xf32>
    %mul3A_147 = arith.mulf %mul3A_145, %mul3A_146 : vector<400x128xf32>
    %add3A_148 = arith.addf %add3A_132, %mul3A_147 : vector<400x128xf32>
    %mul3A_149 = arith.mulf %add3A_19, %add3A_140 : vector<400x128xf32>
    %mul3A_150 = arith.mulf %mul3A_149, %add3A_140 : vector<400x128xf32>
    %iota3A_151 = tpu.iota {dimensions = array<i32: 0>} : vector<128x128xi32>
    %iota3A_152 = tpu.iota {dimensions = array<i32: 1>} : vector<128x128xi32>
    %lt3A = arith.cmpi slt, %iota3A_151, %iota3A_152 : vector<128x128xi32>
    %convert_element_type3A_153 = arith.extui %lt3A : vector<128x128xi1> to vector<128x128xi32>
    %convert_element_type3A_154 = arith.sitofp %convert_element_type3A_153 : vector<128x128xi32> to vector<128x128xf32>
    %dot_general3A_155 = arith.constant dense<0.000000e+00> : vector<400x128xf32>
    %dot_general3A_156 = tpu.matmul %add3A_19, %convert_element_type3A_154, %dot_general3A_155 {dimension_numbers = #tpu.dot_dimension_numbers<[1], [0], [0], [1], [0, 0, 1, 1], [], []>, precision = #tpu.contract_precision<fp32>, transpose_lhs_hint = false} : vector<400x128xf32>, vector<128x128xf32>, vector<400x128xf32> -> vector<400x128xf32>
    %dot_general3A_157 = arith.constant dense<0.000000e+00> : vector<400x128xf32>
    %dot_general3A_158 = tpu.matmul %mul3A_149, %convert_element_type3A_154, %dot_general3A_157 {dimension_numbers = #tpu.dot_dimension_numbers<[1], [0], [0], [1], [0, 0, 1, 1], [], []>, precision = #tpu.contract_precision<fp32>, transpose_lhs_hint = false} : vector<400x128xf32>, vector<128x128xf32>, vector<400x128xf32> -> vector<400x128xf32>
    %dot_general3A_159 = arith.constant dense<0.000000e+00> : vector<400x128xf32>
    %dot_general3A_160 = tpu.matmul %mul3A_150, %convert_element_type3A_154, %dot_general3A_159 {dimension_numbers = #tpu.dot_dimension_numbers<[1], [0], [0], [1], [0, 0, 1, 1], [], []>, precision = #tpu.contract_precision<fp32>, transpose_lhs_hint = false} : vector<400x128xf32>, vector<128x128xf32>, vector<400x128xf32> -> vector<400x128xf32>
    %mul3A_161 = arith.constant 2.000000e+00 : f32
    %mul3A_162 = vector.broadcast %mul3A_161 : f32 to vector<400x128xf32>
    %mul3A_163 = arith.mulf %mul3A_162, %add3A_140 : vector<400x128xf32>
    %mul3A_164 = arith.mulf %mul3A_163, %dot_general3A_158 : vector<400x128xf32>
    %sub3A = arith.subf %dot_general3A_160, %mul3A_164 : vector<400x128xf32>
    %mul3A_165 = arith.mulf %dot_general3A_156, %add3A_140 : vector<400x128xf32>
    %mul3A_166 = arith.mulf %mul3A_165, %add3A_140 : vector<400x128xf32>
    %add3A_167 = arith.addf %sub3A, %mul3A_166 : vector<400x128xf32>
    %mul3A_168 = arith.mulf %dot_general3A_156, %add3A_140 : vector<400x128xf32>
    %sub3A_169 = arith.subf %dot_general3A_158, %mul3A_168 : vector<400x128xf32>
    %mul3A_170 = arith.mulf %dot_general3A_158, %dot_general3A_158 : vector<400x128xf32>
    %mul3A_171 = arith.mulf %dot_general3A_156, %dot_general3A_160 : vector<400x128xf32>
    %sub3A_172 = arith.subf %mul3A_170, %mul3A_171 : vector<400x128xf32>
    %add3A_173 = arith.addf %sub3A_172, %dot_general3A_156 : vector<400x128xf32>
    %sub3A_174 = arith.constant 1.000000e+00 : f32
    %sub3A_175 = vector.broadcast %sub3A_174 : f32 to vector<400x128xf32>
    %sub3A_176 = arith.subf %sub3A_175, %add3A_167 : vector<400x128xf32>
    %sub3A_177 = arith.constant 1.000000e+00 : f32
    %sub3A_178 = vector.broadcast %sub3A_177 : f32 to vector<400x128xf32>
    %sub3A_179 = arith.subf %add3A_167, %sub3A_178 : vector<400x128xf32>
    %mul3A_180 = arith.constant 1.000000e+08 : f32
    %mul3A_181 = vector.broadcast %mul3A_180 : f32 to vector<400x128xf32>
    %mul3A_182 = arith.mulf %sub3A_179, %mul3A_181 : vector<400x128xf32>
    %sub3A_183 = arith.subf %mul3A_182, %dot_general3A_156 : vector<400x128xf32>
    %mul3A_184 = arith.constant 1.000000e+04 : f32
    %mul3A_185 = vector.broadcast %mul3A_184 : f32 to vector<400x128xf32>
    %mul3A_186 = arith.mulf %sub3A_169, %mul3A_185 : vector<400x128xf32>
    %sub3A_187 = arith.subf %mul3A_186, %dot_general3A_156 : vector<400x128xf32>
    %neg3A = arith.constant 0.000000e+00 : f32
    %neg3A_188 = vector.broadcast %neg3A : f32 to vector<400x128xf32>
    %neg3A_189 = arith.subf %neg3A_188, %add3A_173 : vector<400x128xf32>
    %eq3A_190 = arith.constant 0.000000e+00 : f32
    %eq3A_191 = vector.broadcast %eq3A_190 : f32 to vector<400x128xf32>
    %eq3A_192 = arith.cmpf oeq, %sub3A_176, %eq3A_191 : vector<400x128xf32>
    %jit3A = arith.constant 1.000000e+00 : f32
    %broadcast_in_dim3A_193 = vector.broadcast %jit3A : f32 to vector<400x128xf32>
    %select_n3A = arith.select %eq3A_192, %broadcast_in_dim3A_193, %sub3A_176 : vector<400x128xi1>, vector<400x128xf32>
    %div3A = arith.divf %neg3A_189, %select_n3A : vector<400x128xf32>
    %ceil3A = math.ceil %div3A : vector<400x128xf32>
    %add3A_194 = arith.constant 1.000000e+00 : f32
    %add3A_195 = vector.broadcast %add3A_194 : f32 to vector<400x128xf32>
    %add3A_196 = arith.addf %add3A_19, %add3A_195 : vector<400x128xf32>
    %jit3A_197 = arith.constant 1.000000e+00 : f32
    %max3A = vector.broadcast %jit3A_197 : f32 to vector<400x128xf32>
    %max3A_198 = arith.maximumf %max3A, %ceil3A : vector<400x128xf32>
    %min3A = arith.minimumf %add3A_196, %max3A_198 : vector<400x128xf32>
    %sub3A_199 = arith.constant 1.000000e+00 : f32
    %sub3A_200 = vector.broadcast %sub3A_199 : f32 to vector<400x128xf32>
    %sub3A_201 = arith.subf %min3A, %sub3A_200 : vector<400x128xf32>
    %floor3A = math.floor %sub3A_183 : vector<400x128xf32>
    %max3A_202 = arith.maximumf %sub3A_201, %floor3A : vector<400x128xf32>
    %sub3A_203 = arith.subf %add3A_19, %max3A_202 : vector<400x128xf32>
    %max3A_204 = arith.constant 0.000000e+00 : f32
    %max3A_205 = vector.broadcast %max3A_204 : f32 to vector<400x128xf32>
    %max3A_206 = arith.maximumf %max3A_205, %sub3A_203 : vector<400x128xf32>
    %sub3A_207 = arith.constant 1.000000e+00 : f32
    %sub3A_208 = vector.broadcast %sub3A_207 : f32 to vector<400x128xf32>
    %sub3A_209 = arith.subf %min3A, %sub3A_208 : vector<400x128xf32>
    %floor3A_210 = math.floor %sub3A_187 : vector<400x128xf32>
    %max3A_211 = arith.constant 0.000000e+00 : f32
    %max3A_212 = vector.broadcast %max3A_211 : f32 to vector<400x128xf32>
    %max3A_213 = arith.maximumf %max3A_212, %floor3A_210 : vector<400x128xf32>
    %sub3A_214 = arith.subf %sub3A_209, %max3A_213 : vector<400x128xf32>
    %max3A_215 = arith.constant 0.000000e+00 : f32
    %max3A_216 = vector.broadcast %max3A_215 : f32 to vector<400x128xf32>
    %max3A_217 = arith.maximumf %max3A_216, %sub3A_214 : vector<400x128xf32>
    %add3A_218 = arith.addf %max3A_206, %max3A_217 : vector<400x128xf32>
    %floor3A_219 = math.floor %div3A : vector<400x128xf32>
    %jit3A_220 = arith.constant 0.000000e+00 : f32
    %max3A_221 = vector.broadcast %jit3A_220 : f32 to vector<400x128xf32>
    %max3A_222 = arith.maximumf %max3A_221, %floor3A_219 : vector<400x128xf32>
    %min3A_223 = arith.minimumf %add3A_19, %max3A_222 : vector<400x128xf32>
    %floor3A_224 = math.floor %sub3A_183 : vector<400x128xf32>
    %max3A_225 = arith.constant 0.000000e+00 : f32
    %max3A_226 = vector.broadcast %max3A_225 : f32 to vector<400x128xf32>
    %max3A_227 = arith.maximumf %max3A_226, %floor3A_224 : vector<400x128xf32>
    %sub3A_228 = arith.subf %min3A_223, %max3A_227 : vector<400x128xf32>
    %max3A_229 = arith.constant 0.000000e+00 : f32
    %max3A_230 = vector.broadcast %max3A_229 : f32 to vector<400x128xf32>
    %max3A_231 = arith.maximumf %max3A_230, %sub3A_228 : vector<400x128xf32>
    %add3A_232 = arith.constant 1.000000e+00 : f32
    %add3A_233 = vector.broadcast %add3A_232 : f32 to vector<400x128xf32>
    %add3A_234 = arith.addf %min3A_223, %add3A_233 : vector<400x128xf32>
    %sub3A_235 = arith.constant 1.000000e+00 : f32
    %sub3A_236 = vector.broadcast %sub3A_235 : f32 to vector<400x128xf32>
    %sub3A_237 = arith.subf %add3A_234, %sub3A_236 : vector<400x128xf32>
    %floor3A_238 = math.floor %sub3A_187 : vector<400x128xf32>
    %max3A_239 = arith.maximumf %sub3A_237, %floor3A_238 : vector<400x128xf32>
    %sub3A_240 = arith.subf %add3A_19, %max3A_239 : vector<400x128xf32>
    %max3A_241 = arith.constant 0.000000e+00 : f32
    %max3A_242 = vector.broadcast %max3A_241 : f32 to vector<400x128xf32>
    %max3A_243 = arith.maximumf %max3A_242, %sub3A_240 : vector<400x128xf32>
    %add3A_244 = arith.addf %max3A_231, %max3A_243 : vector<400x128xf32>
    %ge3A = arith.constant 0.000000e+00 : f32
    %ge3A_245 = vector.broadcast %ge3A : f32 to vector<400x128xf32>
    %ge3A_246 = arith.cmpf oge, %add3A_173, %ge3A_245 : vector<400x128xf32>
    %floor3A_247 = math.floor %sub3A_183 : vector<400x128xf32>
    %max3A_248 = arith.constant 0.000000e+00 : f32
    %max3A_249 = vector.broadcast %max3A_248 : f32 to vector<400x128xf32>
    %max3A_250 = arith.maximumf %max3A_249, %floor3A_247 : vector<400x128xf32>
    %sub3A_251 = arith.subf %add3A_19, %max3A_250 : vector<400x128xf32>
    %max3A_252 = arith.constant 0.000000e+00 : f32
    %max3A_253 = vector.broadcast %max3A_252 : f32 to vector<400x128xf32>
    %max3A_254 = arith.maximumf %max3A_253, %sub3A_251 : vector<400x128xf32>
    %floor3A_255 = math.floor %sub3A_187 : vector<400x128xf32>
    %max3A_256 = arith.constant 0.000000e+00 : f32
    %max3A_257 = vector.broadcast %max3A_256 : f32 to vector<400x128xf32>
    %max3A_258 = arith.maximumf %max3A_257, %floor3A_255 : vector<400x128xf32>
    %sub3A_259 = arith.subf %add3A_19, %max3A_258 : vector<400x128xf32>
    %max3A_260 = arith.constant 0.000000e+00 : f32
    %max3A_261 = vector.broadcast %max3A_260 : f32 to vector<400x128xf32>
    %max3A_262 = arith.maximumf %max3A_261, %sub3A_259 : vector<400x128xf32>
    %select_n3A_263 = arith.select %ge3A_246, %max3A_254, %max3A_262 : vector<400x128xi1>, vector<400x128xf32>
    %gt3A = arith.constant 0.000000e+00 : f32
    %gt3A_264 = vector.broadcast %gt3A : f32 to vector<400x128xf32>
    %gt3A_265 = arith.cmpf ogt, %sub3A_176, %gt3A_264 : vector<400x128xf32>
    %lt3A_266 = arith.constant 0.000000e+00 : f32
    %lt3A_267 = vector.broadcast %lt3A_266 : f32 to vector<400x128xf32>
    %lt3A_268 = arith.cmpf olt, %sub3A_176, %lt3A_267 : vector<400x128xf32>
    %select_n3A_269 = arith.select %lt3A_268, %add3A_244, %select_n3A_263 : vector<400x128xi1>, vector<400x128xf32>
    %select_n3A_270 = arith.select %gt3A_265, %add3A_218, %select_n3A_269 : vector<400x128xi1>, vector<400x128xf32>
    %gt3A_271 = arith.constant 0.000000e+00 : f32
    %gt3A_272 = vector.broadcast %gt3A_271 : f32 to vector<400x128xf32>
    %gt3A_273 = arith.cmpf ogt, %add3A_19, %gt3A_272 : vector<400x128xf32>
    %jit3A_274 = arith.constant 0.000000e+00 : f32
    %broadcast_in_dim3A_275 = vector.broadcast %jit3A_274 : f32 to vector<400x128xf32>
    %select_n3A_276 = arith.select %gt3A_273, %select_n3A_270, %broadcast_in_dim3A_275 : vector<400x128xi1>, vector<400x128xf32>
    %reduce_sum3A = arith.constant dense<0.000000e+00> : vector<400xf32>
    %reduce_sum3A_277 = vector.multi_reduction <add>, %select_n3A_276, %reduce_sum3A [1] : vector<400x128xf32> to vector<400xf32>
    %broadcast_in_dim3A_278 = vector.shape_cast %reduce_sum3A_277 : vector<400xf32> to vector<400x1xf32>
    %sub3A_279 = vector.broadcast %broadcast_in_dim3A_278 : vector<400x1xf32> to vector<400x128xf32>
    %sub3A_280 = arith.subf %sub3A_279, %dot_general3A_156 : vector<400x128xf32>
    %lt3A_281 = vector.broadcast %broadcast_in_dim3A_278 : vector<400x1xf32> to vector<400x128xf32>
    %lt3A_282 = arith.cmpf olt, %dot_general3A_156, %lt3A_281 : vector<400x128xf32>
    %le3A = arith.cmpf ole, %sub3A_280, %add3A_19 : vector<400x128xf32>
    %and3A = arith.andi %lt3A_282, %le3A : vector<400x128xi1>
    %mul3A_283 = arith.mulf %sub3A_280, %add3A_140 : vector<400x128xf32>
    %add3A_284 = arith.addf %dot_general3A_158, %mul3A_283 : vector<400x128xf32>
    %mul3A_285 = arith.mulf %sub3A_280, %add3A_140 : vector<400x128xf32>
    %mul3A_286 = arith.mulf %mul3A_285, %add3A_140 : vector<400x128xf32>
    %add3A_287 = arith.addf %dot_general3A_160, %mul3A_286 : vector<400x128xf32>
    %div3A_288 = vector.broadcast %broadcast_in_dim3A_278 : vector<400x1xf32> to vector<400x128xf32>
    %div3A_289 = arith.divf %add3A_284, %div3A_288 : vector<400x128xf32>
    %mul3A_290 = arith.mulf %div3A_289, %div3A_289 : vector<400x128xf32>
    %div3A_291 = vector.broadcast %broadcast_in_dim3A_278 : vector<400x1xf32> to vector<400x128xf32>
    %div3A_292 = arith.divf %add3A_287, %div3A_291 : vector<400x128xf32>
    %sub3A_293 = arith.subf %mul3A_290, %div3A_292 : vector<400x128xf32>
    %div3A_294 = arith.constant 1.000000e+00 : f32
    %div3A_295 = vector.broadcast %div3A_294 : f32 to vector<400x1xf32>
    %div3A_296 = arith.divf %div3A_295, %broadcast_in_dim3A_278 : vector<400x1xf32>
    %add3A_297 = vector.broadcast %div3A_296 : vector<400x1xf32> to vector<400x128xf32>
    %add3A_298 = arith.addf %sub3A_293, %add3A_297 : vector<400x128xf32>
    %max3A_299 = arith.constant 0.000000e+00 : f32
    %max3A_300 = vector.broadcast %max3A_299 : f32 to vector<400x128xf32>
    %max3A_301 = arith.maximumf %add3A_298, %max3A_300 : vector<400x128xf32>
    %add3A_302 = arith.constant 9.99999993E-9 : f32
    %add3A_303 = vector.broadcast %add3A_302 : f32 to vector<400x128xf32>
    %add3A_304 = arith.addf %max3A_301, %add3A_303 : vector<400x128xf32>
    %sqrt3A = math.sqrt %add3A_304 : vector<400x128xf32>
    %sub3A_305 = arith.subf %div3A_289, %sqrt3A : vector<400x128xf32>
    %jit3A_306 = arith.constant 0.000000e+00 : f32
    %broadcast_in_dim3A_307 = vector.broadcast %jit3A_306 : f32 to vector<400x128xf32>
    %select_n3A_308 = arith.select %and3A, %sub3A_305, %broadcast_in_dim3A_307 : vector<400x128xi1>, vector<400x128xf32>
    %reduce_sum3A_309 = arith.constant dense<0.000000e+00> : vector<400xf32>
    %reduce_sum3A_310 = vector.multi_reduction <add>, %select_n3A_308, %reduce_sum3A_309 [1] : vector<400x128xf32> to vector<400xf32>
    %broadcast_in_dim3A_311 = vector.shape_cast %reduce_sum3A_310 : vector<400xf32> to vector<400x1xf32>
    %sub3A_312 = vector.broadcast %broadcast_in_dim3A_311 : vector<400x1xf32> to vector<400x128xf32>
    %sub3A_313 = arith.subf %add3A_140, %sub3A_312 : vector<400x128xf32>
    %max3A_314 = arith.constant 0.000000e+00 : f32
    %max3A_315 = vector.broadcast %max3A_314 : f32 to vector<400x128xf32>
    %max3A_316 = arith.maximumf %sub3A_313, %max3A_315 : vector<400x128xf32>
    %mul3A_317 = arith.mulf %max3A_316, %max3A_316 : vector<400x128xf32>
    %mul3A_318 = arith.mulf %dot_general3A_156, %add3A_140 : vector<400x128xf32>
    %sub3A_319 = arith.constant 1.000000e+00 : f32
    %sub3A_320 = vector.broadcast %sub3A_319 : f32 to vector<400x128xf32>
    %sub3A_321 = arith.subf %dot_general3A_158, %sub3A_320 : vector<400x128xf32>
    %gt3A_322 = arith.cmpf ogt, %mul3A_318, %sub3A_321 : vector<400x128xf32>
    %jit3A_323 = arith.constant 0.000000e+00 : f32
    %broadcast_in_dim3A_324 = vector.broadcast %jit3A_323 : f32 to vector<400x128xf32>
    %select_n3A_325 = arith.select %gt3A_322, %add3A_19, %broadcast_in_dim3A_324 : vector<400x128xi1>, vector<400x128xf32>
    %reduce_sum3A_326 = arith.constant dense<0.000000e+00> : vector<400xf32>
    %reduce_sum3A_327 = vector.multi_reduction <add>, %select_n3A_325, %reduce_sum3A_326 [1] : vector<400x128xf32> to vector<400xf32>
    %broadcast_in_dim3A_328 = vector.shape_cast %reduce_sum3A_327 : vector<400xf32> to vector<400x1xf32>
    %sub3A_329 = vector.broadcast %broadcast_in_dim3A_328 : vector<400x1xf32> to vector<400x128xf32>
    %sub3A_330 = arith.subf %sub3A_329, %dot_general3A_156 : vector<400x128xf32>
    %lt3A_331 = vector.broadcast %broadcast_in_dim3A_328 : vector<400x1xf32> to vector<400x128xf32>
    %lt3A_332 = arith.cmpf olt, %dot_general3A_156, %lt3A_331 : vector<400x128xf32>
    %le3A_333 = arith.cmpf ole, %sub3A_330, %add3A_19 : vector<400x128xf32>
    %and3A_334 = arith.andi %lt3A_332, %le3A_333 : vector<400x128xi1>
    %mul3A_335 = arith.mulf %sub3A_330, %add3A_140 : vector<400x128xf32>
    %add3A_336 = arith.addf %dot_general3A_158, %mul3A_335 : vector<400x128xf32>
    %jit3A_337 = arith.constant 0.000000e+00 : f32
    %broadcast_in_dim3A_338 = vector.broadcast %jit3A_337 : f32 to vector<400x128xf32>
    %select_n3A_339 = arith.select %and3A_334, %add3A_336, %broadcast_in_dim3A_338 : vector<400x128xi1>, vector<400x128xf32>
    %reduce_sum3A_340 = arith.constant dense<0.000000e+00> : vector<400xf32>
    %reduce_sum3A_341 = vector.multi_reduction <add>, %select_n3A_339, %reduce_sum3A_340 [1] : vector<400x128xf32> to vector<400xf32>
    %broadcast_in_dim3A_342 = vector.shape_cast %reduce_sum3A_341 : vector<400xf32> to vector<400x1xf32>
    %sub3A_343 = arith.constant 1.000000e+00 : f32
    %sub3A_344 = vector.broadcast %sub3A_343 : f32 to vector<400x1xf32>
    %sub3A_345 = arith.subf %broadcast_in_dim3A_342, %sub3A_344 : vector<400x1xf32>
    %div3A_346 = arith.divf %sub3A_345, %broadcast_in_dim3A_328 : vector<400x1xf32>
    %sub3A_347 = vector.broadcast %div3A_346 : vector<400x1xf32> to vector<400x128xf32>
    %sub3A_348 = arith.subf %add3A_140, %sub3A_347 : vector<400x128xf32>
    %max3A_349 = arith.constant 0.000000e+00 : f32
    %max3A_350 = vector.broadcast %max3A_349 : f32 to vector<400x128xf32>
    %max3A_351 = arith.maximumf %sub3A_348, %max3A_350 : vector<400x128xf32>
    %gt3A_352 = arith.constant 0.000000e+00 : f32
    %gt3A_353 = vector.broadcast %gt3A_352 : f32 to vector<400x128xf32>
    %gt3A_354 = arith.cmpf ogt, %add3A_19, %gt3A_353 : vector<400x128xf32>
    %jit3A_355 = arith.constant -4.000000e+04 : f32
    %broadcast_in_dim3A_356 = vector.broadcast %jit3A_355 : f32 to vector<400x128xf32>
    %select_n3A_357 = arith.select %gt3A_354, %add3A_140, %broadcast_in_dim3A_356 : vector<400x128xi1>, vector<400x128xf32>
    %reduce_max3A = arith.constant dense<0xFF800000> : vector<400xf32>
    %reduce_max3A_358 = vector.multi_reduction <maximumf>, %select_n3A_357, %reduce_max3A [1] : vector<400x128xf32> to vector<400xf32>
    %broadcast_in_dim3A_359 = vector.shape_cast %reduce_max3A_358 : vector<400xf32> to vector<400x1xf32>
    %sub3A_360 = vector.broadcast %broadcast_in_dim3A_359 : vector<400x1xf32> to vector<400x128xf32>
    %sub3A_361 = arith.subf %add3A_140, %sub3A_360 : vector<400x128xf32>
    %exp3A = math.exp %sub3A_361 : vector<400x128xf32>
    %mul3A_362 = arith.mulf %add3A_19, %exp3A : vector<400x128xf32>
    %reduce_sum3A_363 = arith.constant dense<0.000000e+00> : vector<400xf32>
    %reduce_sum3A_364 = vector.multi_reduction <add>, %mul3A_362, %reduce_sum3A_363 [1] : vector<400x128xf32> to vector<400xf32>
    %broadcast_in_dim3A_365 = vector.shape_cast %reduce_sum3A_364 : vector<400xf32> to vector<400x1xf32>
    %div3A_366 = vector.broadcast %broadcast_in_dim3A_365 : vector<400x1xf32> to vector<400x128xf32>
    %div3A_367 = arith.divf %exp3A, %div3A_366 : vector<400x128xf32>
    %mul3A_368 = arith.constant 2.000000e+00 : f32
    %mul3A_369 = vector.broadcast %mul3A_368 : f32 to vector<400x128xf32>
    %mul3A_370 = arith.mulf %mul3A_369, %add3A_148 : vector<400x128xf32>
    %sub3A_371 = arith.constant 1.000000e+00 : f32
    %sub3A_372 = vector.broadcast %sub3A_371 : f32 to vector<400x128xf32>
    %sub3A_373 = arith.subf %sub3A_372, %mul3A_370 : vector<400x128xf32>
    %mul3A_374 = arith.mulf %sub3A_373, %div3A_367 : vector<400x128xf32>
    %mul3A_375 = arith.constant 2.000000e+00 : f32
    %mul3A_376 = vector.broadcast %mul3A_375 : f32 to vector<400x128xf32>
    %mul3A_377 = arith.mulf %mul3A_376, %add3A_148 : vector<400x128xf32>
    %mul3A_378 = arith.mulf %mul3A_377, %mul3A_317 : vector<400x128xf32>
    %add3A_379 = arith.addf %mul3A_374, %mul3A_378 : vector<400x128xf32>
    %mul3A_380 = arith.constant 2.000000e+00 : f32
    %mul3A_381 = vector.broadcast %mul3A_380 : f32 to vector<400x128xf32>
    %mul3A_382 = arith.mulf %mul3A_381, %add3A_148 : vector<400x128xf32>
    %sub3A_383 = arith.constant 2.000000e+00 : f32
    %sub3A_384 = vector.broadcast %sub3A_383 : f32 to vector<400x128xf32>
    %sub3A_385 = arith.subf %sub3A_384, %mul3A_382 : vector<400x128xf32>
    %mul3A_386 = arith.mulf %sub3A_385, %mul3A_317 : vector<400x128xf32>
    %mul3A_387 = arith.constant 2.000000e+00 : f32
    %mul3A_388 = vector.broadcast %mul3A_387 : f32 to vector<400x128xf32>
    %mul3A_389 = arith.mulf %mul3A_388, %add3A_148 : vector<400x128xf32>
    %sub3A_390 = arith.constant 1.000000e+00 : f32
    %sub3A_391 = vector.broadcast %sub3A_390 : f32 to vector<400x128xf32>
    %sub3A_392 = arith.subf %mul3A_389, %sub3A_391 : vector<400x128xf32>
    %mul3A_393 = arith.mulf %sub3A_392, %max3A_351 : vector<400x128xf32>
    %add3A_394 = arith.addf %mul3A_386, %mul3A_393 : vector<400x128xf32>
    %le3A_395 = arith.constant 5.000000e-01 : f32
    %le3A_396 = vector.broadcast %le3A_395 : f32 to vector<400x128xf32>
    %le3A_397 = arith.cmpf ole, %add3A_148, %le3A_396 : vector<400x128xf32>
    %select_n3A_398 = arith.select %le3A_397, %add3A_379, %add3A_394 : vector<400x128xi1>, vector<400x128xf32>
    %gt3A_399 = arith.constant 9.99999974E-5 : f32
    %gt3A_400 = vector.broadcast %gt3A_399 : f32 to vector<400x128xf32>
    %gt3A_401 = arith.cmpf ogt, %select_n3A_398, %gt3A_400 : vector<400x128xf32>
    %convert_element_type3A_402 = arith.extui %gt3A_401 : vector<400x128xi1> to vector<400x128xi32>
    %convert_element_type3A_403 = arith.sitofp %convert_element_type3A_402 : vector<400x128xi32> to vector<400x128xf32>
    %mul3A_404 = arith.mulf %add3A_19, %convert_element_type3A_403 : vector<400x128xf32>
    %reduce_sum3A_405 = arith.constant dense<0.000000e+00> : vector<400xf32>
    %reduce_sum3A_406 = vector.multi_reduction <add>, %mul3A_404, %reduce_sum3A_405 [1] : vector<400x128xf32> to vector<400xf32>
    %broadcast_in_dim3A_407 = vector.shape_cast %reduce_sum3A_406 : vector<400xf32> to vector<400x1xf32>
    %mul3A_408 = arith.mulf %add3A_19, %convert_element_type3A_403 : vector<400x128xf32>
    %add3A_409 = arith.constant 9.99999971E-10 : f32
    %add3A_410 = vector.broadcast %add3A_409 : f32 to vector<400x1xf32>
    %add3A_411 = arith.addf %broadcast_in_dim3A_407, %add3A_410 : vector<400x1xf32>
    %div3A_412 = vector.broadcast %add3A_411 : vector<400x1xf32> to vector<400x128xf32>
    %div3A_413 = arith.divf %mul3A_408, %div3A_412 : vector<400x128xf32>
    %get3A_414 = arith.constant 0 : index
    %get3A_415 = arith.constant 0 : index
    %get3A_416 = vector.load %arg7[%get3A_414, %get3A_415] : memref<128x1024xf32, #tpu.memory_space<vmem>>, vector<128x1024xf32>
    %dot_general3A_417 = arith.constant dense<0.000000e+00> : vector<400x1024xf32>
    %dot_general3A_418 = tpu.matmul %div3A_413, %get3A_416, %dot_general3A_417 {dimension_numbers = #tpu.dot_dimension_numbers<[1], [0], [0], [1], [0, 0, 1, 1], [], []>, transpose_lhs_hint = false} : vector<400x128xf32>, vector<128x1024xf32>, vector<400x1024xf32> -> vector<400x1024xf32>
    %broadcast_in_dim3A_419 = arith.constant 0.000000e+00 : f32
    %broadcast_in_dim3A_420 = vector.broadcast %broadcast_in_dim3A_419 : f32 to vector<400x128xf32>
    %broadcast_in_dim3A_421 = arith.constant 0.000000e+00 : f32
    %broadcast_in_dim3A_422 = vector.broadcast %broadcast_in_dim3A_421 : f32 to vector<400x128xf32>
    %slice3A_423 = vector.extract_strided_slice %convert_element_type3A_4 {offsets = [0, 0], sizes = [400, 1], strides = [1, 1]} : vector<400x8xf32> to vector<400x1xf32>
    %slice3A_424 = vector.extract_strided_slice %dot_general3A_418 {offsets = [0, 0], sizes = [400, 128], strides = [1, 1]} : vector<400x1024xf32> to vector<400x128xf32>
    %mul3A_425 = vector.broadcast %slice3A_423 : vector<400x1xf32> to vector<400x128xf32>
    %mul3A_426 = arith.mulf %mul3A_425, %slice3A_424 : vector<400x128xf32>
    %add3A_427 = arith.addf %broadcast_in_dim3A_420, %mul3A_426 : vector<400x128xf32>
    %slice3A_428 = vector.extract_strided_slice %convert_element_type3A_4 {offsets = [0, 0], sizes = [400, 1], strides = [1, 1]} : vector<400x8xf32> to vector<400x1xf32>
    %get3A_429 = arith.constant 0 : index
    %get3A_430 = arith.constant 0 : index
    %get3A_431 = vector.load %arg8[%get3A_429, %get3A_430] : memref<8x128xf32, #tpu.memory_space<vmem>>, vector<1x128xf32>
    %mul3A_432 = vector.broadcast %slice3A_428 : vector<400x1xf32> to vector<400x128xf32>
    %mul3A_433 = vector.broadcast %get3A_431 : vector<1x128xf32> to vector<400x128xf32>
    %mul3A_434 = arith.mulf %mul3A_432, %mul3A_433 : vector<400x128xf32>
    %add3A_435 = arith.addf %broadcast_in_dim3A_422, %mul3A_434 : vector<400x128xf32>
    %slice3A_436 = vector.extract_strided_slice %convert_element_type3A_4 {offsets = [0, 1], sizes = [400, 1], strides = [1, 1]} : vector<400x8xf32> to vector<400x1xf32>
    %slice3A_437 = vector.extract_strided_slice %dot_general3A_418 {offsets = [0, 128], sizes = [400, 128], strides = [1, 1]} : vector<400x1024xf32> to vector<400x128xf32>
    %mul3A_438 = vector.broadcast %slice3A_436 : vector<400x1xf32> to vector<400x128xf32>
    %mul3A_439 = arith.mulf %mul3A_438, %slice3A_437 : vector<400x128xf32>
    %add3A_440 = arith.addf %add3A_427, %mul3A_439 : vector<400x128xf32>
    %slice3A_441 = vector.extract_strided_slice %convert_element_type3A_4 {offsets = [0, 1], sizes = [400, 1], strides = [1, 1]} : vector<400x8xf32> to vector<400x1xf32>
    %get3A_442 = arith.constant 1 : index
    %get3A_443 = arith.constant 0 : index
    %get3A_444 = vector.load %arg8[%get3A_442, %get3A_443] : memref<8x128xf32, #tpu.memory_space<vmem>>, vector<1x128xf32>
    %mul3A_445 = vector.broadcast %slice3A_441 : vector<400x1xf32> to vector<400x128xf32>
    %mul3A_446 = vector.broadcast %get3A_444 : vector<1x128xf32> to vector<400x128xf32>
    %mul3A_447 = arith.mulf %mul3A_445, %mul3A_446 : vector<400x128xf32>
    %add3A_448 = arith.addf %add3A_435, %mul3A_447 : vector<400x128xf32>
    %slice3A_449 = vector.extract_strided_slice %convert_element_type3A_4 {offsets = [0, 2], sizes = [400, 1], strides = [1, 1]} : vector<400x8xf32> to vector<400x1xf32>
    %slice3A_450 = vector.extract_strided_slice %dot_general3A_418 {offsets = [0, 256], sizes = [400, 128], strides = [1, 1]} : vector<400x1024xf32> to vector<400x128xf32>
    %mul3A_451 = vector.broadcast %slice3A_449 : vector<400x1xf32> to vector<400x128xf32>
    %mul3A_452 = arith.mulf %mul3A_451, %slice3A_450 : vector<400x128xf32>
    %add3A_453 = arith.addf %add3A_440, %mul3A_452 : vector<400x128xf32>
    %slice3A_454 = vector.extract_strided_slice %convert_element_type3A_4 {offsets = [0, 2], sizes = [400, 1], strides = [1, 1]} : vector<400x8xf32> to vector<400x1xf32>
    %get3A_455 = arith.constant 2 : index
    %get3A_456 = arith.constant 0 : index
    %get3A_457 = vector.load %arg8[%get3A_455, %get3A_456] : memref<8x128xf32, #tpu.memory_space<vmem>>, vector<1x128xf32>
    %mul3A_458 = vector.broadcast %slice3A_454 : vector<400x1xf32> to vector<400x128xf32>
    %mul3A_459 = vector.broadcast %get3A_457 : vector<1x128xf32> to vector<400x128xf32>
    %mul3A_460 = arith.mulf %mul3A_458, %mul3A_459 : vector<400x128xf32>
    %add3A_461 = arith.addf %add3A_448, %mul3A_460 : vector<400x128xf32>
    %slice3A_462 = vector.extract_strided_slice %convert_element_type3A_4 {offsets = [0, 3], sizes = [400, 1], strides = [1, 1]} : vector<400x8xf32> to vector<400x1xf32>
    %slice3A_463 = vector.extract_strided_slice %dot_general3A_418 {offsets = [0, 384], sizes = [400, 128], strides = [1, 1]} : vector<400x1024xf32> to vector<400x128xf32>
    %mul3A_464 = vector.broadcast %slice3A_462 : vector<400x1xf32> to vector<400x128xf32>
    %mul3A_465 = arith.mulf %mul3A_464, %slice3A_463 : vector<400x128xf32>
    %add3A_466 = arith.addf %add3A_453, %mul3A_465 : vector<400x128xf32>
    %slice3A_467 = vector.extract_strided_slice %convert_element_type3A_4 {offsets = [0, 3], sizes = [400, 1], strides = [1, 1]} : vector<400x8xf32> to vector<400x1xf32>
    %get3A_468 = arith.constant 3 : index
    %get3A_469 = arith.constant 0 : index
    %get3A_470 = vector.load %arg8[%get3A_468, %get3A_469] : memref<8x128xf32, #tpu.memory_space<vmem>>, vector<1x128xf32>
    %mul3A_471 = vector.broadcast %slice3A_467 : vector<400x1xf32> to vector<400x128xf32>
    %mul3A_472 = vector.broadcast %get3A_470 : vector<1x128xf32> to vector<400x128xf32>
    %mul3A_473 = arith.mulf %mul3A_471, %mul3A_472 : vector<400x128xf32>
    %add3A_474 = arith.addf %add3A_461, %mul3A_473 : vector<400x128xf32>
    %slice3A_475 = vector.extract_strided_slice %convert_element_type3A_4 {offsets = [0, 4], sizes = [400, 1], strides = [1, 1]} : vector<400x8xf32> to vector<400x1xf32>
    %slice3A_476 = vector.extract_strided_slice %dot_general3A_418 {offsets = [0, 512], sizes = [400, 128], strides = [1, 1]} : vector<400x1024xf32> to vector<400x128xf32>
    %mul3A_477 = vector.broadcast %slice3A_475 : vector<400x1xf32> to vector<400x128xf32>
    %mul3A_478 = arith.mulf %mul3A_477, %slice3A_476 : vector<400x128xf32>
    %add3A_479 = arith.addf %add3A_466, %mul3A_478 : vector<400x128xf32>
    %slice3A_480 = vector.extract_strided_slice %convert_element_type3A_4 {offsets = [0, 4], sizes = [400, 1], strides = [1, 1]} : vector<400x8xf32> to vector<400x1xf32>
    %get3A_481 = arith.constant 4 : index
    %get3A_482 = arith.constant 0 : index
    %get3A_483 = vector.load %arg8[%get3A_481, %get3A_482] : memref<8x128xf32, #tpu.memory_space<vmem>>, vector<1x128xf32>
    %mul3A_484 = vector.broadcast %slice3A_480 : vector<400x1xf32> to vector<400x128xf32>
    %mul3A_485 = vector.broadcast %get3A_483 : vector<1x128xf32> to vector<400x128xf32>
    %mul3A_486 = arith.mulf %mul3A_484, %mul3A_485 : vector<400x128xf32>
    %add3A_487 = arith.addf %add3A_474, %mul3A_486 : vector<400x128xf32>
    %slice3A_488 = vector.extract_strided_slice %convert_element_type3A_4 {offsets = [0, 5], sizes = [400, 1], strides = [1, 1]} : vector<400x8xf32> to vector<400x1xf32>
    %slice3A_489 = vector.extract_strided_slice %dot_general3A_418 {offsets = [0, 640], sizes = [400, 128], strides = [1, 1]} : vector<400x1024xf32> to vector<400x128xf32>
    %mul3A_490 = vector.broadcast %slice3A_488 : vector<400x1xf32> to vector<400x128xf32>
    %mul3A_491 = arith.mulf %mul3A_490, %slice3A_489 : vector<400x128xf32>
    %add3A_492 = arith.addf %add3A_479, %mul3A_491 : vector<400x128xf32>
    %slice3A_493 = vector.extract_strided_slice %convert_element_type3A_4 {offsets = [0, 5], sizes = [400, 1], strides = [1, 1]} : vector<400x8xf32> to vector<400x1xf32>
    %get3A_494 = arith.constant 5 : index
    %get3A_495 = arith.constant 0 : index
    %get3A_496 = vector.load %arg8[%get3A_494, %get3A_495] : memref<8x128xf32, #tpu.memory_space<vmem>>, vector<1x128xf32>
    %mul3A_497 = vector.broadcast %slice3A_493 : vector<400x1xf32> to vector<400x128xf32>
    %mul3A_498 = vector.broadcast %get3A_496 : vector<1x128xf32> to vector<400x128xf32>
    %mul3A_499 = arith.mulf %mul3A_497, %mul3A_498 : vector<400x128xf32>
    %add3A_500 = arith.addf %add3A_487, %mul3A_499 : vector<400x128xf32>
    %slice3A_501 = vector.extract_strided_slice %convert_element_type3A_4 {offsets = [0, 6], sizes = [400, 1], strides = [1, 1]} : vector<400x8xf32> to vector<400x1xf32>
    %slice3A_502 = vector.extract_strided_slice %dot_general3A_418 {offsets = [0, 768], sizes = [400, 128], strides = [1, 1]} : vector<400x1024xf32> to vector<400x128xf32>
    %mul3A_503 = vector.broadcast %slice3A_501 : vector<400x1xf32> to vector<400x128xf32>
    %mul3A_504 = arith.mulf %mul3A_503, %slice3A_502 : vector<400x128xf32>
    %add3A_505 = arith.addf %add3A_492, %mul3A_504 : vector<400x128xf32>
    %slice3A_506 = vector.extract_strided_slice %convert_element_type3A_4 {offsets = [0, 6], sizes = [400, 1], strides = [1, 1]} : vector<400x8xf32> to vector<400x1xf32>
    %get3A_507 = arith.constant 6 : index
    %get3A_508 = arith.constant 0 : index
    %get3A_509 = vector.load %arg8[%get3A_507, %get3A_508] : memref<8x128xf32, #tpu.memory_space<vmem>>, vector<1x128xf32>
    %mul3A_510 = vector.broadcast %slice3A_506 : vector<400x1xf32> to vector<400x128xf32>
    %mul3A_511 = vector.broadcast %get3A_509 : vector<1x128xf32> to vector<400x128xf32>
    %mul3A_512 = arith.mulf %mul3A_510, %mul3A_511 : vector<400x128xf32>
    %add3A_513 = arith.addf %add3A_500, %mul3A_512 : vector<400x128xf32>
    %slice3A_514 = vector.extract_strided_slice %convert_element_type3A_4 {offsets = [0, 7], sizes = [400, 1], strides = [1, 1]} : vector<400x8xf32> to vector<400x1xf32>
    %slice3A_515 = vector.extract_strided_slice %dot_general3A_418 {offsets = [0, 896], sizes = [400, 128], strides = [1, 1]} : vector<400x1024xf32> to vector<400x128xf32>
    %mul3A_516 = vector.broadcast %slice3A_514 : vector<400x1xf32> to vector<400x128xf32>
    %mul3A_517 = arith.mulf %mul3A_516, %slice3A_515 : vector<400x128xf32>
    %add3A_518 = arith.addf %add3A_505, %mul3A_517 : vector<400x128xf32>
    %slice3A_519 = vector.extract_strided_slice %convert_element_type3A_4 {offsets = [0, 7], sizes = [400, 1], strides = [1, 1]} : vector<400x8xf32> to vector<400x1xf32>
    %get3A_520 = arith.constant 7 : index
    %get3A_521 = arith.constant 0 : index
    %get3A_522 = vector.load %arg8[%get3A_520, %get3A_521] : memref<8x128xf32, #tpu.memory_space<vmem>>, vector<1x128xf32>
    %mul3A_523 = vector.broadcast %slice3A_519 : vector<400x1xf32> to vector<400x128xf32>
    %mul3A_524 = vector.broadcast %get3A_522 : vector<1x128xf32> to vector<400x128xf32>
    %mul3A_525 = arith.mulf %mul3A_523, %mul3A_524 : vector<400x128xf32>
    %add3A_526 = arith.addf %add3A_513, %mul3A_525 : vector<400x128xf32>
    %add3A_527 = arith.addf %add3A_526, %add3A_518 : vector<400x128xf32>
    %swap3A = arith.constant 0 : index
    %swap3A_528 = arith.constant 0 : index
    %swap3A_529 = vector.load %arg10[%swap3A, %swap3A_528] : memref<400x128xf32, #tpu.memory_space<vmem>>, vector<400x128xf32>
    tpu.vector_store %arg10[%swap3A, %swap3A_528], %add3A_527 {strides = array<i32>} : memref<400x128xf32, #tpu.memory_space<vmem>>, vector<400x128xf32>,
    %broadcast_in_dim3A_530 = vector.shape_cast %add3A_518 : vector<400x128xf32> to vector<400x1x128xf32>
    %get3A_531 = arith.constant 0 : index
    %get3A_532 = arith.constant 0 : index
    %get3A_533 = vector.load %arg9[%get3A_531, %get3A_532] : memref<8x128xf32, #tpu.memory_space<vmem>>, vector<8x128xf32>
    %broadcast_in_dim3A_534 = vector.shape_cast %get3A_533 : vector<8x128xf32> to vector<1x8x128xf32>
    %add3A_535 = vector.broadcast %broadcast_in_dim3A_530 : vector<400x1x128xf32> to vector<400x8x128xf32>
    %add3A_536 = vector.broadcast %broadcast_in_dim3A_534 : vector<1x8x128xf32> to vector<400x8x128xf32>
    %add3A_537 = arith.addf %add3A_535, %add3A_536 : vector<400x8x128xf32>
    %reshape3A = vector.shape_cast %add3A_537 : vector<400x8x128xf32> to vector<3200x128xf32>
    %swap3A_538 = arith.constant 0 : index
    %swap3A_539 = arith.constant 0 : index
    %swap3A_540 = vector.load %arg11[%swap3A_538, %swap3A_539] : memref<3200x128xf32, #tpu.memory_space<vmem>>, vector<3200x128xf32>
    tpu.vector_store %arg11[%swap3A_538, %swap3A_539], %reshape3A {strides = array<i32>} : memref<3200x128xf32, #tpu.memory_space<vmem>>, vector<3200x128xf32>,
    return
  }
  func.func @transform_0(%arg0: i32) -> (i32, i32, i32) {
    %c0_i32 = arith.constant 0 : i32
    %c0_i32_0 = arith.constant 0 : i32
    %c0_i32_1 = arith.constant 0 : i32
    return %c0_i32, %arg0, %c0_i32_0 : i32, i32, i32
  }
  func.func @transform_1(%arg0: i32) -> (i32, i32, i32) {
    %c1_i32 = arith.constant 1 : i32
    %c0_i32 = arith.constant 0 : i32
    %c0_i32_0 = arith.constant 0 : i32
    return %c1_i32, %arg0, %c0_i32 : i32, i32, i32
  }
  func.func @transform_2(%arg0: i32) -> (i32, i32) {
    %c0_i32 = arith.constant 0 : i32
    %c0_i32_0 = arith.constant 0 : i32
    return %arg0, %c0_i32 : i32, i32
  }
  func.func @transform_3(%arg0: i32) -> (i32, i32) {
    %c0_i32 = arith.constant 0 : i32
    %c0_i32_0 = arith.constant 0 : i32
    %c0_i32_1 = arith.constant 0 : i32
    return %c0_i32, %c0_i32_0 : i32, i32
  }
  func.func @transform_4(%arg0: i32) -> (i32, i32) {
    %c0_i32 = arith.constant 0 : i32
    %c0_i32_0 = arith.constant 0 : i32
    %c0_i32_1 = arith.constant 0 : i32
    return %c0_i32, %c0_i32_0 : i32, i32
  }
  func.func @transform_5(%arg0: i32) -> (i32, i32) {
    %c0_i32 = arith.constant 0 : i32
    %c0_i32_0 = arith.constant 0 : i32
    %c0_i32_1 = arith.constant 0 : i32
    return %c0_i32, %c0_i32_0 : i32, i32
  }
  func.func @transform_6(%arg0: i32) -> (i32, i32) {
    %c0_i32 = arith.constant 0 : i32
    %c0_i32_0 = arith.constant 0 : i32
    %c0_i32_1 = arith.constant 0 : i32
    return %c0_i32, %c0_i32_0 : i32, i32
  }
  func.func @transform_7(%arg0: i32) -> (i32, i32) {
    %c0_i32 = arith.constant 0 : i32
    %c0_i32_0 = arith.constant 0 : i32
    %c0_i32_1 = arith.constant 0 : i32
    return %c0_i32, %c0_i32_0 : i32, i32
  }
  func.func @transform_8(%arg0: i32) -> (i32, i32) {
    %c0_i32 = arith.constant 0 : i32
    %c0_i32_0 = arith.constant 0 : i32
    %c0_i32_1 = arith.constant 0 : i32
    return %c0_i32, %c0_i32_0 : i32, i32
  }
  func.func @transform_9(%arg0: i32) -> (i32, i32) {
    %c0_i32 = arith.constant 0 : i32
    %c0_i32_0 = arith.constant 0 : i32
    return %arg0, %c0_i32 : i32, i32
  }
  func.func @transform_10(%arg0: i32) -> (i32, i32) {
    %c0_i32 = arith.constant 0 : i32
    %c0_i32_0 = arith.constant 0 : i32
    return %arg0, %c0_i32 : i32, i32
  }
}

</mosaic_0001>

<sc_bundles>
// kernel: kernel.6.cloned.1.call-start
scs
__scs_entry_jumppad:
0x0: {  	(pc) =	sbr.rel $0x88, $3  }
0x1: {  	(tag) =	ssettag $0x0;
	lr =	simm.s32 $0x1  }
0x2: {  	[smem:$0x3F93] =	sst lr;
	_ =	strace $0xD0000000  }
0x3: {  	_ = 	snop  }
0x4: {  	_ = 	snop  }
0x5: {  	_ = 	snop  }
0x6: {  	_ = 	snop  }
0x7: {  	_ = 	snop  }
__scs_overlays_trampoline_lowered:
0x8: {  	[smem:$0x3FA2] =	sst s0  }
0x9: {  	[smem:$0x3FA3] =	sst s1  }
0xa: {  	[smem:$0x3FA4] =	sst s2  }
0xb: {  	[smem:$0x3FA5] =	sst s3  }
0xc: {  	[smem:$0x3FA6] =	sst s4  }
0xd: {  	[smem:$0x3FA7] =	sst s5  }
0xe: {  	[smem:$0x3FA8] =	sst s6  }
0xf: {  	[smem:$0x3FA9] =	sst s7  }
0x10: {  	[smem:$0x3FAA] =	sst s8  }
0x11: {  	[smem:$0x3FAB] =	sst s9;
	s0 =	simm.s32 @!p0 $0x0  }
0x12: {  	s1 =	sld [smem:$0x3F91];
	s0 =	simm.s32 @p0 $0x1  }
0x13: {  	[smem:$0x3FAC] =	sst s0;
	s0 =	simm.s32 @!p1 $0x0  }
0x14: {  	s2 =	sld [smem:$0x3F90];
	s0 =	simm.s32 @p1 $0x1  }
0x15: {  	[smem:$0x3FAD] =	sst s0;
	s0 =	simm.s32 @!p2 $0x0  }
0x16: {  	s3 =	sld [smem:$0x3FDB];
	s0 =	simm.s32 @p2 $0x1  }
0x17: {  	s4 =	simm.s32 $0x1BF5;
	[smem:$0x3FAF] =	sst s0  }
0x18: {  	s0 =	sld [smem:$0x3F92];
	_ =	swait.ge [sflag:s4], $0x0  }
0x19: {  	s7 =	sld [smem:$0x3F93]  }
0x1a: {  	s8 =	sadd.s32 $0xFFFFE003, lr  }
0x1b: {  	s9 =	sadd.s32 $0xFFFFFEF7, lr;
	s5 =	simm.s32 $0xFFFFFFFF;
	p2 =	slt.u32 s8, $0xFFFFF086  }
0x1c: {  	p1 =	slt.u32 s9, $0xF7A;
	s5 =	simm.s32 @!p2 $0x0  }
0x1d: {  	s5 =	simm.s32 @p1 $0x1;
	p0 =	seq.s32 s7, s2  }
0x1e: {  	s7 =	smul.u32 @!p0 $0xF7A, s2;
	p2 =	seq.s32 @!p0 s5, $0x0  }
0x1f: {  	s9 =	smul.u32 $0xF7A, s1;
	s8 =	simm.s32 @!p0 $0x1BF5;
	p2 =	por !p2, p0  }
0x20: {  	[sflag:s8] =	ssyncset.s32 @!p0 $0xFFFFF086;
	s6 =	sadd.s32 @!p0 s3, s7;
	s7 =	simm.s32 @!p0 $0x108  }
0x21: {  	s3 =	sadd.s32 s3, s9;
	s6 =	sadd.s32 @!p0 $0x88, s6;
	s7 =	simm.s32 @p2 $0x1082  }
0x22: {  	[simem:s7], [sflag:s8] =	dma.local @!p0 [hbm:s6], $0xF7A  }
0x23: {  	s9 =	sor.u32 $0xD0000000, s2;
	s6 =	simm.s32 $0x108;
	_ =	swait.ge @!p0 [sflag:s8], $0x0  }
0x24: {  	s3 =	sadd.s32 $0x88, s3;
	s6 =	simm.s32 @!p1 $0x1082;
	[sflag:s4] =	ssyncset.s32 $0xFFFFF086  }
0x25: {  	[simem:s6], [sflag:s4] =	dma.local [hbm:s3], $0xF7A  }
0x26: {  	[smem:$0x3F93] =	sst s1;
	(tag) =	ssettag s2;
	_ =	strace s9  }
0x27: {  	s1 =	sld [smem:$0x3FA3]  }
0x28: {  	s2 =	sld [smem:$0x3FA4]  }
0x29: {  	s4 =	sld [smem:$0x3FA6]  }
0x2a: {  	p0 =	seq.s32 s5, $0x0;
	s5 =	sld [smem:$0x3FA7]  }
0x2b: {  	s6 =	sld [smem:$0x3FA8]  }
0x2c: {  	s7 =	sld [smem:$0x3FA9]  }
0x2d: {  	s3 =	simm.s32 $0x108;
	s8 =	sld [smem:$0x3FAA]  }
0x2e: {  	s3 =	simm.s32 @!p0 $0x1082;
	s9 =	sld [smem:$0x3FAB]  }
0x2f: {  	lr =	sadd.s32 s0, s3;
	s0 =	sld [smem:$0x3FA2]  }
0x30: {  	s3 =	sld [smem:$0x3FA5]  }
0x31: {  	[smem:$0x3FAE] =	sst s10  }
0x32: {  	s10 =	sld [smem:$0x3FAC];
	_ =	sdelay $0x3  }
0x33: {  	p0 =	seq.s32 s10, $0x1;
	s10 =	sld [smem:$0x3FAE];
	_ =	sdelay $0x3  }
0x34: {  	[smem:$0x3FAE] =	sst s10  }
0x35: {  	s10 =	sld [smem:$0x3FAD];
	_ =	sdelay $0x3  }
0x36: {  	p1 =	seq.s32 s10, $0x1;
	s10 =	sld [smem:$0x3FAE];
	_ =	sdelay $0x3  }
0x37: {  	[smem:$0x3FAE] =	sst s10  }
0x38: {  	s10 =	sld [smem:$0x3FAF]  }
0x39: {  	_ = 	snop;
	(pc) =	sbr.ind lr, $3  }
0x3a: {  	_ = 	snop  }
0x3b: {  	_ = 	snop  }
0x3c: {  	p2 =	seq.s32 s10, $0x1;
	s10 =	sld [smem:$0x3FAE]  }
0x3d: {  	_ =	shalt  }
0x3e: {  	_ =	shalt  }
0x3f: {  	_ =	shalt  }
0x40: {  	_ =	shalt  }
0x41: {  	_ =	shalt  }
0x42: {  	_ =	shalt  }
0x43: {  	_ =	shalt  }
0x44: {  	_ =	shalt  }
0x45: {  	_ =	shalt  }
0x46: {  	_ =	shalt  }
0x47: {  	_ =	shalt  }
0x48: {  	_ =	shalt  }
0x49: {  	_ =	shalt  }
0x4a: {  	_ =	shalt  }
0x4b: {  	_ =	shalt  }
0x4c: {  	_ =	shalt  }
0x4d: {  	_ =	shalt  }
0x4e: {  	_ =	shalt  }
0x4f: {  	_ =	shalt  }
0x50: {  	_ =	shalt  }
0x51: {  	_ =	shalt  }
0x52: {  	_ =	shalt  }
0x53: {  	_ =	shalt  }
0x54: {  	_ =	shalt  }
0x55: {  	_ =	shalt  }
0x56: {  	_ =	shalt  }
0x57: {  	_ =	shalt  }
0x58: {  	_ =	shalt  }
0x59: {  	_ =	shalt  }
0x5a: {  	_ =	shalt  }
0x5b: {  	_ =	shalt  }
0x5c: {  	_ =	shalt  }
0x5d: {  	_ =	shalt  }
0x5e: {  	_ =	shalt  }
0x5f: {  	_ =	shalt  }
0x60: {  	_ =	shalt  }
0x61: {  	_ =	shalt  }
0x62: {  	_ =	shalt  }
0x63: {  	_ =	shalt  }
0x64: {  	_ =	shalt  }
0x65: {  	_ =	shalt  }
0x66: {  	_ =	shalt  }
0x67: {  	_ =	shalt  }
0x68: {  	_ =	shalt  }
0x69: {  	_ =	shalt  }
0x6a: {  	_ =	shalt  }
0x6b: {  	_ =	shalt  }
0x6c: {  	_ =	shalt  }
0x6d: {  	_ =	shalt  }
0x6e: {  	_ =	shalt  }
0x6f: {  	_ =	shalt  }
0x70: {  	_ =	shalt  }
0x71: {  	_ =	shalt  }
0x72: {  	_ =	shalt  }
0x73: {  	_ =	shalt  }
0x74: {  	_ =	shalt  }
0x75: {  	_ =	shalt  }
0x76: {  	_ =	shalt  }
0x77: {  	_ =	shalt  }
0x78: {  	_ =	shalt  }
0x79: {  	_ =	shalt  }
0x7a: {  	_ =	shalt  }
0x7b: {  	_ =	shalt  }
0x7c: {  	_ =	shalt  }
0x7d: {  	_ =	shalt  }
0x7e: {  	_ =	shalt  }
0x7f: {  	_ =	shalt  }
0x80: {  	_ =	shalt  }
0x81: {  	_ =	shalt  }
0x82: {  	_ =	shalt  }
0x83: {  	_ =	shalt  }
0x84: {  	_ =	shalt  }
0x85: {  	_ =	shalt  }
0x86: {  	_ =	shalt  }
0x87: {  	_ =	shalt  }
.Lfunc_end0:
.L_simem_size_0:
called_computation_lowered:
.L_overlay_start_0:
0x88: {  	s2 =	sld [smem:$0x3FD9]  }
0x89: {  	s3 =	sld [smem:$0x3FFE];
	_ =	sdelay $0x1  }
0x8a: {  	s1 =	srdreg.scid  }
0x8b: {  	s0 =	sand.u32 $0x1, s1  }
0x8c: {  	s14 =	sshll.u32 s0, $0xA;
	s2 =	sadd.s32 s3, s2  }
0x8d: {  	s2 =	sadd.s32 s2, s14  }
0x8e: {  	[smem:$0x3FBA] =	sst s2  }
0x8f: {  	_ = 	snop  }
0x90: {  	s2 =	sld [smem:$0x3FD0];
	_ =	sdelay $0x2  }
0x91: {  	s15 =	simm.s32 $0xA;
	s4 =	simm.s32 $0x10  }
0x92: {  	[smem:s4], [sflag:s15] =	dma.local [hbm:s2], $0x1  }
0x93: {  	_ =	swait.eq [sflag:s15], $0x1  }
0x94: {  	[sflag:s15] =	ssyncset.done $0x0  }
0x95: {  	s16 =	sld [smem:$0x10];
	[sflag:s15] =	ssyncadd.s32 $0xFFFFFFFF  }
0x96: {  	s17 =	sld [smem:$0x11];
	(tm) =	ssettm $0x1  }
0x97: {  	s18 =	sld [smem:$0x3FFB];
	_ =	sdelay $0x3  }
0x98: {  	_ =	strace s18  }
0x99: {  	s4 =	sld [smem:$0x3FFC];
	_ =	sdelay $0x3  }
0x9a: {  	_ =	strace s4  }
0x9b: {  	s4 =	sld [smem:$0x3FFD];
	_ =	sdelay $0x3  }
0x9c: {  	_ =	strace s4  }
0x9d: {  	_ =	strace $0x8FFFFFFF  }
0x9e: {  	s19 =	sld [smem:$0x3FDB];
	_ =	sdelay $0x1  }
0x9f: {  	s5 =	simm.s32 $_scs_section_size  }
0xa0: {  	s6 =	simm.s32 $_size__tile_overlayer_lowered;
	s7 =	simm.s32 $_tile_overlayer_lowered  }
0xa1: {  	s22 =	simm.s32 $0x1BFF;
	s21 =	sshll.u32 s7, $0x1;
	s4 =	sadd.s32 s5, s19  }
0xa2: {  	s8 =	simm.s32 $0x0;
	s20 =	sshll.u32 s6, $0x1;
	s6 =	sadd.s32 s21, s4  }
0xa3: {  	[timem:s8], [sflag:s22] =	dma.local [hbm:s6], s20  }
0xa4: {  	_ =	swait.ge [sflag:s22], s20  }
0xa5: {  	s5 =	ssub.s32 $0x0, s20;
	[sflag:s22] =	ssyncset.done $0x0  }
0xa6: {  	[sflag:s22] =	ssyncadd.s32 s5;
	_ =	sdelay $0x1  }
0xa7: {  	s23 =	simm.s32 $0x1B8B  }
0xa8: {  	_ =	swait.ge [sflag:s23], $0x1  }
0xa9: {  	[sflag:s23] =	ssyncset.done $0x0  }
0xaa: {  	s25 =	simm.s32 $0x1B8E;
	s24 =	sld [smem:$0x3FFE];
	[sflag:s23] =	ssyncadd.s32 $0xFFFFFFFF  }
0xab: {  	s26 =	simm.s32 $execute0_lowered;
	[smem:$0x3FD2] =	sst s25  }
0xac: {  	s6 =	sshll.u32 s26, $0x1;
	_ =	strace $0x80000046;
	[dreg:$0x1] =	wrdreg $0xFFFFFFFF  }
0xad: {  	s28 =	simm.s32 $_size_execute0_lowered;
	s4 =	sadd.s32 s4, s6;
	[dreg:$0x0] =	wrdreg $0x0  }
0xae: {  	s6 =	sshll.u32 s28, $0x1;
	[dreg:$0x2] =	wrdreg s4  }
0xaf: {  	[dreg:$0x3] =	wrdreg s6  }
0xb0: {  	[dreg:$0x4] =	wrdreg $0xC0  }
0xb1: {  	_ =	task [dreg:s8], $0x5FFFF  }
0xb2: {  	[dreg:$0x1] =	wrdreg $0xFFFFFFFF  }
0xb3: {  	[dreg:$0x0] =	wrdreg $0x60  }
0xb4: {  	[dreg:$0x2] =	wrdreg s24  }
0xb5: {  	[dreg:$0x3] =	wrdreg s16  }
0xb6: {  	[dreg:$0x4] =	wrdreg s17  }
0xb7: {  	[dreg:$0x5] =	wrdreg $0x90000  }
0xb8: {  	[dreg:$0x6] =	wrdreg $0x9  }
0xb9: {  	_ =	task.clear_ibuf [dreg:s8], $0x7FFFF;
	_ =	strace $0x90000046  }
0xba: {  	s29 =	simm.s32 $0x9;
	_ =	strace $0x80000048  }
0xbb: {  	_ =	swait.ge [sflag:s29], $0x1  }
0xbc: {  	[sflag:s29] =	ssyncadd.s32 $0xFFFFFFFF  }
0xbd: {  	_ =	strace $0x90000048  }
0xbe: {  	_ =	sfence  }
0xbf: {  	s30 =	sld [smem:$0x0];
	_ =	sdelay $0x2  }
0xc0: {  	s31 =	sshll.u32 s1, $0xD;
	s1 =	sshrl.u32 s1, $0x2  }
0xc1: {  	s3 =	sand.u32 $0x4000, s31;
	s1 =	sadd.s32 s1, s30  }
0xc2: {  	s0 =	sor.u32 s3, s0;
	s1 =	sshll.u32 s1, $0x11  }
0xc3: {  	s0 =	sor.u32 s1, s0  }
0xc4: {  	s0 =	sadd.s32 $0x8F2B, s0  }
0xc5: {  	[sflag:s0] =	ssyncadd.remote.s32 $0x1  }
0xc6: {  	_ =	sfence.sel $0xFFFF  }
0xc7: {  	[dreg:$0x0] =	wrdreg $0xFFFFFFFF;
	(pc) =	sbr.abs _section_cstart, $3  }
0xc8: {  	[dreg:$0x1] =	wrdreg $0xFFFFFFFF  }
0xc9: {  	_ =	task.clear_ibuf [dreg:s8], $0x2FFFF;
	_ =	strace $0x9FFFFFFF  }
0xca: {  	(tm) =	ssettm $0x7FFFFFFF  }
0xcb: {  	_ =	shalt  }
tec
execute0_lowered:
.L_overlay_start_1:
0x0: {  	(tag) =	ssettag $0x1  }
0x1: {  	s0 =	rddreg [dreg:$0x0]  }
0x2: {  	s1 =	rddreg [dreg:$0x1]  }
0x3: {  	s4 =	rddreg [dreg:$0x2]  }
0x4: {  	s2 =	rddreg [dreg:$0x3]  }
0x5: {  	s5 =	srdreg.scid;
	s11 =	stileid.u32;
	s3 =	simm.s32 $0x0  }
0x6: {  	s28 =	simm.s32 $0x1;
	s29 =	simm.s32 $0x2780;
	s30 =	simm.s32 $0x80  }
0x7: {  	s31 =	simm.s32 $0x7B80;
	s5 =	sand.u32 $0x1, s5;
	s6 =	sshll.u32 s11, $0x1  }
0x8: {  	[smem:$0x7FF] =	sst s3;
	s7 =	sadd.s32 $0x6400, s0;
	s9 =	smul.u32 $0x4E400, s11  }
0x9: {  	s22 =	sadd.s32 $0xBA00, s0;
	s25 =	smul.u32 $0x13900, s11;
	s6 =	sor.u32 s5, s6  }
0xa: {  	_ =	strace $0x80000047;
	[dreg:$0x5] =	wrdreg s7;
	s23 =	ssub.s32 $0x2, s5  }
0xb: {  	[dreg:$0x6] =	wrdreg s22;
	s6 =	smul.u32 $0x280, s6;
	s8 =	sshrl.u32 s23, $0x1  }
0xc: {  	s26 =	smul.u32 $0x139000, s5;
	s24 =	sshrl.u32 s9, $0x2;
	s10 =	ssub.s32 s23, s8  }
0xd: {  	s9 =	sadd.s32 s24, s2;
	s0 =	sadd.s32 s6, s0;
	s1 =	sadd.s32 s1, s6  }
0xe: {  	s10 =	smax.u32 s10, $0x1;
	s11 =	sadd.s32 $0x1390, s9;
	s12 =	sadd.s32 $0x2720, s9  }
0xf: {  	s13 =	sadd.s32 $0x3AB0, s9;
	s14 =	sadd.s32 $0x4E40, s9;
	s15 =	sadd.s32 $0x61D0, s9  }
0x10: {  	s16 =	sadd.s32 $0x7560, s9;
	s17 =	sadd.s32 $0x88F0, s9;
	s18 =	sadd.s32 $0x9C80, s9  }
0x11: {  	s19 =	sadd.s32 $0xB010, s9;
	s20 =	sadd.s32 $0xC3A0, s9;
	s21 =	sadd.s32 $0xD730, s9  }
0x12: {  	s22 =	sadd.s32 $0xEAC0, s9;
	s23 =	sadd.s32 $0xFE50, s9;
	[dreg:$0x7] =	wrdreg s1  }
0x13: {  	s7 =	sadd.s32 $0x6A00, s0;
	s8 =	sadd.s32 $0x1400, s0;
	s0 =	sadd.s32 s25, s26  }
0x14: {  	s25 =	sadd.s32 $0x111E0, s9;
	s26 =	sadd.s32 $0x12570, s9;
	s0 =	sshrl.u32 s0, $0x3  }
0x15: {  	v0 =	vimm.f32 $1.000000000e+00;
	v1 =	vimm.f32 $0.0e+00;
	s1 =	simm.s32 $0x7C00;
	s24 =	sadd.s32 s0, s4;
	s0 =	simm.s32 $0x0  }
.LBB2_1:
0x16: {  	s4 =	rddreg [dreg:$0x5]  }
0x17: {  	[tilespmem:s3], [sflag:$0x1] =	stream.linear.gather [hbm4b:s4+s3], $0x2780, $0x38;
	[tilespmem:$0x1C900] =	vst v63  }
0x18: {  	_ =	swait.ge [sflag:s28], $0x2780  }
0x19: {  	[sflag:s28] =	ssyncset.done $0x0  }
0x1a: {  	s5 =	rddreg [dreg:$0x6];
	[sflag:s28] =	ssyncadd.s32 $0xFFFFD880  }
0x1b: {  	[tilespmem:s29], [sflag:$0x1] =	stream.linear.gather [hbm4b:s5+s3], $0x400, $0x38;
	[tilespmem:$0x1C900] =	vst v63  }
0x1c: {  	_ =	swait.ge [sflag:s28], $0x400  }
0x1d: {  	[sflag:s28] =	ssyncset.done $0x0  }
0x1e: {  	s5 =	simm.s32 $0x2B80;
	s6 =	rddreg [dreg:$0x7];
	[sflag:s28] =	ssyncadd.s32 $0xFFFFFC00  }
0x1f: {  	[tilespmem:s5], [sflag:$0x1] =	stream.linear.gather [hbm4b:s6+s3], $0x1400, $0x38;
	[tilespmem:$0x1C900] =	vst v63  }
0x20: {  	_ =	swait.ge [sflag:s28], $0x1400  }
0x21: {  	[sflag:s28] =	ssyncset.done $0x0  }
0x22: {  	s5 =	simm.s32 $0x3F80;
	[sflag:s28] =	ssyncadd.s32 $0xFFFFEC00  }
0x23: {  	[tilespmem:s5], [sflag:$0x1] =	stream.linear.gather [hbm4b:s7+s3], $0x1400, $0x38;
	[tilespmem:$0x1C900] =	vst v63  }
0x24: {  	_ =	swait.ge [sflag:s28], $0x1400  }
0x25: {  	[sflag:s28] =	ssyncset.done $0x0  }
0x26: {  	s6 =	simm.s32 $0x5380;
	[sflag:s28] =	ssyncadd.s32 $0xFFFFEC00  }
0x27: {  	[tilespmem:s6], [sflag:$0x1] =	stream.linear.gather [hbm4b:s8+s3], $0x1400, $0x38;
	[tilespmem:$0x1C900] =	vst v63  }
0x28: {  	_ =	swait.ge [sflag:s28], $0x1400  }
0x29: {  	[sflag:s28] =	ssyncset.done $0x0  }
0x2a: {  	[sflag:s28] =	ssyncadd.s32 $0xFFFFEC00  }
0x2b: {  	[tilespmem:$0x7B80] =	vst v0  }
0x2c: {  	[tilespmem:$0x7B90] =	vst v0  }
0x2d: {  	[tilespmem:$0x7BA0] =	vst v0  }
0x2e: {  	[tilespmem:$0x7BB0] =	vst v0  }
0x2f: {  	[tilespmem:$0x7BC0] =	vst v0  }
0x30: {  	[tilespmem:$0x7BD0] =	vst v0  }
0x31: {  	[tilespmem:$0x7BE0] =	vst v0  }
0x32: {  	s4 =	simm.s32 $0x40;
	s5 =	simm.s32 $0x0;
	[tilespmem:$0x7BF0] =	vst v0  }
.LBB2_2:
0x33: {  	p0 =	sne.s32 s4, $0x4E00;
	[tilespmem:s5+$0x7C00] =	vst v1;
	s5 =	smov.u32 s4;
	s4 =	sadd.s32 $0x40, s4  }
.Ltmp0:
0x34: {  	(pc) =	sbr.rel @p0 .LBB2_2-.Ltmp0, $2  }
0x35: {  	_ =	sdelay $0x2  }
0x36: {  	s5 =	sshra.s32 s5, $0x2  }
0x37: {  	[tilespmem:s5+$0x7C00] =	vst v1  }
0x38: {  	[spmem:s9] =	stream.linear.scatter [tilespmem:s1], [sflag:$0x1], $0x1390, $0x38;
	[tilespmem:$0x1C900] =	vst v63  }
0x39: {  	_ =	swait.ge [sflag:s28], $0x1390  }
0x3a: {  	[sflag:s28] =	ssyncset.done $0x0  }
0x3b: {  	[sflag:s28] =	ssyncadd.s32 $0xFFFFEC70  }
0x3c: {  	[spmem:s11] =	stream.linear.scatter [tilespmem:s1], [sflag:$0x1], $0x1390, $0x38;
	[tilespmem:$0x1C900] =	vst v63  }
0x3d: {  	_ =	swait.ge [sflag:s28], $0x1390  }
0x3e: {  	[sflag:s28] =	ssyncset.done $0x0  }
0x3f: {  	[sflag:s28] =	ssyncadd.s32 $0xFFFFEC70  }
0x40: {  	[spmem:s12] =	stream.linear.scatter [tilespmem:s1], [sflag:$0x1], $0x1390, $0x38;
	[tilespmem:$0x1C900] =	vst v63  }
0x41: {  	_ =	swait.ge [sflag:s28], $0x1390  }
0x42: {  	[sflag:s28] =	ssyncset.done $0x0  }
0x43: {  	[sflag:s28] =	ssyncadd.s32 $0xFFFFEC70  }
0x44: {  	[spmem:s13] =	stream.linear.scatter [tilespmem:s1], [sflag:$0x1], $0x1390, $0x38;
	[tilespmem:$0x1C900] =	vst v63  }
0x45: {  	_ =	swait.ge [sflag:s28], $0x1390  }
0x46: {  	[sflag:s28] =	ssyncset.done $0x0  }
0x47: {  	[sflag:s28] =	ssyncadd.s32 $0xFFFFEC70  }
0x48: {  	[spmem:s14] =	stream.linear.scatter [tilespmem:s1], [sflag:$0x1], $0x1390, $0x38;
	[tilespmem:$0x1C900] =	vst v63  }
0x49: {  	_ =	swait.ge [sflag:s28], $0x1390  }
0x4a: {  	[sflag:s28] =	ssyncset.done $0x0  }
0x4b: {  	[sflag:s28] =	ssyncadd.s32 $0xFFFFEC70  }
0x4c: {  	[spmem:s15] =	stream.linear.scatter [tilespmem:s1], [sflag:$0x1], $0x1390, $0x38;
	[tilespmem:$0x1C900] =	vst v63  }
0x4d: {  	_ =	swait.ge [sflag:s28], $0x1390  }
0x4e: {  	[sflag:s28] =	ssyncset.done $0x0  }
0x4f: {  	[sflag:s28] =	ssyncadd.s32 $0xFFFFEC70  }
0x50: {  	[spmem:s16] =	stream.linear.scatter [tilespmem:s1], [sflag:$0x1], $0x1390, $0x38;
	[tilespmem:$0x1C900] =	vst v63  }
0x51: {  	_ =	swait.ge [sflag:s28], $0x1390  }
0x52: {  	[sflag:s28] =	ssyncset.done $0x0  }
0x53: {  	[sflag:s28] =	ssyncadd.s32 $0xFFFFEC70  }
0x54: {  	[spmem:s17] =	stream.linear.scatter [tilespmem:s1], [sflag:$0x1], $0x1390, $0x38;
	[tilespmem:$0x1C900] =	vst v63  }
0x55: {  	_ =	swait.ge [sflag:s28], $0x1390  }
0x56: {  	[sflag:s28] =	ssyncset.done $0x0  }
0x57: {  	[sflag:s28] =	ssyncadd.s32 $0xFFFFEC70  }
0x58: {  	[spmem:s18] =	stream.linear.scatter [tilespmem:s1], [sflag:$0x1], $0x1390, $0x38;
	[tilespmem:$0x1C900] =	vst v63  }
0x59: {  	_ =	swait.ge [sflag:s28], $0x1390  }
0x5a: {  	[sflag:s28] =	ssyncset.done $0x0  }
0x5b: {  	[sflag:s28] =	ssyncadd.s32 $0xFFFFEC70  }
0x5c: {  	[spmem:s19] =	stream.linear.scatter [tilespmem:s1], [sflag:$0x1], $0x1390, $0x38;
	[tilespmem:$0x1C900] =	vst v63  }
0x5d: {  	_ =	swait.ge [sflag:s28], $0x1390  }
0x5e: {  	[sflag:s28] =	ssyncset.done $0x0  }
0x5f: {  	[sflag:s28] =	ssyncadd.s32 $0xFFFFEC70  }
0x60: {  	[spmem:s20] =	stream.linear.scatter [tilespmem:s1], [sflag:$0x1], $0x1390, $0x38;
	[tilespmem:$0x1C900] =	vst v63  }
0x61: {  	_ =	swait.ge [sflag:s28], $0x1390  }
0x62: {  	[sflag:s28] =	ssyncset.done $0x0  }
0x63: {  	[sflag:s28] =	ssyncadd.s32 $0xFFFFEC70  }
0x64: {  	[spmem:s21] =	stream.linear.scatter [tilespmem:s1], [sflag:$0x1], $0x1390, $0x38;
	[tilespmem:$0x1C900] =	vst v63  }
0x65: {  	_ =	swait.ge [sflag:s28], $0x1390  }
0x66: {  	[sflag:s28] =	ssyncset.done $0x0  }
0x67: {  	[sflag:s28] =	ssyncadd.s32 $0xFFFFEC70  }
0x68: {  	[spmem:s22] =	stream.linear.scatter [tilespmem:s1], [sflag:$0x1], $0x1390, $0x38;
	[tilespmem:$0x1C900] =	vst v63  }
0x69: {  	_ =	swait.ge [sflag:s28], $0x1390  }
0x6a: {  	[sflag:s28] =	ssyncset.done $0x0  }
0x6b: {  	[sflag:s28] =	ssyncadd.s32 $0xFFFFEC70  }
0x6c: {  	[spmem:s23] =	stream.linear.scatter [tilespmem:s1], [sflag:$0x1], $0x1390, $0x38;
	[tilespmem:$0x1C900] =	vst v63  }
0x6d: {  	_ =	swait.ge [sflag:s28], $0x1390  }
0x6e: {  	[sflag:s28] =	ssyncset.done $0x0  }
0x6f: {  	[sflag:s28] =	ssyncadd.s32 $0xFFFFEC70  }
0x70: {  	[spmem:s25] =	stream.linear.scatter [tilespmem:s1], [sflag:$0x1], $0x1390, $0x38;
	[tilespmem:$0x1C900] =	vst v63  }
0x71: {  	_ =	swait.ge [sflag:s28], $0x1390  }
0x72: {  	[sflag:s28] =	ssyncset.done $0x0  }
0x73: {  	[sflag:s28] =	ssyncadd.s32 $0xFFFFEC70  }
0x74: {  	[spmem:s26] =	stream.linear.scatter [tilespmem:s1], [sflag:$0x1], $0x1390, $0x38;
	[tilespmem:$0x1C900] =	vst v63  }
0x75: {  	_ =	swait.ge [sflag:s28], $0x1390  }
0x76: {  	[sflag:s28] =	ssyncset.done $0x0  }
0x77: {  	[sflag:s28] =	ssyncadd.s32 $0xFFFFEC70  }
0x78: {  	s4 =	simm.s32 $0x0;
	[bflag:$0x0] =	sbarrier.arrive $0xFFFF  }
.LBB2_4:
0x79: {  	s5 =	sshra.s32 s4, $0x2  }
0x7a: {  	v2 =	vld [tilespmem:s5+$0x2B80];
	_ =	sdelay $0x1  }
0x7b: {  	v3 =	vld [tilespmem:s5+$0x3F80];
	_ =	sdelay $0x5  }
0x7c: {  	v2 =	vld.idx.msk [tilespmem:v2+s3+$0x0], $0xffff  }
0x7d: {  	v4 =	vld [tilespmem:s5+$0x5380]  }
0x7e: {  	v5 =	vld.idx.msk [tilespmem:v3+s3+$0x0], $0xffff;
	_ =	sdelay $0x2  }
0x7f: {  	v2 =	vshll.u32 v2, $0x3  }
0x80: {  	v2 =	vadd.s32 v4, v2  }
0x81: {  	v5 =	vshll.u32 v5, $0x7;
	v4 =	vand.u32 $0xFFFFFF80, v2  }
0x82: {  	v2 =	vand.u32 $0x7F, v2;
	v4 =	vadd.s32 v5, v4  }
0x83: {  	v2 =	vor.u32 v2, v4;
	_ =	sdelay $0x3  }
0x84: {  	v49 =	vld [tilespmem:s5+$0x2B90]  }
0x85: {  	v2 =	vld.idx.msk [tilespmem:v2+s29+$0x0], $0xffff  }
0x86: {  	v50 =	vld [tilespmem:s5+$0x3F90];
	_ =	sdelay $0x2  }
0x87: {  	v3 =	vshll.u32 v3, $0x7  }
0x88: {  	v2 =	vadd.s32 v3, v2  }
0x89: {  	[tilespmem:s5+$0x6780] =	vst v2  }
0x8a: {  	v2 =	vld.idx.msk [tilespmem:v49+s3+$0x0], $0xffff  }
0x8b: {  	v3 =	vld [tilespmem:s5+$0x5390]  }
0x8c: {  	v51 =	vld.idx.msk [tilespmem:v50+s3+$0x0], $0xffff;
	_ =	sdelay $0x2  }
0x8d: {  	v2 =	vshll.u32 v2, $0x3  }
0x8e: {  	v2 =	vadd.s32 v3, v2  }
0x8f: {  	v4 =	vshll.u32 v51, $0x7;
	v3 =	vand.u32 $0xFFFFFF80, v2  }
0x90: {  	v2 =	vand.u32 $0x7F, v2;
	v3 =	vadd.s32 v4, v3  }
0x91: {  	v2 =	vor.u32 v2, v3;
	_ =	sdelay $0x3  }
0x92: {  	v3 =	vld [tilespmem:s5+$0x2BA0]  }
0x93: {  	v2 =	vld.idx.msk [tilespmem:v2+s29+$0x0], $0xffff  }
0x94: {  	v52 =	vld [tilespmem:s5+$0x3FA0];
	_ =	sdelay $0x2  }
0x95: {  	v5 =	vshll.u32 v50, $0x7  }
0x96: {  	v2 =	vadd.s32 v5, v2  }
0x97: {  	[tilespmem:s5+$0x6790] =	vst v2  }
0x98: {  	v2 =	vld.idx.msk [tilespmem:v3+s3+$0x0], $0xffff  }
0x99: {  	v3 =	vld [tilespmem:s5+$0x53A0]  }
0x9a: {  	v53 =	vld.idx.msk [tilespmem:v52+s3+$0x0], $0xffff;
	_ =	sdelay $0x2  }
0x9b: {  	v2 =	vshll.u32 v2, $0x3  }
0x9c: {  	v2 =	vadd.s32 v3, v2  }
0x9d: {  	v5 =	vshll.u32 v53, $0x7;
	v3 =	vand.u32 $0xFFFFFF80, v2  }
0x9e: {  	v2 =	vand.u32 $0x7F, v2;
	v3 =	vadd.s32 v5, v3  }
0x9f: {  	v2 =	vor.u32 v2, v3;
	_ =	sdelay $0x3  }
0xa0: {  	v3 =	vld [tilespmem:s5+$0x2BB0]  }
0xa1: {  	v2 =	vld.idx.msk [tilespmem:v2+s29+$0x0], $0xffff  }
0xa2: {  	v54 =	vld [tilespmem:s5+$0x3FB0];
	_ =	sdelay $0x2  }
0xa3: {  	v4 =	vshll.u32 v52, $0x7  }
0xa4: {  	v2 =	vadd.s32 v4, v2  }
0xa5: {  	[tilespmem:s5+$0x67A0] =	vst v2  }
0xa6: {  	v2 =	vld.idx.msk [tilespmem:v3+s3+$0x0], $0xffff  }
0xa7: {  	v3 =	vld [tilespmem:s5+$0x53B0]  }
0xa8: {  	v55 =	vld.idx.msk [tilespmem:v54+s3+$0x0], $0xffff;
	_ =	sdelay $0x2  }
0xa9: {  	v2 =	vshll.u32 v2, $0x3  }
0xaa: {  	v2 =	vadd.s32 v3, v2  }
0xab: {  	v4 =	vshll.u32 v55, $0x7;
	v3 =	vand.u32 $0xFFFFFF80, v2  }
0xac: {  	v2 =	vand.u32 $0x7F, v2;
	v3 =	vadd.s32 v4, v3  }
0xad: {  	v2 =	vor.u32 v2, v3;
	_ =	sdelay $0x3  }
0xae: {  	v3 =	vld [tilespmem:s5+$0x2BC0]  }
0xaf: {  	v2 =	vld.idx.msk [tilespmem:v2+s29+$0x0], $0xffff  }
0xb0: {  	v56 =	vld [tilespmem:s5+$0x3FC0];
	_ =	sdelay $0x2  }
0xb1: {  	v5 =	vshll.u32 v54, $0x7  }
0xb2: {  	v2 =	vadd.s32 v5, v2  }
0xb3: {  	[tilespmem:s5+$0x67B0] =	vst v2  }
0xb4: {  	v2 =	vld.idx.msk [tilespmem:v3+s3+$0x0], $0xffff  }
0xb5: {  	v3 =	vld [tilespmem:s5+$0x53C0]  }
0xb6: {  	v57 =	vld.idx.msk [tilespmem:v56+s3+$0x0], $0xffff;
	_ =	sdelay $0x2  }
0xb7: {  	v2 =	vshll.u32 v2, $0x3  }
0xb8: {  	v2 =	vadd.s32 v3, v2  }
0xb9: {  	v5 =	vshll.u32 v57, $0x7;
	v3 =	vand.u32 $0xFFFFFF80, v2  }
0xba: {  	v2 =	vand.u32 $0x7F, v2;
	v3 =	vadd.s32 v5, v3  }
0xbb: {  	v2 =	vor.u32 v2, v3;
	_ =	sdelay $0x3  }
0xbc: {  	v3 =	vld [tilespmem:s5+$0x2BD0]  }
0xbd: {  	v2 =	vld.idx.msk [tilespmem:v2+s29+$0x0], $0xffff  }
0xbe: {  	v58 =	vld [tilespmem:s5+$0x3FD0];
	_ =	sdelay $0x2  }
0xbf: {  	v4 =	vshll.u32 v56, $0x7  }
0xc0: {  	v2 =	vadd.s32 v4, v2  }
0xc1: {  	[tilespmem:s5+$0x67C0] =	vst v2  }
0xc2: {  	v2 =	vld.idx.msk [tilespmem:v3+s3+$0x0], $0xffff  }
0xc3: {  	v3 =	vld [tilespmem:s5+$0x53D0]  }
0xc4: {  	v59 =	vld.idx.msk [tilespmem:v58+s3+$0x0], $0xffff;
	_ =	sdelay $0x2  }
0xc5: {  	v2 =	vshll.u32 v2, $0x3  }
0xc6: {  	v2 =	vadd.s32 v3, v2  }
0xc7: {  	v4 =	vshll.u32 v59, $0x7;
	v3 =	vand.u32 $0xFFFFFF80, v2  }
0xc8: {  	v2 =	vand.u32 $0x7F, v2;
	v3 =	vadd.s32 v4, v3  }
0xc9: {  	v2 =	vor.u32 v2, v3;
	_ =	sdelay $0x3  }
0xca: {  	v3 =	vld [tilespmem:s5+$0x2BE0]  }
0xcb: {  	v2 =	vld.idx.msk [tilespmem:v2+s29+$0x0], $0xffff  }
0xcc: {  	v60 =	vld [tilespmem:s5+$0x3FE0];
	_ =	sdelay $0x2  }
0xcd: {  	v5 =	vshll.u32 v58, $0x7  }
0xce: {  	v2 =	vadd.s32 v5, v2  }
0xcf: {  	[tilespmem:s5+$0x67D0] =	vst v2  }
0xd0: {  	v2 =	vld.idx.msk [tilespmem:v3+s3+$0x0], $0xffff  }
0xd1: {  	v3 =	vld [tilespmem:s5+$0x53E0]  }
0xd2: {  	v61 =	vld.idx.msk [tilespmem:v60+s3+$0x0], $0xffff;
	_ =	sdelay $0x2  }
0xd3: {  	v2 =	vshll.u32 v2, $0x3  }
0xd4: {  	v2 =	vadd.s32 v3, v2  }
0xd5: {  	v5 =	vshll.u32 v61, $0x7;
	v3 =	vand.u32 $0xFFFFFF80, v2  }
0xd6: {  	v2 =	vand.u32 $0x7F, v2;
	v3 =	vadd.s32 v5, v3  }
0xd7: {  	v2 =	vor.u32 v2, v3;
	_ =	sdelay $0x3  }
0xd8: {  	v3 =	vld [tilespmem:s5+$0x2BF0]  }
0xd9: {  	v2 =	vld.idx.msk [tilespmem:v2+s29+$0x0], $0xffff  }
0xda: {  	v62 =	vld [tilespmem:s5+$0x3FF0];
	_ =	sdelay $0x2  }
0xdb: {  	v4 =	vshll.u32 v60, $0x7  }
0xdc: {  	v2 =	vadd.s32 v4, v2  }
0xdd: {  	[tilespmem:s5+$0x67E0] =	vst v2  }
0xde: {  	v2 =	vld.idx.msk [tilespmem:v3+s3+$0x0], $0xffff  }
0xdf: {  	v3 =	vld [tilespmem:s5+$0x53F0]  }
0xe0: {  	v63 =	vld.idx.msk [tilespmem:v62+s3+$0x0], $0xffff;
	_ =	sdelay $0x2  }
0xe1: {  	v2 =	vshll.u32 v2, $0x3  }
0xe2: {  	v2 =	vadd.s32 v3, v2  }
0xe3: {  	v4 =	vshll.u32 v63, $0x7;
	v3 =	vand.u32 $0xFFFFFF80, v2  }
0xe4: {  	v2 =	vand.u32 $0x7F, v2;
	v3 =	vadd.s32 v4, v3  }
0xe5: {  	v2 =	vor.u32 v2, v3;
	_ =	sdelay $0x4  }
0xe6: {  	v2 =	vld.idx.msk [tilespmem:v2+s29+$0x0], $0xffff;
	_ =	sdelay $0x3  }
0xe7: {  	v3 =	vshll.u32 v62, $0x7  }
0xe8: {  	p0 =	sne.s32 s4, $0x4E00;
	v2 =	vadd.s32 v3, v2  }
.Ltmp1:
0xe9: {  	s6 =	sadd.s32 $0x6780, s5;
	[tilespmem:s5+$0x67F0] =	vst v2;
	(pc) =	sbr.rel @p0 .LBB2_4-.Ltmp1, $4  }
0xea: {  	[spmem:s2] =	stream.indirect.scatter.add.f32 [tilespmem:s31], [sflag:$0x1], $0x1, s6, s30, $0xb8;
	[tilespmem:$0x1C900] =	vst v63  }
0xeb: {  	_ =	swait.ge [sflag:s28], $0x80  }
0xec: {  	[sflag:s28] =	ssyncset.done $0x0  }
0xed: {  	s4 =	sadd.s32 $0x200, s4;
	[sflag:s28] =	ssyncadd.s32 $0xFFFFFF80  }
0xee: {  	[bflag:$0x0] =	sbarrier.arrive $0xFFFF  }
0xef: {  	[tilespmem:s1], [sflag:$0x1] =	stream.linear.gather [spmem:s9], $0x1390, $0x38;
	[tilespmem:$0x1C900] =	vst v63  }
0xf0: {  	_ =	swait.ge [sflag:s28], $0x1390  }
0xf1: {  	[sflag:s28] =	ssyncset.done $0x0  }
0xf2: {  	s4 =	sadd.s32 $0x0, s24;
	[sflag:s28] =	ssyncadd.s32 $0xFFFFEC70  }
0xf3: {  	[hbm4b:s4+s3] =	stream.linear.scatter [tilespmem:s1], [sflag:$0x1], $0x1390, $0x38;
	[tilespmem:$0x1C900] =	vst v63  }
0xf4: {  	_ =	swait.ge [sflag:s28], $0x1390  }
0xf5: {  	s5 =	smov.u32 s9;
	s4 =	simm.s32 $0x272;
	[sflag:s28] =	ssyncset.done $0x0  }
.LBB2_6:
0xf6: {  	p0 =	sne.s32 s4, $0x24AE;
	[sflag:s28] =	ssyncadd.s32 $0xFFFFEC70;
	s5 =	sadd.s32 $0x1390, s5  }
0xf7: {  	[tilespmem:s1], [sflag:$0x1] =	stream.linear.gather [spmem:s5], $0x1390, $0x38;
	[tilespmem:$0x1C900] =	vst v63  }
0xf8: {  	s6 =	smov.u32 s4;
	s4 =	sadd.s32 $0x272, s4;
	_ =	swait.ge [sflag:s28], $0x1390  }
.Ltmp2:
0xf9: {  	[sflag:s28] =	ssyncset.done $0x0;
	(pc) =	sbr.rel @p0 .LBB2_6-.Ltmp2, $4  }
0xfa: {  	s6 =	sadd.s32 s6, s24;
	[sflag:s28] =	ssyncadd.s32 $0xFFFFEC70  }
0xfb: {  	[hbm4b:s6+s3] =	stream.linear.scatter [tilespmem:s1], [sflag:$0x1], $0x1390, $0x38;
	[tilespmem:$0x1C900] =	vst v63  }
0xfc: {  	_ =	swait.ge [sflag:s28], $0x1390  }
0xfd: {  	[sflag:s28] =	ssyncset.done $0x0  }
0xfe: {  	s0 =	sadd.s32 $0x1, s0  }
0xff: {  	p0 =	sne.s32 s0, s10  }
.Ltmp3:
0x100: {  	_ = 	snop;
	(pc) =	sbr.rel @p0 .LBB2_1-.Ltmp3, $2  }
0x101: {  	_ =	sdelay $0x2  }
0x102: {  	[sflag:s28] =	ssyncadd.s32 $0xFFFFEC70  }
0x103: {  	_ =	sfence.sel $0x180000  }
0x104: {  	[bflag:$0x0] =	sbarrier.arrive $0xFFFF  }
0x105: {  	_ =	strace $0x90000047  }
0x106: {  	s0 =	stileid.u32;
	[bflag:$0x2] =	sbarrier.arrive $0xFFFF  }
0x107: {  	p0 =	sne.s32 s0, $0x0;
	s0 =	rddreg [dreg:$0x4]  }
0x108: {  	s0 =	sadd.s32 @!p0 $0x100000, s0  }
0x109: {  	[sflag:s0] =	ssyncadd.tile.s32 @!p0 $0x1;
	_ =	shalt  }
.Lfunc_end2:
_tile_overlayer_lowered:
.L_overlay_start_2:
0x10a: {  	(tag) =	ssettag $0x2  }
0x10b: {  	s0 =	rddreg [dreg:$0x0];
	s2 =	stileid.u32  }
0x10c: {  	s1 =	rddreg [dreg:$0x1];
	p0 =	sne.s32 s2, $0x0  }
0x10d: {  	s3 =	rddreg [dreg:$0x2];
	[bflag:$0x3] =	sbarrier.arrive $0xFFFF;
	s2 =	simm.s32 @!p0 $0x1C01  }
0x10e: {  	[timem:s3], [sflag:s2] =	dma.local @!p0 [hbm:s0], s1  }
0x10f: {  	s0 =	simm.s32 @!p0 $0x1  }
0x110: {  	_ =	swait.ge @!p0 [sflag:s0], s1  }
0x111: {  	s1 =	ssub.s32 @!p0 $0x0, s1;
	[sflag:s0] =	ssyncset.done @!p0 $0x0  }
0x112: {  	[sflag:s0] =	ssyncadd.s32 @!p0 s1  }
0x113: {  	[bflag:$0x3] =	sbarrier.arrive $0xFFFF  }
0x114: {  	_ =	shalt  }

// kernel: kernel.9.cloned.1.call-start
scs
__scs_entry_jumppad:
0x0: {  	(pc) =	sbr.rel $0x88, $3  }
0x1: {  	(tag) =	ssettag $0x0;
	lr =	simm.s32 $0x1  }
0x2: {  	[smem:$0x3F93] =	sst lr;
	_ =	strace $0xD0000000  }
0x3: {  	_ = 	snop  }
0x4: {  	_ = 	snop  }
0x5: {  	_ = 	snop  }
0x6: {  	_ = 	snop  }
0x7: {  	_ = 	snop  }
__scs_overlays_trampoline_lowered:
0x8: {  	[smem:$0x3FA2] =	sst s0  }
0x9: {  	[smem:$0x3FA3] =	sst s1  }
0xa: {  	[smem:$0x3FA4] =	sst s2  }
0xb: {  	[smem:$0x3FA5] =	sst s3  }
0xc: {  	[smem:$0x3FA6] =	sst s4  }
0xd: {  	[smem:$0x3FA7] =	sst s5  }
0xe: {  	[smem:$0x3FA8] =	sst s6  }
0xf: {  	[smem:$0x3FA9] =	sst s7  }
0x10: {  	[smem:$0x3FAA] =	sst s8  }
0x11: {  	[smem:$0x3FAB] =	sst s9;
	s0 =	simm.s32 @!p0 $0x0  }
0x12: {  	s1 =	sld [smem:$0x3F91];
	s0 =	simm.s32 @p0 $0x1  }
0x13: {  	[smem:$0x3FAC] =	sst s0;
	s0 =	simm.s32 @!p1 $0x0  }
0x14: {  	s2 =	sld [smem:$0x3F90];
	s0 =	simm.s32 @p1 $0x1  }
0x15: {  	[smem:$0x3FAD] =	sst s0;
	s0 =	simm.s32 @!p2 $0x0  }
0x16: {  	s3 =	sld [smem:$0x3FDB];
	s0 =	simm.s32 @p2 $0x1  }
0x17: {  	s4 =	simm.s32 $0x1BF5;
	[smem:$0x3FAF] =	sst s0  }
0x18: {  	s0 =	sld [smem:$0x3F92];
	_ =	swait.ge [sflag:s4], $0x0  }
0x19: {  	s7 =	sld [smem:$0x3F93]  }
0x1a: {  	s8 =	sadd.s32 $0xFFFFE003, lr  }
0x1b: {  	s9 =	sadd.s32 $0xFFFFFEF7, lr;
	s5 =	simm.s32 $0xFFFFFFFF;
	p2 =	slt.u32 s8, $0xFFFFF086  }
0x1c: {  	p1 =	slt.u32 s9, $0xF7A;
	s5 =	simm.s32 @!p2 $0x0  }
0x1d: {  	s5 =	simm.s32 @p1 $0x1;
	p0 =	seq.s32 s7, s2  }
0x1e: {  	s7 =	smul.u32 @!p0 $0xF7A, s2;
	p2 =	seq.s32 @!p0 s5, $0x0  }
0x1f: {  	s9 =	smul.u32 $0xF7A, s1;
	s8 =	simm.s32 @!p0 $0x1BF5;
	p2 =	por !p2, p0  }
0x20: {  	[sflag:s8] =	ssyncset.s32 @!p0 $0xFFFFF086;
	s6 =	sadd.s32 @!p0 s3, s7;
	s7 =	simm.s32 @!p0 $0x108  }
0x21: {  	s3 =	sadd.s32 s3, s9;
	s6 =	sadd.s32 @!p0 $0x88, s6;
	s7 =	simm.s32 @p2 $0x1082  }
0x22: {  	[simem:s7], [sflag:s8] =	dma.local @!p0 [hbm:s6], $0xF7A  }
0x23: {  	s9 =	sor.u32 $0xD0000000, s2;
	s6 =	simm.s32 $0x108;
	_ =	swait.ge @!p0 [sflag:s8], $0x0  }
0x24: {  	s3 =	sadd.s32 $0x88, s3;
	s6 =	simm.s32 @!p1 $0x1082;
	[sflag:s4] =	ssyncset.s32 $0xFFFFF086  }
0x25: {  	[simem:s6], [sflag:s4] =	dma.local [hbm:s3], $0xF7A  }
0x26: {  	[smem:$0x3F93] =	sst s1;
	(tag) =	ssettag s2;
	_ =	strace s9  }
0x27: {  	s1 =	sld [smem:$0x3FA3]  }
0x28: {  	s2 =	sld [smem:$0x3FA4]  }
0x29: {  	s4 =	sld [smem:$0x3FA6]  }
0x2a: {  	p0 =	seq.s32 s5, $0x0;
	s5 =	sld [smem:$0x3FA7]  }
0x2b: {  	s6 =	sld [smem:$0x3FA8]  }
0x2c: {  	s7 =	sld [smem:$0x3FA9]  }
0x2d: {  	s3 =	simm.s32 $0x108;
	s8 =	sld [smem:$0x3FAA]  }
0x2e: {  	s3 =	simm.s32 @!p0 $0x1082;
	s9 =	sld [smem:$0x3FAB]  }
0x2f: {  	lr =	sadd.s32 s0, s3;
	s0 =	sld [smem:$0x3FA2]  }
0x30: {  	s3 =	sld [smem:$0x3FA5]  }
0x31: {  	[smem:$0x3FAE] =	sst s10  }
0x32: {  	s10 =	sld [smem:$0x3FAC];
	_ =	sdelay $0x3  }
0x33: {  	p0 =	seq.s32 s10, $0x1;
	s10 =	sld [smem:$0x3FAE];
	_ =	sdelay $0x3  }
0x34: {  	[smem:$0x3FAE] =	sst s10  }
0x35: {  	s10 =	sld [smem:$0x3FAD];
	_ =	sdelay $0x3  }
0x36: {  	p1 =	seq.s32 s10, $0x1;
	s10 =	sld [smem:$0x3FAE];
	_ =	sdelay $0x3  }
0x37: {  	[smem:$0x3FAE] =	sst s10  }
0x38: {  	s10 =	sld [smem:$0x3FAF]  }
0x39: {  	_ = 	snop;
	(pc) =	sbr.ind lr, $3  }
0x3a: {  	_ = 	snop  }
0x3b: {  	_ = 	snop  }
0x3c: {  	p2 =	seq.s32 s10, $0x1;
	s10 =	sld [smem:$0x3FAE]  }
0x3d: {  	_ =	shalt  }
0x3e: {  	_ =	shalt  }
0x3f: {  	_ =	shalt  }
0x40: {  	_ =	shalt  }
0x41: {  	_ =	shalt  }
0x42: {  	_ =	shalt  }
0x43: {  	_ =	shalt  }
0x44: {  	_ =	shalt  }
0x45: {  	_ =	shalt  }
0x46: {  	_ =	shalt  }
0x47: {  	_ =	shalt  }
0x48: {  	_ =	shalt  }
0x49: {  	_ =	shalt  }
0x4a: {  	_ =	shalt  }
0x4b: {  	_ =	shalt  }
0x4c: {  	_ =	shalt  }
0x4d: {  	_ =	shalt  }
0x4e: {  	_ =	shalt  }
0x4f: {  	_ =	shalt  }
0x50: {  	_ =	shalt  }
0x51: {  	_ =	shalt  }
0x52: {  	_ =	shalt  }
0x53: {  	_ =	shalt  }
0x54: {  	_ =	shalt  }
0x55: {  	_ =	shalt  }
0x56: {  	_ =	shalt  }
0x57: {  	_ =	shalt  }
0x58: {  	_ =	shalt  }
0x59: {  	_ =	shalt  }
0x5a: {  	_ =	shalt  }
0x5b: {  	_ =	shalt  }
0x5c: {  	_ =	shalt  }
0x5d: {  	_ =	shalt  }
0x5e: {  	_ =	shalt  }
0x5f: {  	_ =	shalt  }
0x60: {  	_ =	shalt  }
0x61: {  	_ =	shalt  }
0x62: {  	_ =	shalt  }
0x63: {  	_ =	shalt  }
0x64: {  	_ =	shalt  }
0x65: {  	_ =	shalt  }
0x66: {  	_ =	shalt  }
0x67: {  	_ =	shalt  }
0x68: {  	_ =	shalt  }
0x69: {  	_ =	shalt  }
0x6a: {  	_ =	shalt  }
0x6b: {  	_ =	shalt  }
0x6c: {  	_ =	shalt  }
0x6d: {  	_ =	shalt  }
0x6e: {  	_ =	shalt  }
0x6f: {  	_ =	shalt  }
0x70: {  	_ =	shalt  }
0x71: {  	_ =	shalt  }
0x72: {  	_ =	shalt  }
0x73: {  	_ =	shalt  }
0x74: {  	_ =	shalt  }
0x75: {  	_ =	shalt  }
0x76: {  	_ =	shalt  }
0x77: {  	_ =	shalt  }
0x78: {  	_ =	shalt  }
0x79: {  	_ =	shalt  }
0x7a: {  	_ =	shalt  }
0x7b: {  	_ =	shalt  }
0x7c: {  	_ =	shalt  }
0x7d: {  	_ =	shalt  }
0x7e: {  	_ =	shalt  }
0x7f: {  	_ =	shalt  }
0x80: {  	_ =	shalt  }
0x81: {  	_ =	shalt  }
0x82: {  	_ =	shalt  }
0x83: {  	_ =	shalt  }
0x84: {  	_ =	shalt  }
0x85: {  	_ =	shalt  }
0x86: {  	_ =	shalt  }
0x87: {  	_ =	shalt  }
.Lfunc_end0:
.L_simem_size_0:
called_computation.1_lowered:
.L_overlay_start_0:
0x88: {  	s2 =	sld [smem:$0x3FD9]  }
0x89: {  	s3 =	sld [smem:$0x3FFE];
	_ =	sdelay $0x1  }
0x8a: {  	s1 =	srdreg.scid  }
0x8b: {  	s0 =	sand.u32 $0x1, s1  }
0x8c: {  	s14 =	sshll.u32 s0, $0xA;
	s2 =	sadd.s32 s3, s2  }
0x8d: {  	s2 =	sadd.s32 s2, s14  }
0x8e: {  	[smem:$0x3FBA] =	sst s2  }
0x8f: {  	_ = 	snop  }
0x90: {  	s2 =	sld [smem:$0x3FD0];
	_ =	sdelay $0x2  }
0x91: {  	s15 =	simm.s32 $0xA;
	s4 =	simm.s32 $0x10  }
0x92: {  	[smem:s4], [sflag:s15] =	dma.local [hbm:s2], $0x1  }
0x93: {  	_ =	swait.eq [sflag:s15], $0x1  }
0x94: {  	[sflag:s15] =	ssyncset.done $0x0  }
0x95: {  	[sflag:s15] =	ssyncadd.s32 $0xFFFFFFFF  }
0x96: {  	s16 =	sld [smem:$0x11];
	(tm) =	ssettm $0x1  }
0x97: {  	s17 =	sld [smem:$0x3FFB];
	_ =	sdelay $0x3  }
0x98: {  	_ =	strace s17  }
0x99: {  	s3 =	sld [smem:$0x3FFC];
	_ =	sdelay $0x3  }
0x9a: {  	_ =	strace s3  }
0x9b: {  	s3 =	sld [smem:$0x3FFD];
	_ =	sdelay $0x3  }
0x9c: {  	_ =	strace s3  }
0x9d: {  	_ =	strace $0x8FFFFFFF  }
0x9e: {  	s18 =	sld [smem:$0x3FDB];
	_ =	sdelay $0x1  }
0x9f: {  	s19 =	simm.s32 $_scs_section_size  }
0xa0: {  	s5 =	simm.s32 $_size__tile_overlayer_lowered;
	s6 =	simm.s32 $_tile_overlayer_lowered  }
0xa1: {  	s22 =	simm.s32 $0x1BFF;
	s21 =	sshll.u32 s6, $0x1;
	s3 =	sadd.s32 s19, s18  }
0xa2: {  	s7 =	simm.s32 $0x0;
	s20 =	sshll.u32 s5, $0x1;
	s5 =	sadd.s32 s21, s3  }
0xa3: {  	[timem:s7], [sflag:s22] =	dma.local [hbm:s5], s20  }
0xa4: {  	_ =	swait.ge [sflag:s22], s20  }
0xa5: {  	s4 =	ssub.s32 $0x0, s20;
	[sflag:s22] =	ssyncset.done $0x0  }
0xa6: {  	[sflag:s22] =	ssyncadd.s32 s4;
	_ =	sdelay $0x1  }
0xa7: {  	s23 =	simm.s32 $0x1B8B  }
0xa8: {  	_ =	swait.ge [sflag:s23], $0x1  }
0xa9: {  	[sflag:s23] =	ssyncset.done $0x0  }
0xaa: {  	s25 =	simm.s32 $0x1B8E;
	s24 =	sld [smem:$0x3FFE];
	[sflag:s23] =	ssyncadd.s32 $0xFFFFFFFF  }
0xab: {  	s26 =	simm.s32 $execute0_lowered;
	[smem:$0x3FD2] =	sst s25  }
0xac: {  	s5 =	sshll.u32 s26, $0x1;
	_ =	strace $0x80000049;
	[dreg:$0x1] =	wrdreg $0xFFFFFFFF  }
0xad: {  	s28 =	simm.s32 $_size_execute0_lowered;
	s3 =	sadd.s32 s3, s5;
	[dreg:$0x0] =	wrdreg $0x0  }
0xae: {  	s5 =	sshll.u32 s28, $0x1;
	[dreg:$0x2] =	wrdreg s3  }
0xaf: {  	[dreg:$0x3] =	wrdreg s5  }
0xb0: {  	[dreg:$0x4] =	wrdreg $0xC0  }
0xb1: {  	_ =	task [dreg:s7], $0x5FFFF  }
0xb2: {  	[dreg:$0x1] =	wrdreg $0xFFFFFFFF  }
0xb3: {  	[dreg:$0x0] =	wrdreg $0x60  }
0xb4: {  	[dreg:$0x2] =	wrdreg s24  }
0xb5: {  	[dreg:$0x3] =	wrdreg s16  }
0xb6: {  	[dreg:$0x4] =	wrdreg $0x9  }
0xb7: {  	_ =	task.clear_ibuf [dreg:s7], $0x5FFFF;
	_ =	strace $0x90000049  }
0xb8: {  	s29 =	simm.s32 $0x9;
	_ =	strace $0x8000004B  }
0xb9: {  	_ =	swait.ge [sflag:s29], $0x1  }
0xba: {  	[sflag:s29] =	ssyncadd.s32 $0xFFFFFFFF  }
0xbb: {  	_ =	strace $0x9000004B  }
0xbc: {  	_ =	sfence  }
0xbd: {  	s30 =	sld [smem:$0x0];
	_ =	sdelay $0x2  }
0xbe: {  	s31 =	sshll.u32 s1, $0xD;
	s1 =	sshrl.u32 s1, $0x2  }
0xbf: {  	s3 =	sand.u32 $0x4000, s31;
	s1 =	sadd.s32 s1, s30  }
0xc0: {  	s0 =	sor.u32 s3, s0;
	s1 =	sshll.u32 s1, $0x11  }
0xc1: {  	s0 =	sor.u32 s1, s0  }
0xc2: {  	s0 =	sadd.s32 $0x8F2B, s0  }
0xc3: {  	[sflag:s0] =	ssyncadd.remote.s32 $0x1  }
0xc4: {  	_ =	sfence.sel $0xFFFF  }
0xc5: {  	[dreg:$0x0] =	wrdreg $0xFFFFFFFF;
	(pc) =	sbr.abs _section_cstart, $3  }
0xc6: {  	[dreg:$0x1] =	wrdreg $0xFFFFFFFF  }
0xc7: {  	_ =	task.clear_ibuf [dreg:s7], $0x2FFFF;
	_ =	strace $0x9FFFFFFF  }
0xc8: {  	(tm) =	ssettm $0x7FFFFFFF  }
0xc9: {  	_ =	shalt  }
tec
execute0_lowered:
.L_overlay_start_1:
0x0: {  	(tag) =	ssettag $0x1  }
0x1: {  	s1 =	srdreg.scid;
	s4 =	rddreg [dreg:$0x0]  }
0x2: {  	s0 =	stileid.u32;
	s6 =	rddreg [dreg:$0x1];
	s2 =	simm.s32 $0x0  }
0x3: {  	s11 =	simm.s32 $0x2800;
	s12 =	simm.s32 $0x1;
	s13 =	simm.s32 $0x2  }
0x4: {  	s5 =	sand.u32 $0x1, s1;
	s28 =	sshll.u32 s0, $0x1;
	s10 =	smul.u32 $0x27100, s0  }
0x5: {  	s1 =	rddreg [dreg:$0x2];
	s3 =	sor.u32 s5, s28;
	s30 =	smul.u32 $0x13880, s5  }
0x6: {  	s14 =	simm.s32 $0x0;
	[smem:$0x7FF] =	sst s2;
	s7 =	smul.u32 $0x1388, s3  }
0x7: {  	_ =	strace $0x8000004A;
	s29 =	ssub.s32 $0x2, s5;
	s8 =	smul.u32 $0x9C400, s3  }
0x8: {  	s3 =	sadd.s32 $0x10C00, s4;
	s9 =	sshrl.u32 s29, $0x1;
	s31 =	sadd.s32 s10, s6  }
0x9: {  	s10 =	simm.s32 $0x1400;
	s7 =	sshrl.u32 s7, $0x3;
	s8 =	sshrl.u32 s8, $0x3  }
0xa: {  	s4 =	sadd.s32 s7, s4;
	s7 =	ssub.s32 s29, s9;
	s8 =	sadd.s32 s6, s8  }
0xb: {  	s9 =	simm.s32 $0x28;
	s4 =	sadd.s32 $0xBC00, s4;
	s5 =	sadd.s32 $0x13600, s8  }
0xc: {  	s6 =	smax.u32 s7, $0x1;
	s7 =	sadd.s32 s30, s31;
	s8 =	simm.s32 $0x3  }
.LBB2_1:
0xd: {  	[tilespmem:s2], [sflag:$0x3] =	stream.linear.gather [hbm4b:s4+s2], $0x1388, $0x38;
	[tilespmem:$0x3C00] =	vst v63  }
0xe: {  	_ =	swait.ge [sflag:s8], $0x1388  }
0xf: {  	[sflag:s8] =	ssyncset.done $0x0  }
0x10: {  	[sflag:s8] =	ssyncadd.s32 $0xFFFFEC78  }
0x11: {  	[tilespmem:s10], [sflag:$0x1] =	stream.indirect.gather [hbm4b:s3+s9], $0x80, s2, s9, $0xb8;
	[tilespmem:$0x3C00] =	vst v63  }
0x12: {  	s15 =	simm.s32 $0x28  }
0x13: {  	[tilespmem:s11], [sflag:$0x2] =	stream.indirect.gather [hbm4b:s3+s9], $0x80, s15, s9, $0xb8;
	[tilespmem:$0x3C00] =	vst v63  }
0x14: {  	_ =	swait.ge [sflag:s12], $0x1400  }
0x15: {  	[sflag:s12] =	ssyncset.done $0x0  }
0x16: {  	s31 =	sadd.s32 $0x0, s7;
	[sflag:s12] =	ssyncadd.s32 $0xFFFFEC00  }
0x17: {  	[hbm4b:s31+s2] =	stream.linear.scatter [tilespmem:s10], [sflag:$0x3], $0x1400, $0x38;
	[tilespmem:$0x3C00] =	vst v63  }
0x18: {  	_ =	swait.ge [sflag:s8], $0x1400  }
0x19: {  	[sflag:s8] =	ssyncset.done $0x0  }
0x1a: {  	s16 =	simm.s32 $0x50;
	[sflag:s8] =	ssyncadd.s32 $0xFFFFEC00  }
0x1b: {  	[tilespmem:s10], [sflag:$0x1] =	stream.indirect.gather [hbm4b:s3+s9], $0x80, s16, s9, $0xb8;
	[tilespmem:$0x3C00] =	vst v63  }
0x1c: {  	_ =	swait.ge [sflag:s13], $0x1400  }
0x1d: {  	[sflag:s13] =	ssyncset.done $0x0  }
0x1e: {  	s15 =	sadd.s32 $0x280, s31;
	[sflag:s13] =	ssyncadd.s32 $0xFFFFEC00  }
0x1f: {  	[hbm4b:s15+s2] =	stream.linear.scatter [tilespmem:s11], [sflag:$0x3], $0x1400, $0x38;
	[tilespmem:$0x3C00] =	vst v63  }
0x20: {  	s17 =	simm.s32 $0xA00;
	_ =	swait.ge [sflag:s8], $0x1400  }
0x21: {  	s16 =	simm.s32 $0x500;
	s15 =	simm.s32 $0xA0;
	[sflag:s8] =	ssyncset.done $0x0  }
.LBB2_2:
0x22: {  	p0 =	sne.s32 s17, $0x13100;
	s18 =	sadd.s32 $0xFFFFFFD8, s15;
	[sflag:s8] =	ssyncadd.s32 $0xFFFFEC00  }
0x23: {  	[tilespmem:s11], [sflag:$0x2] =	stream.indirect.gather [hbm4b:s3+s9], $0x80, s18, s9, $0xb8;
	[tilespmem:$0x3C00] =	vst v63  }
0x24: {  	s18 =	smov.u32 s17;
	s17 =	sadd.s32 $0x500, s17;
	_ =	swait.ge [sflag:s12], $0x1400  }
0x25: {  	[sflag:s12] =	ssyncset.done $0x0  }
0x26: {  	s19 =	sadd.s32 s16, s7;
	s16 =	smov.u32 s18;
	[sflag:s12] =	ssyncadd.s32 $0xFFFFEC00  }
0x27: {  	[hbm4b:s19+s2] =	stream.linear.scatter [tilespmem:s10], [sflag:$0x3], $0x1400, $0x38;
	[tilespmem:$0x3C00] =	vst v63  }
0x28: {  	_ =	swait.ge [sflag:s8], $0x1400  }
0x29: {  	[sflag:s8] =	ssyncset.done $0x0  }
0x2a: {  	[sflag:s8] =	ssyncadd.s32 $0xFFFFEC00  }
0x2b: {  	[tilespmem:s10], [sflag:$0x1] =	stream.indirect.gather [hbm4b:s3+s9], $0x80, s15, s9, $0xb8;
	[tilespmem:$0x3C00] =	vst v63  }
0x2c: {  	_ =	swait.ge [sflag:s13], $0x1400  }
.Ltmp0:
0x2d: {  	[sflag:s13] =	ssyncset.done $0x0;
	(pc) =	sbr.rel @p0 .LBB2_2-.Ltmp0, $4  }
0x2e: {  	s18 =	sadd.s32 $0x280, s19;
	[sflag:s13] =	ssyncadd.s32 $0xFFFFEC00  }
0x2f: {  	[hbm4b:s18+s2] =	stream.linear.scatter [tilespmem:s11], [sflag:$0x3], $0x1400, $0x38;
	[tilespmem:$0x3C00] =	vst v63  }
0x30: {  	_ =	swait.ge [sflag:s8], $0x1400  }
0x31: {  	s15 =	sadd.s32 $0x50, s15;
	[sflag:s8] =	ssyncset.done $0x0  }
0x32: {  	s17 =	sadd.s32 $0xFFFFFFD8, s15;
	[sflag:s8] =	ssyncadd.s32 $0xFFFFEC00  }
0x33: {  	[tilespmem:s11], [sflag:$0x2] =	stream.indirect.gather [hbm4b:s3+s9], $0x80, s17, s9, $0xb8;
	[tilespmem:$0x3C00] =	vst v63  }
0x34: {  	_ =	swait.ge [sflag:s12], $0x1400  }
0x35: {  	[sflag:s12] =	ssyncset.done $0x0  }
0x36: {  	s16 =	sadd.s32 s16, s7;
	[sflag:s12] =	ssyncadd.s32 $0xFFFFEC00  }
0x37: {  	[hbm4b:s16+s2] =	stream.linear.scatter [tilespmem:s10], [sflag:$0x3], $0x1400, $0x38;
	[tilespmem:$0x3C00] =	vst v63  }
0x38: {  	_ =	swait.ge [sflag:s8], $0x1400  }
0x39: {  	[sflag:s8] =	ssyncset.done $0x0  }
0x3a: {  	[sflag:s8] =	ssyncadd.s32 $0xFFFFEC00  }
0x3b: {  	[tilespmem:s10], [sflag:$0x1] =	stream.indirect.gather [hbm4b:s3+s9], $0x80, s15, s9, $0xb8;
	[tilespmem:$0x3C00] =	vst v63  }
0x3c: {  	_ =	swait.ge [sflag:s13], $0x1400  }
0x3d: {  	[sflag:s13] =	ssyncset.done $0x0  }
0x3e: {  	s31 =	sadd.s32 $0x280, s16;
	[sflag:s13] =	ssyncadd.s32 $0xFFFFEC00  }
0x3f: {  	[hbm4b:s31+s2] =	stream.linear.scatter [tilespmem:s11], [sflag:$0x3], $0x1400, $0x38;
	[tilespmem:$0x3C00] =	vst v63  }
0x40: {  	_ =	swait.ge [sflag:s8], $0x1400  }
0x41: {  	[sflag:s8] =	ssyncset.done $0x0  }
0x42: {  	[sflag:s8] =	ssyncadd.s32 $0xFFFFEC00  }
0x43: {  	s14 =	sadd.s32 $0x1, s14;
	_ =	swait.ge [sflag:s12], $0x1400  }
0x44: {  	p0 =	sne.s32 s14, s6;
	[sflag:s12] =	ssyncset.done $0x0  }
.Ltmp1:
0x45: {  	[sflag:s12] =	ssyncadd.s32 $0xFFFFEC00;
	(pc) =	sbr.rel @p0 .LBB2_1-.Ltmp1, $4  }
0x46: {  	[hbm4b:s5+s2] =	stream.linear.scatter [tilespmem:s10], [sflag:$0x3], $0x1400, $0x38;
	[tilespmem:$0x3C00] =	vst v63  }
0x47: {  	_ =	swait.ge [sflag:s8], $0x1400  }
0x48: {  	[sflag:s8] =	ssyncset.done $0x0  }
0x49: {  	[sflag:s8] =	ssyncadd.s32 $0xFFFFEC00  }
0x4a: {  	_ =	sfence.sel $0x180000  }
0x4b: {  	[bflag:$0x0] =	sbarrier.arrive $0xFFFF  }
0x4c: {  	p0 =	sne.s32 s0, $0x0;
	_ =	strace $0x9000004A  }
0x4d: {  	s0 =	sadd.s32 @!p0 $0x100000, s1;
	[bflag:$0x2] =	sbarrier.arrive $0xFFFF  }
0x4e: {  	[sflag:s0] =	ssyncadd.tile.s32 @!p0 $0x1;
	_ =	shalt  }
.Lfunc_end2:
_tile_overlayer_lowered:
.L_overlay_start_2:
0x4f: {  	(tag) =	ssettag $0x2  }
0x50: {  	s0 =	rddreg [dreg:$0x0];
	s2 =	stileid.u32  }
0x51: {  	s1 =	rddreg [dreg:$0x1];
	p0 =	sne.s32 s2, $0x0  }
0x52: {  	s3 =	rddreg [dreg:$0x2];
	[bflag:$0x3] =	sbarrier.arrive $0xFFFF;
	s2 =	simm.s32 @!p0 $0x1C03  }
0x53: {  	[timem:s3], [sflag:s2] =	dma.local @!p0 [hbm:s0], s1  }
0x54: {  	s0 =	simm.s32 @!p0 $0x3  }
0x55: {  	_ =	swait.ge @!p0 [sflag:s0], s1  }
0x56: {  	s1 =	ssub.s32 @!p0 $0x0, s1;
	[sflag:s0] =	ssyncset.done @!p0 $0x0  }
0x57: {  	[sflag:s0] =	ssyncadd.s32 @!p0 s1  }
0x58: {  	[bflag:$0x3] =	sbarrier.arrive $0xFFFF  }
0x59: {  	_ =	shalt  }

</sc_bundles>
